<compile_context>
chip_gen: v7x
topology: tpu7x:2x2x1
jax: 0.10.2.dev20260603
libtpu: 0.0.44.dev20260713+nightly
codegen_flags: <defaults>
</compile_context>

<pallas_src>
import functools

import jax
import jax.numpy as jnp
from jax import lax
from jax.experimental import pallas as pl
from jax.experimental.pallas import tpu as pltpu
from jax.experimental.pallas import tpu_sc as plsc

N = 10000
E = 160000
IN = 128
HID = 64
HEADS = 8
G = 128

NC = 2
NS = 16
NW = NC * NS
CH = 128
NCHUNK = E // CH
NP = 10240
ROWS_W = NP // NS

_mesh = plsc.VectorSubcoreMesh(core_axis_name="c", subcore_axis_name="s")



def _mm_kernel(x_ref, w_ref, o_ref):
    o_ref[...] = jnp.dot(x_ref[...].astype(jnp.bfloat16),
                         w_ref[...].astype(jnp.bfloat16),
                         preferred_element_type=jnp.float32)


def _matmul(x, w):
    m, k = x.shape
    _, n = w.shape
    bm = 512
    return pl.pallas_call(
        _mm_kernel,
        grid=(m // bm,),
        in_specs=[
            pl.BlockSpec((bm, k), lambda i: (i, 0)),
            pl.BlockSpec((k, n), lambda i: (0, 0)),
        ],
        out_specs=pl.BlockSpec((bm, n), lambda i: (i, 0)),
        out_shape=jax.ShapeDtypeStruct((m, n), jnp.float32),
    )(x, w)


def _mm_acc_kernel(a_ref, b_ref, o_ref):
    @pl.when(pl.program_id(0) == 0)
    def _():
        o_ref[...] = jnp.zeros_like(o_ref)

    o_ref[...] += jnp.dot(a_ref[...], b_ref[...],
                          preferred_element_type=jnp.float32,
                          precision=lax.Precision.HIGHEST)


def _matmul_kacc(a, b, bk):
    m, k = a.shape
    _, n = b.shape
    return pl.pallas_call(
        _mm_acc_kernel,
        grid=(k // bk,),
        in_specs=[
            pl.BlockSpec((m, bk), lambda i: (0, i)),
            pl.BlockSpec((bk, n), lambda i: (i, 0)),
        ],
        out_specs=pl.BlockSpec((m, n), lambda i: (0, 0)),
        out_shape=jax.ShapeDtypeStruct((m, n), jnp.float32),
    )(a, b)


def _head_kernel(pc_ref, w1_ref, b1_ref, w2_ref, b2_ref, o_ref):
    pc = pc_ref[...]
    cnt = jnp.clip(pc[:, HID:HID + 1], 1.0, None)
    pooled = pc[:, :HID] / cnt
    acc = jnp.broadcast_to(b1_ref[...], (G, 128))
    for c in range(HID):
        acc = acc + pooled[:, c:c + 1] * w1_ref[c:c + 1, :]
    z = jnp.maximum(acc, 0.0)
    out = jnp.sum(z * w2_ref[...].T, axis=1, keepdims=True) + b2_ref[...]
    o_ref[...] = out.T


def _mlp_head(pooled_cat, lin1_w, lin1_b, lin2_w, lin2_b):
    return pl.pallas_call(
        _head_kernel,
        out_shape=jax.ShapeDtypeStruct((1, G), jnp.float32),
    )(pooled_cat, lin1_w, lin1_b.reshape(1, -1), lin2_w,
      lin2_b.reshape(1, 1))



def _attn_body(src_ref, dst_ref, as_ref, ad_ref, al_ref,
               sidx, didx, gs, gd, alv, sem0, sem1):
    cid = lax.axis_index("c")
    sid = lax.axis_index("s")
    wid = sid * NC + cid

    def tbody(t, _):
        chunk = t * NW + wid

        @pl.when(chunk < NCHUNK)
        def _():
            off = chunk * CH
            pltpu.sync_copy(src_ref.at[pl.ds(off, CH)], sidx)
            pltpu.sync_copy(dst_ref.at[pl.ds(off, CH)], didx)
            c1 = pltpu.async_copy(as_ref.at[sidx], gs, sem0)
            c2 = pltpu.async_copy(ad_ref.at[didx], gd, sem1)
            c1.wait()
            c2.wait()

            def ebody(e, _):
                v = gs[e] + gd[e]
                alv[e] = jnp.where(v >= 0.0, v, 0.2 * v)
                return 0

            lax.fori_loop(0, CH, ebody, 0)
            pltpu.sync_copy(alv, al_ref.at[pl.ds(off, CH)])

        return 0

    lax.fori_loop(0, (NCHUNK + NW - 1) // NW, tbody, 0)


@functools.partial(
    pl.kernel,
    out_type=jax.ShapeDtypeStruct((E, 16), jnp.float32),
    mesh=_mesh,
    compiler_params=pltpu.CompilerParams(use_tc_tiling_on_sc=False),
    scratch_types=[
        pltpu.VMEM((CH,), jnp.int32),
        pltpu.VMEM((CH,), jnp.int32),
        pltpu.VMEM((CH, 16), jnp.float32),
        pltpu.VMEM((CH, 16), jnp.float32),
        pltpu.VMEM((CH, 16), jnp.float32),
        pltpu.SemaphoreType.DMA,
        pltpu.SemaphoreType.DMA,
    ],
)
def _sc_attention(src_ref, dst_ref, as_ref, ad_ref, al_ref,
                  sidx, didx, gs, gd, alv, sem0, sem1):
    _attn_body(src_ref, dst_ref, as_ref, ad_ref, al_ref,
               sidx, didx, gs, gd, alv, sem0, sem1)



def _make_aggregate(D, nheads, col0):
    vh = D // nheads // 16

    def body(src_ref, dst_ref, ex_ref, h_ref, up_ref, dp_ref,
             sidx, didx, exch, rows, zbuf, u_sh, den_sh, sem0):
        cid = lax.axis_index("c")
        sid = lax.axis_index("s")
        wid = sid * NC + cid

        def zrow(i, _):
            for j in range(D // 16):
                zbuf[i, pl.ds(j * 16, 16)] = jnp.zeros((16,), jnp.float32)
            return 0

        lax.fori_loop(0, 128, zrow, 0)
        for k in range(5):
            pltpu.sync_copy(zbuf, u_sh.at[pl.ds((sid * 5 + k) * 128, 128)])
            pltpu.sync_copy(zbuf.at[:, pl.ds(0, 16)],
                            den_sh.at[pl.ds((sid * 5 + k) * 128, 128)])
        plsc.subcore_barrier()

        def tbody(t, _):
            chunk = t * NW + wid

            @pl.when(chunk < NCHUNK)
            def _():
                off = chunk * CH
                pltpu.sync_copy(src_ref.at[pl.ds(off, CH)], sidx)
                pltpu.sync_copy(dst_ref.at[pl.ds(off, CH)], didx)
                pltpu.sync_copy(ex_ref.at[pl.ds(off, CH)], exch)
                pltpu.async_copy(h_ref.at[sidx], rows, sem0).wait()

                def ebody(e, _):
                    exrow = exch[e]
                    for hh in range(nheads):
                        s = exrow[col0 + hh]
                        for j in range(vh):
                            sl = pl.ds((hh * vh + j) * 16, 16)
                            rows[e, sl] = rows[e, sl] * s
                    return 0

                lax.fori_loop(0, CH, ebody, 0)
                pltpu.sync_copy(rows, u_sh.at[didx], add=True)
                pltpu.sync_copy(exch, den_sh.at[didx], add=True)

            return 0

        lax.fori_loop(0, (NCHUNK + NW - 1) // NW, tbody, 0)
        plsc.subcore_barrier()
        pltpu.sync_copy(u_sh.at[pl.ds(sid * ROWS_W, ROWS_W)],
                        up_ref.at[pl.ds(cid * NP + sid * ROWS_W, ROWS_W)])
        pltpu.sync_copy(den_sh.at[pl.ds(sid * ROWS_W, ROWS_W)],
                        dp_ref.at[pl.ds(cid * NP + sid * ROWS_W, ROWS_W)])

    return pl.kernel(
        body,
        out_type=(jax.ShapeDtypeStruct((NC * NP, D), jnp.float32),
                  jax.ShapeDtypeStruct((NC * NP, 16), jnp.float32)),
        mesh=_mesh,
        compiler_params=pltpu.CompilerParams(use_tc_tiling_on_sc=False),
        scratch_types=[
            pltpu.VMEM((CH,), jnp.int32),
            pltpu.VMEM((CH,), jnp.int32),
            pltpu.VMEM((CH, 16), jnp.float32),
            pltpu.VMEM((CH, D), jnp.float32),
            pltpu.VMEM((128, D), jnp.float32),
            pltpu.VMEM_SHARED((NP, D), jnp.float32),
            pltpu.VMEM_SHARED((NP, 16), jnp.float32),
            pltpu.SemaphoreType.DMA,
        ],
    )


_agg_l1 = [_make_aggregate(128, 2, 2 * c) for c in range(4)]
_agg_l2 = _make_aggregate(64, 1, 0)



PG = 256


def _pool_body(b_ref, x2_ref, pp_ref, bidx, rows, zbuf, pool_sh, sem0):
    cid = lax.axis_index("c")
    sid = lax.axis_index("s")
    wid = sid * NC + cid

    def zrow(i, _):
        for j in range(8):
            zbuf[i, pl.ds(j * 16, 16)] = jnp.zeros((16,), jnp.float32)
        return 0

    lax.fori_loop(0, 16, zrow, 0)
    pltpu.sync_copy(zbuf, pool_sh.at[pl.ds(sid * 16, 16)])
    plsc.subcore_barrier()

    def tbody(t, _):
        chunk = t * NW + wid

        @pl.when(chunk < NP // CH)
        def _():
            off = chunk * CH
            pltpu.sync_copy(b_ref.at[pl.ds(off, CH)], bidx)
            pltpu.sync_copy(x2_ref.at[pl.ds(off, CH)], rows)
            pltpu.sync_copy(rows, pool_sh.at[bidx], add=True)

        return 0

    lax.fori_loop(0, (NP // CH + NW - 1) // NW, tbody, 0)
    plsc.subcore_barrier()
    pltpu.sync_copy(pool_sh.at[pl.ds(sid * 16, 16)],
                    pp_ref.at[pl.ds(cid * PG + sid * 16, 16)])


@functools.partial(
    pl.kernel,
    out_type=jax.ShapeDtypeStruct((NC * PG, 128), jnp.float32),
    mesh=_mesh,
    compiler_params=pltpu.CompilerParams(use_tc_tiling_on_sc=False),
    scratch_types=[
        pltpu.VMEM((CH,), jnp.int32),
        pltpu.VMEM((CH, 128), jnp.float32),
        pltpu.VMEM((16, 128), jnp.float32),
        pltpu.VMEM_SHARED((PG, 128), jnp.float32),
        pltpu.SemaphoreType.DMA,
    ],
)
def _sc_pool(b_ref, x2_ref, pp_ref, bidx, rows, zbuf, pool_sh, sem0):
    _pool_body(b_ref, x2_ref, pp_ref, bidx, rows, zbuf, pool_sh, sem0)



def _pad16(a):
    return jnp.pad(a, ((0, 0), (0, 16 - a.shape[1])))


def _gat_layer(src, dst, h, a_src, a_dst, b, heads, agg_kernels):
    alpha = _sc_attention(src, dst, _pad16(a_src), _pad16(a_dst))
    ex = jnp.exp(alpha)

    chunk_w = h.shape[1] // len(agg_kernels)
    u_parts = []
    den = None
    for c, agg in enumerate(agg_kernels):
        hp, dp = agg(src, dst, ex, h[:, c * chunk_w:(c + 1) * chunk_w])
        u_parts.append(hp[:N] + hp[NP:NP + N])
        if c == 0:
            den = dp[:N, :heads] + dp[NP:NP + N, :heads]
    u = jnp.concatenate(u_parts, axis=1)

    exself = jnp.exp(jax.nn.leaky_relu(a_src + a_dst, negative_slope=0.2))
    u = u + (exself[:, :, None] * h.reshape(N, heads, HID)).reshape(N, -1)
    den = den + exself
    out = u.reshape(N, heads, HID) / (den[:, :, None] + 1e-16)
    return out.reshape(N, heads * HID) + b[None, :]


def kernel(x, edge_index, edge_attr, batch, W1, att_src1, att_dst1, b1,
           W2, att_src2, att_dst2, b2, lin1_w, lin1_b, lin2_w, lin2_b):
    src = edge_index[0].astype(jnp.int32)
    dst = edge_index[1].astype(jnp.int32)

    npad = 10240
    xp = jnp.pad(x, ((0, npad - N), (0, 0)))
    hh = jnp.arange(HEADS * HID) // HID
    blk_s = jnp.where(hh[:, None] == jnp.arange(HEADS)[None, :],
                      att_src1.reshape(-1)[:, None], 0.0)
    blk_d = jnp.where(hh[:, None] == jnp.arange(HEADS)[None, :],
                      att_dst1.reshape(-1)[:, None], 0.0)
    wext = jnp.concatenate(
        [W1, W1 @ blk_s, W1 @ blk_d,
         jnp.zeros((IN, 112), jnp.float32)], axis=1)
    he = _matmul(xp, wext)
    h1 = he[:N, :HEADS * HID]
    as1 = he[:N, 512:520]
    ad1 = he[:N, 520:528]

    g1 = jax.nn.elu(_gat_layer(src, dst, h1, as1, ad1, b1, HEADS, _agg_l1))

    g1p = jnp.pad(g1, ((0, npad - N), (0, 0)))
    wext2 = jnp.concatenate(
        [W2, (W2 @ att_src2[0])[:, None], (W2 @ att_dst2[0])[:, None],
         jnp.zeros((HEADS * HID, 62), jnp.float32)], axis=1)
    he2 = _matmul(g1p, wext2)
    h2 = he2[:N, :HID]
    as2 = he2[:N, HID:HID + 1]
    ad2 = he2[:N, HID + 1:HID + 2]

    g2 = jax.nn.elu(_gat_layer(src, dst, h2, as2, ad2, b2, 1, [_agg_l2]))

    bpad = jnp.pad(batch.astype(jnp.int32), (0, npad - N),
                   constant_values=G)
    x2 = jnp.concatenate(
        [g2, jnp.ones((N, 1), jnp.float32),
         jnp.zeros((N, 128 - HID - 1), jnp.float32)], axis=1)
    x2 = jnp.pad(x2, ((0, npad - N), (0, 0)))
    pp = _sc_pool(bpad, x2)
    pooled_cat = pp[:G] + pp[PG:PG + G]
    pooled = pooled_cat[:, :HID] / jnp.clip(pooled_cat[:, HID:HID + 1],
                                            1.0, None)
    z = jax.nn.relu(pooled @ lin1_w + lin1_b[None, :])
    out = (z @ lin2_w + lin2_b[None, :]).squeeze(1)
    return out

# --- scband reference (transcript-rebuilt; emitter-appended) ---
"""Pipeline reference for scband-gatregression-40441412059604 (READ-ONLY COPY).

The authoritative reference and input builder live on the scoring server;
editing this copy changes nothing except your own understanding.
"""

import jax, jax.numpy as jnp
import numpy as np

N = 10000
E = 160000
IN = 128
HID = 64
HEADS = 8
G = 128


def setup_inputs(seed: int = 0) -> dict:
    key = jax.random.key(seed)
    ks = jax.random.split(key, 20)
    inp = {}
    inp["x"] = jax.random.normal(ks[0], (N, IN), dtype=jnp.float32)
    inp["edge_index"] = jax.random.randint(ks[1], (2, E), 0, N)
    inp["edge_attr"] = jax.random.normal(ks[2], (E, 16), dtype=jnp.float32)
    inp["batch"] = jnp.sort(jax.random.randint(ks[3], (N,), 0, G))
    # GATConv 1: in=128 -> hidden=64, heads=8
    inp["W1"] = jax.random.normal(ks[4], (IN, HEADS * HID), dtype=jnp.float32) * (1.0 / np.sqrt(IN))
    inp["att_src1"] = jax.random.normal(ks[5], (HEADS, HID), dtype=jnp.float32) * 0.1
    inp["att_dst1"] = jax.random.normal(ks[6], (HEADS, HID), dtype=jnp.float32) * 0.1
    inp["b1"] = jnp.zeros((HEADS * HID,), dtype=jnp.float32)
    # GATConv 2: in=512 -> hidden=64, heads=1
    inp["W2"] = jax.random.normal(ks[7], (HEADS * HID, HID), dtype=jnp.float32) * (1.0 / np.sqrt(HEADS * HID))
    inp["att_src2"] = jax.random.normal(ks[8], (1, HID), dtype=jnp.float32) * 0.1
    inp["att_dst2"] = jax.random.normal(ks[9], (1, HID), dtype=jnp.float32) * 0.1
    inp["b2"] = jnp.zeros((HID,), dtype=jnp.float32)
    # MLP head
    inp["lin1_w"] = jax.random.normal(ks[10], (HID, 128), dtype=jnp.float32) * (1.0 / np.sqrt(HID))
    inp["lin1_b"] = jnp.zeros((128,), dtype=jnp.float32)
    inp["lin2_w"] = jax.random.normal(ks[11], (128, 1), dtype=jnp.float32) * (1.0 / np.sqrt(128))
    inp["lin2_b"] = jnp.zeros((1,), dtype=jnp.float32)
    return inp


def _gat_conv(x, edge_index, W, att_src, att_dst, b, heads, out_ch):
    n = x.shape[0]
    # PyG GATConv default add_self_loops=True
    loop = jnp.arange(n, dtype=edge_index.dtype)
    src = jnp.concatenate([edge_index[0], loop])
    dst = jnp.concatenate([edge_index[1], loop])
    h = (x @ W).reshape(n, heads, out_ch)  # [N, H, C]
    a_src = (h * att_src[None, :, :]).sum(-1)  # [N, H]
    a_dst = (h * att_dst[None, :, :]).sum(-1)  # [N, H]
    alpha = a_src[src] + a_dst[dst]  # [E', H]
    alpha = jax.nn.leaky_relu(alpha, negative_slope=0.2)
    amax = jax.ops.segment_max(alpha, dst, num_segments=n)
    amax = jnp.where(jnp.isfinite(amax), amax, 0.0)
    amax = jax.lax.stop_gradient(amax)
    ex = jnp.exp(alpha - amax[dst])
    denom = jax.ops.segment_sum(ex, dst, num_segments=n)
    att = ex / (denom[dst] + 1e-16)  # softmax over incoming edges per dst
    # dropout p=0.1 is identity in eval mode
    msg = h[src] * att[:, :, None]  # [E', H, C]
    out = jax.ops.segment_sum(msg, dst, num_segments=n)  # [N, H, C]
    return out.reshape(n, heads * out_ch) + b[None, :]


def reference(x, edge_index, edge_attr, batch, W1, att_src1, att_dst1, b1, W2, att_src2, att_dst2, b2, lin1_w, lin1_b, lin2_w, lin2_b):
    h = jax.nn.elu(_gat_conv(x, edge_index, W1, att_src1, att_dst1, b1, HEADS, HID))
    h = jax.nn.elu(_gat_conv(h, edge_index, W2, att_src2, att_dst2, b2, 1, HID))
    # global mean pool over graphs
    s = jax.ops.segment_sum(h, batch, num_segments=G)
    cnt = jax.ops.segment_sum(jnp.ones((h.shape[0],), dtype=h.dtype), batch, num_segments=G)
    pooled = s / jnp.clip(cnt, 1.0, None)[:, None]
    z = jax.nn.relu(pooled @ lin1_w + lin1_b[None, :])
    out = (z @ lin2_w + lin2_b[None, :]).squeeze(1)
    return out

if __name__ == "__main__":
    import jax
    _d = setup_inputs()
    print(jax.jit(kernel)(*tuple(_d.values())))

</pallas_src>

<mosaic_0001>
#map = affine_map<(d0, d1) -> (0)>
#map1 = affine_map<(d0, d1) -> (0, 0)>
module attributes {stable_mosaic.version = 14 : i64} {
  func.func @body(%arg0: i32, %arg1: i32, %arg2: memref<160000xi32, #tpu.memory_space<hbm>>, %arg3: memref<160000xi32, #tpu.memory_space<hbm>>, %arg4: memref<160000x16xf32, #tpu.memory_space<hbm>>, %arg5: memref<10000x128xf32, #tpu.memory_space<hbm>>, %arg6: memref<20480x128xf32, #tpu.memory_space<hbm>>, %arg7: memref<20480x16xf32, #tpu.memory_space<hbm>>, %arg8: memref<128xi32, #tpu.memory_space<vmem>>, %arg9: memref<128xi32, #tpu.memory_space<vmem>>, %arg10: memref<128x16xf32, #tpu.memory_space<vmem>>, %arg11: memref<128x128xf32, #tpu.memory_space<vmem>>, %arg12: memref<128x128xf32, #tpu.memory_space<vmem>>, %arg13: memref<10240x128xf32, #tpu.memory_space<vmem_shared>>, %arg14: memref<10240x16xf32, #tpu.memory_space<vmem_shared>>, %arg15: memref<!tpu.dma_semaphore, #tpu.memory_space<semaphore_mem>>) attributes {dimension_semantics = [#tpu.dimension_semantics<core_parallel>, #tpu.dimension_semantics<subcore_parallel>], iteration_bounds = array<i64: 2, 16>, scalar_prefetch = 0 : i64, scratch_operands = 8 : i64, tpu.core_type = #tpu.core_type<sc_vector_subcore>, window_params = [{transform_indices = #map}, {transform_indices = #map}, {transform_indices = #map1}, {transform_indices = #map1}, {transform_indices = #map1}, {transform_indices = #map1}]} {
    %mul3A = arith.constant 2 : i32
    %mul3A_0 = arith.muli %arg1, %mul3A : i32
    %add3A = arith.addi %mul3A_0, %arg0 : i32
    %scan3A = arith.constant 0 : i32
    %scan3A_1 = arith.constant 0 : i32
    %scan3A_2 = arith.constant 128 : i32
    %scan3A_3 = arith.addi %scan3A_1, %scan3A_2 : i32
    %scan3A_4 = arith.constant 1 : i32
    %scan3A_5 = scf.for %scan3A_89 = %scan3A_1 to %scan3A_3 step %scan3A_4 iter_args(%scan3A_90 = %scan3A) -> (i32)  : i32 {
      %broadcast_in_dim3A = arith.constant 0.000000e+00 : f32
      %broadcast_in_dim3A_91 = vector.broadcast %broadcast_in_dim3A : f32 to vector<16xf32>
      %swap3A = arith.index_cast %scan3A_89 : i32 to index
      %swap3A_92 = arith.constant 0 : index
      %swap3A_93 = tpu.vector_load %arg12[%swap3A, %swap3A_92] {strides = array<i32>} : memref<128x128xf32, #tpu.memory_space<vmem>>, vector<1x16xf32>,
      %swap3A_94 = vector.shape_cast %swap3A_93 : vector<1x16xf32> to vector<16xf32>
      %swap3A_95 = vector.shape_cast %broadcast_in_dim3A_91 : vector<16xf32> to vector<1x16xf32>
      tpu.vector_store %arg12[%swap3A, %swap3A_92], %swap3A_95 {strides = array<i32>} : memref<128x128xf32, #tpu.memory_space<vmem>>, vector<1x16xf32>,
      %broadcast_in_dim3A_96 = arith.constant 0.000000e+00 : f32
      %broadcast_in_dim3A_97 = vector.broadcast %broadcast_in_dim3A_96 : f32 to vector<16xf32>
      %swap3A_98 = arith.index_cast %scan3A_89 : i32 to index
      %swap3A_99 = arith.constant 16 : index
      %swap3A_100 = tpu.vector_load %arg12[%swap3A_98, %swap3A_99] {strides = array<i32>} : memref<128x128xf32, #tpu.memory_space<vmem>>, vector<1x16xf32>,
      %swap3A_101 = vector.shape_cast %swap3A_100 : vector<1x16xf32> to vector<16xf32>
      %swap3A_102 = vector.shape_cast %broadcast_in_dim3A_97 : vector<16xf32> to vector<1x16xf32>
      tpu.vector_store %arg12[%swap3A_98, %swap3A_99], %swap3A_102 {strides = array<i32>} : memref<128x128xf32, #tpu.memory_space<vmem>>, vector<1x16xf32>,
      %broadcast_in_dim3A_103 = arith.constant 0.000000e+00 : f32
      %broadcast_in_dim3A_104 = vector.broadcast %broadcast_in_dim3A_103 : f32 to vector<16xf32>
      %swap3A_105 = arith.index_cast %scan3A_89 : i32 to index
      %swap3A_106 = arith.constant 32 : index
      %swap3A_107 = tpu.vector_load %arg12[%swap3A_105, %swap3A_106] {strides = array<i32>} : memref<128x128xf32, #tpu.memory_space<vmem>>, vector<1x16xf32>,
      %swap3A_108 = vector.shape_cast %swap3A_107 : vector<1x16xf32> to vector<16xf32>
      %swap3A_109 = vector.shape_cast %broadcast_in_dim3A_104 : vector<16xf32> to vector<1x16xf32>
      tpu.vector_store %arg12[%swap3A_105, %swap3A_106], %swap3A_109 {strides = array<i32>} : memref<128x128xf32, #tpu.memory_space<vmem>>, vector<1x16xf32>,
      %broadcast_in_dim3A_110 = arith.constant 0.000000e+00 : f32
      %broadcast_in_dim3A_111 = vector.broadcast %broadcast_in_dim3A_110 : f32 to vector<16xf32>
      %swap3A_112 = arith.index_cast %scan3A_89 : i32 to index
      %swap3A_113 = arith.constant 48 : index
      %swap3A_114 = tpu.vector_load %arg12[%swap3A_112, %swap3A_113] {strides = array<i32>} : memref<128x128xf32, #tpu.memory_space<vmem>>, vector<1x16xf32>,
      %swap3A_115 = vector.shape_cast %swap3A_114 : vector<1x16xf32> to vector<16xf32>
      %swap3A_116 = vector.shape_cast %broadcast_in_dim3A_111 : vector<16xf32> to vector<1x16xf32>
      tpu.vector_store %arg12[%swap3A_112, %swap3A_113], %swap3A_116 {strides = array<i32>} : memref<128x128xf32, #tpu.memory_space<vmem>>, vector<1x16xf32>,
      %broadcast_in_dim3A_117 = arith.constant 0.000000e+00 : f32
      %broadcast_in_dim3A_118 = vector.broadcast %broadcast_in_dim3A_117 : f32 to vector<16xf32>
      %swap3A_119 = arith.index_cast %scan3A_89 : i32 to index
      %swap3A_120 = arith.constant 64 : index
      %swap3A_121 = tpu.vector_load %arg12[%swap3A_119, %swap3A_120] {strides = array<i32>} : memref<128x128xf32, #tpu.memory_space<vmem>>, vector<1x16xf32>,
      %swap3A_122 = vector.shape_cast %swap3A_121 : vector<1x16xf32> to vector<16xf32>
      %swap3A_123 = vector.shape_cast %broadcast_in_dim3A_118 : vector<16xf32> to vector<1x16xf32>
      tpu.vector_store %arg12[%swap3A_119, %swap3A_120], %swap3A_123 {strides = array<i32>} : memref<128x128xf32, #tpu.memory_space<vmem>>, vector<1x16xf32>,
      %broadcast_in_dim3A_124 = arith.constant 0.000000e+00 : f32
      %broadcast_in_dim3A_125 = vector.broadcast %broadcast_in_dim3A_124 : f32 to vector<16xf32>
      %swap3A_126 = arith.index_cast %scan3A_89 : i32 to index
      %swap3A_127 = arith.constant 80 : index
      %swap3A_128 = tpu.vector_load %arg12[%swap3A_126, %swap3A_127] {strides = array<i32>} : memref<128x128xf32, #tpu.memory_space<vmem>>, vector<1x16xf32>,
      %swap3A_129 = vector.shape_cast %swap3A_128 : vector<1x16xf32> to vector<16xf32>
      %swap3A_130 = vector.shape_cast %broadcast_in_dim3A_125 : vector<16xf32> to vector<1x16xf32>
      tpu.vector_store %arg12[%swap3A_126, %swap3A_127], %swap3A_130 {strides = array<i32>} : memref<128x128xf32, #tpu.memory_space<vmem>>, vector<1x16xf32>,
      %broadcast_in_dim3A_131 = arith.constant 0.000000e+00 : f32
      %broadcast_in_dim3A_132 = vector.broadcast %broadcast_in_dim3A_131 : f32 to vector<16xf32>
      %swap3A_133 = arith.index_cast %scan3A_89 : i32 to index
      %swap3A_134 = arith.constant 96 : index
      %swap3A_135 = tpu.vector_load %arg12[%swap3A_133, %swap3A_134] {strides = array<i32>} : memref<128x128xf32, #tpu.memory_space<vmem>>, vector<1x16xf32>,
      %swap3A_136 = vector.shape_cast %swap3A_135 : vector<1x16xf32> to vector<16xf32>
      %swap3A_137 = vector.shape_cast %broadcast_in_dim3A_132 : vector<16xf32> to vector<1x16xf32>
      tpu.vector_store %arg12[%swap3A_133, %swap3A_134], %swap3A_137 {strides = array<i32>} : memref<128x128xf32, #tpu.memory_space<vmem>>, vector<1x16xf32>,
      %broadcast_in_dim3A_138 = arith.constant 0.000000e+00 : f32
      %broadcast_in_dim3A_139 = vector.broadcast %broadcast_in_dim3A_138 : f32 to vector<16xf32>
      %swap3A_140 = arith.index_cast %scan3A_89 : i32 to index
      %swap3A_141 = arith.constant 112 : index
      %swap3A_142 = tpu.vector_load %arg12[%swap3A_140, %swap3A_141] {strides = array<i32>} : memref<128x128xf32, #tpu.memory_space<vmem>>, vector<1x16xf32>,
      %swap3A_143 = vector.shape_cast %swap3A_142 : vector<1x16xf32> to vector<16xf32>
      %swap3A_144 = vector.shape_cast %broadcast_in_dim3A_139 : vector<16xf32> to vector<1x16xf32>
      tpu.vector_store %arg12[%swap3A_140, %swap3A_141], %swap3A_144 {strides = array<i32>} : memref<128x128xf32, #tpu.memory_space<vmem>>, vector<1x16xf32>,
      %scan3A_145 = arith.constant 0 : i32
      scf.yield %scan3A_145 : i32
    }
    %scan3A_6 = arith.constant 128 : i32
    %mul3A_7 = arith.constant 5 : i32
    %mul3A_8 = arith.muli %arg1, %mul3A_7 : i32
    %add3A_9 = arith.constant 0 : i32
    %add3A_10 = arith.addi %mul3A_8, %add3A_9 : i32
    %mul3A_11 = arith.constant 128 : i32
    %mul3A_12 = arith.muli %add3A_10, %mul3A_11 : i32
    "tpu.region"() ({
      %run_scoped3A = tpu.sem_alloc : memref<!tpu.dma_semaphore, #tpu.memory_space<semaphore_mem>>
      %dma_start3A = arith.constant 0 : i32
      %dma_start3A_89 = tpu.memref_slice %arg13[%mul3A_12, %dma_start3A] : memref<10240x128xf32, #tpu.memory_space<vmem_shared>> -> memref<128x128xf32, #tpu.memory_space<vmem_shared>>
      %dma_start3A_90 = arith.constant 0 : i32
      %dma_start3A_91 = tpu.memref_slice %arg13[%mul3A_12, %dma_start3A_90] : memref<10240x128xf32, #tpu.memory_space<vmem_shared>> -> memref<128x128xf32, #tpu.memory_space<vmem_shared>>
      tpu.enqueue_dma source(%arg12 : memref<128x128xf32, #tpu.memory_space<vmem>>) target(%dma_start3A_91 : memref<128x128xf32, #tpu.memory_space<vmem_shared>>) target_semaphore(%run_scoped3A : memref<!tpu.dma_semaphore, #tpu.memory_space<semaphore_mem>>)
      %dma_wait3A = arith.constant 0 : i32
      %dma_wait3A_92 = tpu.memref_slice %arg13[%mul3A_12, %dma_wait3A] : memref<10240x128xf32, #tpu.memory_space<vmem_shared>> -> memref<128x128xf32, #tpu.memory_space<vmem_shared>>
      %dma_wait3A_93 = arith.constant 0 : i32
      %dma_wait3A_94 = tpu.memref_slice %arg13[%mul3A_12, %dma_wait3A_93] : memref<10240x128xf32, #tpu.memory_space<vmem_shared>> -> memref<128x128xf32, #tpu.memory_space<vmem_shared>>
      tpu.wait_dma2 semaphore(%run_scoped3A : memref<!tpu.dma_semaphore, #tpu.memory_space<semaphore_mem>>) src(%arg12 : memref<128x128xf32, #tpu.memory_space<vmem>>) dst(%dma_wait3A_94 : memref<128x128xf32, #tpu.memory_space<vmem_shared>>)
      tpu.yield
    }) : () -> ()
    %mul3A_13 = arith.constant 5 : i32
    %mul3A_14 = arith.muli %arg1, %mul3A_13 : i32
    %add3A_15 = arith.constant 0 : i32
    %add3A_16 = arith.addi %mul3A_14, %add3A_15 : i32
    %mul3A_17 = arith.constant 128 : i32
    %mul3A_18 = arith.muli %add3A_16, %mul3A_17 : i32
    "tpu.region"() ({
      %run_scoped3A = tpu.sem_alloc : memref<!tpu.dma_semaphore, #tpu.memory_space<semaphore_mem>>
      %dma_start3A = arith.constant 0 : i32
      %dma_start3A_89 = arith.constant 0 : i32
      %dma_start3A_90 = tpu.memref_slice %arg12[%dma_start3A, %dma_start3A_89] : memref<128x128xf32, #tpu.memory_space<vmem>> -> memref<128x16xf32, #tpu.memory_space<vmem>>
      %dma_start3A_91 = arith.constant 0 : i32
      %dma_start3A_92 = tpu.memref_slice %arg14[%mul3A_18, %dma_start3A_91] : memref<10240x16xf32, #tpu.memory_space<vmem_shared>> -> memref<128x16xf32, #tpu.memory_space<vmem_shared>>
      %dma_start3A_93 = arith.constant 0 : i32
      %dma_start3A_94 = tpu.memref_slice %arg14[%mul3A_18, %dma_start3A_93] : memref<10240x16xf32, #tpu.memory_space<vmem_shared>> -> memref<128x16xf32, #tpu.memory_space<vmem_shared>>
      %dma_start3A_95 = arith.constant 0 : i32
      %dma_start3A_96 = arith.constant 0 : i32
      %dma_start3A_97 = tpu.memref_slice %arg12[%dma_start3A_95, %dma_start3A_96] : memref<128x128xf32, #tpu.memory_space<vmem>> -> memref<128x16xf32, #tpu.memory_space<vmem>>
      tpu.enqueue_dma source(%dma_start3A_97 : memref<128x16xf32, #tpu.memory_space<vmem>>) target(%dma_start3A_94 : memref<128x16xf32, #tpu.memory_space<vmem_shared>>) target_semaphore(%run_scoped3A : memref<!tpu.dma_semaphore, #tpu.memory_space<semaphore_mem>>)
      %dma_wait3A = arith.constant 0 : i32
      %dma_wait3A_98 = arith.constant 0 : i32
      %dma_wait3A_99 = tpu.memref_slice %arg12[%dma_wait3A, %dma_wait3A_98] : memref<128x128xf32, #tpu.memory_space<vmem>> -> memref<128x16xf32, #tpu.memory_space<vmem>>
      %dma_wait3A_100 = arith.constant 0 : i32
      %dma_wait3A_101 = tpu.memref_slice %arg14[%mul3A_18, %dma_wait3A_100] : memref<10240x16xf32, #tpu.memory_space<vmem_shared>> -> memref<128x16xf32, #tpu.memory_space<vmem_shared>>
      %dma_wait3A_102 = arith.constant 0 : i32
      %dma_wait3A_103 = tpu.memref_slice %arg14[%mul3A_18, %dma_wait3A_102] : memref<10240x16xf32, #tpu.memory_space<vmem_shared>> -> memref<128x16xf32, #tpu.memory_space<vmem_shared>>
      %dma_wait3A_104 = arith.constant 0 : i32
      %dma_wait3A_105 = arith.constant 0 : i32
      %dma_wait3A_106 = tpu.memref_slice %arg12[%dma_wait3A_104, %dma_wait3A_105] : memref<128x128xf32, #tpu.memory_space<vmem>> -> memref<128x16xf32, #tpu.memory_space<vmem>>
      tpu.wait_dma2 semaphore(%run_scoped3A : memref<!tpu.dma_semaphore, #tpu.memory_space<semaphore_mem>>) src(%dma_wait3A_106 : memref<128x16xf32, #tpu.memory_space<vmem>>) dst(%dma_wait3A_103 : memref<128x16xf32, #tpu.memory_space<vmem_shared>>)
      tpu.yield
    }) : () -> ()
    %mul3A_19 = arith.constant 5 : i32
    %mul3A_20 = arith.muli %arg1, %mul3A_19 : i32
    %add3A_21 = arith.constant 1 : i32
    %add3A_22 = arith.addi %mul3A_20, %add3A_21 : i32
    %mul3A_23 = arith.constant 128 : i32
    %mul3A_24 = arith.muli %add3A_22, %mul3A_23 : i32
    "tpu.region"() ({
      %run_scoped3A = tpu.sem_alloc : memref<!tpu.dma_semaphore, #tpu.memory_space<semaphore_mem>>
      %dma_start3A = arith.constant 0 : i32
      %dma_start3A_89 = tpu.memref_slice %arg13[%mul3A_24, %dma_start3A] : memref<10240x128xf32, #tpu.memory_space<vmem_shared>> -> memref<128x128xf32, #tpu.memory_space<vmem_shared>>
      %dma_start3A_90 = arith.constant 0 : i32
      %dma_start3A_91 = tpu.memref_slice %arg13[%mul3A_24, %dma_start3A_90] : memref<10240x128xf32, #tpu.memory_space<vmem_shared>> -> memref<128x128xf32, #tpu.memory_space<vmem_shared>>
      tpu.enqueue_dma source(%arg12 : memref<128x128xf32, #tpu.memory_space<vmem>>) target(%dma_start3A_91 : memref<128x128xf32, #tpu.memory_space<vmem_shared>>) target_semaphore(%run_scoped3A : memref<!tpu.dma_semaphore, #tpu.memory_space<semaphore_mem>>)
      %dma_wait3A = arith.constant 0 : i32
      %dma_wait3A_92 = tpu.memref_slice %arg13[%mul3A_24, %dma_wait3A] : memref<10240x128xf32, #tpu.memory_space<vmem_shared>> -> memref<128x128xf32, #tpu.memory_space<vmem_shared>>
      %dma_wait3A_93 = arith.constant 0 : i32
      %dma_wait3A_94 = tpu.memref_slice %arg13[%mul3A_24, %dma_wait3A_93] : memref<10240x128xf32, #tpu.memory_space<vmem_shared>> -> memref<128x128xf32, #tpu.memory_space<vmem_shared>>
      tpu.wait_dma2 semaphore(%run_scoped3A : memref<!tpu.dma_semaphore, #tpu.memory_space<semaphore_mem>>) src(%arg12 : memref<128x128xf32, #tpu.memory_space<vmem>>) dst(%dma_wait3A_94 : memref<128x128xf32, #tpu.memory_space<vmem_shared>>)
      tpu.yield
    }) : () -> ()
    %mul3A_25 = arith.constant 5 : i32
    %mul3A_26 = arith.muli %arg1, %mul3A_25 : i32
    %add3A_27 = arith.constant 1 : i32
    %add3A_28 = arith.addi %mul3A_26, %add3A_27 : i32
    %mul3A_29 = arith.constant 128 : i32
    %mul3A_30 = arith.muli %add3A_28, %mul3A_29 : i32
    "tpu.region"() ({
      %run_scoped3A = tpu.sem_alloc : memref<!tpu.dma_semaphore, #tpu.memory_space<semaphore_mem>>
      %dma_start3A = arith.constant 0 : i32
      %dma_start3A_89 = arith.constant 0 : i32
      %dma_start3A_90 = tpu.memref_slice %arg12[%dma_start3A, %dma_start3A_89] : memref<128x128xf32, #tpu.memory_space<vmem>> -> memref<128x16xf32, #tpu.memory_space<vmem>>
      %dma_start3A_91 = arith.constant 0 : i32
      %dma_start3A_92 = tpu.memref_slice %arg14[%mul3A_30, %dma_start3A_91] : memref<10240x16xf32, #tpu.memory_space<vmem_shared>> -> memref<128x16xf32, #tpu.memory_space<vmem_shared>>
      %dma_start3A_93 = arith.constant 0 : i32
      %dma_start3A_94 = tpu.memref_slice %arg14[%mul3A_30, %dma_start3A_93] : memref<10240x16xf32, #tpu.memory_space<vmem_shared>> -> memref<128x16xf32, #tpu.memory_space<vmem_shared>>
      %dma_start3A_95 = arith.constant 0 : i32
      %dma_start3A_96 = arith.constant 0 : i32
      %dma_start3A_97 = tpu.memref_slice %arg12[%dma_start3A_95, %dma_start3A_96] : memref<128x128xf32, #tpu.memory_space<vmem>> -> memref<128x16xf32, #tpu.memory_space<vmem>>
      tpu.enqueue_dma source(%dma_start3A_97 : memref<128x16xf32, #tpu.memory_space<vmem>>) target(%dma_start3A_94 : memref<128x16xf32, #tpu.memory_space<vmem_shared>>) target_semaphore(%run_scoped3A : memref<!tpu.dma_semaphore, #tpu.memory_space<semaphore_mem>>)
      %dma_wait3A = arith.constant 0 : i32
      %dma_wait3A_98 = arith.constant 0 : i32
      %dma_wait3A_99 = tpu.memref_slice %arg12[%dma_wait3A, %dma_wait3A_98] : memref<128x128xf32, #tpu.memory_space<vmem>> -> memref<128x16xf32, #tpu.memory_space<vmem>>
      %dma_wait3A_100 = arith.constant 0 : i32
      %dma_wait3A_101 = tpu.memref_slice %arg14[%mul3A_30, %dma_wait3A_100] : memref<10240x16xf32, #tpu.memory_space<vmem_shared>> -> memref<128x16xf32, #tpu.memory_space<vmem_shared>>
      %dma_wait3A_102 = arith.constant 0 : i32
      %dma_wait3A_103 = tpu.memref_slice %arg14[%mul3A_30, %dma_wait3A_102] : memref<10240x16xf32, #tpu.memory_space<vmem_shared>> -> memref<128x16xf32, #tpu.memory_space<vmem_shared>>
      %dma_wait3A_104 = arith.constant 0 : i32
      %dma_wait3A_105 = arith.constant 0 : i32
      %dma_wait3A_106 = tpu.memref_slice %arg12[%dma_wait3A_104, %dma_wait3A_105] : memref<128x128xf32, #tpu.memory_space<vmem>> -> memref<128x16xf32, #tpu.memory_space<vmem>>
      tpu.wait_dma2 semaphore(%run_scoped3A : memref<!tpu.dma_semaphore, #tpu.memory_space<semaphore_mem>>) src(%dma_wait3A_106 : memref<128x16xf32, #tpu.memory_space<vmem>>) dst(%dma_wait3A_103 : memref<128x16xf32, #tpu.memory_space<vmem_shared>>)
      tpu.yield
    }) : () -> ()
    %mul3A_31 = arith.constant 5 : i32
    %mul3A_32 = arith.muli %arg1, %mul3A_31 : i32
    %add3A_33 = arith.constant 2 : i32
    %add3A_34 = arith.addi %mul3A_32, %add3A_33 : i32
    %mul3A_35 = arith.constant 128 : i32
    %mul3A_36 = arith.muli %add3A_34, %mul3A_35 : i32
    "tpu.region"() ({
      %run_scoped3A = tpu.sem_alloc : memref<!tpu.dma_semaphore, #tpu.memory_space<semaphore_mem>>
      %dma_start3A = arith.constant 0 : i32
      %dma_start3A_89 = tpu.memref_slice %arg13[%mul3A_36, %dma_start3A] : memref<10240x128xf32, #tpu.memory_space<vmem_shared>> -> memref<128x128xf32, #tpu.memory_space<vmem_shared>>
      %dma_start3A_90 = arith.constant 0 : i32
      %dma_start3A_91 = tpu.memref_slice %arg13[%mul3A_36, %dma_start3A_90] : memref<10240x128xf32, #tpu.memory_space<vmem_shared>> -> memref<128x128xf32, #tpu.memory_space<vmem_shared>>
      tpu.enqueue_dma source(%arg12 : memref<128x128xf32, #tpu.memory_space<vmem>>) target(%dma_start3A_91 : memref<128x128xf32, #tpu.memory_space<vmem_shared>>) target_semaphore(%run_scoped3A : memref<!tpu.dma_semaphore, #tpu.memory_space<semaphore_mem>>)
      %dma_wait3A = arith.constant 0 : i32
      %dma_wait3A_92 = tpu.memref_slice %arg13[%mul3A_36, %dma_wait3A] : memref<10240x128xf32, #tpu.memory_space<vmem_shared>> -> memref<128x128xf32, #tpu.memory_space<vmem_shared>>
      %dma_wait3A_93 = arith.constant 0 : i32
      %dma_wait3A_94 = tpu.memref_slice %arg13[%mul3A_36, %dma_wait3A_93] : memref<10240x128xf32, #tpu.memory_space<vmem_shared>> -> memref<128x128xf32, #tpu.memory_space<vmem_shared>>
      tpu.wait_dma2 semaphore(%run_scoped3A : memref<!tpu.dma_semaphore, #tpu.memory_space<semaphore_mem>>) src(%arg12 : memref<128x128xf32, #tpu.memory_space<vmem>>) dst(%dma_wait3A_94 : memref<128x128xf32, #tpu.memory_space<vmem_shared>>)
      tpu.yield
    }) : () -> ()
    %mul3A_37 = arith.constant 5 : i32
    %mul3A_38 = arith.muli %arg1, %mul3A_37 : i32
    %add3A_39 = arith.constant 2 : i32
    %add3A_40 = arith.addi %mul3A_38, %add3A_39 : i32
    %mul3A_41 = arith.constant 128 : i32
    %mul3A_42 = arith.muli %add3A_40, %mul3A_41 : i32
    "tpu.region"() ({
      %run_scoped3A = tpu.sem_alloc : memref<!tpu.dma_semaphore, #tpu.memory_space<semaphore_mem>>
      %dma_start3A = arith.constant 0 : i32
      %dma_start3A_89 = arith.constant 0 : i32
      %dma_start3A_90 = tpu.memref_slice %arg12[%dma_start3A, %dma_start3A_89] : memref<128x128xf32, #tpu.memory_space<vmem>> -> memref<128x16xf32, #tpu.memory_space<vmem>>
      %dma_start3A_91 = arith.constant 0 : i32
      %dma_start3A_92 = tpu.memref_slice %arg14[%mul3A_42, %dma_start3A_91] : memref<10240x16xf32, #tpu.memory_space<vmem_shared>> -> memref<128x16xf32, #tpu.memory_space<vmem_shared>>
      %dma_start3A_93 = arith.constant 0 : i32
      %dma_start3A_94 = tpu.memref_slice %arg14[%mul3A_42, %dma_start3A_93] : memref<10240x16xf32, #tpu.memory_space<vmem_shared>> -> memref<128x16xf32, #tpu.memory_space<vmem_shared>>
      %dma_start3A_95 = arith.constant 0 : i32
      %dma_start3A_96 = arith.constant 0 : i32
      %dma_start3A_97 = tpu.memref_slice %arg12[%dma_start3A_95, %dma_start3A_96] : memref<128x128xf32, #tpu.memory_space<vmem>> -> memref<128x16xf32, #tpu.memory_space<vmem>>
      tpu.enqueue_dma source(%dma_start3A_97 : memref<128x16xf32, #tpu.memory_space<vmem>>) target(%dma_start3A_94 : memref<128x16xf32, #tpu.memory_space<vmem_shared>>) target_semaphore(%run_scoped3A : memref<!tpu.dma_semaphore, #tpu.memory_space<semaphore_mem>>)
      %dma_wait3A = arith.constant 0 : i32
      %dma_wait3A_98 = arith.constant 0 : i32
      %dma_wait3A_99 = tpu.memref_slice %arg12[%dma_wait3A, %dma_wait3A_98] : memref<128x128xf32, #tpu.memory_space<vmem>> -> memref<128x16xf32, #tpu.memory_space<vmem>>
      %dma_wait3A_100 = arith.constant 0 : i32
      %dma_wait3A_101 = tpu.memref_slice %arg14[%mul3A_42, %dma_wait3A_100] : memref<10240x16xf32, #tpu.memory_space<vmem_shared>> -> memref<128x16xf32, #tpu.memory_space<vmem_shared>>
      %dma_wait3A_102 = arith.constant 0 : i32
      %dma_wait3A_103 = tpu.memref_slice %arg14[%mul3A_42, %dma_wait3A_102] : memref<10240x16xf32, #tpu.memory_space<vmem_shared>> -> memref<128x16xf32, #tpu.memory_space<vmem_shared>>
      %dma_wait3A_104 = arith.constant 0 : i32
      %dma_wait3A_105 = arith.constant 0 : i32
      %dma_wait3A_106 = tpu.memref_slice %arg12[%dma_wait3A_104, %dma_wait3A_105] : memref<128x128xf32, #tpu.memory_space<vmem>> -> memref<128x16xf32, #tpu.memory_space<vmem>>
      tpu.wait_dma2 semaphore(%run_scoped3A : memref<!tpu.dma_semaphore, #tpu.memory_space<semaphore_mem>>) src(%dma_wait3A_106 : memref<128x16xf32, #tpu.memory_space<vmem>>) dst(%dma_wait3A_103 : memref<128x16xf32, #tpu.memory_space<vmem_shared>>)
      tpu.yield
    }) : () -> ()
    %mul3A_43 = arith.constant 5 : i32
    %mul3A_44 = arith.muli %arg1, %mul3A_43 : i32
    %add3A_45 = arith.constant 3 : i32
    %add3A_46 = arith.addi %mul3A_44, %add3A_45 : i32
    %mul3A_47 = arith.constant 128 : i32
    %mul3A_48 = arith.muli %add3A_46, %mul3A_47 : i32
    "tpu.region"() ({
      %run_scoped3A = tpu.sem_alloc : memref<!tpu.dma_semaphore, #tpu.memory_space<semaphore_mem>>
      %dma_start3A = arith.constant 0 : i32
      %dma_start3A_89 = tpu.memref_slice %arg13[%mul3A_48, %dma_start3A] : memref<10240x128xf32, #tpu.memory_space<vmem_shared>> -> memref<128x128xf32, #tpu.memory_space<vmem_shared>>
      %dma_start3A_90 = arith.constant 0 : i32
      %dma_start3A_91 = tpu.memref_slice %arg13[%mul3A_48, %dma_start3A_90] : memref<10240x128xf32, #tpu.memory_space<vmem_shared>> -> memref<128x128xf32, #tpu.memory_space<vmem_shared>>
      tpu.enqueue_dma source(%arg12 : memref<128x128xf32, #tpu.memory_space<vmem>>) target(%dma_start3A_91 : memref<128x128xf32, #tpu.memory_space<vmem_shared>>) target_semaphore(%run_scoped3A : memref<!tpu.dma_semaphore, #tpu.memory_space<semaphore_mem>>)
      %dma_wait3A = arith.constant 0 : i32
      %dma_wait3A_92 = tpu.memref_slice %arg13[%mul3A_48, %dma_wait3A] : memref<10240x128xf32, #tpu.memory_space<vmem_shared>> -> memref<128x128xf32, #tpu.memory_space<vmem_shared>>
      %dma_wait3A_93 = arith.constant 0 : i32
      %dma_wait3A_94 = tpu.memref_slice %arg13[%mul3A_48, %dma_wait3A_93] : memref<10240x128xf32, #tpu.memory_space<vmem_shared>> -> memref<128x128xf32, #tpu.memory_space<vmem_shared>>
      tpu.wait_dma2 semaphore(%run_scoped3A : memref<!tpu.dma_semaphore, #tpu.memory_space<semaphore_mem>>) src(%arg12 : memref<128x128xf32, #tpu.memory_space<vmem>>) dst(%dma_wait3A_94 : memref<128x128xf32, #tpu.memory_space<vmem_shared>>)
      tpu.yield
    }) : () -> ()
    %mul3A_49 = arith.constant 5 : i32
    %mul3A_50 = arith.muli %arg1, %mul3A_49 : i32
    %add3A_51 = arith.constant 3 : i32
    %add3A_52 = arith.addi %mul3A_50, %add3A_51 : i32
    %mul3A_53 = arith.constant 128 : i32
    %mul3A_54 = arith.muli %add3A_52, %mul3A_53 : i32
    "tpu.region"() ({
      %run_scoped3A = tpu.sem_alloc : memref<!tpu.dma_semaphore, #tpu.memory_space<semaphore_mem>>
      %dma_start3A = arith.constant 0 : i32
      %dma_start3A_89 = arith.constant 0 : i32
      %dma_start3A_90 = tpu.memref_slice %arg12[%dma_start3A, %dma_start3A_89] : memref<128x128xf32, #tpu.memory_space<vmem>> -> memref<128x16xf32, #tpu.memory_space<vmem>>
      %dma_start3A_91 = arith.constant 0 : i32
      %dma_start3A_92 = tpu.memref_slice %arg14[%mul3A_54, %dma_start3A_91] : memref<10240x16xf32, #tpu.memory_space<vmem_shared>> -> memref<128x16xf32, #tpu.memory_space<vmem_shared>>
      %dma_start3A_93 = arith.constant 0 : i32
      %dma_start3A_94 = tpu.memref_slice %arg14[%mul3A_54, %dma_start3A_93] : memref<10240x16xf32, #tpu.memory_space<vmem_shared>> -> memref<128x16xf32, #tpu.memory_space<vmem_shared>>
      %dma_start3A_95 = arith.constant 0 : i32
      %dma_start3A_96 = arith.constant 0 : i32
      %dma_start3A_97 = tpu.memref_slice %arg12[%dma_start3A_95, %dma_start3A_96] : memref<128x128xf32, #tpu.memory_space<vmem>> -> memref<128x16xf32, #tpu.memory_space<vmem>>
      tpu.enqueue_dma source(%dma_start3A_97 : memref<128x16xf32, #tpu.memory_space<vmem>>) target(%dma_start3A_94 : memref<128x16xf32, #tpu.memory_space<vmem_shared>>) target_semaphore(%run_scoped3A : memref<!tpu.dma_semaphore, #tpu.memory_space<semaphore_mem>>)
      %dma_wait3A = arith.constant 0 : i32
      %dma_wait3A_98 = arith.constant 0 : i32
      %dma_wait3A_99 = tpu.memref_slice %arg12[%dma_wait3A, %dma_wait3A_98] : memref<128x128xf32, #tpu.memory_space<vmem>> -> memref<128x16xf32, #tpu.memory_space<vmem>>
      %dma_wait3A_100 = arith.constant 0 : i32
      %dma_wait3A_101 = tpu.memref_slice %arg14[%mul3A_54, %dma_wait3A_100] : memref<10240x16xf32, #tpu.memory_space<vmem_shared>> -> memref<128x16xf32, #tpu.memory_space<vmem_shared>>
      %dma_wait3A_102 = arith.constant 0 : i32
      %dma_wait3A_103 = tpu.memref_slice %arg14[%mul3A_54, %dma_wait3A_102] : memref<10240x16xf32, #tpu.memory_space<vmem_shared>> -> memref<128x16xf32, #tpu.memory_space<vmem_shared>>
      %dma_wait3A_104 = arith.constant 0 : i32
      %dma_wait3A_105 = arith.constant 0 : i32
      %dma_wait3A_106 = tpu.memref_slice %arg12[%dma_wait3A_104, %dma_wait3A_105] : memref<128x128xf32, #tpu.memory_space<vmem>> -> memref<128x16xf32, #tpu.memory_space<vmem>>
      tpu.wait_dma2 semaphore(%run_scoped3A : memref<!tpu.dma_semaphore, #tpu.memory_space<semaphore_mem>>) src(%dma_wait3A_106 : memref<128x16xf32, #tpu.memory_space<vmem>>) dst(%dma_wait3A_103 : memref<128x16xf32, #tpu.memory_space<vmem_shared>>)
      tpu.yield
    }) : () -> ()
    %mul3A_55 = arith.constant 5 : i32
    %mul3A_56 = arith.muli %arg1, %mul3A_55 : i32
    %add3A_57 = arith.constant 4 : i32
    %add3A_58 = arith.addi %mul3A_56, %add3A_57 : i32
    %mul3A_59 = arith.constant 128 : i32
    %mul3A_60 = arith.muli %add3A_58, %mul3A_59 : i32
    "tpu.region"() ({
      %run_scoped3A = tpu.sem_alloc : memref<!tpu.dma_semaphore, #tpu.memory_space<semaphore_mem>>
      %dma_start3A = arith.constant 0 : i32
      %dma_start3A_89 = tpu.memref_slice %arg13[%mul3A_60, %dma_start3A] : memref<10240x128xf32, #tpu.memory_space<vmem_shared>> -> memref<128x128xf32, #tpu.memory_space<vmem_shared>>
      %dma_start3A_90 = arith.constant 0 : i32
      %dma_start3A_91 = tpu.memref_slice %arg13[%mul3A_60, %dma_start3A_90] : memref<10240x128xf32, #tpu.memory_space<vmem_shared>> -> memref<128x128xf32, #tpu.memory_space<vmem_shared>>
      tpu.enqueue_dma source(%arg12 : memref<128x128xf32, #tpu.memory_space<vmem>>) target(%dma_start3A_91 : memref<128x128xf32, #tpu.memory_space<vmem_shared>>) target_semaphore(%run_scoped3A : memref<!tpu.dma_semaphore, #tpu.memory_space<semaphore_mem>>)
      %dma_wait3A = arith.constant 0 : i32
      %dma_wait3A_92 = tpu.memref_slice %arg13[%mul3A_60, %dma_wait3A] : memref<10240x128xf32, #tpu.memory_space<vmem_shared>> -> memref<128x128xf32, #tpu.memory_space<vmem_shared>>
      %dma_wait3A_93 = arith.constant 0 : i32
      %dma_wait3A_94 = tpu.memref_slice %arg13[%mul3A_60, %dma_wait3A_93] : memref<10240x128xf32, #tpu.memory_space<vmem_shared>> -> memref<128x128xf32, #tpu.memory_space<vmem_shared>>
      tpu.wait_dma2 semaphore(%run_scoped3A : memref<!tpu.dma_semaphore, #tpu.memory_space<semaphore_mem>>) src(%arg12 : memref<128x128xf32, #tpu.memory_space<vmem>>) dst(%dma_wait3A_94 : memref<128x128xf32, #tpu.memory_space<vmem_shared>>)
      tpu.yield
    }) : () -> ()
    %mul3A_61 = arith.constant 5 : i32
    %mul3A_62 = arith.muli %arg1, %mul3A_61 : i32
    %add3A_63 = arith.constant 4 : i32
    %add3A_64 = arith.addi %mul3A_62, %add3A_63 : i32
    %mul3A_65 = arith.constant 128 : i32
    %mul3A_66 = arith.muli %add3A_64, %mul3A_65 : i32
    "tpu.region"() ({
      %run_scoped3A = tpu.sem_alloc : memref<!tpu.dma_semaphore, #tpu.memory_space<semaphore_mem>>
      %dma_start3A = arith.constant 0 : i32
      %dma_start3A_89 = arith.constant 0 : i32
      %dma_start3A_90 = tpu.memref_slice %arg12[%dma_start3A, %dma_start3A_89] : memref<128x128xf32, #tpu.memory_space<vmem>> -> memref<128x16xf32, #tpu.memory_space<vmem>>
      %dma_start3A_91 = arith.constant 0 : i32
      %dma_start3A_92 = tpu.memref_slice %arg14[%mul3A_66, %dma_start3A_91] : memref<10240x16xf32, #tpu.memory_space<vmem_shared>> -> memref<128x16xf32, #tpu.memory_space<vmem_shared>>
      %dma_start3A_93 = arith.constant 0 : i32
      %dma_start3A_94 = tpu.memref_slice %arg14[%mul3A_66, %dma_start3A_93] : memref<10240x16xf32, #tpu.memory_space<vmem_shared>> -> memref<128x16xf32, #tpu.memory_space<vmem_shared>>
      %dma_start3A_95 = arith.constant 0 : i32
      %dma_start3A_96 = arith.constant 0 : i32
      %dma_start3A_97 = tpu.memref_slice %arg12[%dma_start3A_95, %dma_start3A_96] : memref<128x128xf32, #tpu.memory_space<vmem>> -> memref<128x16xf32, #tpu.memory_space<vmem>>
      tpu.enqueue_dma source(%dma_start3A_97 : memref<128x16xf32, #tpu.memory_space<vmem>>) target(%dma_start3A_94 : memref<128x16xf32, #tpu.memory_space<vmem_shared>>) target_semaphore(%run_scoped3A : memref<!tpu.dma_semaphore, #tpu.memory_space<semaphore_mem>>)
      %dma_wait3A = arith.constant 0 : i32
      %dma_wait3A_98 = arith.constant 0 : i32
      %dma_wait3A_99 = tpu.memref_slice %arg12[%dma_wait3A, %dma_wait3A_98] : memref<128x128xf32, #tpu.memory_space<vmem>> -> memref<128x16xf32, #tpu.memory_space<vmem>>
      %dma_wait3A_100 = arith.constant 0 : i32
      %dma_wait3A_101 = tpu.memref_slice %arg14[%mul3A_66, %dma_wait3A_100] : memref<10240x16xf32, #tpu.memory_space<vmem_shared>> -> memref<128x16xf32, #tpu.memory_space<vmem_shared>>
      %dma_wait3A_102 = arith.constant 0 : i32
      %dma_wait3A_103 = tpu.memref_slice %arg14[%mul3A_66, %dma_wait3A_102] : memref<10240x16xf32, #tpu.memory_space<vmem_shared>> -> memref<128x16xf32, #tpu.memory_space<vmem_shared>>
      %dma_wait3A_104 = arith.constant 0 : i32
      %dma_wait3A_105 = arith.constant 0 : i32
      %dma_wait3A_106 = tpu.memref_slice %arg12[%dma_wait3A_104, %dma_wait3A_105] : memref<128x128xf32, #tpu.memory_space<vmem>> -> memref<128x16xf32, #tpu.memory_space<vmem>>
      tpu.wait_dma2 semaphore(%run_scoped3A : memref<!tpu.dma_semaphore, #tpu.memory_space<semaphore_mem>>) src(%dma_wait3A_106 : memref<128x16xf32, #tpu.memory_space<vmem>>) dst(%dma_wait3A_103 : memref<128x16xf32, #tpu.memory_space<vmem_shared>>)
      tpu.yield
    }) : () -> ()
    %barrier3A = arith.constant 0 : index
    tpu.barrier barrier_id(%barrier3A)
    %scan3A_67 = arith.constant 0 : i32
    %scan3A_68 = arith.constant 0 : i32
    %scan3A_69 = arith.constant 40 : i32
    %scan3A_70 = arith.addi %scan3A_68, %scan3A_69 : i32
    %scan3A_71 = arith.constant 1 : i32
    %scan3A_72 = scf.for %scan3A_89 = %scan3A_68 to %scan3A_70 step %scan3A_71 iter_args(%scan3A_90 = %scan3A_67) -> (i32)  : i32 {
      %mul3A_91 = arith.constant 32 : i32
      %mul3A_92 = arith.muli %scan3A_89, %mul3A_91 : i32
      %add3A_93 = arith.addi %mul3A_92, %add3A : i32
      %lt3A = arith.constant 1250 : i32
      %lt3A_94 = arith.cmpi slt, %add3A_93, %lt3A : i32
      %convert_element_type3A = arith.extui %lt3A_94 : i1 to i32
      %cond3A = arith.constant 0 : i32
      %cond3A_95 = arith.cmpi ne, %convert_element_type3A, %cond3A : i32
      scf.if %cond3A_95 {
        %mul3A_97 = arith.constant 128 : i32
        %mul3A_98 = arith.muli %add3A_93, %mul3A_97 : i32
        "tpu.region"() ({
          %run_scoped3A = tpu.sem_alloc : memref<!tpu.dma_semaphore, #tpu.memory_space<semaphore_mem>>
          %dma_start3A_110 = tpu.memref_slice %arg2[%mul3A_98] : memref<160000xi32, #tpu.memory_space<hbm>> -> memref<128xi32, #tpu.memory_space<hbm>>
          %dma_start3A_111 = tpu.memref_slice %arg2[%mul3A_98] : memref<160000xi32, #tpu.memory_space<hbm>> -> memref<128xi32, #tpu.memory_space<hbm>>
          tpu.enqueue_dma source(%dma_start3A_111 : memref<128xi32, #tpu.memory_space<hbm>>) target(%arg8 : memref<128xi32, #tpu.memory_space<vmem>>) target_semaphore(%run_scoped3A : memref<!tpu.dma_semaphore, #tpu.memory_space<semaphore_mem>>)
          %dma_wait3A_112 = tpu.memref_slice %arg2[%mul3A_98] : memref<160000xi32, #tpu.memory_space<hbm>> -> memref<128xi32, #tpu.memory_space<hbm>>
          %dma_wait3A_113 = tpu.memref_slice %arg2[%mul3A_98] : memref<160000xi32, #tpu.memory_space<hbm>> -> memref<128xi32, #tpu.memory_space<hbm>>
          tpu.wait_dma2 semaphore(%run_scoped3A : memref<!tpu.dma_semaphore, #tpu.memory_space<semaphore_mem>>) src(%dma_wait3A_113 : memref<128xi32, #tpu.memory_space<hbm>>) dst(%arg8 : memref<128xi32, #tpu.memory_space<vmem>>)
          tpu.yield
        }) : () -> ()
        "tpu.region"() ({
          %run_scoped3A = tpu.sem_alloc : memref<!tpu.dma_semaphore, #tpu.memory_space<semaphore_mem>>
          %dma_start3A_110 = tpu.memref_slice %arg3[%mul3A_98] : memref<160000xi32, #tpu.memory_space<hbm>> -> memref<128xi32, #tpu.memory_space<hbm>>
          %dma_start3A_111 = tpu.memref_slice %arg3[%mul3A_98] : memref<160000xi32, #tpu.memory_space<hbm>> -> memref<128xi32, #tpu.memory_space<hbm>>
          tpu.enqueue_dma source(%dma_start3A_111 : memref<128xi32, #tpu.memory_space<hbm>>) target(%arg9 : memref<128xi32, #tpu.memory_space<vmem>>) target_semaphore(%run_scoped3A : memref<!tpu.dma_semaphore, #tpu.memory_space<semaphore_mem>>)
          %dma_wait3A_112 = tpu.memref_slice %arg3[%mul3A_98] : memref<160000xi32, #tpu.memory_space<hbm>> -> memref<128xi32, #tpu.memory_space<hbm>>
          %dma_wait3A_113 = tpu.memref_slice %arg3[%mul3A_98] : memref<160000xi32, #tpu.memory_space<hbm>> -> memref<128xi32, #tpu.memory_space<hbm>>
          tpu.wait_dma2 semaphore(%run_scoped3A : memref<!tpu.dma_semaphore, #tpu.memory_space<semaphore_mem>>) src(%dma_wait3A_113 : memref<128xi32, #tpu.memory_space<hbm>>) dst(%arg9 : memref<128xi32, #tpu.memory_space<vmem>>)
          tpu.yield
        }) : () -> ()
        "tpu.region"() ({
          %run_scoped3A = tpu.sem_alloc : memref<!tpu.dma_semaphore, #tpu.memory_space<semaphore_mem>>
          %dma_start3A_110 = arith.constant 0 : i32
          %dma_start3A_111 = tpu.memref_slice %arg4[%mul3A_98, %dma_start3A_110] : memref<160000x16xf32, #tpu.memory_space<hbm>> -> memref<128x16xf32, #tpu.memory_space<hbm>>
          %dma_start3A_112 = arith.constant 0 : i32
          %dma_start3A_113 = tpu.memref_slice %arg4[%mul3A_98, %dma_start3A_112] : memref<160000x16xf32, #tpu.memory_space<hbm>> -> memref<128x16xf32, #tpu.memory_space<hbm>>
          tpu.enqueue_dma source(%dma_start3A_113 : memref<128x16xf32, #tpu.memory_space<hbm>>) target(%arg10 : memref<128x16xf32, #tpu.memory_space<vmem>>) target_semaphore(%run_scoped3A : memref<!tpu.dma_semaphore, #tpu.memory_space<semaphore_mem>>)
          %dma_wait3A_114 = arith.constant 0 : i32
          %dma_wait3A_115 = tpu.memref_slice %arg4[%mul3A_98, %dma_wait3A_114] : memref<160000x16xf32, #tpu.memory_space<hbm>> -> memref<128x16xf32, #tpu.memory_space<hbm>>
          %dma_wait3A_116 = arith.constant 0 : i32
          %dma_wait3A_117 = tpu.memref_slice %arg4[%mul3A_98, %dma_wait3A_116] : memref<160000x16xf32, #tpu.memory_space<hbm>> -> memref<128x16xf32, #tpu.memory_space<hbm>>
          tpu.wait_dma2 semaphore(%run_scoped3A : memref<!tpu.dma_semaphore, #tpu.memory_space<semaphore_mem>>) src(%dma_wait3A_117 : memref<128x16xf32, #tpu.memory_space<hbm>>) dst(%arg10 : memref<128x16xf32, #tpu.memory_space<vmem>>)
          tpu.yield
        }) : () -> ()
        %dma_start3A = arith.constant 0 : i32
        %dma_start3A_99 = arith.constant 0 : i32
        %dma_start3A_100 = tpu.memref_slice %arg5[%dma_start3A, %dma_start3A_99] : memref<10000x128xf32, #tpu.memory_space<hbm>> -> memref<10000x128xf32, #tpu.memory_space<hbm>>
        tpu.enqueue_indirect_dma source(%dma_start3A_100 : memref<10000x128xf32, #tpu.memory_space<hbm>>) target(%arg11 : memref<128x128xf32, #tpu.memory_space<vmem>>) offsets(%arg8 : memref<128xi32, #tpu.memory_space<vmem>>) semaphore(%arg15 : memref<!tpu.dma_semaphore, #tpu.memory_space<semaphore_mem>>)
        %dma_wait3A = arith.constant 0 : i32
        %dma_wait3A_101 = arith.constant 0 : i32
        %dma_wait3A_102 = tpu.memref_slice %arg5[%dma_wait3A, %dma_wait3A_101] : memref<10000x128xf32, #tpu.memory_space<hbm>> -> memref<10000x128xf32, #tpu.memory_space<hbm>>
        tpu.wait_indirect_dma semaphore(%arg15 : memref<!tpu.dma_semaphore, #tpu.memory_space<semaphore_mem>>) src(%dma_wait3A_102 : memref<10000x128xf32, #tpu.memory_space<hbm>>) dst(%arg11 : memref<128x128xf32, #tpu.memory_space<vmem>>)
        %scan3A_103 = arith.constant 0 : i32
        %scan3A_104 = arith.constant 0 : i32
        %scan3A_105 = arith.constant 128 : i32
        %scan3A_106 = arith.addi %scan3A_104, %scan3A_105 : i32
        %scan3A_107 = arith.constant 1 : i32
        %scan3A_108 = scf.for %scan3A_110 = %scan3A_104 to %scan3A_106 step %scan3A_107 iter_args(%scan3A_111 = %scan3A_103) -> (i32)  : i32 {
          %get3A = arith.index_cast %scan3A_110 : i32 to index
          %get3A_112 = arith.constant 0 : index
          %get3A_113 = tpu.vector_load %arg10[%get3A, %get3A_112] {strides = array<i32>} : memref<128x16xf32, #tpu.memory_space<vmem>>, vector<1x16xf32>,
          %get3A_114 = vector.shape_cast %get3A_113 : vector<1x16xf32> to vector<16xf32>
          %slice3A = vector.extract_strided_slice %get3A_114 {offsets = [2], sizes = [1], strides = [1]} : vector<16xf32> to vector<1xf32>
          %squeeze3A = vector.extract %slice3A[0] : f32 from vector<1xf32>
          %get3A_115 = arith.index_cast %scan3A_110 : i32 to index
          %get3A_116 = arith.constant 0 : index
          %get3A_117 = tpu.vector_load %arg11[%get3A_115, %get3A_116] {strides = array<i32>} : memref<128x128xf32, #tpu.memory_space<vmem>>, vector<1x16xf32>,
          %get3A_118 = vector.shape_cast %get3A_117 : vector<1x16xf32> to vector<16xf32>
          %mul3A_119 = vector.broadcast %squeeze3A : f32 to vector<16xf32>
          %mul3A_120 = arith.mulf %get3A_118, %mul3A_119 : vector<16xf32>
          %swap3A = arith.index_cast %scan3A_110 : i32 to index
          %swap3A_121 = arith.constant 0 : index
          %swap3A_122 = tpu.vector_load %arg11[%swap3A, %swap3A_121] {strides = array<i32>} : memref<128x128xf32, #tpu.memory_space<vmem>>, vector<1x16xf32>,
          %swap3A_123 = vector.shape_cast %swap3A_122 : vector<1x16xf32> to vector<16xf32>
          %swap3A_124 = vector.shape_cast %mul3A_120 : vector<16xf32> to vector<1x16xf32>
          tpu.vector_store %arg11[%swap3A, %swap3A_121], %swap3A_124 {strides = array<i32>} : memref<128x128xf32, #tpu.memory_space<vmem>>, vector<1x16xf32>,
          %get3A_125 = arith.index_cast %scan3A_110 : i32 to index
          %get3A_126 = arith.constant 16 : index
          %get3A_127 = tpu.vector_load %arg11[%get3A_125, %get3A_126] {strides = array<i32>} : memref<128x128xf32, #tpu.memory_space<vmem>>, vector<1x16xf32>,
          %get3A_128 = vector.shape_cast %get3A_127 : vector<1x16xf32> to vector<16xf32>
          %mul3A_129 = vector.broadcast %squeeze3A : f32 to vector<16xf32>
          %mul3A_130 = arith.mulf %get3A_128, %mul3A_129 : vector<16xf32>
          %swap3A_131 = arith.index_cast %scan3A_110 : i32 to index
          %swap3A_132 = arith.constant 16 : index
          %swap3A_133 = tpu.vector_load %arg11[%swap3A_131, %swap3A_132] {strides = array<i32>} : memref<128x128xf32, #tpu.memory_space<vmem>>, vector<1x16xf32>,
          %swap3A_134 = vector.shape_cast %swap3A_133 : vector<1x16xf32> to vector<16xf32>
          %swap3A_135 = vector.shape_cast %mul3A_130 : vector<16xf32> to vector<1x16xf32>
          tpu.vector_store %arg11[%swap3A_131, %swap3A_132], %swap3A_135 {strides = array<i32>} : memref<128x128xf32, #tpu.memory_space<vmem>>, vector<1x16xf32>,
          %get3A_136 = arith.index_cast %scan3A_110 : i32 to index
          %get3A_137 = arith.constant 32 : index
          %get3A_138 = tpu.vector_load %arg11[%get3A_136, %get3A_137] {strides = array<i32>} : memref<128x128xf32, #tpu.memory_space<vmem>>, vector<1x16xf32>,
          %get3A_139 = vector.shape_cast %get3A_138 : vector<1x16xf32> to vector<16xf32>
          %mul3A_140 = vector.broadcast %squeeze3A : f32 to vector<16xf32>
          %mul3A_141 = arith.mulf %get3A_139, %mul3A_140 : vector<16xf32>
          %swap3A_142 = arith.index_cast %scan3A_110 : i32 to index
          %swap3A_143 = arith.constant 32 : index
          %swap3A_144 = tpu.vector_load %arg11[%swap3A_142, %swap3A_143] {strides = array<i32>} : memref<128x128xf32, #tpu.memory_space<vmem>>, vector<1x16xf32>,
          %swap3A_145 = vector.shape_cast %swap3A_144 : vector<1x16xf32> to vector<16xf32>
          %swap3A_146 = vector.shape_cast %mul3A_141 : vector<16xf32> to vector<1x16xf32>
          tpu.vector_store %arg11[%swap3A_142, %swap3A_143], %swap3A_146 {strides = array<i32>} : memref<128x128xf32, #tpu.memory_space<vmem>>, vector<1x16xf32>,
          %get3A_147 = arith.index_cast %scan3A_110 : i32 to index
          %get3A_148 = arith.constant 48 : index
          %get3A_149 = tpu.vector_load %arg11[%get3A_147, %get3A_148] {strides = array<i32>} : memref<128x128xf32, #tpu.memory_space<vmem>>, vector<1x16xf32>,
          %get3A_150 = vector.shape_cast %get3A_149 : vector<1x16xf32> to vector<16xf32>
          %mul3A_151 = vector.broadcast %squeeze3A : f32 to vector<16xf32>
          %mul3A_152 = arith.mulf %get3A_150, %mul3A_151 : vector<16xf32>
          %swap3A_153 = arith.index_cast %scan3A_110 : i32 to index
          %swap3A_154 = arith.constant 48 : index
          %swap3A_155 = tpu.vector_load %arg11[%swap3A_153, %swap3A_154] {strides = array<i32>} : memref<128x128xf32, #tpu.memory_space<vmem>>, vector<1x16xf32>,
          %swap3A_156 = vector.shape_cast %swap3A_155 : vector<1x16xf32> to vector<16xf32>
          %swap3A_157 = vector.shape_cast %mul3A_152 : vector<16xf32> to vector<1x16xf32>
          tpu.vector_store %arg11[%swap3A_153, %swap3A_154], %swap3A_157 {strides = array<i32>} : memref<128x128xf32, #tpu.memory_space<vmem>>, vector<1x16xf32>,
          %slice3A_158 = vector.extract_strided_slice %get3A_114 {offsets = [3], sizes = [1], strides = [1]} : vector<16xf32> to vector<1xf32>
          %squeeze3A_159 = vector.extract %slice3A_158[0] : f32 from vector<1xf32>
          %get3A_160 = arith.index_cast %scan3A_110 : i32 to index
          %get3A_161 = arith.constant 64 : index
          %get3A_162 = tpu.vector_load %arg11[%get3A_160, %get3A_161] {strides = array<i32>} : memref<128x128xf32, #tpu.memory_space<vmem>>, vector<1x16xf32>,
          %get3A_163 = vector.shape_cast %get3A_162 : vector<1x16xf32> to vector<16xf32>
          %mul3A_164 = vector.broadcast %squeeze3A_159 : f32 to vector<16xf32>
          %mul3A_165 = arith.mulf %get3A_163, %mul3A_164 : vector<16xf32>
          %swap3A_166 = arith.index_cast %scan3A_110 : i32 to index
          %swap3A_167 = arith.constant 64 : index
          %swap3A_168 = tpu.vector_load %arg11[%swap3A_166, %swap3A_167] {strides = array<i32>} : memref<128x128xf32, #tpu.memory_space<vmem>>, vector<1x16xf32>,
          %swap3A_169 = vector.shape_cast %swap3A_168 : vector<1x16xf32> to vector<16xf32>
          %swap3A_170 = vector.shape_cast %mul3A_165 : vector<16xf32> to vector<1x16xf32>
          tpu.vector_store %arg11[%swap3A_166, %swap3A_167], %swap3A_170 {strides = array<i32>} : memref<128x128xf32, #tpu.memory_space<vmem>>, vector<1x16xf32>,
          %get3A_171 = arith.index_cast %scan3A_110 : i32 to index
          %get3A_172 = arith.constant 80 : index
          %get3A_173 = tpu.vector_load %arg11[%get3A_171, %get3A_172] {strides = array<i32>} : memref<128x128xf32, #tpu.memory_space<vmem>>, vector<1x16xf32>,
          %get3A_174 = vector.shape_cast %get3A_173 : vector<1x16xf32> to vector<16xf32>
          %mul3A_175 = vector.broadcast %squeeze3A_159 : f32 to vector<16xf32>
          %mul3A_176 = arith.mulf %get3A_174, %mul3A_175 : vector<16xf32>
          %swap3A_177 = arith.index_cast %scan3A_110 : i32 to index
          %swap3A_178 = arith.constant 80 : index
          %swap3A_179 = tpu.vector_load %arg11[%swap3A_177, %swap3A_178] {strides = array<i32>} : memref<128x128xf32, #tpu.memory_space<vmem>>, vector<1x16xf32>,
          %swap3A_180 = vector.shape_cast %swap3A_179 : vector<1x16xf32> to vector<16xf32>
          %swap3A_181 = vector.shape_cast %mul3A_176 : vector<16xf32> to vector<1x16xf32>
          tpu.vector_store %arg11[%swap3A_177, %swap3A_178], %swap3A_181 {strides = array<i32>} : memref<128x128xf32, #tpu.memory_space<vmem>>, vector<1x16xf32>,
          %get3A_182 = arith.index_cast %scan3A_110 : i32 to index
          %get3A_183 = arith.constant 96 : index
          %get3A_184 = tpu.vector_load %arg11[%get3A_182, %get3A_183] {strides = array<i32>} : memref<128x128xf32, #tpu.memory_space<vmem>>, vector<1x16xf32>,
          %get3A_185 = vector.shape_cast %get3A_184 : vector<1x16xf32> to vector<16xf32>
          %mul3A_186 = vector.broadcast %squeeze3A_159 : f32 to vector<16xf32>
          %mul3A_187 = arith.mulf %get3A_185, %mul3A_186 : vector<16xf32>
          %swap3A_188 = arith.index_cast %scan3A_110 : i32 to index
          %swap3A_189 = arith.constant 96 : index
          %swap3A_190 = tpu.vector_load %arg11[%swap3A_188, %swap3A_189] {strides = array<i32>} : memref<128x128xf32, #tpu.memory_space<vmem>>, vector<1x16xf32>,
          %swap3A_191 = vector.shape_cast %swap3A_190 : vector<1x16xf32> to vector<16xf32>
          %swap3A_192 = vector.shape_cast %mul3A_187 : vector<16xf32> to vector<1x16xf32>
          tpu.vector_store %arg11[%swap3A_188, %swap3A_189], %swap3A_192 {strides = array<i32>} : memref<128x128xf32, #tpu.memory_space<vmem>>, vector<1x16xf32>,
          %get3A_193 = arith.index_cast %scan3A_110 : i32 to index
          %get3A_194 = arith.constant 112 : index
          %get3A_195 = tpu.vector_load %arg11[%get3A_193, %get3A_194] {strides = array<i32>} : memref<128x128xf32, #tpu.memory_space<vmem>>, vector<1x16xf32>,
          %get3A_196 = vector.shape_cast %get3A_195 : vector<1x16xf32> to vector<16xf32>
          %mul3A_197 = vector.broadcast %squeeze3A_159 : f32 to vector<16xf32>
          %mul3A_198 = arith.mulf %get3A_196, %mul3A_197 : vector<16xf32>
          %swap3A_199 = arith.index_cast %scan3A_110 : i32 to index
          %swap3A_200 = arith.constant 112 : index
          %swap3A_201 = tpu.vector_load %arg11[%swap3A_199, %swap3A_200] {strides = array<i32>} : memref<128x128xf32, #tpu.memory_space<vmem>>, vector<1x16xf32>,
          %swap3A_202 = vector.shape_cast %swap3A_201 : vector<1x16xf32> to vector<16xf32>
          %swap3A_203 = vector.shape_cast %mul3A_198 : vector<16xf32> to vector<1x16xf32>
          tpu.vector_store %arg11[%swap3A_199, %swap3A_200], %swap3A_203 {strides = array<i32>} : memref<128x128xf32, #tpu.memory_space<vmem>>, vector<1x16xf32>,
          %scan3A_204 = arith.constant 0 : i32
          scf.yield %scan3A_204 : i32
        }
        %scan3A_109 = arith.constant 128 : i32
        "tpu.region"() ({
          %run_scoped3A = tpu.sem_alloc : memref<!tpu.dma_semaphore, #tpu.memory_space<semaphore_mem>>
          %dma_start3A_110 = arith.constant 0 : i32
          %dma_start3A_111 = arith.constant 0 : i32
          %dma_start3A_112 = tpu.memref_slice %arg13[%dma_start3A_110, %dma_start3A_111] : memref<10240x128xf32, #tpu.memory_space<vmem_shared>> -> memref<10240x128xf32, #tpu.memory_space<vmem_shared>>
          tpu.enqueue_indirect_dma source(%arg11 : memref<128x128xf32, #tpu.memory_space<vmem>>) target(%dma_start3A_112 : memref<10240x128xf32, #tpu.memory_space<vmem_shared>>) offsets(%arg9 : memref<128xi32, #tpu.memory_space<vmem>>) semaphore(%run_scoped3A : memref<!tpu.dma_semaphore, #tpu.memory_space<semaphore_mem>>) {add = true}
          %dma_wait3A_113 = arith.constant 0 : i32
          %dma_wait3A_114 = arith.constant 0 : i32
          %dma_wait3A_115 = tpu.memref_slice %arg13[%dma_wait3A_113, %dma_wait3A_114] : memref<10240x128xf32, #tpu.memory_space<vmem_shared>> -> memref<10240x128xf32, #tpu.memory_space<vmem_shared>>
          tpu.wait_indirect_dma semaphore(%run_scoped3A : memref<!tpu.dma_semaphore, #tpu.memory_space<semaphore_mem>>) src(%arg11 : memref<128x128xf32, #tpu.memory_space<vmem>>) dst(%dma_wait3A_115 : memref<10240x128xf32, #tpu.memory_space<vmem_shared>>)
          tpu.yield
        }) : () -> ()
        "tpu.region"() ({
          %run_scoped3A = tpu.sem_alloc : memref<!tpu.dma_semaphore, #tpu.memory_space<semaphore_mem>>
          %dma_start3A_110 = arith.constant 0 : i32
          %dma_start3A_111 = arith.constant 0 : i32
          %dma_start3A_112 = tpu.memref_slice %arg14[%dma_start3A_110, %dma_start3A_111] : memref<10240x16xf32, #tpu.memory_space<vmem_shared>> -> memref<10240x16xf32, #tpu.memory_space<vmem_shared>>
          tpu.enqueue_indirect_dma source(%arg10 : memref<128x16xf32, #tpu.memory_space<vmem>>) target(%dma_start3A_112 : memref<10240x16xf32, #tpu.memory_space<vmem_shared>>) offsets(%arg9 : memref<128xi32, #tpu.memory_space<vmem>>) semaphore(%run_scoped3A : memref<!tpu.dma_semaphore, #tpu.memory_space<semaphore_mem>>) {add = true}
          %dma_wait3A_113 = arith.constant 0 : i32
          %dma_wait3A_114 = arith.constant 0 : i32
          %dma_wait3A_115 = tpu.memref_slice %arg14[%dma_wait3A_113, %dma_wait3A_114] : memref<10240x16xf32, #tpu.memory_space<vmem_shared>> -> memref<10240x16xf32, #tpu.memory_space<vmem_shared>>
          tpu.wait_indirect_dma semaphore(%run_scoped3A : memref<!tpu.dma_semaphore, #tpu.memory_space<semaphore_mem>>) src(%arg10 : memref<128x16xf32, #tpu.memory_space<vmem>>) dst(%dma_wait3A_115 : memref<10240x16xf32, #tpu.memory_space<vmem_shared>>)
          tpu.yield
        }) : () -> ()
      } else {
      }
      %scan3A_96 = arith.constant 0 : i32
      scf.yield %scan3A_96 : i32
    }
    %scan3A_73 = arith.constant 40 : i32
    %barrier3A_74 = arith.constant 0 : index
    tpu.barrier barrier_id(%barrier3A_74)
    %mul3A_75 = arith.constant 640 : i32
    %mul3A_76 = arith.muli %arg1, %mul3A_75 : i32
    %mul3A_77 = arith.constant 10240 : i32
    %mul3A_78 = arith.muli %arg0, %mul3A_77 : i32
    %mul3A_79 = arith.constant 640 : i32
    %mul3A_80 = arith.muli %arg1, %mul3A_79 : i32
    %add3A_81 = arith.addi %mul3A_78, %mul3A_80 : i32
    "tpu.region"() ({
      %run_scoped3A = tpu.sem_alloc : memref<!tpu.dma_semaphore, #tpu.memory_space<semaphore_mem>>
      %dma_start3A = arith.constant 0 : i32
      %dma_start3A_89 = tpu.memref_slice %arg6[%add3A_81, %dma_start3A] : memref<20480x128xf32, #tpu.memory_space<hbm>> -> memref<640x128xf32, #tpu.memory_space<hbm>>
      %dma_start3A_90 = arith.constant 0 : i32
      %dma_start3A_91 = tpu.memref_slice %arg13[%mul3A_76, %dma_start3A_90] : memref<10240x128xf32, #tpu.memory_space<vmem_shared>> -> memref<640x128xf32, #tpu.memory_space<vmem_shared>>
      tpu.enqueue_dma source(%dma_start3A_91 : memref<640x128xf32, #tpu.memory_space<vmem_shared>>) target(%dma_start3A_89 : memref<640x128xf32, #tpu.memory_space<hbm>>) target_semaphore(%run_scoped3A : memref<!tpu.dma_semaphore, #tpu.memory_space<semaphore_mem>>)
      %dma_wait3A = arith.constant 0 : i32
      %dma_wait3A_92 = tpu.memref_slice %arg6[%add3A_81, %dma_wait3A] : memref<20480x128xf32, #tpu.memory_space<hbm>> -> memref<640x128xf32, #tpu.memory_space<hbm>>
      %dma_wait3A_93 = arith.constant 0 : i32
      %dma_wait3A_94 = tpu.memref_slice %arg13[%mul3A_76, %dma_wait3A_93] : memref<10240x128xf32, #tpu.memory_space<vmem_shared>> -> memref<640x128xf32, #tpu.memory_space<vmem_shared>>
      tpu.wait_dma2 semaphore(%run_scoped3A : memref<!tpu.dma_semaphore, #tpu.memory_space<semaphore_mem>>) src(%dma_wait3A_94 : memref<640x128xf32, #tpu.memory_space<vmem_shared>>) dst(%dma_wait3A_92 : memref<640x128xf32, #tpu.memory_space<hbm>>)
      tpu.yield
    }) : () -> ()
    %mul3A_82 = arith.constant 640 : i32
    %mul3A_83 = arith.muli %arg1, %mul3A_82 : i32
    %mul3A_84 = arith.constant 10240 : i32
    %mul3A_85 = arith.muli %arg0, %mul3A_84 : i32
    %mul3A_86 = arith.constant 640 : i32
    %mul3A_87 = arith.muli %arg1, %mul3A_86 : i32
    %add3A_88 = arith.addi %mul3A_85, %mul3A_87 : i32
    "tpu.region"() ({
      %run_scoped3A = tpu.sem_alloc : memref<!tpu.dma_semaphore, #tpu.memory_space<semaphore_mem>>
      %dma_start3A = arith.constant 0 : i32
      %dma_start3A_89 = tpu.memref_slice %arg7[%add3A_88, %dma_start3A] : memref<20480x16xf32, #tpu.memory_space<hbm>> -> memref<640x16xf32, #tpu.memory_space<hbm>>
      %dma_start3A_90 = arith.constant 0 : i32
      %dma_start3A_91 = tpu.memref_slice %arg14[%mul3A_83, %dma_start3A_90] : memref<10240x16xf32, #tpu.memory_space<vmem_shared>> -> memref<640x16xf32, #tpu.memory_space<vmem_shared>>
      tpu.enqueue_dma source(%dma_start3A_91 : memref<640x16xf32, #tpu.memory_space<vmem_shared>>) target(%dma_start3A_89 : memref<640x16xf32, #tpu.memory_space<hbm>>) target_semaphore(%run_scoped3A : memref<!tpu.dma_semaphore, #tpu.memory_space<semaphore_mem>>)
      %dma_wait3A = arith.constant 0 : i32
      %dma_wait3A_92 = tpu.memref_slice %arg7[%add3A_88, %dma_wait3A] : memref<20480x16xf32, #tpu.memory_space<hbm>> -> memref<640x16xf32, #tpu.memory_space<hbm>>
      %dma_wait3A_93 = arith.constant 0 : i32
      %dma_wait3A_94 = tpu.memref_slice %arg14[%mul3A_83, %dma_wait3A_93] : memref<10240x16xf32, #tpu.memory_space<vmem_shared>> -> memref<640x16xf32, #tpu.memory_space<vmem_shared>>
      tpu.wait_dma2 semaphore(%run_scoped3A : memref<!tpu.dma_semaphore, #tpu.memory_space<semaphore_mem>>) src(%dma_wait3A_94 : memref<640x16xf32, #tpu.memory_space<vmem_shared>>) dst(%dma_wait3A_92 : memref<640x16xf32, #tpu.memory_space<hbm>>)
      tpu.yield
    }) : () -> ()
    return
  }
}

#map = affine_map<(d0, d1) -> (0)>
#map1 = affine_map<(d0, d1) -> (0, 0)>
module attributes {stable_mosaic.version = 14 : i64} {
  func.func @_sc_attention(%arg0: i32, %arg1: i32, %arg2: memref<160000xi32, #tpu.memory_space<hbm>>, %arg3: memref<160000xi32, #tpu.memory_space<hbm>>, %arg4: memref<10000x16xf32, #tpu.memory_space<hbm>>, %arg5: memref<10000x16xf32, #tpu.memory_space<hbm>>, %arg6: memref<160000x16xf32, #tpu.memory_space<hbm>>, %arg7: memref<128xi32, #tpu.memory_space<vmem>>, %arg8: memref<128xi32, #tpu.memory_space<vmem>>, %arg9: memref<128x16xf32, #tpu.memory_space<vmem>>, %arg10: memref<128x16xf32, #tpu.memory_space<vmem>>, %arg11: memref<128x16xf32, #tpu.memory_space<vmem>>, %arg12: memref<!tpu.dma_semaphore, #tpu.memory_space<semaphore_mem>>, %arg13: memref<!tpu.dma_semaphore, #tpu.memory_space<semaphore_mem>>) attributes {dimension_semantics = [#tpu.dimension_semantics<core_parallel>, #tpu.dimension_semantics<subcore_parallel>], iteration_bounds = array<i64: 2, 16>, scalar_prefetch = 0 : i64, scratch_operands = 7 : i64, tpu.core_type = #tpu.core_type<sc_vector_subcore>, window_params = [{transform_indices = #map}, {transform_indices = #map}, {transform_indices = #map1}, {transform_indices = #map1}, {transform_indices = #map1}]} {
    %mul3A = arith.constant 2 : i32
    %mul3A_0 = arith.muli %arg1, %mul3A : i32
    %add3A = arith.addi %mul3A_0, %arg0 : i32
    %scan3A = arith.constant 0 : i32
    %scan3A_1 = arith.constant 0 : i32
    %scan3A_2 = arith.constant 40 : i32
    %scan3A_3 = arith.addi %scan3A_1, %scan3A_2 : i32
    %scan3A_4 = arith.constant 1 : i32
    %scan3A_5 = scf.for %scan3A_7 = %scan3A_1 to %scan3A_3 step %scan3A_4 iter_args(%scan3A_8 = %scan3A) -> (i32)  : i32 {
      %mul3A_9 = arith.constant 32 : i32
      %mul3A_10 = arith.muli %scan3A_7, %mul3A_9 : i32
      %add3A_11 = arith.addi %mul3A_10, %add3A : i32
      %lt3A = arith.constant 1250 : i32
      %lt3A_12 = arith.cmpi slt, %add3A_11, %lt3A : i32
      %convert_element_type3A = arith.extui %lt3A_12 : i1 to i32
      %cond3A = arith.constant 0 : i32
      %cond3A_13 = arith.cmpi ne, %convert_element_type3A, %cond3A : i32
      scf.if %cond3A_13 {
        %mul3A_15 = arith.constant 128 : i32
        %mul3A_16 = arith.muli %add3A_11, %mul3A_15 : i32
        "tpu.region"() ({
          %run_scoped3A = tpu.sem_alloc : memref<!tpu.dma_semaphore, #tpu.memory_space<semaphore_mem>>
          %dma_start3A_34 = tpu.memref_slice %arg2[%mul3A_16] : memref<160000xi32, #tpu.memory_space<hbm>> -> memref<128xi32, #tpu.memory_space<hbm>>
          %dma_start3A_35 = tpu.memref_slice %arg2[%mul3A_16] : memref<160000xi32, #tpu.memory_space<hbm>> -> memref<128xi32, #tpu.memory_space<hbm>>
          tpu.enqueue_dma source(%dma_start3A_35 : memref<128xi32, #tpu.memory_space<hbm>>) target(%arg7 : memref<128xi32, #tpu.memory_space<vmem>>) target_semaphore(%run_scoped3A : memref<!tpu.dma_semaphore, #tpu.memory_space<semaphore_mem>>)
          %dma_wait3A_36 = tpu.memref_slice %arg2[%mul3A_16] : memref<160000xi32, #tpu.memory_space<hbm>> -> memref<128xi32, #tpu.memory_space<hbm>>
          %dma_wait3A_37 = tpu.memref_slice %arg2[%mul3A_16] : memref<160000xi32, #tpu.memory_space<hbm>> -> memref<128xi32, #tpu.memory_space<hbm>>
          tpu.wait_dma2 semaphore(%run_scoped3A : memref<!tpu.dma_semaphore, #tpu.memory_space<semaphore_mem>>) src(%dma_wait3A_37 : memref<128xi32, #tpu.memory_space<hbm>>) dst(%arg7 : memref<128xi32, #tpu.memory_space<vmem>>)
          tpu.yield
        }) : () -> ()
        "tpu.region"() ({
          %run_scoped3A = tpu.sem_alloc : memref<!tpu.dma_semaphore, #tpu.memory_space<semaphore_mem>>
          %dma_start3A_34 = tpu.memref_slice %arg3[%mul3A_16] : memref<160000xi32, #tpu.memory_space<hbm>> -> memref<128xi32, #tpu.memory_space<hbm>>
          %dma_start3A_35 = tpu.memref_slice %arg3[%mul3A_16] : memref<160000xi32, #tpu.memory_space<hbm>> -> memref<128xi32, #tpu.memory_space<hbm>>
          tpu.enqueue_dma source(%dma_start3A_35 : memref<128xi32, #tpu.memory_space<hbm>>) target(%arg8 : memref<128xi32, #tpu.memory_space<vmem>>) target_semaphore(%run_scoped3A : memref<!tpu.dma_semaphore, #tpu.memory_space<semaphore_mem>>)
          %dma_wait3A_36 = tpu.memref_slice %arg3[%mul3A_16] : memref<160000xi32, #tpu.memory_space<hbm>> -> memref<128xi32, #tpu.memory_space<hbm>>
          %dma_wait3A_37 = tpu.memref_slice %arg3[%mul3A_16] : memref<160000xi32, #tpu.memory_space<hbm>> -> memref<128xi32, #tpu.memory_space<hbm>>
          tpu.wait_dma2 semaphore(%run_scoped3A : memref<!tpu.dma_semaphore, #tpu.memory_space<semaphore_mem>>) src(%dma_wait3A_37 : memref<128xi32, #tpu.memory_space<hbm>>) dst(%arg8 : memref<128xi32, #tpu.memory_space<vmem>>)
          tpu.yield
        }) : () -> ()
        %dma_start3A = arith.constant 0 : i32
        %dma_start3A_17 = arith.constant 0 : i32
        %dma_start3A_18 = tpu.memref_slice %arg4[%dma_start3A, %dma_start3A_17] : memref<10000x16xf32, #tpu.memory_space<hbm>> -> memref<10000x16xf32, #tpu.memory_space<hbm>>
        tpu.enqueue_indirect_dma source(%dma_start3A_18 : memref<10000x16xf32, #tpu.memory_space<hbm>>) target(%arg9 : memref<128x16xf32, #tpu.memory_space<vmem>>) offsets(%arg7 : memref<128xi32, #tpu.memory_space<vmem>>) semaphore(%arg12 : memref<!tpu.dma_semaphore, #tpu.memory_space<semaphore_mem>>)
        %dma_start3A_19 = arith.constant 0 : i32
        %dma_start3A_20 = arith.constant 0 : i32
        %dma_start3A_21 = tpu.memref_slice %arg5[%dma_start3A_19, %dma_start3A_20] : memref<10000x16xf32, #tpu.memory_space<hbm>> -> memref<10000x16xf32, #tpu.memory_space<hbm>>
        tpu.enqueue_indirect_dma source(%dma_start3A_21 : memref<10000x16xf32, #tpu.memory_space<hbm>>) target(%arg10 : memref<128x16xf32, #tpu.memory_space<vmem>>) offsets(%arg8 : memref<128xi32, #tpu.memory_space<vmem>>) semaphore(%arg13 : memref<!tpu.dma_semaphore, #tpu.memory_space<semaphore_mem>>)
        %dma_wait3A = arith.constant 0 : i32
        %dma_wait3A_22 = arith.constant 0 : i32
        %dma_wait3A_23 = tpu.memref_slice %arg4[%dma_wait3A, %dma_wait3A_22] : memref<10000x16xf32, #tpu.memory_space<hbm>> -> memref<10000x16xf32, #tpu.memory_space<hbm>>
        tpu.wait_indirect_dma semaphore(%arg12 : memref<!tpu.dma_semaphore, #tpu.memory_space<semaphore_mem>>) src(%dma_wait3A_23 : memref<10000x16xf32, #tpu.memory_space<hbm>>) dst(%arg9 : memref<128x16xf32, #tpu.memory_space<vmem>>)
        %dma_wait3A_24 = arith.constant 0 : i32
        %dma_wait3A_25 = arith.constant 0 : i32
        %dma_wait3A_26 = tpu.memref_slice %arg5[%dma_wait3A_24, %dma_wait3A_25] : memref<10000x16xf32, #tpu.memory_space<hbm>> -> memref<10000x16xf32, #tpu.memory_space<hbm>>
        tpu.wait_indirect_dma semaphore(%arg13 : memref<!tpu.dma_semaphore, #tpu.memory_space<semaphore_mem>>) src(%dma_wait3A_26 : memref<10000x16xf32, #tpu.memory_space<hbm>>) dst(%arg10 : memref<128x16xf32, #tpu.memory_space<vmem>>)
        %scan3A_27 = arith.constant 0 : i32
        %scan3A_28 = arith.constant 0 : i32
        %scan3A_29 = arith.constant 128 : i32
        %scan3A_30 = arith.addi %scan3A_28, %scan3A_29 : i32
        %scan3A_31 = arith.constant 1 : i32
        %scan3A_32 = scf.for %scan3A_34 = %scan3A_28 to %scan3A_30 step %scan3A_31 iter_args(%scan3A_35 = %scan3A_27) -> (i32)  : i32 {
          %get3A = arith.index_cast %scan3A_34 : i32 to index
          %get3A_36 = arith.constant 0 : index
          %get3A_37 = tpu.vector_load %arg9[%get3A, %get3A_36] {strides = array<i32>} : memref<128x16xf32, #tpu.memory_space<vmem>>, vector<1x16xf32>,
          %get3A_38 = vector.shape_cast %get3A_37 : vector<1x16xf32> to vector<16xf32>
          %get3A_39 = arith.index_cast %scan3A_34 : i32 to index
          %get3A_40 = arith.constant 0 : index
          %get3A_41 = tpu.vector_load %arg10[%get3A_39, %get3A_40] {strides = array<i32>} : memref<128x16xf32, #tpu.memory_space<vmem>>, vector<1x16xf32>,
          %get3A_42 = vector.shape_cast %get3A_41 : vector<1x16xf32> to vector<16xf32>
          %add3A_43 = arith.addf %get3A_38, %get3A_42 : vector<16xf32>
          %ge3A = arith.constant 0.000000e+00 : f32
          %ge3A_44 = vector.broadcast %ge3A : f32 to vector<16xf32>
          %ge3A_45 = arith.cmpf oge, %add3A_43, %ge3A_44 : vector<16xf32>
          %mul3A_46 = arith.constant 2.000000e-01 : f32
          %mul3A_47 = vector.broadcast %mul3A_46 : f32 to vector<16xf32>
          %mul3A_48 = arith.mulf %mul3A_47, %add3A_43 : vector<16xf32>
          %select_n3A = arith.select %ge3A_45, %add3A_43, %mul3A_48 : vector<16xi1>, vector<16xf32>
          %swap3A = arith.index_cast %scan3A_34 : i32 to index
          %swap3A_49 = arith.constant 0 : index
          %swap3A_50 = tpu.vector_load %arg11[%swap3A, %swap3A_49] {strides = array<i32>} : memref<128x16xf32, #tpu.memory_space<vmem>>, vector<1x16xf32>,
          %swap3A_51 = vector.shape_cast %swap3A_50 : vector<1x16xf32> to vector<16xf32>
          %swap3A_52 = vector.shape_cast %select_n3A : vector<16xf32> to vector<1x16xf32>
          tpu.vector_store %arg11[%swap3A, %swap3A_49], %swap3A_52 {strides = array<i32>} : memref<128x16xf32, #tpu.memory_space<vmem>>, vector<1x16xf32>,
          %scan3A_53 = arith.constant 0 : i32
          scf.yield %scan3A_53 : i32
        }
        %scan3A_33 = arith.constant 128 : i32
        "tpu.region"() ({
          %run_scoped3A = tpu.sem_alloc : memref<!tpu.dma_semaphore, #tpu.memory_space<semaphore_mem>>
          %dma_start3A_34 = arith.constant 0 : i32
          %dma_start3A_35 = tpu.memref_slice %arg6[%mul3A_16, %dma_start3A_34] : memref<160000x16xf32, #tpu.memory_space<hbm>> -> memref<128x16xf32, #tpu.memory_space<hbm>>
          %dma_start3A_36 = arith.constant 0 : i32
          %dma_start3A_37 = tpu.memref_slice %arg6[%mul3A_16, %dma_start3A_36] : memref<160000x16xf32, #tpu.memory_space<hbm>> -> memref<128x16xf32, #tpu.memory_space<hbm>>
          tpu.enqueue_dma source(%arg11 : memref<128x16xf32, #tpu.memory_space<vmem>>) target(%dma_start3A_37 : memref<128x16xf32, #tpu.memory_space<hbm>>) target_semaphore(%run_scoped3A : memref<!tpu.dma_semaphore, #tpu.memory_space<semaphore_mem>>)
          %dma_wait3A_38 = arith.constant 0 : i32
          %dma_wait3A_39 = tpu.memref_slice %arg6[%mul3A_16, %dma_wait3A_38] : memref<160000x16xf32, #tpu.memory_space<hbm>> -> memref<128x16xf32, #tpu.memory_space<hbm>>
          %dma_wait3A_40 = arith.constant 0 : i32
          %dma_wait3A_41 = tpu.memref_slice %arg6[%mul3A_16, %dma_wait3A_40] : memref<160000x16xf32, #tpu.memory_space<hbm>> -> memref<128x16xf32, #tpu.memory_space<hbm>>
          tpu.wait_dma2 semaphore(%run_scoped3A : memref<!tpu.dma_semaphore, #tpu.memory_space<semaphore_mem>>) src(%arg11 : memref<128x16xf32, #tpu.memory_space<vmem>>) dst(%dma_wait3A_41 : memref<128x16xf32, #tpu.memory_space<hbm>>)
          tpu.yield
        }) : () -> ()
      } else {
      }
      %scan3A_14 = arith.constant 0 : i32
      scf.yield %scan3A_14 : i32
    }
    %scan3A_6 = arith.constant 40 : i32
    return
  }
}

#map = affine_map<(d0, d1) -> (0)>
#map1 = affine_map<(d0, d1) -> (0, 0)>
module attributes {stable_mosaic.version = 14 : i64} {
  func.func @body(%arg0: i32, %arg1: i32, %arg2: memref<160000xi32, #tpu.memory_space<hbm>>, %arg3: memref<160000xi32, #tpu.memory_space<hbm>>, %arg4: memref<160000x16xf32, #tpu.memory_space<hbm>>, %arg5: memref<10000x128xf32, #tpu.memory_space<hbm>>, %arg6: memref<20480x128xf32, #tpu.memory_space<hbm>>, %arg7: memref<20480x16xf32, #tpu.memory_space<hbm>>, %arg8: memref<128xi32, #tpu.memory_space<vmem>>, %arg9: memref<128xi32, #tpu.memory_space<vmem>>, %arg10: memref<128x16xf32, #tpu.memory_space<vmem>>, %arg11: memref<128x128xf32, #tpu.memory_space<vmem>>, %arg12: memref<128x128xf32, #tpu.memory_space<vmem>>, %arg13: memref<10240x128xf32, #tpu.memory_space<vmem_shared>>, %arg14: memref<10240x16xf32, #tpu.memory_space<vmem_shared>>, %arg15: memref<!tpu.dma_semaphore, #tpu.memory_space<semaphore_mem>>) attributes {dimension_semantics = [#tpu.dimension_semantics<core_parallel>, #tpu.dimension_semantics<subcore_parallel>], iteration_bounds = array<i64: 2, 16>, scalar_prefetch = 0 : i64, scratch_operands = 8 : i64, tpu.core_type = #tpu.core_type<sc_vector_subcore>, window_params = [{transform_indices = #map}, {transform_indices = #map}, {transform_indices = #map1}, {transform_indices = #map1}, {transform_indices = #map1}, {transform_indices = #map1}]} {
    %mul3A = arith.constant 2 : i32
    %mul3A_0 = arith.muli %arg1, %mul3A : i32
    %add3A = arith.addi %mul3A_0, %arg0 : i32
    %scan3A = arith.constant 0 : i32
    %scan3A_1 = arith.constant 0 : i32
    %scan3A_2 = arith.constant 128 : i32
    %scan3A_3 = arith.addi %scan3A_1, %scan3A_2 : i32
    %scan3A_4 = arith.constant 1 : i32
    %scan3A_5 = scf.for %scan3A_89 = %scan3A_1 to %scan3A_3 step %scan3A_4 iter_args(%scan3A_90 = %scan3A) -> (i32)  : i32 {
      %broadcast_in_dim3A = arith.constant 0.000000e+00 : f32
      %broadcast_in_dim3A_91 = vector.broadcast %broadcast_in_dim3A : f32 to vector<16xf32>
      %swap3A = arith.index_cast %scan3A_89 : i32 to index
      %swap3A_92 = arith.constant 0 : index
      %swap3A_93 = tpu.vector_load %arg12[%swap3A, %swap3A_92] {strides = array<i32>} : memref<128x128xf32, #tpu.memory_space<vmem>>, vector<1x16xf32>,
      %swap3A_94 = vector.shape_cast %swap3A_93 : vector<1x16xf32> to vector<16xf32>
      %swap3A_95 = vector.shape_cast %broadcast_in_dim3A_91 : vector<16xf32> to vector<1x16xf32>
      tpu.vector_store %arg12[%swap3A, %swap3A_92], %swap3A_95 {strides = array<i32>} : memref<128x128xf32, #tpu.memory_space<vmem>>, vector<1x16xf32>,
      %broadcast_in_dim3A_96 = arith.constant 0.000000e+00 : f32
      %broadcast_in_dim3A_97 = vector.broadcast %broadcast_in_dim3A_96 : f32 to vector<16xf32>
      %swap3A_98 = arith.index_cast %scan3A_89 : i32 to index
      %swap3A_99 = arith.constant 16 : index
      %swap3A_100 = tpu.vector_load %arg12[%swap3A_98, %swap3A_99] {strides = array<i32>} : memref<128x128xf32, #tpu.memory_space<vmem>>, vector<1x16xf32>,
      %swap3A_101 = vector.shape_cast %swap3A_100 : vector<1x16xf32> to vector<16xf32>
      %swap3A_102 = vector.shape_cast %broadcast_in_dim3A_97 : vector<16xf32> to vector<1x16xf32>
      tpu.vector_store %arg12[%swap3A_98, %swap3A_99], %swap3A_102 {strides = array<i32>} : memref<128x128xf32, #tpu.memory_space<vmem>>, vector<1x16xf32>,
      %broadcast_in_dim3A_103 = arith.constant 0.000000e+00 : f32
      %broadcast_in_dim3A_104 = vector.broadcast %broadcast_in_dim3A_103 : f32 to vector<16xf32>
      %swap3A_105 = arith.index_cast %scan3A_89 : i32 to index
      %swap3A_106 = arith.constant 32 : index
      %swap3A_107 = tpu.vector_load %arg12[%swap3A_105, %swap3A_106] {strides = array<i32>} : memref<128x128xf32, #tpu.memory_space<vmem>>, vector<1x16xf32>,
      %swap3A_108 = vector.shape_cast %swap3A_107 : vector<1x16xf32> to vector<16xf32>
      %swap3A_109 = vector.shape_cast %broadcast_in_dim3A_104 : vector<16xf32> to vector<1x16xf32>
      tpu.vector_store %arg12[%swap3A_105, %swap3A_106], %swap3A_109 {strides = array<i32>} : memref<128x128xf32, #tpu.memory_space<vmem>>, vector<1x16xf32>,
      %broadcast_in_dim3A_110 = arith.constant 0.000000e+00 : f32
      %broadcast_in_dim3A_111 = vector.broadcast %broadcast_in_dim3A_110 : f32 to vector<16xf32>
      %swap3A_112 = arith.index_cast %scan3A_89 : i32 to index
      %swap3A_113 = arith.constant 48 : index
      %swap3A_114 = tpu.vector_load %arg12[%swap3A_112, %swap3A_113] {strides = array<i32>} : memref<128x128xf32, #tpu.memory_space<vmem>>, vector<1x16xf32>,
      %swap3A_115 = vector.shape_cast %swap3A_114 : vector<1x16xf32> to vector<16xf32>
      %swap3A_116 = vector.shape_cast %broadcast_in_dim3A_111 : vector<16xf32> to vector<1x16xf32>
      tpu.vector_store %arg12[%swap3A_112, %swap3A_113], %swap3A_116 {strides = array<i32>} : memref<128x128xf32, #tpu.memory_space<vmem>>, vector<1x16xf32>,
      %broadcast_in_dim3A_117 = arith.constant 0.000000e+00 : f32
      %broadcast_in_dim3A_118 = vector.broadcast %broadcast_in_dim3A_117 : f32 to vector<16xf32>
      %swap3A_119 = arith.index_cast %scan3A_89 : i32 to index
      %swap3A_120 = arith.constant 64 : index
      %swap3A_121 = tpu.vector_load %arg12[%swap3A_119, %swap3A_120] {strides = array<i32>} : memref<128x128xf32, #tpu.memory_space<vmem>>, vector<1x16xf32>,
      %swap3A_122 = vector.shape_cast %swap3A_121 : vector<1x16xf32> to vector<16xf32>
      %swap3A_123 = vector.shape_cast %broadcast_in_dim3A_118 : vector<16xf32> to vector<1x16xf32>
      tpu.vector_store %arg12[%swap3A_119, %swap3A_120], %swap3A_123 {strides = array<i32>} : memref<128x128xf32, #tpu.memory_space<vmem>>, vector<1x16xf32>,
      %broadcast_in_dim3A_124 = arith.constant 0.000000e+00 : f32
      %broadcast_in_dim3A_125 = vector.broadcast %broadcast_in_dim3A_124 : f32 to vector<16xf32>
      %swap3A_126 = arith.index_cast %scan3A_89 : i32 to index
      %swap3A_127 = arith.constant 80 : index
      %swap3A_128 = tpu.vector_load %arg12[%swap3A_126, %swap3A_127] {strides = array<i32>} : memref<128x128xf32, #tpu.memory_space<vmem>>, vector<1x16xf32>,
      %swap3A_129 = vector.shape_cast %swap3A_128 : vector<1x16xf32> to vector<16xf32>
      %swap3A_130 = vector.shape_cast %broadcast_in_dim3A_125 : vector<16xf32> to vector<1x16xf32>
      tpu.vector_store %arg12[%swap3A_126, %swap3A_127], %swap3A_130 {strides = array<i32>} : memref<128x128xf32, #tpu.memory_space<vmem>>, vector<1x16xf32>,
      %broadcast_in_dim3A_131 = arith.constant 0.000000e+00 : f32
      %broadcast_in_dim3A_132 = vector.broadcast %broadcast_in_dim3A_131 : f32 to vector<16xf32>
      %swap3A_133 = arith.index_cast %scan3A_89 : i32 to index
      %swap3A_134 = arith.constant 96 : index
      %swap3A_135 = tpu.vector_load %arg12[%swap3A_133, %swap3A_134] {strides = array<i32>} : memref<128x128xf32, #tpu.memory_space<vmem>>, vector<1x16xf32>,
      %swap3A_136 = vector.shape_cast %swap3A_135 : vector<1x16xf32> to vector<16xf32>
      %swap3A_137 = vector.shape_cast %broadcast_in_dim3A_132 : vector<16xf32> to vector<1x16xf32>
      tpu.vector_store %arg12[%swap3A_133, %swap3A_134], %swap3A_137 {strides = array<i32>} : memref<128x128xf32, #tpu.memory_space<vmem>>, vector<1x16xf32>,
      %broadcast_in_dim3A_138 = arith.constant 0.000000e+00 : f32
      %broadcast_in_dim3A_139 = vector.broadcast %broadcast_in_dim3A_138 : f32 to vector<16xf32>
      %swap3A_140 = arith.index_cast %scan3A_89 : i32 to index
      %swap3A_141 = arith.constant 112 : index
      %swap3A_142 = tpu.vector_load %arg12[%swap3A_140, %swap3A_141] {strides = array<i32>} : memref<128x128xf32, #tpu.memory_space<vmem>>, vector<1x16xf32>,
      %swap3A_143 = vector.shape_cast %swap3A_142 : vector<1x16xf32> to vector<16xf32>
      %swap3A_144 = vector.shape_cast %broadcast_in_dim3A_139 : vector<16xf32> to vector<1x16xf32>
      tpu.vector_store %arg12[%swap3A_140, %swap3A_141], %swap3A_144 {strides = array<i32>} : memref<128x128xf32, #tpu.memory_space<vmem>>, vector<1x16xf32>,
      %scan3A_145 = arith.constant 0 : i32
      scf.yield %scan3A_145 : i32
    }
    %scan3A_6 = arith.constant 128 : i32
    %mul3A_7 = arith.constant 5 : i32
    %mul3A_8 = arith.muli %arg1, %mul3A_7 : i32
    %add3A_9 = arith.constant 0 : i32
    %add3A_10 = arith.addi %mul3A_8, %add3A_9 : i32
    %mul3A_11 = arith.constant 128 : i32
    %mul3A_12 = arith.muli %add3A_10, %mul3A_11 : i32
    "tpu.region"() ({
      %run_scoped3A = tpu.sem_alloc : memref<!tpu.dma_semaphore, #tpu.memory_space<semaphore_mem>>
      %dma_start3A = arith.constant 0 : i32
      %dma_start3A_89 = tpu.memref_slice %arg13[%mul3A_12, %dma_start3A] : memref<10240x128xf32, #tpu.memory_space<vmem_shared>> -> memref<128x128xf32, #tpu.memory_space<vmem_shared>>
      %dma_start3A_90 = arith.constant 0 : i32
      %dma_start3A_91 = tpu.memref_slice %arg13[%mul3A_12, %dma_start3A_90] : memref<10240x128xf32, #tpu.memory_space<vmem_shared>> -> memref<128x128xf32, #tpu.memory_space<vmem_shared>>
      tpu.enqueue_dma source(%arg12 : memref<128x128xf32, #tpu.memory_space<vmem>>) target(%dma_start3A_91 : memref<128x128xf32, #tpu.memory_space<vmem_shared>>) target_semaphore(%run_scoped3A : memref<!tpu.dma_semaphore, #tpu.memory_space<semaphore_mem>>)
      %dma_wait3A = arith.constant 0 : i32
      %dma_wait3A_92 = tpu.memref_slice %arg13[%mul3A_12, %dma_wait3A] : memref<10240x128xf32, #tpu.memory_space<vmem_shared>> -> memref<128x128xf32, #tpu.memory_space<vmem_shared>>
      %dma_wait3A_93 = arith.constant 0 : i32
      %dma_wait3A_94 = tpu.memref_slice %arg13[%mul3A_12, %dma_wait3A_93] : memref<10240x128xf32, #tpu.memory_space<vmem_shared>> -> memref<128x128xf32, #tpu.memory_space<vmem_shared>>
      tpu.wait_dma2 semaphore(%run_scoped3A : memref<!tpu.dma_semaphore, #tpu.memory_space<semaphore_mem>>) src(%arg12 : memref<128x128xf32, #tpu.memory_space<vmem>>) dst(%dma_wait3A_94 : memref<128x128xf32, #tpu.memory_space<vmem_shared>>)
      tpu.yield
    }) : () -> ()
    %mul3A_13 = arith.constant 5 : i32
    %mul3A_14 = arith.muli %arg1, %mul3A_13 : i32
    %add3A_15 = arith.constant 0 : i32
    %add3A_16 = arith.addi %mul3A_14, %add3A_15 : i32
    %mul3A_17 = arith.constant 128 : i32
    %mul3A_18 = arith.muli %add3A_16, %mul3A_17 : i32
    "tpu.region"() ({
      %run_scoped3A = tpu.sem_alloc : memref<!tpu.dma_semaphore, #tpu.memory_space<semaphore_mem>>
      %dma_start3A = arith.constant 0 : i32
      %dma_start3A_89 = arith.constant 0 : i32
      %dma_start3A_90 = tpu.memref_slice %arg12[%dma_start3A, %dma_start3A_89] : memref<128x128xf32, #tpu.memory_space<vmem>> -> memref<128x16xf32, #tpu.memory_space<vmem>>
      %dma_start3A_91 = arith.constant 0 : i32
      %dma_start3A_92 = tpu.memref_slice %arg14[%mul3A_18, %dma_start3A_91] : memref<10240x16xf32, #tpu.memory_space<vmem_shared>> -> memref<128x16xf32, #tpu.memory_space<vmem_shared>>
      %dma_start3A_93 = arith.constant 0 : i32
      %dma_start3A_94 = tpu.memref_slice %arg14[%mul3A_18, %dma_start3A_93] : memref<10240x16xf32, #tpu.memory_space<vmem_shared>> -> memref<128x16xf32, #tpu.memory_space<vmem_shared>>
      %dma_start3A_95 = arith.constant 0 : i32
      %dma_start3A_96 = arith.constant 0 : i32
      %dma_start3A_97 = tpu.memref_slice %arg12[%dma_start3A_95, %dma_start3A_96] : memref<128x128xf32, #tpu.memory_space<vmem>> -> memref<128x16xf32, #tpu.memory_space<vmem>>
      tpu.enqueue_dma source(%dma_start3A_97 : memref<128x16xf32, #tpu.memory_space<vmem>>) target(%dma_start3A_94 : memref<128x16xf32, #tpu.memory_space<vmem_shared>>) target_semaphore(%run_scoped3A : memref<!tpu.dma_semaphore, #tpu.memory_space<semaphore_mem>>)
      %dma_wait3A = arith.constant 0 : i32
      %dma_wait3A_98 = arith.constant 0 : i32
      %dma_wait3A_99 = tpu.memref_slice %arg12[%dma_wait3A, %dma_wait3A_98] : memref<128x128xf32, #tpu.memory_space<vmem>> -> memref<128x16xf32, #tpu.memory_space<vmem>>
      %dma_wait3A_100 = arith.constant 0 : i32
      %dma_wait3A_101 = tpu.memref_slice %arg14[%mul3A_18, %dma_wait3A_100] : memref<10240x16xf32, #tpu.memory_space<vmem_shared>> -> memref<128x16xf32, #tpu.memory_space<vmem_shared>>
      %dma_wait3A_102 = arith.constant 0 : i32
      %dma_wait3A_103 = tpu.memref_slice %arg14[%mul3A_18, %dma_wait3A_102] : memref<10240x16xf32, #tpu.memory_space<vmem_shared>> -> memref<128x16xf32, #tpu.memory_space<vmem_shared>>
      %dma_wait3A_104 = arith.constant 0 : i32
      %dma_wait3A_105 = arith.constant 0 : i32
      %dma_wait3A_106 = tpu.memref_slice %arg12[%dma_wait3A_104, %dma_wait3A_105] : memref<128x128xf32, #tpu.memory_space<vmem>> -> memref<128x16xf32, #tpu.memory_space<vmem>>
      tpu.wait_dma2 semaphore(%run_scoped3A : memref<!tpu.dma_semaphore, #tpu.memory_space<semaphore_mem>>) src(%dma_wait3A_106 : memref<128x16xf32, #tpu.memory_space<vmem>>) dst(%dma_wait3A_103 : memref<128x16xf32, #tpu.memory_space<vmem_shared>>)
      tpu.yield
    }) : () -> ()
    %mul3A_19 = arith.constant 5 : i32
    %mul3A_20 = arith.muli %arg1, %mul3A_19 : i32
    %add3A_21 = arith.constant 1 : i32
    %add3A_22 = arith.addi %mul3A_20, %add3A_21 : i32
    %mul3A_23 = arith.constant 128 : i32
    %mul3A_24 = arith.muli %add3A_22, %mul3A_23 : i32
    "tpu.region"() ({
      %run_scoped3A = tpu.sem_alloc : memref<!tpu.dma_semaphore, #tpu.memory_space<semaphore_mem>>
      %dma_start3A = arith.constant 0 : i32
      %dma_start3A_89 = tpu.memref_slice %arg13[%mul3A_24, %dma_start3A] : memref<10240x128xf32, #tpu.memory_space<vmem_shared>> -> memref<128x128xf32, #tpu.memory_space<vmem_shared>>
      %dma_start3A_90 = arith.constant 0 : i32
      %dma_start3A_91 = tpu.memref_slice %arg13[%mul3A_24, %dma_start3A_90] : memref<10240x128xf32, #tpu.memory_space<vmem_shared>> -> memref<128x128xf32, #tpu.memory_space<vmem_shared>>
      tpu.enqueue_dma source(%arg12 : memref<128x128xf32, #tpu.memory_space<vmem>>) target(%dma_start3A_91 : memref<128x128xf32, #tpu.memory_space<vmem_shared>>) target_semaphore(%run_scoped3A : memref<!tpu.dma_semaphore, #tpu.memory_space<semaphore_mem>>)
      %dma_wait3A = arith.constant 0 : i32
      %dma_wait3A_92 = tpu.memref_slice %arg13[%mul3A_24, %dma_wait3A] : memref<10240x128xf32, #tpu.memory_space<vmem_shared>> -> memref<128x128xf32, #tpu.memory_space<vmem_shared>>
      %dma_wait3A_93 = arith.constant 0 : i32
      %dma_wait3A_94 = tpu.memref_slice %arg13[%mul3A_24, %dma_wait3A_93] : memref<10240x128xf32, #tpu.memory_space<vmem_shared>> -> memref<128x128xf32, #tpu.memory_space<vmem_shared>>
      tpu.wait_dma2 semaphore(%run_scoped3A : memref<!tpu.dma_semaphore, #tpu.memory_space<semaphore_mem>>) src(%arg12 : memref<128x128xf32, #tpu.memory_space<vmem>>) dst(%dma_wait3A_94 : memref<128x128xf32, #tpu.memory_space<vmem_shared>>)
      tpu.yield
    }) : () -> ()
    %mul3A_25 = arith.constant 5 : i32
    %mul3A_26 = arith.muli %arg1, %mul3A_25 : i32
    %add3A_27 = arith.constant 1 : i32
    %add3A_28 = arith.addi %mul3A_26, %add3A_27 : i32
    %mul3A_29 = arith.constant 128 : i32
    %mul3A_30 = arith.muli %add3A_28, %mul3A_29 : i32
    "tpu.region"() ({
      %run_scoped3A = tpu.sem_alloc : memref<!tpu.dma_semaphore, #tpu.memory_space<semaphore_mem>>
      %dma_start3A = arith.constant 0 : i32
      %dma_start3A_89 = arith.constant 0 : i32
      %dma_start3A_90 = tpu.memref_slice %arg12[%dma_start3A, %dma_start3A_89] : memref<128x128xf32, #tpu.memory_space<vmem>> -> memref<128x16xf32, #tpu.memory_space<vmem>>
      %dma_start3A_91 = arith.constant 0 : i32
      %dma_start3A_92 = tpu.memref_slice %arg14[%mul3A_30, %dma_start3A_91] : memref<10240x16xf32, #tpu.memory_space<vmem_shared>> -> memref<128x16xf32, #tpu.memory_space<vmem_shared>>
      %dma_start3A_93 = arith.constant 0 : i32
      %dma_start3A_94 = tpu.memref_slice %arg14[%mul3A_30, %dma_start3A_93] : memref<10240x16xf32, #tpu.memory_space<vmem_shared>> -> memref<128x16xf32, #tpu.memory_space<vmem_shared>>
      %dma_start3A_95 = arith.constant 0 : i32
      %dma_start3A_96 = arith.constant 0 : i32
      %dma_start3A_97 = tpu.memref_slice %arg12[%dma_start3A_95, %dma_start3A_96] : memref<128x128xf32, #tpu.memory_space<vmem>> -> memref<128x16xf32, #tpu.memory_space<vmem>>
      tpu.enqueue_dma source(%dma_start3A_97 : memref<128x16xf32, #tpu.memory_space<vmem>>) target(%dma_start3A_94 : memref<128x16xf32, #tpu.memory_space<vmem_shared>>) target_semaphore(%run_scoped3A : memref<!tpu.dma_semaphore, #tpu.memory_space<semaphore_mem>>)
      %dma_wait3A = arith.constant 0 : i32
      %dma_wait3A_98 = arith.constant 0 : i32
      %dma_wait3A_99 = tpu.memref_slice %arg12[%dma_wait3A, %dma_wait3A_98] : memref<128x128xf32, #tpu.memory_space<vmem>> -> memref<128x16xf32, #tpu.memory_space<vmem>>
      %dma_wait3A_100 = arith.constant 0 : i32
      %dma_wait3A_101 = tpu.memref_slice %arg14[%mul3A_30, %dma_wait3A_100] : memref<10240x16xf32, #tpu.memory_space<vmem_shared>> -> memref<128x16xf32, #tpu.memory_space<vmem_shared>>
      %dma_wait3A_102 = arith.constant 0 : i32
      %dma_wait3A_103 = tpu.memref_slice %arg14[%mul3A_30, %dma_wait3A_102] : memref<10240x16xf32, #tpu.memory_space<vmem_shared>> -> memref<128x16xf32, #tpu.memory_space<vmem_shared>>
      %dma_wait3A_104 = arith.constant 0 : i32
      %dma_wait3A_105 = arith.constant 0 : i32
      %dma_wait3A_106 = tpu.memref_slice %arg12[%dma_wait3A_104, %dma_wait3A_105] : memref<128x128xf32, #tpu.memory_space<vmem>> -> memref<128x16xf32, #tpu.memory_space<vmem>>
      tpu.wait_dma2 semaphore(%run_scoped3A : memref<!tpu.dma_semaphore, #tpu.memory_space<semaphore_mem>>) src(%dma_wait3A_106 : memref<128x16xf32, #tpu.memory_space<vmem>>) dst(%dma_wait3A_103 : memref<128x16xf32, #tpu.memory_space<vmem_shared>>)
      tpu.yield
    }) : () -> ()
    %mul3A_31 = arith.constant 5 : i32
    %mul3A_32 = arith.muli %arg1, %mul3A_31 : i32
    %add3A_33 = arith.constant 2 : i32
    %add3A_34 = arith.addi %mul3A_32, %add3A_33 : i32
    %mul3A_35 = arith.constant 128 : i32
    %mul3A_36 = arith.muli %add3A_34, %mul3A_35 : i32
    "tpu.region"() ({
      %run_scoped3A = tpu.sem_alloc : memref<!tpu.dma_semaphore, #tpu.memory_space<semaphore_mem>>
      %dma_start3A = arith.constant 0 : i32
      %dma_start3A_89 = tpu.memref_slice %arg13[%mul3A_36, %dma_start3A] : memref<10240x128xf32, #tpu.memory_space<vmem_shared>> -> memref<128x128xf32, #tpu.memory_space<vmem_shared>>
      %dma_start3A_90 = arith.constant 0 : i32
      %dma_start3A_91 = tpu.memref_slice %arg13[%mul3A_36, %dma_start3A_90] : memref<10240x128xf32, #tpu.memory_space<vmem_shared>> -> memref<128x128xf32, #tpu.memory_space<vmem_shared>>
      tpu.enqueue_dma source(%arg12 : memref<128x128xf32, #tpu.memory_space<vmem>>) target(%dma_start3A_91 : memref<128x128xf32, #tpu.memory_space<vmem_shared>>) target_semaphore(%run_scoped3A : memref<!tpu.dma_semaphore, #tpu.memory_space<semaphore_mem>>)
      %dma_wait3A = arith.constant 0 : i32
      %dma_wait3A_92 = tpu.memref_slice %arg13[%mul3A_36, %dma_wait3A] : memref<10240x128xf32, #tpu.memory_space<vmem_shared>> -> memref<128x128xf32, #tpu.memory_space<vmem_shared>>
      %dma_wait3A_93 = arith.constant 0 : i32
      %dma_wait3A_94 = tpu.memref_slice %arg13[%mul3A_36, %dma_wait3A_93] : memref<10240x128xf32, #tpu.memory_space<vmem_shared>> -> memref<128x128xf32, #tpu.memory_space<vmem_shared>>
      tpu.wait_dma2 semaphore(%run_scoped3A : memref<!tpu.dma_semaphore, #tpu.memory_space<semaphore_mem>>) src(%arg12 : memref<128x128xf32, #tpu.memory_space<vmem>>) dst(%dma_wait3A_94 : memref<128x128xf32, #tpu.memory_space<vmem_shared>>)
      tpu.yield
    }) : () -> ()
    %mul3A_37 = arith.constant 5 : i32
    %mul3A_38 = arith.muli %arg1, %mul3A_37 : i32
    %add3A_39 = arith.constant 2 : i32
    %add3A_40 = arith.addi %mul3A_38, %add3A_39 : i32
    %mul3A_41 = arith.constant 128 : i32
    %mul3A_42 = arith.muli %add3A_40, %mul3A_41 : i32
    "tpu.region"() ({
      %run_scoped3A = tpu.sem_alloc : memref<!tpu.dma_semaphore, #tpu.memory_space<semaphore_mem>>
      %dma_start3A = arith.constant 0 : i32
      %dma_start3A_89 = arith.constant 0 : i32
      %dma_start3A_90 = tpu.memref_slice %arg12[%dma_start3A, %dma_start3A_89] : memref<128x128xf32, #tpu.memory_space<vmem>> -> memref<128x16xf32, #tpu.memory_space<vmem>>
      %dma_start3A_91 = arith.constant 0 : i32
      %dma_start3A_92 = tpu.memref_slice %arg14[%mul3A_42, %dma_start3A_91] : memref<10240x16xf32, #tpu.memory_space<vmem_shared>> -> memref<128x16xf32, #tpu.memory_space<vmem_shared>>
      %dma_start3A_93 = arith.constant 0 : i32
      %dma_start3A_94 = tpu.memref_slice %arg14[%mul3A_42, %dma_start3A_93] : memref<10240x16xf32, #tpu.memory_space<vmem_shared>> -> memref<128x16xf32, #tpu.memory_space<vmem_shared>>
      %dma_start3A_95 = arith.constant 0 : i32
      %dma_start3A_96 = arith.constant 0 : i32
      %dma_start3A_97 = tpu.memref_slice %arg12[%dma_start3A_95, %dma_start3A_96] : memref<128x128xf32, #tpu.memory_space<vmem>> -> memref<128x16xf32, #tpu.memory_space<vmem>>
      tpu.enqueue_dma source(%dma_start3A_97 : memref<128x16xf32, #tpu.memory_space<vmem>>) target(%dma_start3A_94 : memref<128x16xf32, #tpu.memory_space<vmem_shared>>) target_semaphore(%run_scoped3A : memref<!tpu.dma_semaphore, #tpu.memory_space<semaphore_mem>>)
      %dma_wait3A = arith.constant 0 : i32
      %dma_wait3A_98 = arith.constant 0 : i32
      %dma_wait3A_99 = tpu.memref_slice %arg12[%dma_wait3A, %dma_wait3A_98] : memref<128x128xf32, #tpu.memory_space<vmem>> -> memref<128x16xf32, #tpu.memory_space<vmem>>
      %dma_wait3A_100 = arith.constant 0 : i32
      %dma_wait3A_101 = tpu.memref_slice %arg14[%mul3A_42, %dma_wait3A_100] : memref<10240x16xf32, #tpu.memory_space<vmem_shared>> -> memref<128x16xf32, #tpu.memory_space<vmem_shared>>
      %dma_wait3A_102 = arith.constant 0 : i32
      %dma_wait3A_103 = tpu.memref_slice %arg14[%mul3A_42, %dma_wait3A_102] : memref<10240x16xf32, #tpu.memory_space<vmem_shared>> -> memref<128x16xf32, #tpu.memory_space<vmem_shared>>
      %dma_wait3A_104 = arith.constant 0 : i32
      %dma_wait3A_105 = arith.constant 0 : i32
      %dma_wait3A_106 = tpu.memref_slice %arg12[%dma_wait3A_104, %dma_wait3A_105] : memref<128x128xf32, #tpu.memory_space<vmem>> -> memref<128x16xf32, #tpu.memory_space<vmem>>
      tpu.wait_dma2 semaphore(%run_scoped3A : memref<!tpu.dma_semaphore, #tpu.memory_space<semaphore_mem>>) src(%dma_wait3A_106 : memref<128x16xf32, #tpu.memory_space<vmem>>) dst(%dma_wait3A_103 : memref<128x16xf32, #tpu.memory_space<vmem_shared>>)
      tpu.yield
    }) : () -> ()
    %mul3A_43 = arith.constant 5 : i32
    %mul3A_44 = arith.muli %arg1, %mul3A_43 : i32
    %add3A_45 = arith.constant 3 : i32
    %add3A_46 = arith.addi %mul3A_44, %add3A_45 : i32
    %mul3A_47 = arith.constant 128 : i32
    %mul3A_48 = arith.muli %add3A_46, %mul3A_47 : i32
    "tpu.region"() ({
      %run_scoped3A = tpu.sem_alloc : memref<!tpu.dma_semaphore, #tpu.memory_space<semaphore_mem>>
      %dma_start3A = arith.constant 0 : i32
      %dma_start3A_89 = tpu.memref_slice %arg13[%mul3A_48, %dma_start3A] : memref<10240x128xf32, #tpu.memory_space<vmem_shared>> -> memref<128x128xf32, #tpu.memory_space<vmem_shared>>
      %dma_start3A_90 = arith.constant 0 : i32
      %dma_start3A_91 = tpu.memref_slice %arg13[%mul3A_48, %dma_start3A_90] : memref<10240x128xf32, #tpu.memory_space<vmem_shared>> -> memref<128x128xf32, #tpu.memory_space<vmem_shared>>
      tpu.enqueue_dma source(%arg12 : memref<128x128xf32, #tpu.memory_space<vmem>>) target(%dma_start3A_91 : memref<128x128xf32, #tpu.memory_space<vmem_shared>>) target_semaphore(%run_scoped3A : memref<!tpu.dma_semaphore, #tpu.memory_space<semaphore_mem>>)
      %dma_wait3A = arith.constant 0 : i32
      %dma_wait3A_92 = tpu.memref_slice %arg13[%mul3A_48, %dma_wait3A] : memref<10240x128xf32, #tpu.memory_space<vmem_shared>> -> memref<128x128xf32, #tpu.memory_space<vmem_shared>>
      %dma_wait3A_93 = arith.constant 0 : i32
      %dma_wait3A_94 = tpu.memref_slice %arg13[%mul3A_48, %dma_wait3A_93] : memref<10240x128xf32, #tpu.memory_space<vmem_shared>> -> memref<128x128xf32, #tpu.memory_space<vmem_shared>>
      tpu.wait_dma2 semaphore(%run_scoped3A : memref<!tpu.dma_semaphore, #tpu.memory_space<semaphore_mem>>) src(%arg12 : memref<128x128xf32, #tpu.memory_space<vmem>>) dst(%dma_wait3A_94 : memref<128x128xf32, #tpu.memory_space<vmem_shared>>)
      tpu.yield
    }) : () -> ()
    %mul3A_49 = arith.constant 5 : i32
    %mul3A_50 = arith.muli %arg1, %mul3A_49 : i32
    %add3A_51 = arith.constant 3 : i32
    %add3A_52 = arith.addi %mul3A_50, %add3A_51 : i32
    %mul3A_53 = arith.constant 128 : i32
    %mul3A_54 = arith.muli %add3A_52, %mul3A_53 : i32
    "tpu.region"() ({
      %run_scoped3A = tpu.sem_alloc : memref<!tpu.dma_semaphore, #tpu.memory_space<semaphore_mem>>
      %dma_start3A = arith.constant 0 : i32
      %dma_start3A_89 = arith.constant 0 : i32
      %dma_start3A_90 = tpu.memref_slice %arg12[%dma_start3A, %dma_start3A_89] : memref<128x128xf32, #tpu.memory_space<vmem>> -> memref<128x16xf32, #tpu.memory_space<vmem>>
      %dma_start3A_91 = arith.constant 0 : i32
      %dma_start3A_92 = tpu.memref_slice %arg14[%mul3A_54, %dma_start3A_91] : memref<10240x16xf32, #tpu.memory_space<vmem_shared>> -> memref<128x16xf32, #tpu.memory_space<vmem_shared>>
      %dma_start3A_93 = arith.constant 0 : i32
      %dma_start3A_94 = tpu.memref_slice %arg14[%mul3A_54, %dma_start3A_93] : memref<10240x16xf32, #tpu.memory_space<vmem_shared>> -> memref<128x16xf32, #tpu.memory_space<vmem_shared>>
      %dma_start3A_95 = arith.constant 0 : i32
      %dma_start3A_96 = arith.constant 0 : i32
      %dma_start3A_97 = tpu.memref_slice %arg12[%dma_start3A_95, %dma_start3A_96] : memref<128x128xf32, #tpu.memory_space<vmem>> -> memref<128x16xf32, #tpu.memory_space<vmem>>
      tpu.enqueue_dma source(%dma_start3A_97 : memref<128x16xf32, #tpu.memory_space<vmem>>) target(%dma_start3A_94 : memref<128x16xf32, #tpu.memory_space<vmem_shared>>) target_semaphore(%run_scoped3A : memref<!tpu.dma_semaphore, #tpu.memory_space<semaphore_mem>>)
      %dma_wait3A = arith.constant 0 : i32
      %dma_wait3A_98 = arith.constant 0 : i32
      %dma_wait3A_99 = tpu.memref_slice %arg12[%dma_wait3A, %dma_wait3A_98] : memref<128x128xf32, #tpu.memory_space<vmem>> -> memref<128x16xf32, #tpu.memory_space<vmem>>
      %dma_wait3A_100 = arith.constant 0 : i32
      %dma_wait3A_101 = tpu.memref_slice %arg14[%mul3A_54, %dma_wait3A_100] : memref<10240x16xf32, #tpu.memory_space<vmem_shared>> -> memref<128x16xf32, #tpu.memory_space<vmem_shared>>
      %dma_wait3A_102 = arith.constant 0 : i32
      %dma_wait3A_103 = tpu.memref_slice %arg14[%mul3A_54, %dma_wait3A_102] : memref<10240x16xf32, #tpu.memory_space<vmem_shared>> -> memref<128x16xf32, #tpu.memory_space<vmem_shared>>
      %dma_wait3A_104 = arith.constant 0 : i32
      %dma_wait3A_105 = arith.constant 0 : i32
      %dma_wait3A_106 = tpu.memref_slice %arg12[%dma_wait3A_104, %dma_wait3A_105] : memref<128x128xf32, #tpu.memory_space<vmem>> -> memref<128x16xf32, #tpu.memory_space<vmem>>
      tpu.wait_dma2 semaphore(%run_scoped3A : memref<!tpu.dma_semaphore, #tpu.memory_space<semaphore_mem>>) src(%dma_wait3A_106 : memref<128x16xf32, #tpu.memory_space<vmem>>) dst(%dma_wait3A_103 : memref<128x16xf32, #tpu.memory_space<vmem_shared>>)
      tpu.yield
    }) : () -> ()
    %mul3A_55 = arith.constant 5 : i32
    %mul3A_56 = arith.muli %arg1, %mul3A_55 : i32
    %add3A_57 = arith.constant 4 : i32
    %add3A_58 = arith.addi %mul3A_56, %add3A_57 : i32
    %mul3A_59 = arith.constant 128 : i32
    %mul3A_60 = arith.muli %add3A_58, %mul3A_59 : i32
    "tpu.region"() ({
      %run_scoped3A = tpu.sem_alloc : memref<!tpu.dma_semaphore, #tpu.memory_space<semaphore_mem>>
      %dma_start3A = arith.constant 0 : i32
      %dma_start3A_89 = tpu.memref_slice %arg13[%mul3A_60, %dma_start3A] : memref<10240x128xf32, #tpu.memory_space<vmem_shared>> -> memref<128x128xf32, #tpu.memory_space<vmem_shared>>
      %dma_start3A_90 = arith.constant 0 : i32
      %dma_start3A_91 = tpu.memref_slice %arg13[%mul3A_60, %dma_start3A_90] : memref<10240x128xf32, #tpu.memory_space<vmem_shared>> -> memref<128x128xf32, #tpu.memory_space<vmem_shared>>
      tpu.enqueue_dma source(%arg12 : memref<128x128xf32, #tpu.memory_space<vmem>>) target(%dma_start3A_91 : memref<128x128xf32, #tpu.memory_space<vmem_shared>>) target_semaphore(%run_scoped3A : memref<!tpu.dma_semaphore, #tpu.memory_space<semaphore_mem>>)
      %dma_wait3A = arith.constant 0 : i32
      %dma_wait3A_92 = tpu.memref_slice %arg13[%mul3A_60, %dma_wait3A] : memref<10240x128xf32, #tpu.memory_space<vmem_shared>> -> memref<128x128xf32, #tpu.memory_space<vmem_shared>>
      %dma_wait3A_93 = arith.constant 0 : i32
      %dma_wait3A_94 = tpu.memref_slice %arg13[%mul3A_60, %dma_wait3A_93] : memref<10240x128xf32, #tpu.memory_space<vmem_shared>> -> memref<128x128xf32, #tpu.memory_space<vmem_shared>>
      tpu.wait_dma2 semaphore(%run_scoped3A : memref<!tpu.dma_semaphore, #tpu.memory_space<semaphore_mem>>) src(%arg12 : memref<128x128xf32, #tpu.memory_space<vmem>>) dst(%dma_wait3A_94 : memref<128x128xf32, #tpu.memory_space<vmem_shared>>)
      tpu.yield
    }) : () -> ()
    %mul3A_61 = arith.constant 5 : i32
    %mul3A_62 = arith.muli %arg1, %mul3A_61 : i32
    %add3A_63 = arith.constant 4 : i32
    %add3A_64 = arith.addi %mul3A_62, %add3A_63 : i32
    %mul3A_65 = arith.constant 128 : i32
    %mul3A_66 = arith.muli %add3A_64, %mul3A_65 : i32
    "tpu.region"() ({
      %run_scoped3A = tpu.sem_alloc : memref<!tpu.dma_semaphore, #tpu.memory_space<semaphore_mem>>
      %dma_start3A = arith.constant 0 : i32
      %dma_start3A_89 = arith.constant 0 : i32
      %dma_start3A_90 = tpu.memref_slice %arg12[%dma_start3A, %dma_start3A_89] : memref<128x128xf32, #tpu.memory_space<vmem>> -> memref<128x16xf32, #tpu.memory_space<vmem>>
      %dma_start3A_91 = arith.constant 0 : i32
      %dma_start3A_92 = tpu.memref_slice %arg14[%mul3A_66, %dma_start3A_91] : memref<10240x16xf32, #tpu.memory_space<vmem_shared>> -> memref<128x16xf32, #tpu.memory_space<vmem_shared>>
      %dma_start3A_93 = arith.constant 0 : i32
      %dma_start3A_94 = tpu.memref_slice %arg14[%mul3A_66, %dma_start3A_93] : memref<10240x16xf32, #tpu.memory_space<vmem_shared>> -> memref<128x16xf32, #tpu.memory_space<vmem_shared>>
      %dma_start3A_95 = arith.constant 0 : i32
      %dma_start3A_96 = arith.constant 0 : i32
      %dma_start3A_97 = tpu.memref_slice %arg12[%dma_start3A_95, %dma_start3A_96] : memref<128x128xf32, #tpu.memory_space<vmem>> -> memref<128x16xf32, #tpu.memory_space<vmem>>
      tpu.enqueue_dma source(%dma_start3A_97 : memref<128x16xf32, #tpu.memory_space<vmem>>) target(%dma_start3A_94 : memref<128x16xf32, #tpu.memory_space<vmem_shared>>) target_semaphore(%run_scoped3A : memref<!tpu.dma_semaphore, #tpu.memory_space<semaphore_mem>>)
      %dma_wait3A = arith.constant 0 : i32
      %dma_wait3A_98 = arith.constant 0 : i32
      %dma_wait3A_99 = tpu.memref_slice %arg12[%dma_wait3A, %dma_wait3A_98] : memref<128x128xf32, #tpu.memory_space<vmem>> -> memref<128x16xf32, #tpu.memory_space<vmem>>
      %dma_wait3A_100 = arith.constant 0 : i32
      %dma_wait3A_101 = tpu.memref_slice %arg14[%mul3A_66, %dma_wait3A_100] : memref<10240x16xf32, #tpu.memory_space<vmem_shared>> -> memref<128x16xf32, #tpu.memory_space<vmem_shared>>
      %dma_wait3A_102 = arith.constant 0 : i32
      %dma_wait3A_103 = tpu.memref_slice %arg14[%mul3A_66, %dma_wait3A_102] : memref<10240x16xf32, #tpu.memory_space<vmem_shared>> -> memref<128x16xf32, #tpu.memory_space<vmem_shared>>
      %dma_wait3A_104 = arith.constant 0 : i32
      %dma_wait3A_105 = arith.constant 0 : i32
      %dma_wait3A_106 = tpu.memref_slice %arg12[%dma_wait3A_104, %dma_wait3A_105] : memref<128x128xf32, #tpu.memory_space<vmem>> -> memref<128x16xf32, #tpu.memory_space<vmem>>
      tpu.wait_dma2 semaphore(%run_scoped3A : memref<!tpu.dma_semaphore, #tpu.memory_space<semaphore_mem>>) src(%dma_wait3A_106 : memref<128x16xf32, #tpu.memory_space<vmem>>) dst(%dma_wait3A_103 : memref<128x16xf32, #tpu.memory_space<vmem_shared>>)
      tpu.yield
    }) : () -> ()
    %barrier3A = arith.constant 0 : index
    tpu.barrier barrier_id(%barrier3A)
    %scan3A_67 = arith.constant 0 : i32
    %scan3A_68 = arith.constant 0 : i32
    %scan3A_69 = arith.constant 40 : i32
    %scan3A_70 = arith.addi %scan3A_68, %scan3A_69 : i32
    %scan3A_71 = arith.constant 1 : i32
    %scan3A_72 = scf.for %scan3A_89 = %scan3A_68 to %scan3A_70 step %scan3A_71 iter_args(%scan3A_90 = %scan3A_67) -> (i32)  : i32 {
      %mul3A_91 = arith.constant 32 : i32
      %mul3A_92 = arith.muli %scan3A_89, %mul3A_91 : i32
      %add3A_93 = arith.addi %mul3A_92, %add3A : i32
      %lt3A = arith.constant 1250 : i32
      %lt3A_94 = arith.cmpi slt, %add3A_93, %lt3A : i32
      %convert_element_type3A = arith.extui %lt3A_94 : i1 to i32
      %cond3A = arith.constant 0 : i32
      %cond3A_95 = arith.cmpi ne, %convert_element_type3A, %cond3A : i32
      scf.if %cond3A_95 {
        %mul3A_97 = arith.constant 128 : i32
        %mul3A_98 = arith.muli %add3A_93, %mul3A_97 : i32
        "tpu.region"() ({
          %run_scoped3A = tpu.sem_alloc : memref<!tpu.dma_semaphore, #tpu.memory_space<semaphore_mem>>
          %dma_start3A_110 = tpu.memref_slice %arg2[%mul3A_98] : memref<160000xi32, #tpu.memory_space<hbm>> -> memref<128xi32, #tpu.memory_space<hbm>>
          %dma_start3A_111 = tpu.memref_slice %arg2[%mul3A_98] : memref<160000xi32, #tpu.memory_space<hbm>> -> memref<128xi32, #tpu.memory_space<hbm>>
          tpu.enqueue_dma source(%dma_start3A_111 : memref<128xi32, #tpu.memory_space<hbm>>) target(%arg8 : memref<128xi32, #tpu.memory_space<vmem>>) target_semaphore(%run_scoped3A : memref<!tpu.dma_semaphore, #tpu.memory_space<semaphore_mem>>)
          %dma_wait3A_112 = tpu.memref_slice %arg2[%mul3A_98] : memref<160000xi32, #tpu.memory_space<hbm>> -> memref<128xi32, #tpu.memory_space<hbm>>
          %dma_wait3A_113 = tpu.memref_slice %arg2[%mul3A_98] : memref<160000xi32, #tpu.memory_space<hbm>> -> memref<128xi32, #tpu.memory_space<hbm>>
          tpu.wait_dma2 semaphore(%run_scoped3A : memref<!tpu.dma_semaphore, #tpu.memory_space<semaphore_mem>>) src(%dma_wait3A_113 : memref<128xi32, #tpu.memory_space<hbm>>) dst(%arg8 : memref<128xi32, #tpu.memory_space<vmem>>)
          tpu.yield
        }) : () -> ()
        "tpu.region"() ({
          %run_scoped3A = tpu.sem_alloc : memref<!tpu.dma_semaphore, #tpu.memory_space<semaphore_mem>>
          %dma_start3A_110 = tpu.memref_slice %arg3[%mul3A_98] : memref<160000xi32, #tpu.memory_space<hbm>> -> memref<128xi32, #tpu.memory_space<hbm>>
          %dma_start3A_111 = tpu.memref_slice %arg3[%mul3A_98] : memref<160000xi32, #tpu.memory_space<hbm>> -> memref<128xi32, #tpu.memory_space<hbm>>
          tpu.enqueue_dma source(%dma_start3A_111 : memref<128xi32, #tpu.memory_space<hbm>>) target(%arg9 : memref<128xi32, #tpu.memory_space<vmem>>) target_semaphore(%run_scoped3A : memref<!tpu.dma_semaphore, #tpu.memory_space<semaphore_mem>>)
          %dma_wait3A_112 = tpu.memref_slice %arg3[%mul3A_98] : memref<160000xi32, #tpu.memory_space<hbm>> -> memref<128xi32, #tpu.memory_space<hbm>>
          %dma_wait3A_113 = tpu.memref_slice %arg3[%mul3A_98] : memref<160000xi32, #tpu.memory_space<hbm>> -> memref<128xi32, #tpu.memory_space<hbm>>
          tpu.wait_dma2 semaphore(%run_scoped3A : memref<!tpu.dma_semaphore, #tpu.memory_space<semaphore_mem>>) src(%dma_wait3A_113 : memref<128xi32, #tpu.memory_space<hbm>>) dst(%arg9 : memref<128xi32, #tpu.memory_space<vmem>>)
          tpu.yield
        }) : () -> ()
        "tpu.region"() ({
          %run_scoped3A = tpu.sem_alloc : memref<!tpu.dma_semaphore, #tpu.memory_space<semaphore_mem>>
          %dma_start3A_110 = arith.constant 0 : i32
          %dma_start3A_111 = tpu.memref_slice %arg4[%mul3A_98, %dma_start3A_110] : memref<160000x16xf32, #tpu.memory_space<hbm>> -> memref<128x16xf32, #tpu.memory_space<hbm>>
          %dma_start3A_112 = arith.constant 0 : i32
          %dma_start3A_113 = tpu.memref_slice %arg4[%mul3A_98, %dma_start3A_112] : memref<160000x16xf32, #tpu.memory_space<hbm>> -> memref<128x16xf32, #tpu.memory_space<hbm>>
          tpu.enqueue_dma source(%dma_start3A_113 : memref<128x16xf32, #tpu.memory_space<hbm>>) target(%arg10 : memref<128x16xf32, #tpu.memory_space<vmem>>) target_semaphore(%run_scoped3A : memref<!tpu.dma_semaphore, #tpu.memory_space<semaphore_mem>>)
          %dma_wait3A_114 = arith.constant 0 : i32
          %dma_wait3A_115 = tpu.memref_slice %arg4[%mul3A_98, %dma_wait3A_114] : memref<160000x16xf32, #tpu.memory_space<hbm>> -> memref<128x16xf32, #tpu.memory_space<hbm>>
          %dma_wait3A_116 = arith.constant 0 : i32
          %dma_wait3A_117 = tpu.memref_slice %arg4[%mul3A_98, %dma_wait3A_116] : memref<160000x16xf32, #tpu.memory_space<hbm>> -> memref<128x16xf32, #tpu.memory_space<hbm>>
          tpu.wait_dma2 semaphore(%run_scoped3A : memref<!tpu.dma_semaphore, #tpu.memory_space<semaphore_mem>>) src(%dma_wait3A_117 : memref<128x16xf32, #tpu.memory_space<hbm>>) dst(%arg10 : memref<128x16xf32, #tpu.memory_space<vmem>>)
          tpu.yield
        }) : () -> ()
        %dma_start3A = arith.constant 0 : i32
        %dma_start3A_99 = arith.constant 0 : i32
        %dma_start3A_100 = tpu.memref_slice %arg5[%dma_start3A, %dma_start3A_99] : memref<10000x128xf32, #tpu.memory_space<hbm>> -> memref<10000x128xf32, #tpu.memory_space<hbm>>
        tpu.enqueue_indirect_dma source(%dma_start3A_100 : memref<10000x128xf32, #tpu.memory_space<hbm>>) target(%arg11 : memref<128x128xf32, #tpu.memory_space<vmem>>) offsets(%arg8 : memref<128xi32, #tpu.memory_space<vmem>>) semaphore(%arg15 : memref<!tpu.dma_semaphore, #tpu.memory_space<semaphore_mem>>)
        %dma_wait3A = arith.constant 0 : i32
        %dma_wait3A_101 = arith.constant 0 : i32
        %dma_wait3A_102 = tpu.memref_slice %arg5[%dma_wait3A, %dma_wait3A_101] : memref<10000x128xf32, #tpu.memory_space<hbm>> -> memref<10000x128xf32, #tpu.memory_space<hbm>>
        tpu.wait_indirect_dma semaphore(%arg15 : memref<!tpu.dma_semaphore, #tpu.memory_space<semaphore_mem>>) src(%dma_wait3A_102 : memref<10000x128xf32, #tpu.memory_space<hbm>>) dst(%arg11 : memref<128x128xf32, #tpu.memory_space<vmem>>)
        %scan3A_103 = arith.constant 0 : i32
        %scan3A_104 = arith.constant 0 : i32
        %scan3A_105 = arith.constant 128 : i32
        %scan3A_106 = arith.addi %scan3A_104, %scan3A_105 : i32
        %scan3A_107 = arith.constant 1 : i32
        %scan3A_108 = scf.for %scan3A_110 = %scan3A_104 to %scan3A_106 step %scan3A_107 iter_args(%scan3A_111 = %scan3A_103) -> (i32)  : i32 {
          %get3A = arith.index_cast %scan3A_110 : i32 to index
          %get3A_112 = arith.constant 0 : index
          %get3A_113 = tpu.vector_load %arg10[%get3A, %get3A_112] {strides = array<i32>} : memref<128x16xf32, #tpu.memory_space<vmem>>, vector<1x16xf32>,
          %get3A_114 = vector.shape_cast %get3A_113 : vector<1x16xf32> to vector<16xf32>
          %slice3A = vector.extract_strided_slice %get3A_114 {offsets = [4], sizes = [1], strides = [1]} : vector<16xf32> to vector<1xf32>
          %squeeze3A = vector.extract %slice3A[0] : f32 from vector<1xf32>
          %get3A_115 = arith.index_cast %scan3A_110 : i32 to index
          %get3A_116 = arith.constant 0 : index
          %get3A_117 = tpu.vector_load %arg11[%get3A_115, %get3A_116] {strides = array<i32>} : memref<128x128xf32, #tpu.memory_space<vmem>>, vector<1x16xf32>,
          %get3A_118 = vector.shape_cast %get3A_117 : vector<1x16xf32> to vector<16xf32>
          %mul3A_119 = vector.broadcast %squeeze3A : f32 to vector<16xf32>
          %mul3A_120 = arith.mulf %get3A_118, %mul3A_119 : vector<16xf32>
          %swap3A = arith.index_cast %scan3A_110 : i32 to index
          %swap3A_121 = arith.constant 0 : index
          %swap3A_122 = tpu.vector_load %arg11[%swap3A, %swap3A_121] {strides = array<i32>} : memref<128x128xf32, #tpu.memory_space<vmem>>, vector<1x16xf32>,
          %swap3A_123 = vector.shape_cast %swap3A_122 : vector<1x16xf32> to vector<16xf32>
          %swap3A_124 = vector.shape_cast %mul3A_120 : vector<16xf32> to vector<1x16xf32>
          tpu.vector_store %arg11[%swap3A, %swap3A_121], %swap3A_124 {strides = array<i32>} : memref<128x128xf32, #tpu.memory_space<vmem>>, vector<1x16xf32>,
          %get3A_125 = arith.index_cast %scan3A_110 : i32 to index
          %get3A_126 = arith.constant 16 : index
          %get3A_127 = tpu.vector_load %arg11[%get3A_125, %get3A_126] {strides = array<i32>} : memref<128x128xf32, #tpu.memory_space<vmem>>, vector<1x16xf32>,
          %get3A_128 = vector.shape_cast %get3A_127 : vector<1x16xf32> to vector<16xf32>
          %mul3A_129 = vector.broadcast %squeeze3A : f32 to vector<16xf32>
          %mul3A_130 = arith.mulf %get3A_128, %mul3A_129 : vector<16xf32>
          %swap3A_131 = arith.index_cast %scan3A_110 : i32 to index
          %swap3A_132 = arith.constant 16 : index
          %swap3A_133 = tpu.vector_load %arg11[%swap3A_131, %swap3A_132] {strides = array<i32>} : memref<128x128xf32, #tpu.memory_space<vmem>>, vector<1x16xf32>,
          %swap3A_134 = vector.shape_cast %swap3A_133 : vector<1x16xf32> to vector<16xf32>
          %swap3A_135 = vector.shape_cast %mul3A_130 : vector<16xf32> to vector<1x16xf32>
          tpu.vector_store %arg11[%swap3A_131, %swap3A_132], %swap3A_135 {strides = array<i32>} : memref<128x128xf32, #tpu.memory_space<vmem>>, vector<1x16xf32>,
          %get3A_136 = arith.index_cast %scan3A_110 : i32 to index
          %get3A_137 = arith.constant 32 : index
          %get3A_138 = tpu.vector_load %arg11[%get3A_136, %get3A_137] {strides = array<i32>} : memref<128x128xf32, #tpu.memory_space<vmem>>, vector<1x16xf32>,
          %get3A_139 = vector.shape_cast %get3A_138 : vector<1x16xf32> to vector<16xf32>
          %mul3A_140 = vector.broadcast %squeeze3A : f32 to vector<16xf32>
          %mul3A_141 = arith.mulf %get3A_139, %mul3A_140 : vector<16xf32>
          %swap3A_142 = arith.index_cast %scan3A_110 : i32 to index
          %swap3A_143 = arith.constant 32 : index
          %swap3A_144 = tpu.vector_load %arg11[%swap3A_142, %swap3A_143] {strides = array<i32>} : memref<128x128xf32, #tpu.memory_space<vmem>>, vector<1x16xf32>,
          %swap3A_145 = vector.shape_cast %swap3A_144 : vector<1x16xf32> to vector<16xf32>
          %swap3A_146 = vector.shape_cast %mul3A_141 : vector<16xf32> to vector<1x16xf32>
          tpu.vector_store %arg11[%swap3A_142, %swap3A_143], %swap3A_146 {strides = array<i32>} : memref<128x128xf32, #tpu.memory_space<vmem>>, vector<1x16xf32>,
          %get3A_147 = arith.index_cast %scan3A_110 : i32 to index
          %get3A_148 = arith.constant 48 : index
          %get3A_149 = tpu.vector_load %arg11[%get3A_147, %get3A_148] {strides = array<i32>} : memref<128x128xf32, #tpu.memory_space<vmem>>, vector<1x16xf32>,
          %get3A_150 = vector.shape_cast %get3A_149 : vector<1x16xf32> to vector<16xf32>
          %mul3A_151 = vector.broadcast %squeeze3A : f32 to vector<16xf32>
          %mul3A_152 = arith.mulf %get3A_150, %mul3A_151 : vector<16xf32>
          %swap3A_153 = arith.index_cast %scan3A_110 : i32 to index
          %swap3A_154 = arith.constant 48 : index
          %swap3A_155 = tpu.vector_load %arg11[%swap3A_153, %swap3A_154] {strides = array<i32>} : memref<128x128xf32, #tpu.memory_space<vmem>>, vector<1x16xf32>,
          %swap3A_156 = vector.shape_cast %swap3A_155 : vector<1x16xf32> to vector<16xf32>
          %swap3A_157 = vector.shape_cast %mul3A_152 : vector<16xf32> to vector<1x16xf32>
          tpu.vector_store %arg11[%swap3A_153, %swap3A_154], %swap3A_157 {strides = array<i32>} : memref<128x128xf32, #tpu.memory_space<vmem>>, vector<1x16xf32>,
          %slice3A_158 = vector.extract_strided_slice %get3A_114 {offsets = [5], sizes = [1], strides = [1]} : vector<16xf32> to vector<1xf32>
          %squeeze3A_159 = vector.extract %slice3A_158[0] : f32 from vector<1xf32>
          %get3A_160 = arith.index_cast %scan3A_110 : i32 to index
          %get3A_161 = arith.constant 64 : index
          %get3A_162 = tpu.vector_load %arg11[%get3A_160, %get3A_161] {strides = array<i32>} : memref<128x128xf32, #tpu.memory_space<vmem>>, vector<1x16xf32>,
          %get3A_163 = vector.shape_cast %get3A_162 : vector<1x16xf32> to vector<16xf32>
          %mul3A_164 = vector.broadcast %squeeze3A_159 : f32 to vector<16xf32>
          %mul3A_165 = arith.mulf %get3A_163, %mul3A_164 : vector<16xf32>
          %swap3A_166 = arith.index_cast %scan3A_110 : i32 to index
          %swap3A_167 = arith.constant 64 : index
          %swap3A_168 = tpu.vector_load %arg11[%swap3A_166, %swap3A_167] {strides = array<i32>} : memref<128x128xf32, #tpu.memory_space<vmem>>, vector<1x16xf32>,
          %swap3A_169 = vector.shape_cast %swap3A_168 : vector<1x16xf32> to vector<16xf32>
          %swap3A_170 = vector.shape_cast %mul3A_165 : vector<16xf32> to vector<1x16xf32>
          tpu.vector_store %arg11[%swap3A_166, %swap3A_167], %swap3A_170 {strides = array<i32>} : memref<128x128xf32, #tpu.memory_space<vmem>>, vector<1x16xf32>,
          %get3A_171 = arith.index_cast %scan3A_110 : i32 to index
          %get3A_172 = arith.constant 80 : index
          %get3A_173 = tpu.vector_load %arg11[%get3A_171, %get3A_172] {strides = array<i32>} : memref<128x128xf32, #tpu.memory_space<vmem>>, vector<1x16xf32>,
          %get3A_174 = vector.shape_cast %get3A_173 : vector<1x16xf32> to vector<16xf32>
          %mul3A_175 = vector.broadcast %squeeze3A_159 : f32 to vector<16xf32>
          %mul3A_176 = arith.mulf %get3A_174, %mul3A_175 : vector<16xf32>
          %swap3A_177 = arith.index_cast %scan3A_110 : i32 to index
          %swap3A_178 = arith.constant 80 : index
          %swap3A_179 = tpu.vector_load %arg11[%swap3A_177, %swap3A_178] {strides = array<i32>} : memref<128x128xf32, #tpu.memory_space<vmem>>, vector<1x16xf32>,
          %swap3A_180 = vector.shape_cast %swap3A_179 : vector<1x16xf32> to vector<16xf32>
          %swap3A_181 = vector.shape_cast %mul3A_176 : vector<16xf32> to vector<1x16xf32>
          tpu.vector_store %arg11[%swap3A_177, %swap3A_178], %swap3A_181 {strides = array<i32>} : memref<128x128xf32, #tpu.memory_space<vmem>>, vector<1x16xf32>,
          %get3A_182 = arith.index_cast %scan3A_110 : i32 to index
          %get3A_183 = arith.constant 96 : index
          %get3A_184 = tpu.vector_load %arg11[%get3A_182, %get3A_183] {strides = array<i32>} : memref<128x128xf32, #tpu.memory_space<vmem>>, vector<1x16xf32>,
          %get3A_185 = vector.shape_cast %get3A_184 : vector<1x16xf32> to vector<16xf32>
          %mul3A_186 = vector.broadcast %squeeze3A_159 : f32 to vector<16xf32>
          %mul3A_187 = arith.mulf %get3A_185, %mul3A_186 : vector<16xf32>
          %swap3A_188 = arith.index_cast %scan3A_110 : i32 to index
          %swap3A_189 = arith.constant 96 : index
          %swap3A_190 = tpu.vector_load %arg11[%swap3A_188, %swap3A_189] {strides = array<i32>} : memref<128x128xf32, #tpu.memory_space<vmem>>, vector<1x16xf32>,
          %swap3A_191 = vector.shape_cast %swap3A_190 : vector<1x16xf32> to vector<16xf32>
          %swap3A_192 = vector.shape_cast %mul3A_187 : vector<16xf32> to vector<1x16xf32>
          tpu.vector_store %arg11[%swap3A_188, %swap3A_189], %swap3A_192 {strides = array<i32>} : memref<128x128xf32, #tpu.memory_space<vmem>>, vector<1x16xf32>,
          %get3A_193 = arith.index_cast %scan3A_110 : i32 to index
          %get3A_194 = arith.constant 112 : index
          %get3A_195 = tpu.vector_load %arg11[%get3A_193, %get3A_194] {strides = array<i32>} : memref<128x128xf32, #tpu.memory_space<vmem>>, vector<1x16xf32>,
          %get3A_196 = vector.shape_cast %get3A_195 : vector<1x16xf32> to vector<16xf32>
          %mul3A_197 = vector.broadcast %squeeze3A_159 : f32 to vector<16xf32>
          %mul3A_198 = arith.mulf %get3A_196, %mul3A_197 : vector<16xf32>
          %swap3A_199 = arith.index_cast %scan3A_110 : i32 to index
          %swap3A_200 = arith.constant 112 : index
          %swap3A_201 = tpu.vector_load %arg11[%swap3A_199, %swap3A_200] {strides = array<i32>} : memref<128x128xf32, #tpu.memory_space<vmem>>, vector<1x16xf32>,
          %swap3A_202 = vector.shape_cast %swap3A_201 : vector<1x16xf32> to vector<16xf32>
          %swap3A_203 = vector.shape_cast %mul3A_198 : vector<16xf32> to vector<1x16xf32>
          tpu.vector_store %arg11[%swap3A_199, %swap3A_200], %swap3A_203 {strides = array<i32>} : memref<128x128xf32, #tpu.memory_space<vmem>>, vector<1x16xf32>,
          %scan3A_204 = arith.constant 0 : i32
          scf.yield %scan3A_204 : i32
        }
        %scan3A_109 = arith.constant 128 : i32
        "tpu.region"() ({
          %run_scoped3A = tpu.sem_alloc : memref<!tpu.dma_semaphore, #tpu.memory_space<semaphore_mem>>
          %dma_start3A_110 = arith.constant 0 : i32
          %dma_start3A_111 = arith.constant 0 : i32
          %dma_start3A_112 = tpu.memref_slice %arg13[%dma_start3A_110, %dma_start3A_111] : memref<10240x128xf32, #tpu.memory_space<vmem_shared>> -> memref<10240x128xf32, #tpu.memory_space<vmem_shared>>
          tpu.enqueue_indirect_dma source(%arg11 : memref<128x128xf32, #tpu.memory_space<vmem>>) target(%dma_start3A_112 : memref<10240x128xf32, #tpu.memory_space<vmem_shared>>) offsets(%arg9 : memref<128xi32, #tpu.memory_space<vmem>>) semaphore(%run_scoped3A : memref<!tpu.dma_semaphore, #tpu.memory_space<semaphore_mem>>) {add = true}
          %dma_wait3A_113 = arith.constant 0 : i32
          %dma_wait3A_114 = arith.constant 0 : i32
          %dma_wait3A_115 = tpu.memref_slice %arg13[%dma_wait3A_113, %dma_wait3A_114] : memref<10240x128xf32, #tpu.memory_space<vmem_shared>> -> memref<10240x128xf32, #tpu.memory_space<vmem_shared>>
          tpu.wait_indirect_dma semaphore(%run_scoped3A : memref<!tpu.dma_semaphore, #tpu.memory_space<semaphore_mem>>) src(%arg11 : memref<128x128xf32, #tpu.memory_space<vmem>>) dst(%dma_wait3A_115 : memref<10240x128xf32, #tpu.memory_space<vmem_shared>>)
          tpu.yield
        }) : () -> ()
        "tpu.region"() ({
          %run_scoped3A = tpu.sem_alloc : memref<!tpu.dma_semaphore, #tpu.memory_space<semaphore_mem>>
          %dma_start3A_110 = arith.constant 0 : i32
          %dma_start3A_111 = arith.constant 0 : i32
          %dma_start3A_112 = tpu.memref_slice %arg14[%dma_start3A_110, %dma_start3A_111] : memref<10240x16xf32, #tpu.memory_space<vmem_shared>> -> memref<10240x16xf32, #tpu.memory_space<vmem_shared>>
          tpu.enqueue_indirect_dma source(%arg10 : memref<128x16xf32, #tpu.memory_space<vmem>>) target(%dma_start3A_112 : memref<10240x16xf32, #tpu.memory_space<vmem_shared>>) offsets(%arg9 : memref<128xi32, #tpu.memory_space<vmem>>) semaphore(%run_scoped3A : memref<!tpu.dma_semaphore, #tpu.memory_space<semaphore_mem>>) {add = true}
          %dma_wait3A_113 = arith.constant 0 : i32
          %dma_wait3A_114 = arith.constant 0 : i32
          %dma_wait3A_115 = tpu.memref_slice %arg14[%dma_wait3A_113, %dma_wait3A_114] : memref<10240x16xf32, #tpu.memory_space<vmem_shared>> -> memref<10240x16xf32, #tpu.memory_space<vmem_shared>>
          tpu.wait_indirect_dma semaphore(%run_scoped3A : memref<!tpu.dma_semaphore, #tpu.memory_space<semaphore_mem>>) src(%arg10 : memref<128x16xf32, #tpu.memory_space<vmem>>) dst(%dma_wait3A_115 : memref<10240x16xf32, #tpu.memory_space<vmem_shared>>)
          tpu.yield
        }) : () -> ()
      } else {
      }
      %scan3A_96 = arith.constant 0 : i32
      scf.yield %scan3A_96 : i32
    }
    %scan3A_73 = arith.constant 40 : i32
    %barrier3A_74 = arith.constant 0 : index
    tpu.barrier barrier_id(%barrier3A_74)
    %mul3A_75 = arith.constant 640 : i32
    %mul3A_76 = arith.muli %arg1, %mul3A_75 : i32
    %mul3A_77 = arith.constant 10240 : i32
    %mul3A_78 = arith.muli %arg0, %mul3A_77 : i32
    %mul3A_79 = arith.constant 640 : i32
    %mul3A_80 = arith.muli %arg1, %mul3A_79 : i32
    %add3A_81 = arith.addi %mul3A_78, %mul3A_80 : i32
    "tpu.region"() ({
      %run_scoped3A = tpu.sem_alloc : memref<!tpu.dma_semaphore, #tpu.memory_space<semaphore_mem>>
      %dma_start3A = arith.constant 0 : i32
      %dma_start3A_89 = tpu.memref_slice %arg6[%add3A_81, %dma_start3A] : memref<20480x128xf32, #tpu.memory_space<hbm>> -> memref<640x128xf32, #tpu.memory_space<hbm>>
      %dma_start3A_90 = arith.constant 0 : i32
      %dma_start3A_91 = tpu.memref_slice %arg13[%mul3A_76, %dma_start3A_90] : memref<10240x128xf32, #tpu.memory_space<vmem_shared>> -> memref<640x128xf32, #tpu.memory_space<vmem_shared>>
      tpu.enqueue_dma source(%dma_start3A_91 : memref<640x128xf32, #tpu.memory_space<vmem_shared>>) target(%dma_start3A_89 : memref<640x128xf32, #tpu.memory_space<hbm>>) target_semaphore(%run_scoped3A : memref<!tpu.dma_semaphore, #tpu.memory_space<semaphore_mem>>)
      %dma_wait3A = arith.constant 0 : i32
      %dma_wait3A_92 = tpu.memref_slice %arg6[%add3A_81, %dma_wait3A] : memref<20480x128xf32, #tpu.memory_space<hbm>> -> memref<640x128xf32, #tpu.memory_space<hbm>>
      %dma_wait3A_93 = arith.constant 0 : i32
      %dma_wait3A_94 = tpu.memref_slice %arg13[%mul3A_76, %dma_wait3A_93] : memref<10240x128xf32, #tpu.memory_space<vmem_shared>> -> memref<640x128xf32, #tpu.memory_space<vmem_shared>>
      tpu.wait_dma2 semaphore(%run_scoped3A : memref<!tpu.dma_semaphore, #tpu.memory_space<semaphore_mem>>) src(%dma_wait3A_94 : memref<640x128xf32, #tpu.memory_space<vmem_shared>>) dst(%dma_wait3A_92 : memref<640x128xf32, #tpu.memory_space<hbm>>)
      tpu.yield
    }) : () -> ()
    %mul3A_82 = arith.constant 640 : i32
    %mul3A_83 = arith.muli %arg1, %mul3A_82 : i32
    %mul3A_84 = arith.constant 10240 : i32
    %mul3A_85 = arith.muli %arg0, %mul3A_84 : i32
    %mul3A_86 = arith.constant 640 : i32
    %mul3A_87 = arith.muli %arg1, %mul3A_86 : i32
    %add3A_88 = arith.addi %mul3A_85, %mul3A_87 : i32
    "tpu.region"() ({
      %run_scoped3A = tpu.sem_alloc : memref<!tpu.dma_semaphore, #tpu.memory_space<semaphore_mem>>
      %dma_start3A = arith.constant 0 : i32
      %dma_start3A_89 = tpu.memref_slice %arg7[%add3A_88, %dma_start3A] : memref<20480x16xf32, #tpu.memory_space<hbm>> -> memref<640x16xf32, #tpu.memory_space<hbm>>
      %dma_start3A_90 = arith.constant 0 : i32
      %dma_start3A_91 = tpu.memref_slice %arg14[%mul3A_83, %dma_start3A_90] : memref<10240x16xf32, #tpu.memory_space<vmem_shared>> -> memref<640x16xf32, #tpu.memory_space<vmem_shared>>
      tpu.enqueue_dma source(%dma_start3A_91 : memref<640x16xf32, #tpu.memory_space<vmem_shared>>) target(%dma_start3A_89 : memref<640x16xf32, #tpu.memory_space<hbm>>) target_semaphore(%run_scoped3A : memref<!tpu.dma_semaphore, #tpu.memory_space<semaphore_mem>>)
      %dma_wait3A = arith.constant 0 : i32
      %dma_wait3A_92 = tpu.memref_slice %arg7[%add3A_88, %dma_wait3A] : memref<20480x16xf32, #tpu.memory_space<hbm>> -> memref<640x16xf32, #tpu.memory_space<hbm>>
      %dma_wait3A_93 = arith.constant 0 : i32
      %dma_wait3A_94 = tpu.memref_slice %arg14[%mul3A_83, %dma_wait3A_93] : memref<10240x16xf32, #tpu.memory_space<vmem_shared>> -> memref<640x16xf32, #tpu.memory_space<vmem_shared>>
      tpu.wait_dma2 semaphore(%run_scoped3A : memref<!tpu.dma_semaphore, #tpu.memory_space<semaphore_mem>>) src(%dma_wait3A_94 : memref<640x16xf32, #tpu.memory_space<vmem_shared>>) dst(%dma_wait3A_92 : memref<640x16xf32, #tpu.memory_space<hbm>>)
      tpu.yield
    }) : () -> ()
    return
  }
}

#map = affine_map<(d0, d1) -> (0)>
#map1 = affine_map<(d0, d1) -> (0, 0)>
module attributes {stable_mosaic.version = 14 : i64} {
  func.func @body(%arg0: i32, %arg1: i32, %arg2: memref<160000xi32, #tpu.memory_space<hbm>>, %arg3: memref<160000xi32, #tpu.memory_space<hbm>>, %arg4: memref<160000x16xf32, #tpu.memory_space<hbm>>, %arg5: memref<10000x128xf32, #tpu.memory_space<hbm>>, %arg6: memref<20480x128xf32, #tpu.memory_space<hbm>>, %arg7: memref<20480x16xf32, #tpu.memory_space<hbm>>, %arg8: memref<128xi32, #tpu.memory_space<vmem>>, %arg9: memref<128xi32, #tpu.memory_space<vmem>>, %arg10: memref<128x16xf32, #tpu.memory_space<vmem>>, %arg11: memref<128x128xf32, #tpu.memory_space<vmem>>, %arg12: memref<128x128xf32, #tpu.memory_space<vmem>>, %arg13: memref<10240x128xf32, #tpu.memory_space<vmem_shared>>, %arg14: memref<10240x16xf32, #tpu.memory_space<vmem_shared>>, %arg15: memref<!tpu.dma_semaphore, #tpu.memory_space<semaphore_mem>>) attributes {dimension_semantics = [#tpu.dimension_semantics<core_parallel>, #tpu.dimension_semantics<subcore_parallel>], iteration_bounds = array<i64: 2, 16>, scalar_prefetch = 0 : i64, scratch_operands = 8 : i64, tpu.core_type = #tpu.core_type<sc_vector_subcore>, window_params = [{transform_indices = #map}, {transform_indices = #map}, {transform_indices = #map1}, {transform_indices = #map1}, {transform_indices = #map1}, {transform_indices = #map1}]} {
    %mul3A = arith.constant 2 : i32
    %mul3A_0 = arith.muli %arg1, %mul3A : i32
    %add3A = arith.addi %mul3A_0, %arg0 : i32
    %scan3A = arith.constant 0 : i32
    %scan3A_1 = arith.constant 0 : i32
    %scan3A_2 = arith.constant 128 : i32
    %scan3A_3 = arith.addi %scan3A_1, %scan3A_2 : i32
    %scan3A_4 = arith.constant 1 : i32
    %scan3A_5 = scf.for %scan3A_89 = %scan3A_1 to %scan3A_3 step %scan3A_4 iter_args(%scan3A_90 = %scan3A) -> (i32)  : i32 {
      %broadcast_in_dim3A = arith.constant 0.000000e+00 : f32
      %broadcast_in_dim3A_91 = vector.broadcast %broadcast_in_dim3A : f32 to vector<16xf32>
      %swap3A = arith.index_cast %scan3A_89 : i32 to index
      %swap3A_92 = arith.constant 0 : index
      %swap3A_93 = tpu.vector_load %arg12[%swap3A, %swap3A_92] {strides = array<i32>} : memref<128x128xf32, #tpu.memory_space<vmem>>, vector<1x16xf32>,
      %swap3A_94 = vector.shape_cast %swap3A_93 : vector<1x16xf32> to vector<16xf32>
      %swap3A_95 = vector.shape_cast %broadcast_in_dim3A_91 : vector<16xf32> to vector<1x16xf32>
      tpu.vector_store %arg12[%swap3A, %swap3A_92], %swap3A_95 {strides = array<i32>} : memref<128x128xf32, #tpu.memory_space<vmem>>, vector<1x16xf32>,
      %broadcast_in_dim3A_96 = arith.constant 0.000000e+00 : f32
      %broadcast_in_dim3A_97 = vector.broadcast %broadcast_in_dim3A_96 : f32 to vector<16xf32>
      %swap3A_98 = arith.index_cast %scan3A_89 : i32 to index
      %swap3A_99 = arith.constant 16 : index
      %swap3A_100 = tpu.vector_load %arg12[%swap3A_98, %swap3A_99] {strides = array<i32>} : memref<128x128xf32, #tpu.memory_space<vmem>>, vector<1x16xf32>,
      %swap3A_101 = vector.shape_cast %swap3A_100 : vector<1x16xf32> to vector<16xf32>
      %swap3A_102 = vector.shape_cast %broadcast_in_dim3A_97 : vector<16xf32> to vector<1x16xf32>
      tpu.vector_store %arg12[%swap3A_98, %swap3A_99], %swap3A_102 {strides = array<i32>} : memref<128x128xf32, #tpu.memory_space<vmem>>, vector<1x16xf32>,
      %broadcast_in_dim3A_103 = arith.constant 0.000000e+00 : f32
      %broadcast_in_dim3A_104 = vector.broadcast %broadcast_in_dim3A_103 : f32 to vector<16xf32>
      %swap3A_105 = arith.index_cast %scan3A_89 : i32 to index
      %swap3A_106 = arith.constant 32 : index
      %swap3A_107 = tpu.vector_load %arg12[%swap3A_105, %swap3A_106] {strides = array<i32>} : memref<128x128xf32, #tpu.memory_space<vmem>>, vector<1x16xf32>,
      %swap3A_108 = vector.shape_cast %swap3A_107 : vector<1x16xf32> to vector<16xf32>
      %swap3A_109 = vector.shape_cast %broadcast_in_dim3A_104 : vector<16xf32> to vector<1x16xf32>
      tpu.vector_store %arg12[%swap3A_105, %swap3A_106], %swap3A_109 {strides = array<i32>} : memref<128x128xf32, #tpu.memory_space<vmem>>, vector<1x16xf32>,
      %broadcast_in_dim3A_110 = arith.constant 0.000000e+00 : f32
      %broadcast_in_dim3A_111 = vector.broadcast %broadcast_in_dim3A_110 : f32 to vector<16xf32>
      %swap3A_112 = arith.index_cast %scan3A_89 : i32 to index
      %swap3A_113 = arith.constant 48 : index
      %swap3A_114 = tpu.vector_load %arg12[%swap3A_112, %swap3A_113] {strides = array<i32>} : memref<128x128xf32, #tpu.memory_space<vmem>>, vector<1x16xf32>,
      %swap3A_115 = vector.shape_cast %swap3A_114 : vector<1x16xf32> to vector<16xf32>
      %swap3A_116 = vector.shape_cast %broadcast_in_dim3A_111 : vector<16xf32> to vector<1x16xf32>
      tpu.vector_store %arg12[%swap3A_112, %swap3A_113], %swap3A_116 {strides = array<i32>} : memref<128x128xf32, #tpu.memory_space<vmem>>, vector<1x16xf32>,
      %broadcast_in_dim3A_117 = arith.constant 0.000000e+00 : f32
      %broadcast_in_dim3A_118 = vector.broadcast %broadcast_in_dim3A_117 : f32 to vector<16xf32>
      %swap3A_119 = arith.index_cast %scan3A_89 : i32 to index
      %swap3A_120 = arith.constant 64 : index
      %swap3A_121 = tpu.vector_load %arg12[%swap3A_119, %swap3A_120] {strides = array<i32>} : memref<128x128xf32, #tpu.memory_space<vmem>>, vector<1x16xf32>,
      %swap3A_122 = vector.shape_cast %swap3A_121 : vector<1x16xf32> to vector<16xf32>
      %swap3A_123 = vector.shape_cast %broadcast_in_dim3A_118 : vector<16xf32> to vector<1x16xf32>
      tpu.vector_store %arg12[%swap3A_119, %swap3A_120], %swap3A_123 {strides = array<i32>} : memref<128x128xf32, #tpu.memory_space<vmem>>, vector<1x16xf32>,
      %broadcast_in_dim3A_124 = arith.constant 0.000000e+00 : f32
      %broadcast_in_dim3A_125 = vector.broadcast %broadcast_in_dim3A_124 : f32 to vector<16xf32>
      %swap3A_126 = arith.index_cast %scan3A_89 : i32 to index
      %swap3A_127 = arith.constant 80 : index
      %swap3A_128 = tpu.vector_load %arg12[%swap3A_126, %swap3A_127] {strides = array<i32>} : memref<128x128xf32, #tpu.memory_space<vmem>>, vector<1x16xf32>,
      %swap3A_129 = vector.shape_cast %swap3A_128 : vector<1x16xf32> to vector<16xf32>
      %swap3A_130 = vector.shape_cast %broadcast_in_dim3A_125 : vector<16xf32> to vector<1x16xf32>
      tpu.vector_store %arg12[%swap3A_126, %swap3A_127], %swap3A_130 {strides = array<i32>} : memref<128x128xf32, #tpu.memory_space<vmem>>, vector<1x16xf32>,
      %broadcast_in_dim3A_131 = arith.constant 0.000000e+00 : f32
      %broadcast_in_dim3A_132 = vector.broadcast %broadcast_in_dim3A_131 : f32 to vector<16xf32>
      %swap3A_133 = arith.index_cast %scan3A_89 : i32 to index
      %swap3A_134 = arith.constant 96 : index
      %swap3A_135 = tpu.vector_load %arg12[%swap3A_133, %swap3A_134] {strides = array<i32>} : memref<128x128xf32, #tpu.memory_space<vmem>>, vector<1x16xf32>,
      %swap3A_136 = vector.shape_cast %swap3A_135 : vector<1x16xf32> to vector<16xf32>
      %swap3A_137 = vector.shape_cast %broadcast_in_dim3A_132 : vector<16xf32> to vector<1x16xf32>
      tpu.vector_store %arg12[%swap3A_133, %swap3A_134], %swap3A_137 {strides = array<i32>} : memref<128x128xf32, #tpu.memory_space<vmem>>, vector<1x16xf32>,
      %broadcast_in_dim3A_138 = arith.constant 0.000000e+00 : f32
      %broadcast_in_dim3A_139 = vector.broadcast %broadcast_in_dim3A_138 : f32 to vector<16xf32>
      %swap3A_140 = arith.index_cast %scan3A_89 : i32 to index
      %swap3A_141 = arith.constant 112 : index
      %swap3A_142 = tpu.vector_load %arg12[%swap3A_140, %swap3A_141] {strides = array<i32>} : memref<128x128xf32, #tpu.memory_space<vmem>>, vector<1x16xf32>,
      %swap3A_143 = vector.shape_cast %swap3A_142 : vector<1x16xf32> to vector<16xf32>
      %swap3A_144 = vector.shape_cast %broadcast_in_dim3A_139 : vector<16xf32> to vector<1x16xf32>
      tpu.vector_store %arg12[%swap3A_140, %swap3A_141], %swap3A_144 {strides = array<i32>} : memref<128x128xf32, #tpu.memory_space<vmem>>, vector<1x16xf32>,
      %scan3A_145 = arith.constant 0 : i32
      scf.yield %scan3A_145 : i32
    }
    %scan3A_6 = arith.constant 128 : i32
    %mul3A_7 = arith.constant 5 : i32
    %mul3A_8 = arith.muli %arg1, %mul3A_7 : i32
    %add3A_9 = arith.constant 0 : i32
    %add3A_10 = arith.addi %mul3A_8, %add3A_9 : i32
    %mul3A_11 = arith.constant 128 : i32
    %mul3A_12 = arith.muli %add3A_10, %mul3A_11 : i32
    "tpu.region"() ({
      %run_scoped3A = tpu.sem_alloc : memref<!tpu.dma_semaphore, #tpu.memory_space<semaphore_mem>>
      %dma_start3A = arith.constant 0 : i32
      %dma_start3A_89 = tpu.memref_slice %arg13[%mul3A_12, %dma_start3A] : memref<10240x128xf32, #tpu.memory_space<vmem_shared>> -> memref<128x128xf32, #tpu.memory_space<vmem_shared>>
      %dma_start3A_90 = arith.constant 0 : i32
      %dma_start3A_91 = tpu.memref_slice %arg13[%mul3A_12, %dma_start3A_90] : memref<10240x128xf32, #tpu.memory_space<vmem_shared>> -> memref<128x128xf32, #tpu.memory_space<vmem_shared>>
      tpu.enqueue_dma source(%arg12 : memref<128x128xf32, #tpu.memory_space<vmem>>) target(%dma_start3A_91 : memref<128x128xf32, #tpu.memory_space<vmem_shared>>) target_semaphore(%run_scoped3A : memref<!tpu.dma_semaphore, #tpu.memory_space<semaphore_mem>>)
      %dma_wait3A = arith.constant 0 : i32
      %dma_wait3A_92 = tpu.memref_slice %arg13[%mul3A_12, %dma_wait3A] : memref<10240x128xf32, #tpu.memory_space<vmem_shared>> -> memref<128x128xf32, #tpu.memory_space<vmem_shared>>
      %dma_wait3A_93 = arith.constant 0 : i32
      %dma_wait3A_94 = tpu.memref_slice %arg13[%mul3A_12, %dma_wait3A_93] : memref<10240x128xf32, #tpu.memory_space<vmem_shared>> -> memref<128x128xf32, #tpu.memory_space<vmem_shared>>
      tpu.wait_dma2 semaphore(%run_scoped3A : memref<!tpu.dma_semaphore, #tpu.memory_space<semaphore_mem>>) src(%arg12 : memref<128x128xf32, #tpu.memory_space<vmem>>) dst(%dma_wait3A_94 : memref<128x128xf32, #tpu.memory_space<vmem_shared>>)
      tpu.yield
    }) : () -> ()
    %mul3A_13 = arith.constant 5 : i32
    %mul3A_14 = arith.muli %arg1, %mul3A_13 : i32
    %add3A_15 = arith.constant 0 : i32
    %add3A_16 = arith.addi %mul3A_14, %add3A_15 : i32
    %mul3A_17 = arith.constant 128 : i32
    %mul3A_18 = arith.muli %add3A_16, %mul3A_17 : i32
    "tpu.region"() ({
      %run_scoped3A = tpu.sem_alloc : memref<!tpu.dma_semaphore, #tpu.memory_space<semaphore_mem>>
      %dma_start3A = arith.constant 0 : i32
      %dma_start3A_89 = arith.constant 0 : i32
      %dma_start3A_90 = tpu.memref_slice %arg12[%dma_start3A, %dma_start3A_89] : memref<128x128xf32, #tpu.memory_space<vmem>> -> memref<128x16xf32, #tpu.memory_space<vmem>>
      %dma_start3A_91 = arith.constant 0 : i32
      %dma_start3A_92 = tpu.memref_slice %arg14[%mul3A_18, %dma_start3A_91] : memref<10240x16xf32, #tpu.memory_space<vmem_shared>> -> memref<128x16xf32, #tpu.memory_space<vmem_shared>>
      %dma_start3A_93 = arith.constant 0 : i32
      %dma_start3A_94 = tpu.memref_slice %arg14[%mul3A_18, %dma_start3A_93] : memref<10240x16xf32, #tpu.memory_space<vmem_shared>> -> memref<128x16xf32, #tpu.memory_space<vmem_shared>>
      %dma_start3A_95 = arith.constant 0 : i32
      %dma_start3A_96 = arith.constant 0 : i32
      %dma_start3A_97 = tpu.memref_slice %arg12[%dma_start3A_95, %dma_start3A_96] : memref<128x128xf32, #tpu.memory_space<vmem>> -> memref<128x16xf32, #tpu.memory_space<vmem>>
      tpu.enqueue_dma source(%dma_start3A_97 : memref<128x16xf32, #tpu.memory_space<vmem>>) target(%dma_start3A_94 : memref<128x16xf32, #tpu.memory_space<vmem_shared>>) target_semaphore(%run_scoped3A : memref<!tpu.dma_semaphore, #tpu.memory_space<semaphore_mem>>)
      %dma_wait3A = arith.constant 0 : i32
      %dma_wait3A_98 = arith.constant 0 : i32
      %dma_wait3A_99 = tpu.memref_slice %arg12[%dma_wait3A, %dma_wait3A_98] : memref<128x128xf32, #tpu.memory_space<vmem>> -> memref<128x16xf32, #tpu.memory_space<vmem>>
      %dma_wait3A_100 = arith.constant 0 : i32
      %dma_wait3A_101 = tpu.memref_slice %arg14[%mul3A_18, %dma_wait3A_100] : memref<10240x16xf32, #tpu.memory_space<vmem_shared>> -> memref<128x16xf32, #tpu.memory_space<vmem_shared>>
      %dma_wait3A_102 = arith.constant 0 : i32
      %dma_wait3A_103 = tpu.memref_slice %arg14[%mul3A_18, %dma_wait3A_102] : memref<10240x16xf32, #tpu.memory_space<vmem_shared>> -> memref<128x16xf32, #tpu.memory_space<vmem_shared>>
      %dma_wait3A_104 = arith.constant 0 : i32
      %dma_wait3A_105 = arith.constant 0 : i32
      %dma_wait3A_106 = tpu.memref_slice %arg12[%dma_wait3A_104, %dma_wait3A_105] : memref<128x128xf32, #tpu.memory_space<vmem>> -> memref<128x16xf32, #tpu.memory_space<vmem>>
      tpu.wait_dma2 semaphore(%run_scoped3A : memref<!tpu.dma_semaphore, #tpu.memory_space<semaphore_mem>>) src(%dma_wait3A_106 : memref<128x16xf32, #tpu.memory_space<vmem>>) dst(%dma_wait3A_103 : memref<128x16xf32, #tpu.memory_space<vmem_shared>>)
      tpu.yield
    }) : () -> ()
    %mul3A_19 = arith.constant 5 : i32
    %mul3A_20 = arith.muli %arg1, %mul3A_19 : i32
    %add3A_21 = arith.constant 1 : i32
    %add3A_22 = arith.addi %mul3A_20, %add3A_21 : i32
    %mul3A_23 = arith.constant 128 : i32
    %mul3A_24 = arith.muli %add3A_22, %mul3A_23 : i32
    "tpu.region"() ({
      %run_scoped3A = tpu.sem_alloc : memref<!tpu.dma_semaphore, #tpu.memory_space<semaphore_mem>>
      %dma_start3A = arith.constant 0 : i32
      %dma_start3A_89 = tpu.memref_slice %arg13[%mul3A_24, %dma_start3A] : memref<10240x128xf32, #tpu.memory_space<vmem_shared>> -> memref<128x128xf32, #tpu.memory_space<vmem_shared>>
      %dma_start3A_90 = arith.constant 0 : i32
      %dma_start3A_91 = tpu.memref_slice %arg13[%mul3A_24, %dma_start3A_90] : memref<10240x128xf32, #tpu.memory_space<vmem_shared>> -> memref<128x128xf32, #tpu.memory_space<vmem_shared>>
      tpu.enqueue_dma source(%arg12 : memref<128x128xf32, #tpu.memory_space<vmem>>) target(%dma_start3A_91 : memref<128x128xf32, #tpu.memory_space<vmem_shared>>) target_semaphore(%run_scoped3A : memref<!tpu.dma_semaphore, #tpu.memory_space<semaphore_mem>>)
      %dma_wait3A = arith.constant 0 : i32
      %dma_wait3A_92 = tpu.memref_slice %arg13[%mul3A_24, %dma_wait3A] : memref<10240x128xf32, #tpu.memory_space<vmem_shared>> -> memref<128x128xf32, #tpu.memory_space<vmem_shared>>
      %dma_wait3A_93 = arith.constant 0 : i32
      %dma_wait3A_94 = tpu.memref_slice %arg13[%mul3A_24, %dma_wait3A_93] : memref<10240x128xf32, #tpu.memory_space<vmem_shared>> -> memref<128x128xf32, #tpu.memory_space<vmem_shared>>
      tpu.wait_dma2 semaphore(%run_scoped3A : memref<!tpu.dma_semaphore, #tpu.memory_space<semaphore_mem>>) src(%arg12 : memref<128x128xf32, #tpu.memory_space<vmem>>) dst(%dma_wait3A_94 : memref<128x128xf32, #tpu.memory_space<vmem_shared>>)
      tpu.yield
    }) : () -> ()
    %mul3A_25 = arith.constant 5 : i32
    %mul3A_26 = arith.muli %arg1, %mul3A_25 : i32
    %add3A_27 = arith.constant 1 : i32
    %add3A_28 = arith.addi %mul3A_26, %add3A_27 : i32
    %mul3A_29 = arith.constant 128 : i32
    %mul3A_30 = arith.muli %add3A_28, %mul3A_29 : i32
    "tpu.region"() ({
      %run_scoped3A = tpu.sem_alloc : memref<!tpu.dma_semaphore, #tpu.memory_space<semaphore_mem>>
      %dma_start3A = arith.constant 0 : i32
      %dma_start3A_89 = arith.constant 0 : i32
      %dma_start3A_90 = tpu.memref_slice %arg12[%dma_start3A, %dma_start3A_89] : memref<128x128xf32, #tpu.memory_space<vmem>> -> memref<128x16xf32, #tpu.memory_space<vmem>>
      %dma_start3A_91 = arith.constant 0 : i32
      %dma_start3A_92 = tpu.memref_slice %arg14[%mul3A_30, %dma_start3A_91] : memref<10240x16xf32, #tpu.memory_space<vmem_shared>> -> memref<128x16xf32, #tpu.memory_space<vmem_shared>>
      %dma_start3A_93 = arith.constant 0 : i32
      %dma_start3A_94 = tpu.memref_slice %arg14[%mul3A_30, %dma_start3A_93] : memref<10240x16xf32, #tpu.memory_space<vmem_shared>> -> memref<128x16xf32, #tpu.memory_space<vmem_shared>>
      %dma_start3A_95 = arith.constant 0 : i32
      %dma_start3A_96 = arith.constant 0 : i32
      %dma_start3A_97 = tpu.memref_slice %arg12[%dma_start3A_95, %dma_start3A_96] : memref<128x128xf32, #tpu.memory_space<vmem>> -> memref<128x16xf32, #tpu.memory_space<vmem>>
      tpu.enqueue_dma source(%dma_start3A_97 : memref<128x16xf32, #tpu.memory_space<vmem>>) target(%dma_start3A_94 : memref<128x16xf32, #tpu.memory_space<vmem_shared>>) target_semaphore(%run_scoped3A : memref<!tpu.dma_semaphore, #tpu.memory_space<semaphore_mem>>)
      %dma_wait3A = arith.constant 0 : i32
      %dma_wait3A_98 = arith.constant 0 : i32
      %dma_wait3A_99 = tpu.memref_slice %arg12[%dma_wait3A, %dma_wait3A_98] : memref<128x128xf32, #tpu.memory_space<vmem>> -> memref<128x16xf32, #tpu.memory_space<vmem>>
      %dma_wait3A_100 = arith.constant 0 : i32
      %dma_wait3A_101 = tpu.memref_slice %arg14[%mul3A_30, %dma_wait3A_100] : memref<10240x16xf32, #tpu.memory_space<vmem_shared>> -> memref<128x16xf32, #tpu.memory_space<vmem_shared>>
      %dma_wait3A_102 = arith.constant 0 : i32
      %dma_wait3A_103 = tpu.memref_slice %arg14[%mul3A_30, %dma_wait3A_102] : memref<10240x16xf32, #tpu.memory_space<vmem_shared>> -> memref<128x16xf32, #tpu.memory_space<vmem_shared>>
      %dma_wait3A_104 = arith.constant 0 : i32
      %dma_wait3A_105 = arith.constant 0 : i32
      %dma_wait3A_106 = tpu.memref_slice %arg12[%dma_wait3A_104, %dma_wait3A_105] : memref<128x128xf32, #tpu.memory_space<vmem>> -> memref<128x16xf32, #tpu.memory_space<vmem>>
      tpu.wait_dma2 semaphore(%run_scoped3A : memref<!tpu.dma_semaphore, #tpu.memory_space<semaphore_mem>>) src(%dma_wait3A_106 : memref<128x16xf32, #tpu.memory_space<vmem>>) dst(%dma_wait3A_103 : memref<128x16xf32, #tpu.memory_space<vmem_shared>>)
      tpu.yield
    }) : () -> ()
    %mul3A_31 = arith.constant 5 : i32
    %mul3A_32 = arith.muli %arg1, %mul3A_31 : i32
    %add3A_33 = arith.constant 2 : i32
    %add3A_34 = arith.addi %mul3A_32, %add3A_33 : i32
    %mul3A_35 = arith.constant 128 : i32
    %mul3A_36 = arith.muli %add3A_34, %mul3A_35 : i32
    "tpu.region"() ({
      %run_scoped3A = tpu.sem_alloc : memref<!tpu.dma_semaphore, #tpu.memory_space<semaphore_mem>>
      %dma_start3A = arith.constant 0 : i32
      %dma_start3A_89 = tpu.memref_slice %arg13[%mul3A_36, %dma_start3A] : memref<10240x128xf32, #tpu.memory_space<vmem_shared>> -> memref<128x128xf32, #tpu.memory_space<vmem_shared>>
      %dma_start3A_90 = arith.constant 0 : i32
      %dma_start3A_91 = tpu.memref_slice %arg13[%mul3A_36, %dma_start3A_90] : memref<10240x128xf32, #tpu.memory_space<vmem_shared>> -> memref<128x128xf32, #tpu.memory_space<vmem_shared>>
      tpu.enqueue_dma source(%arg12 : memref<128x128xf32, #tpu.memory_space<vmem>>) target(%dma_start3A_91 : memref<128x128xf32, #tpu.memory_space<vmem_shared>>) target_semaphore(%run_scoped3A : memref<!tpu.dma_semaphore, #tpu.memory_space<semaphore_mem>>)
      %dma_wait3A = arith.constant 0 : i32
      %dma_wait3A_92 = tpu.memref_slice %arg13[%mul3A_36, %dma_wait3A] : memref<10240x128xf32, #tpu.memory_space<vmem_shared>> -> memref<128x128xf32, #tpu.memory_space<vmem_shared>>
      %dma_wait3A_93 = arith.constant 0 : i32
      %dma_wait3A_94 = tpu.memref_slice %arg13[%mul3A_36, %dma_wait3A_93] : memref<10240x128xf32, #tpu.memory_space<vmem_shared>> -> memref<128x128xf32, #tpu.memory_space<vmem_shared>>
      tpu.wait_dma2 semaphore(%run_scoped3A : memref<!tpu.dma_semaphore, #tpu.memory_space<semaphore_mem>>) src(%arg12 : memref<128x128xf32, #tpu.memory_space<vmem>>) dst(%dma_wait3A_94 : memref<128x128xf32, #tpu.memory_space<vmem_shared>>)
      tpu.yield
    }) : () -> ()
    %mul3A_37 = arith.constant 5 : i32
    %mul3A_38 = arith.muli %arg1, %mul3A_37 : i32
    %add3A_39 = arith.constant 2 : i32
    %add3A_40 = arith.addi %mul3A_38, %add3A_39 : i32
    %mul3A_41 = arith.constant 128 : i32
    %mul3A_42 = arith.muli %add3A_40, %mul3A_41 : i32
    "tpu.region"() ({
      %run_scoped3A = tpu.sem_alloc : memref<!tpu.dma_semaphore, #tpu.memory_space<semaphore_mem>>
      %dma_start3A = arith.constant 0 : i32
      %dma_start3A_89 = arith.constant 0 : i32
      %dma_start3A_90 = tpu.memref_slice %arg12[%dma_start3A, %dma_start3A_89] : memref<128x128xf32, #tpu.memory_space<vmem>> -> memref<128x16xf32, #tpu.memory_space<vmem>>
      %dma_start3A_91 = arith.constant 0 : i32
      %dma_start3A_92 = tpu.memref_slice %arg14[%mul3A_42, %dma_start3A_91] : memref<10240x16xf32, #tpu.memory_space<vmem_shared>> -> memref<128x16xf32, #tpu.memory_space<vmem_shared>>
      %dma_start3A_93 = arith.constant 0 : i32
      %dma_start3A_94 = tpu.memref_slice %arg14[%mul3A_42, %dma_start3A_93] : memref<10240x16xf32, #tpu.memory_space<vmem_shared>> -> memref<128x16xf32, #tpu.memory_space<vmem_shared>>
      %dma_start3A_95 = arith.constant 0 : i32
      %dma_start3A_96 = arith.constant 0 : i32
      %dma_start3A_97 = tpu.memref_slice %arg12[%dma_start3A_95, %dma_start3A_96] : memref<128x128xf32, #tpu.memory_space<vmem>> -> memref<128x16xf32, #tpu.memory_space<vmem>>
      tpu.enqueue_dma source(%dma_start3A_97 : memref<128x16xf32, #tpu.memory_space<vmem>>) target(%dma_start3A_94 : memref<128x16xf32, #tpu.memory_space<vmem_shared>>) target_semaphore(%run_scoped3A : memref<!tpu.dma_semaphore, #tpu.memory_space<semaphore_mem>>)
      %dma_wait3A = arith.constant 0 : i32
      %dma_wait3A_98 = arith.constant 0 : i32
      %dma_wait3A_99 = tpu.memref_slice %arg12[%dma_wait3A, %dma_wait3A_98] : memref<128x128xf32, #tpu.memory_space<vmem>> -> memref<128x16xf32, #tpu.memory_space<vmem>>
      %dma_wait3A_100 = arith.constant 0 : i32
      %dma_wait3A_101 = tpu.memref_slice %arg14[%mul3A_42, %dma_wait3A_100] : memref<10240x16xf32, #tpu.memory_space<vmem_shared>> -> memref<128x16xf32, #tpu.memory_space<vmem_shared>>
      %dma_wait3A_102 = arith.constant 0 : i32
      %dma_wait3A_103 = tpu.memref_slice %arg14[%mul3A_42, %dma_wait3A_102] : memref<10240x16xf32, #tpu.memory_space<vmem_shared>> -> memref<128x16xf32, #tpu.memory_space<vmem_shared>>
      %dma_wait3A_104 = arith.constant 0 : i32
      %dma_wait3A_105 = arith.constant 0 : i32
      %dma_wait3A_106 = tpu.memref_slice %arg12[%dma_wait3A_104, %dma_wait3A_105] : memref<128x128xf32, #tpu.memory_space<vmem>> -> memref<128x16xf32, #tpu.memory_space<vmem>>
      tpu.wait_dma2 semaphore(%run_scoped3A : memref<!tpu.dma_semaphore, #tpu.memory_space<semaphore_mem>>) src(%dma_wait3A_106 : memref<128x16xf32, #tpu.memory_space<vmem>>) dst(%dma_wait3A_103 : memref<128x16xf32, #tpu.memory_space<vmem_shared>>)
      tpu.yield
    }) : () -> ()
    %mul3A_43 = arith.constant 5 : i32
    %mul3A_44 = arith.muli %arg1, %mul3A_43 : i32
    %add3A_45 = arith.constant 3 : i32
    %add3A_46 = arith.addi %mul3A_44, %add3A_45 : i32
    %mul3A_47 = arith.constant 128 : i32
    %mul3A_48 = arith.muli %add3A_46, %mul3A_47 : i32
    "tpu.region"() ({
      %run_scoped3A = tpu.sem_alloc : memref<!tpu.dma_semaphore, #tpu.memory_space<semaphore_mem>>
      %dma_start3A = arith.constant 0 : i32
      %dma_start3A_89 = tpu.memref_slice %arg13[%mul3A_48, %dma_start3A] : memref<10240x128xf32, #tpu.memory_space<vmem_shared>> -> memref<128x128xf32, #tpu.memory_space<vmem_shared>>
      %dma_start3A_90 = arith.constant 0 : i32
      %dma_start3A_91 = tpu.memref_slice %arg13[%mul3A_48, %dma_start3A_90] : memref<10240x128xf32, #tpu.memory_space<vmem_shared>> -> memref<128x128xf32, #tpu.memory_space<vmem_shared>>
      tpu.enqueue_dma source(%arg12 : memref<128x128xf32, #tpu.memory_space<vmem>>) target(%dma_start3A_91 : memref<128x128xf32, #tpu.memory_space<vmem_shared>>) target_semaphore(%run_scoped3A : memref<!tpu.dma_semaphore, #tpu.memory_space<semaphore_mem>>)
      %dma_wait3A = arith.constant 0 : i32
      %dma_wait3A_92 = tpu.memref_slice %arg13[%mul3A_48, %dma_wait3A] : memref<10240x128xf32, #tpu.memory_space<vmem_shared>> -> memref<128x128xf32, #tpu.memory_space<vmem_shared>>
      %dma_wait3A_93 = arith.constant 0 : i32
      %dma_wait3A_94 = tpu.memref_slice %arg13[%mul3A_48, %dma_wait3A_93] : memref<10240x128xf32, #tpu.memory_space<vmem_shared>> -> memref<128x128xf32, #tpu.memory_space<vmem_shared>>
      tpu.wait_dma2 semaphore(%run_scoped3A : memref<!tpu.dma_semaphore, #tpu.memory_space<semaphore_mem>>) src(%arg12 : memref<128x128xf32, #tpu.memory_space<vmem>>) dst(%dma_wait3A_94 : memref<128x128xf32, #tpu.memory_space<vmem_shared>>)
      tpu.yield
    }) : () -> ()
    %mul3A_49 = arith.constant 5 : i32
    %mul3A_50 = arith.muli %arg1, %mul3A_49 : i32
    %add3A_51 = arith.constant 3 : i32
    %add3A_52 = arith.addi %mul3A_50, %add3A_51 : i32
    %mul3A_53 = arith.constant 128 : i32
    %mul3A_54 = arith.muli %add3A_52, %mul3A_53 : i32
    "tpu.region"() ({
      %run_scoped3A = tpu.sem_alloc : memref<!tpu.dma_semaphore, #tpu.memory_space<semaphore_mem>>
      %dma_start3A = arith.constant 0 : i32
      %dma_start3A_89 = arith.constant 0 : i32
      %dma_start3A_90 = tpu.memref_slice %arg12[%dma_start3A, %dma_start3A_89] : memref<128x128xf32, #tpu.memory_space<vmem>> -> memref<128x16xf32, #tpu.memory_space<vmem>>
      %dma_start3A_91 = arith.constant 0 : i32
      %dma_start3A_92 = tpu.memref_slice %arg14[%mul3A_54, %dma_start3A_91] : memref<10240x16xf32, #tpu.memory_space<vmem_shared>> -> memref<128x16xf32, #tpu.memory_space<vmem_shared>>
      %dma_start3A_93 = arith.constant 0 : i32
      %dma_start3A_94 = tpu.memref_slice %arg14[%mul3A_54, %dma_start3A_93] : memref<10240x16xf32, #tpu.memory_space<vmem_shared>> -> memref<128x16xf32, #tpu.memory_space<vmem_shared>>
      %dma_start3A_95 = arith.constant 0 : i32
      %dma_start3A_96 = arith.constant 0 : i32
      %dma_start3A_97 = tpu.memref_slice %arg12[%dma_start3A_95, %dma_start3A_96] : memref<128x128xf32, #tpu.memory_space<vmem>> -> memref<128x16xf32, #tpu.memory_space<vmem>>
      tpu.enqueue_dma source(%dma_start3A_97 : memref<128x16xf32, #tpu.memory_space<vmem>>) target(%dma_start3A_94 : memref<128x16xf32, #tpu.memory_space<vmem_shared>>) target_semaphore(%run_scoped3A : memref<!tpu.dma_semaphore, #tpu.memory_space<semaphore_mem>>)
      %dma_wait3A = arith.constant 0 : i32
      %dma_wait3A_98 = arith.constant 0 : i32
      %dma_wait3A_99 = tpu.memref_slice %arg12[%dma_wait3A, %dma_wait3A_98] : memref<128x128xf32, #tpu.memory_space<vmem>> -> memref<128x16xf32, #tpu.memory_space<vmem>>
      %dma_wait3A_100 = arith.constant 0 : i32
      %dma_wait3A_101 = tpu.memref_slice %arg14[%mul3A_54, %dma_wait3A_100] : memref<10240x16xf32, #tpu.memory_space<vmem_shared>> -> memref<128x16xf32, #tpu.memory_space<vmem_shared>>
      %dma_wait3A_102 = arith.constant 0 : i32
      %dma_wait3A_103 = tpu.memref_slice %arg14[%mul3A_54, %dma_wait3A_102] : memref<10240x16xf32, #tpu.memory_space<vmem_shared>> -> memref<128x16xf32, #tpu.memory_space<vmem_shared>>
      %dma_wait3A_104 = arith.constant 0 : i32
      %dma_wait3A_105 = arith.constant 0 : i32
      %dma_wait3A_106 = tpu.memref_slice %arg12[%dma_wait3A_104, %dma_wait3A_105] : memref<128x128xf32, #tpu.memory_space<vmem>> -> memref<128x16xf32, #tpu.memory_space<vmem>>
      tpu.wait_dma2 semaphore(%run_scoped3A : memref<!tpu.dma_semaphore, #tpu.memory_space<semaphore_mem>>) src(%dma_wait3A_106 : memref<128x16xf32, #tpu.memory_space<vmem>>) dst(%dma_wait3A_103 : memref<128x16xf32, #tpu.memory_space<vmem_shared>>)
      tpu.yield
    }) : () -> ()
    %mul3A_55 = arith.constant 5 : i32
    %mul3A_56 = arith.muli %arg1, %mul3A_55 : i32
    %add3A_57 = arith.constant 4 : i32
    %add3A_58 = arith.addi %mul3A_56, %add3A_57 : i32
    %mul3A_59 = arith.constant 128 : i32
    %mul3A_60 = arith.muli %add3A_58, %mul3A_59 : i32
    "tpu.region"() ({
      %run_scoped3A = tpu.sem_alloc : memref<!tpu.dma_semaphore, #tpu.memory_space<semaphore_mem>>
      %dma_start3A = arith.constant 0 : i32
      %dma_start3A_89 = tpu.memref_slice %arg13[%mul3A_60, %dma_start3A] : memref<10240x128xf32, #tpu.memory_space<vmem_shared>> -> memref<128x128xf32, #tpu.memory_space<vmem_shared>>
      %dma_start3A_90 = arith.constant 0 : i32
      %dma_start3A_91 = tpu.memref_slice %arg13[%mul3A_60, %dma_start3A_90] : memref<10240x128xf32, #tpu.memory_space<vmem_shared>> -> memref<128x128xf32, #tpu.memory_space<vmem_shared>>
      tpu.enqueue_dma source(%arg12 : memref<128x128xf32, #tpu.memory_space<vmem>>) target(%dma_start3A_91 : memref<128x128xf32, #tpu.memory_space<vmem_shared>>) target_semaphore(%run_scoped3A : memref<!tpu.dma_semaphore, #tpu.memory_space<semaphore_mem>>)
      %dma_wait3A = arith.constant 0 : i32
      %dma_wait3A_92 = tpu.memref_slice %arg13[%mul3A_60, %dma_wait3A] : memref<10240x128xf32, #tpu.memory_space<vmem_shared>> -> memref<128x128xf32, #tpu.memory_space<vmem_shared>>
      %dma_wait3A_93 = arith.constant 0 : i32
      %dma_wait3A_94 = tpu.memref_slice %arg13[%mul3A_60, %dma_wait3A_93] : memref<10240x128xf32, #tpu.memory_space<vmem_shared>> -> memref<128x128xf32, #tpu.memory_space<vmem_shared>>
      tpu.wait_dma2 semaphore(%run_scoped3A : memref<!tpu.dma_semaphore, #tpu.memory_space<semaphore_mem>>) src(%arg12 : memref<128x128xf32, #tpu.memory_space<vmem>>) dst(%dma_wait3A_94 : memref<128x128xf32, #tpu.memory_space<vmem_shared>>)
      tpu.yield
    }) : () -> ()
    %mul3A_61 = arith.constant 5 : i32
    %mul3A_62 = arith.muli %arg1, %mul3A_61 : i32
    %add3A_63 = arith.constant 4 : i32
    %add3A_64 = arith.addi %mul3A_62, %add3A_63 : i32
    %mul3A_65 = arith.constant 128 : i32
    %mul3A_66 = arith.muli %add3A_64, %mul3A_65 : i32
    "tpu.region"() ({
      %run_scoped3A = tpu.sem_alloc : memref<!tpu.dma_semaphore, #tpu.memory_space<semaphore_mem>>
      %dma_start3A = arith.constant 0 : i32
      %dma_start3A_89 = arith.constant 0 : i32
      %dma_start3A_90 = tpu.memref_slice %arg12[%dma_start3A, %dma_start3A_89] : memref<128x128xf32, #tpu.memory_space<vmem>> -> memref<128x16xf32, #tpu.memory_space<vmem>>
      %dma_start3A_91 = arith.constant 0 : i32
      %dma_start3A_92 = tpu.memref_slice %arg14[%mul3A_66, %dma_start3A_91] : memref<10240x16xf32, #tpu.memory_space<vmem_shared>> -> memref<128x16xf32, #tpu.memory_space<vmem_shared>>
      %dma_start3A_93 = arith.constant 0 : i32
      %dma_start3A_94 = tpu.memref_slice %arg14[%mul3A_66, %dma_start3A_93] : memref<10240x16xf32, #tpu.memory_space<vmem_shared>> -> memref<128x16xf32, #tpu.memory_space<vmem_shared>>
      %dma_start3A_95 = arith.constant 0 : i32
      %dma_start3A_96 = arith.constant 0 : i32
      %dma_start3A_97 = tpu.memref_slice %arg12[%dma_start3A_95, %dma_start3A_96] : memref<128x128xf32, #tpu.memory_space<vmem>> -> memref<128x16xf32, #tpu.memory_space<vmem>>
      tpu.enqueue_dma source(%dma_start3A_97 : memref<128x16xf32, #tpu.memory_space<vmem>>) target(%dma_start3A_94 : memref<128x16xf32, #tpu.memory_space<vmem_shared>>) target_semaphore(%run_scoped3A : memref<!tpu.dma_semaphore, #tpu.memory_space<semaphore_mem>>)
      %dma_wait3A = arith.constant 0 : i32
      %dma_wait3A_98 = arith.constant 0 : i32
      %dma_wait3A_99 = tpu.memref_slice %arg12[%dma_wait3A, %dma_wait3A_98] : memref<128x128xf32, #tpu.memory_space<vmem>> -> memref<128x16xf32, #tpu.memory_space<vmem>>
      %dma_wait3A_100 = arith.constant 0 : i32
      %dma_wait3A_101 = tpu.memref_slice %arg14[%mul3A_66, %dma_wait3A_100] : memref<10240x16xf32, #tpu.memory_space<vmem_shared>> -> memref<128x16xf32, #tpu.memory_space<vmem_shared>>
      %dma_wait3A_102 = arith.constant 0 : i32
      %dma_wait3A_103 = tpu.memref_slice %arg14[%mul3A_66, %dma_wait3A_102] : memref<10240x16xf32, #tpu.memory_space<vmem_shared>> -> memref<128x16xf32, #tpu.memory_space<vmem_shared>>
      %dma_wait3A_104 = arith.constant 0 : i32
      %dma_wait3A_105 = arith.constant 0 : i32
      %dma_wait3A_106 = tpu.memref_slice %arg12[%dma_wait3A_104, %dma_wait3A_105] : memref<128x128xf32, #tpu.memory_space<vmem>> -> memref<128x16xf32, #tpu.memory_space<vmem>>
      tpu.wait_dma2 semaphore(%run_scoped3A : memref<!tpu.dma_semaphore, #tpu.memory_space<semaphore_mem>>) src(%dma_wait3A_106 : memref<128x16xf32, #tpu.memory_space<vmem>>) dst(%dma_wait3A_103 : memref<128x16xf32, #tpu.memory_space<vmem_shared>>)
      tpu.yield
    }) : () -> ()
    %barrier3A = arith.constant 0 : index
    tpu.barrier barrier_id(%barrier3A)
    %scan3A_67 = arith.constant 0 : i32
    %scan3A_68 = arith.constant 0 : i32
    %scan3A_69 = arith.constant 40 : i32
    %scan3A_70 = arith.addi %scan3A_68, %scan3A_69 : i32
    %scan3A_71 = arith.constant 1 : i32
    %scan3A_72 = scf.for %scan3A_89 = %scan3A_68 to %scan3A_70 step %scan3A_71 iter_args(%scan3A_90 = %scan3A_67) -> (i32)  : i32 {
      %mul3A_91 = arith.constant 32 : i32
      %mul3A_92 = arith.muli %scan3A_89, %mul3A_91 : i32
      %add3A_93 = arith.addi %mul3A_92, %add3A : i32
      %lt3A = arith.constant 1250 : i32
      %lt3A_94 = arith.cmpi slt, %add3A_93, %lt3A : i32
      %convert_element_type3A = arith.extui %lt3A_94 : i1 to i32
      %cond3A = arith.constant 0 : i32
      %cond3A_95 = arith.cmpi ne, %convert_element_type3A, %cond3A : i32
      scf.if %cond3A_95 {
        %mul3A_97 = arith.constant 128 : i32
        %mul3A_98 = arith.muli %add3A_93, %mul3A_97 : i32
        "tpu.region"() ({
          %run_scoped3A = tpu.sem_alloc : memref<!tpu.dma_semaphore, #tpu.memory_space<semaphore_mem>>
          %dma_start3A_110 = tpu.memref_slice %arg2[%mul3A_98] : memref<160000xi32, #tpu.memory_space<hbm>> -> memref<128xi32, #tpu.memory_space<hbm>>
          %dma_start3A_111 = tpu.memref_slice %arg2[%mul3A_98] : memref<160000xi32, #tpu.memory_space<hbm>> -> memref<128xi32, #tpu.memory_space<hbm>>
          tpu.enqueue_dma source(%dma_start3A_111 : memref<128xi32, #tpu.memory_space<hbm>>) target(%arg8 : memref<128xi32, #tpu.memory_space<vmem>>) target_semaphore(%run_scoped3A : memref<!tpu.dma_semaphore, #tpu.memory_space<semaphore_mem>>)
          %dma_wait3A_112 = tpu.memref_slice %arg2[%mul3A_98] : memref<160000xi32, #tpu.memory_space<hbm>> -> memref<128xi32, #tpu.memory_space<hbm>>
          %dma_wait3A_113 = tpu.memref_slice %arg2[%mul3A_98] : memref<160000xi32, #tpu.memory_space<hbm>> -> memref<128xi32, #tpu.memory_space<hbm>>
          tpu.wait_dma2 semaphore(%run_scoped3A : memref<!tpu.dma_semaphore, #tpu.memory_space<semaphore_mem>>) src(%dma_wait3A_113 : memref<128xi32, #tpu.memory_space<hbm>>) dst(%arg8 : memref<128xi32, #tpu.memory_space<vmem>>)
          tpu.yield
        }) : () -> ()
        "tpu.region"() ({
          %run_scoped3A = tpu.sem_alloc : memref<!tpu.dma_semaphore, #tpu.memory_space<semaphore_mem>>
          %dma_start3A_110 = tpu.memref_slice %arg3[%mul3A_98] : memref<160000xi32, #tpu.memory_space<hbm>> -> memref<128xi32, #tpu.memory_space<hbm>>
          %dma_start3A_111 = tpu.memref_slice %arg3[%mul3A_98] : memref<160000xi32, #tpu.memory_space<hbm>> -> memref<128xi32, #tpu.memory_space<hbm>>
          tpu.enqueue_dma source(%dma_start3A_111 : memref<128xi32, #tpu.memory_space<hbm>>) target(%arg9 : memref<128xi32, #tpu.memory_space<vmem>>) target_semaphore(%run_scoped3A : memref<!tpu.dma_semaphore, #tpu.memory_space<semaphore_mem>>)
          %dma_wait3A_112 = tpu.memref_slice %arg3[%mul3A_98] : memref<160000xi32, #tpu.memory_space<hbm>> -> memref<128xi32, #tpu.memory_space<hbm>>
          %dma_wait3A_113 = tpu.memref_slice %arg3[%mul3A_98] : memref<160000xi32, #tpu.memory_space<hbm>> -> memref<128xi32, #tpu.memory_space<hbm>>
          tpu.wait_dma2 semaphore(%run_scoped3A : memref<!tpu.dma_semaphore, #tpu.memory_space<semaphore_mem>>) src(%dma_wait3A_113 : memref<128xi32, #tpu.memory_space<hbm>>) dst(%arg9 : memref<128xi32, #tpu.memory_space<vmem>>)
          tpu.yield
        }) : () -> ()
        "tpu.region"() ({
          %run_scoped3A = tpu.sem_alloc : memref<!tpu.dma_semaphore, #tpu.memory_space<semaphore_mem>>
          %dma_start3A_110 = arith.constant 0 : i32
          %dma_start3A_111 = tpu.memref_slice %arg4[%mul3A_98, %dma_start3A_110] : memref<160000x16xf32, #tpu.memory_space<hbm>> -> memref<128x16xf32, #tpu.memory_space<hbm>>
          %dma_start3A_112 = arith.constant 0 : i32
          %dma_start3A_113 = tpu.memref_slice %arg4[%mul3A_98, %dma_start3A_112] : memref<160000x16xf32, #tpu.memory_space<hbm>> -> memref<128x16xf32, #tpu.memory_space<hbm>>
          tpu.enqueue_dma source(%dma_start3A_113 : memref<128x16xf32, #tpu.memory_space<hbm>>) target(%arg10 : memref<128x16xf32, #tpu.memory_space<vmem>>) target_semaphore(%run_scoped3A : memref<!tpu.dma_semaphore, #tpu.memory_space<semaphore_mem>>)
          %dma_wait3A_114 = arith.constant 0 : i32
          %dma_wait3A_115 = tpu.memref_slice %arg4[%mul3A_98, %dma_wait3A_114] : memref<160000x16xf32, #tpu.memory_space<hbm>> -> memref<128x16xf32, #tpu.memory_space<hbm>>
          %dma_wait3A_116 = arith.constant 0 : i32
          %dma_wait3A_117 = tpu.memref_slice %arg4[%mul3A_98, %dma_wait3A_116] : memref<160000x16xf32, #tpu.memory_space<hbm>> -> memref<128x16xf32, #tpu.memory_space<hbm>>
          tpu.wait_dma2 semaphore(%run_scoped3A : memref<!tpu.dma_semaphore, #tpu.memory_space<semaphore_mem>>) src(%dma_wait3A_117 : memref<128x16xf32, #tpu.memory_space<hbm>>) dst(%arg10 : memref<128x16xf32, #tpu.memory_space<vmem>>)
          tpu.yield
        }) : () -> ()
        %dma_start3A = arith.constant 0 : i32
        %dma_start3A_99 = arith.constant 0 : i32
        %dma_start3A_100 = tpu.memref_slice %arg5[%dma_start3A, %dma_start3A_99] : memref<10000x128xf32, #tpu.memory_space<hbm>> -> memref<10000x128xf32, #tpu.memory_space<hbm>>
        tpu.enqueue_indirect_dma source(%dma_start3A_100 : memref<10000x128xf32, #tpu.memory_space<hbm>>) target(%arg11 : memref<128x128xf32, #tpu.memory_space<vmem>>) offsets(%arg8 : memref<128xi32, #tpu.memory_space<vmem>>) semaphore(%arg15 : memref<!tpu.dma_semaphore, #tpu.memory_space<semaphore_mem>>)
        %dma_wait3A = arith.constant 0 : i32
        %dma_wait3A_101 = arith.constant 0 : i32
        %dma_wait3A_102 = tpu.memref_slice %arg5[%dma_wait3A, %dma_wait3A_101] : memref<10000x128xf32, #tpu.memory_space<hbm>> -> memref<10000x128xf32, #tpu.memory_space<hbm>>
        tpu.wait_indirect_dma semaphore(%arg15 : memref<!tpu.dma_semaphore, #tpu.memory_space<semaphore_mem>>) src(%dma_wait3A_102 : memref<10000x128xf32, #tpu.memory_space<hbm>>) dst(%arg11 : memref<128x128xf32, #tpu.memory_space<vmem>>)
        %scan3A_103 = arith.constant 0 : i32
        %scan3A_104 = arith.constant 0 : i32
        %scan3A_105 = arith.constant 128 : i32
        %scan3A_106 = arith.addi %scan3A_104, %scan3A_105 : i32
        %scan3A_107 = arith.constant 1 : i32
        %scan3A_108 = scf.for %scan3A_110 = %scan3A_104 to %scan3A_106 step %scan3A_107 iter_args(%scan3A_111 = %scan3A_103) -> (i32)  : i32 {
          %get3A = arith.index_cast %scan3A_110 : i32 to index
          %get3A_112 = arith.constant 0 : index
          %get3A_113 = tpu.vector_load %arg10[%get3A, %get3A_112] {strides = array<i32>} : memref<128x16xf32, #tpu.memory_space<vmem>>, vector<1x16xf32>,
          %get3A_114 = vector.shape_cast %get3A_113 : vector<1x16xf32> to vector<16xf32>
          %slice3A = vector.extract_strided_slice %get3A_114 {offsets = [0], sizes = [1], strides = [1]} : vector<16xf32> to vector<1xf32>
          %squeeze3A = vector.extract %slice3A[0] : f32 from vector<1xf32>
          %get3A_115 = arith.index_cast %scan3A_110 : i32 to index
          %get3A_116 = arith.constant 0 : index
          %get3A_117 = tpu.vector_load %arg11[%get3A_115, %get3A_116] {strides = array<i32>} : memref<128x128xf32, #tpu.memory_space<vmem>>, vector<1x16xf32>,
          %get3A_118 = vector.shape_cast %get3A_117 : vector<1x16xf32> to vector<16xf32>
          %mul3A_119 = vector.broadcast %squeeze3A : f32 to vector<16xf32>
          %mul3A_120 = arith.mulf %get3A_118, %mul3A_119 : vector<16xf32>
          %swap3A = arith.index_cast %scan3A_110 : i32 to index
          %swap3A_121 = arith.constant 0 : index
          %swap3A_122 = tpu.vector_load %arg11[%swap3A, %swap3A_121] {strides = array<i32>} : memref<128x128xf32, #tpu.memory_space<vmem>>, vector<1x16xf32>,
          %swap3A_123 = vector.shape_cast %swap3A_122 : vector<1x16xf32> to vector<16xf32>
          %swap3A_124 = vector.shape_cast %mul3A_120 : vector<16xf32> to vector<1x16xf32>
          tpu.vector_store %arg11[%swap3A, %swap3A_121], %swap3A_124 {strides = array<i32>} : memref<128x128xf32, #tpu.memory_space<vmem>>, vector<1x16xf32>,
          %get3A_125 = arith.index_cast %scan3A_110 : i32 to index
          %get3A_126 = arith.constant 16 : index
          %get3A_127 = tpu.vector_load %arg11[%get3A_125, %get3A_126] {strides = array<i32>} : memref<128x128xf32, #tpu.memory_space<vmem>>, vector<1x16xf32>,
          %get3A_128 = vector.shape_cast %get3A_127 : vector<1x16xf32> to vector<16xf32>
          %mul3A_129 = vector.broadcast %squeeze3A : f32 to vector<16xf32>
          %mul3A_130 = arith.mulf %get3A_128, %mul3A_129 : vector<16xf32>
          %swap3A_131 = arith.index_cast %scan3A_110 : i32 to index
          %swap3A_132 = arith.constant 16 : index
          %swap3A_133 = tpu.vector_load %arg11[%swap3A_131, %swap3A_132] {strides = array<i32>} : memref<128x128xf32, #tpu.memory_space<vmem>>, vector<1x16xf32>,
          %swap3A_134 = vector.shape_cast %swap3A_133 : vector<1x16xf32> to vector<16xf32>
          %swap3A_135 = vector.shape_cast %mul3A_130 : vector<16xf32> to vector<1x16xf32>
          tpu.vector_store %arg11[%swap3A_131, %swap3A_132], %swap3A_135 {strides = array<i32>} : memref<128x128xf32, #tpu.memory_space<vmem>>, vector<1x16xf32>,
          %get3A_136 = arith.index_cast %scan3A_110 : i32 to index
          %get3A_137 = arith.constant 32 : index
          %get3A_138 = tpu.vector_load %arg11[%get3A_136, %get3A_137] {strides = array<i32>} : memref<128x128xf32, #tpu.memory_space<vmem>>, vector<1x16xf32>,
          %get3A_139 = vector.shape_cast %get3A_138 : vector<1x16xf32> to vector<16xf32>
          %mul3A_140 = vector.broadcast %squeeze3A : f32 to vector<16xf32>
          %mul3A_141 = arith.mulf %get3A_139, %mul3A_140 : vector<16xf32>
          %swap3A_142 = arith.index_cast %scan3A_110 : i32 to index
          %swap3A_143 = arith.constant 32 : index
          %swap3A_144 = tpu.vector_load %arg11[%swap3A_142, %swap3A_143] {strides = array<i32>} : memref<128x128xf32, #tpu.memory_space<vmem>>, vector<1x16xf32>,
          %swap3A_145 = vector.shape_cast %swap3A_144 : vector<1x16xf32> to vector<16xf32>
          %swap3A_146 = vector.shape_cast %mul3A_141 : vector<16xf32> to vector<1x16xf32>
          tpu.vector_store %arg11[%swap3A_142, %swap3A_143], %swap3A_146 {strides = array<i32>} : memref<128x128xf32, #tpu.memory_space<vmem>>, vector<1x16xf32>,
          %get3A_147 = arith.index_cast %scan3A_110 : i32 to index
          %get3A_148 = arith.constant 48 : index
          %get3A_149 = tpu.vector_load %arg11[%get3A_147, %get3A_148] {strides = array<i32>} : memref<128x128xf32, #tpu.memory_space<vmem>>, vector<1x16xf32>,
          %get3A_150 = vector.shape_cast %get3A_149 : vector<1x16xf32> to vector<16xf32>
          %mul3A_151 = vector.broadcast %squeeze3A : f32 to vector<16xf32>
          %mul3A_152 = arith.mulf %get3A_150, %mul3A_151 : vector<16xf32>
          %swap3A_153 = arith.index_cast %scan3A_110 : i32 to index
          %swap3A_154 = arith.constant 48 : index
          %swap3A_155 = tpu.vector_load %arg11[%swap3A_153, %swap3A_154] {strides = array<i32>} : memref<128x128xf32, #tpu.memory_space<vmem>>, vector<1x16xf32>,
          %swap3A_156 = vector.shape_cast %swap3A_155 : vector<1x16xf32> to vector<16xf32>
          %swap3A_157 = vector.shape_cast %mul3A_152 : vector<16xf32> to vector<1x16xf32>
          tpu.vector_store %arg11[%swap3A_153, %swap3A_154], %swap3A_157 {strides = array<i32>} : memref<128x128xf32, #tpu.memory_space<vmem>>, vector<1x16xf32>,
          %slice3A_158 = vector.extract_strided_slice %get3A_114 {offsets = [1], sizes = [1], strides = [1]} : vector<16xf32> to vector<1xf32>
          %squeeze3A_159 = vector.extract %slice3A_158[0] : f32 from vector<1xf32>
          %get3A_160 = arith.index_cast %scan3A_110 : i32 to index
          %get3A_161 = arith.constant 64 : index
          %get3A_162 = tpu.vector_load %arg11[%get3A_160, %get3A_161] {strides = array<i32>} : memref<128x128xf32, #tpu.memory_space<vmem>>, vector<1x16xf32>,
          %get3A_163 = vector.shape_cast %get3A_162 : vector<1x16xf32> to vector<16xf32>
          %mul3A_164 = vector.broadcast %squeeze3A_159 : f32 to vector<16xf32>
          %mul3A_165 = arith.mulf %get3A_163, %mul3A_164 : vector<16xf32>
          %swap3A_166 = arith.index_cast %scan3A_110 : i32 to index
          %swap3A_167 = arith.constant 64 : index
          %swap3A_168 = tpu.vector_load %arg11[%swap3A_166, %swap3A_167] {strides = array<i32>} : memref<128x128xf32, #tpu.memory_space<vmem>>, vector<1x16xf32>,
          %swap3A_169 = vector.shape_cast %swap3A_168 : vector<1x16xf32> to vector<16xf32>
          %swap3A_170 = vector.shape_cast %mul3A_165 : vector<16xf32> to vector<1x16xf32>
          tpu.vector_store %arg11[%swap3A_166, %swap3A_167], %swap3A_170 {strides = array<i32>} : memref<128x128xf32, #tpu.memory_space<vmem>>, vector<1x16xf32>,
          %get3A_171 = arith.index_cast %scan3A_110 : i32 to index
          %get3A_172 = arith.constant 80 : index
          %get3A_173 = tpu.vector_load %arg11[%get3A_171, %get3A_172] {strides = array<i32>} : memref<128x128xf32, #tpu.memory_space<vmem>>, vector<1x16xf32>,
          %get3A_174 = vector.shape_cast %get3A_173 : vector<1x16xf32> to vector<16xf32>
          %mul3A_175 = vector.broadcast %squeeze3A_159 : f32 to vector<16xf32>
          %mul3A_176 = arith.mulf %get3A_174, %mul3A_175 : vector<16xf32>
          %swap3A_177 = arith.index_cast %scan3A_110 : i32 to index
          %swap3A_178 = arith.constant 80 : index
          %swap3A_179 = tpu.vector_load %arg11[%swap3A_177, %swap3A_178] {strides = array<i32>} : memref<128x128xf32, #tpu.memory_space<vmem>>, vector<1x16xf32>,
          %swap3A_180 = vector.shape_cast %swap3A_179 : vector<1x16xf32> to vector<16xf32>
          %swap3A_181 = vector.shape_cast %mul3A_176 : vector<16xf32> to vector<1x16xf32>
          tpu.vector_store %arg11[%swap3A_177, %swap3A_178], %swap3A_181 {strides = array<i32>} : memref<128x128xf32, #tpu.memory_space<vmem>>, vector<1x16xf32>,
          %get3A_182 = arith.index_cast %scan3A_110 : i32 to index
          %get3A_183 = arith.constant 96 : index
          %get3A_184 = tpu.vector_load %arg11[%get3A_182, %get3A_183] {strides = array<i32>} : memref<128x128xf32, #tpu.memory_space<vmem>>, vector<1x16xf32>,
          %get3A_185 = vector.shape_cast %get3A_184 : vector<1x16xf32> to vector<16xf32>
          %mul3A_186 = vector.broadcast %squeeze3A_159 : f32 to vector<16xf32>
          %mul3A_187 = arith.mulf %get3A_185, %mul3A_186 : vector<16xf32>
          %swap3A_188 = arith.index_cast %scan3A_110 : i32 to index
          %swap3A_189 = arith.constant 96 : index
          %swap3A_190 = tpu.vector_load %arg11[%swap3A_188, %swap3A_189] {strides = array<i32>} : memref<128x128xf32, #tpu.memory_space<vmem>>, vector<1x16xf32>,
          %swap3A_191 = vector.shape_cast %swap3A_190 : vector<1x16xf32> to vector<16xf32>
          %swap3A_192 = vector.shape_cast %mul3A_187 : vector<16xf32> to vector<1x16xf32>
          tpu.vector_store %arg11[%swap3A_188, %swap3A_189], %swap3A_192 {strides = array<i32>} : memref<128x128xf32, #tpu.memory_space<vmem>>, vector<1x16xf32>,
          %get3A_193 = arith.index_cast %scan3A_110 : i32 to index
          %get3A_194 = arith.constant 112 : index
          %get3A_195 = tpu.vector_load %arg11[%get3A_193, %get3A_194] {strides = array<i32>} : memref<128x128xf32, #tpu.memory_space<vmem>>, vector<1x16xf32>,
          %get3A_196 = vector.shape_cast %get3A_195 : vector<1x16xf32> to vector<16xf32>
          %mul3A_197 = vector.broadcast %squeeze3A_159 : f32 to vector<16xf32>
          %mul3A_198 = arith.mulf %get3A_196, %mul3A_197 : vector<16xf32>
          %swap3A_199 = arith.index_cast %scan3A_110 : i32 to index
          %swap3A_200 = arith.constant 112 : index
          %swap3A_201 = tpu.vector_load %arg11[%swap3A_199, %swap3A_200] {strides = array<i32>} : memref<128x128xf32, #tpu.memory_space<vmem>>, vector<1x16xf32>,
          %swap3A_202 = vector.shape_cast %swap3A_201 : vector<1x16xf32> to vector<16xf32>
          %swap3A_203 = vector.shape_cast %mul3A_198 : vector<16xf32> to vector<1x16xf32>
          tpu.vector_store %arg11[%swap3A_199, %swap3A_200], %swap3A_203 {strides = array<i32>} : memref<128x128xf32, #tpu.memory_space<vmem>>, vector<1x16xf32>,
          %scan3A_204 = arith.constant 0 : i32
          scf.yield %scan3A_204 : i32
        }
        %scan3A_109 = arith.constant 128 : i32
        "tpu.region"() ({
          %run_scoped3A = tpu.sem_alloc : memref<!tpu.dma_semaphore, #tpu.memory_space<semaphore_mem>>
          %dma_start3A_110 = arith.constant 0 : i32
          %dma_start3A_111 = arith.constant 0 : i32
          %dma_start3A_112 = tpu.memref_slice %arg13[%dma_start3A_110, %dma_start3A_111] : memref<10240x128xf32, #tpu.memory_space<vmem_shared>> -> memref<10240x128xf32, #tpu.memory_space<vmem_shared>>
          tpu.enqueue_indirect_dma source(%arg11 : memref<128x128xf32, #tpu.memory_space<vmem>>) target(%dma_start3A_112 : memref<10240x128xf32, #tpu.memory_space<vmem_shared>>) offsets(%arg9 : memref<128xi32, #tpu.memory_space<vmem>>) semaphore(%run_scoped3A : memref<!tpu.dma_semaphore, #tpu.memory_space<semaphore_mem>>) {add = true}
          %dma_wait3A_113 = arith.constant 0 : i32
          %dma_wait3A_114 = arith.constant 0 : i32
          %dma_wait3A_115 = tpu.memref_slice %arg13[%dma_wait3A_113, %dma_wait3A_114] : memref<10240x128xf32, #tpu.memory_space<vmem_shared>> -> memref<10240x128xf32, #tpu.memory_space<vmem_shared>>
          tpu.wait_indirect_dma semaphore(%run_scoped3A : memref<!tpu.dma_semaphore, #tpu.memory_space<semaphore_mem>>) src(%arg11 : memref<128x128xf32, #tpu.memory_space<vmem>>) dst(%dma_wait3A_115 : memref<10240x128xf32, #tpu.memory_space<vmem_shared>>)
          tpu.yield
        }) : () -> ()
        "tpu.region"() ({
          %run_scoped3A = tpu.sem_alloc : memref<!tpu.dma_semaphore, #tpu.memory_space<semaphore_mem>>
          %dma_start3A_110 = arith.constant 0 : i32
          %dma_start3A_111 = arith.constant 0 : i32
          %dma_start3A_112 = tpu.memref_slice %arg14[%dma_start3A_110, %dma_start3A_111] : memref<10240x16xf32, #tpu.memory_space<vmem_shared>> -> memref<10240x16xf32, #tpu.memory_space<vmem_shared>>
          tpu.enqueue_indirect_dma source(%arg10 : memref<128x16xf32, #tpu.memory_space<vmem>>) target(%dma_start3A_112 : memref<10240x16xf32, #tpu.memory_space<vmem_shared>>) offsets(%arg9 : memref<128xi32, #tpu.memory_space<vmem>>) semaphore(%run_scoped3A : memref<!tpu.dma_semaphore, #tpu.memory_space<semaphore_mem>>) {add = true}
          %dma_wait3A_113 = arith.constant 0 : i32
          %dma_wait3A_114 = arith.constant 0 : i32
          %dma_wait3A_115 = tpu.memref_slice %arg14[%dma_wait3A_113, %dma_wait3A_114] : memref<10240x16xf32, #tpu.memory_space<vmem_shared>> -> memref<10240x16xf32, #tpu.memory_space<vmem_shared>>
          tpu.wait_indirect_dma semaphore(%run_scoped3A : memref<!tpu.dma_semaphore, #tpu.memory_space<semaphore_mem>>) src(%arg10 : memref<128x16xf32, #tpu.memory_space<vmem>>) dst(%dma_wait3A_115 : memref<10240x16xf32, #tpu.memory_space<vmem_shared>>)
          tpu.yield
        }) : () -> ()
      } else {
      }
      %scan3A_96 = arith.constant 0 : i32
      scf.yield %scan3A_96 : i32
    }
    %scan3A_73 = arith.constant 40 : i32
    %barrier3A_74 = arith.constant 0 : index
    tpu.barrier barrier_id(%barrier3A_74)
    %mul3A_75 = arith.constant 640 : i32
    %mul3A_76 = arith.muli %arg1, %mul3A_75 : i32
    %mul3A_77 = arith.constant 10240 : i32
    %mul3A_78 = arith.muli %arg0, %mul3A_77 : i32
    %mul3A_79 = arith.constant 640 : i32
    %mul3A_80 = arith.muli %arg1, %mul3A_79 : i32
    %add3A_81 = arith.addi %mul3A_78, %mul3A_80 : i32
    "tpu.region"() ({
      %run_scoped3A = tpu.sem_alloc : memref<!tpu.dma_semaphore, #tpu.memory_space<semaphore_mem>>
      %dma_start3A = arith.constant 0 : i32
      %dma_start3A_89 = tpu.memref_slice %arg6[%add3A_81, %dma_start3A] : memref<20480x128xf32, #tpu.memory_space<hbm>> -> memref<640x128xf32, #tpu.memory_space<hbm>>
      %dma_start3A_90 = arith.constant 0 : i32
      %dma_start3A_91 = tpu.memref_slice %arg13[%mul3A_76, %dma_start3A_90] : memref<10240x128xf32, #tpu.memory_space<vmem_shared>> -> memref<640x128xf32, #tpu.memory_space<vmem_shared>>
      tpu.enqueue_dma source(%dma_start3A_91 : memref<640x128xf32, #tpu.memory_space<vmem_shared>>) target(%dma_start3A_89 : memref<640x128xf32, #tpu.memory_space<hbm>>) target_semaphore(%run_scoped3A : memref<!tpu.dma_semaphore, #tpu.memory_space<semaphore_mem>>)
      %dma_wait3A = arith.constant 0 : i32
      %dma_wait3A_92 = tpu.memref_slice %arg6[%add3A_81, %dma_wait3A] : memref<20480x128xf32, #tpu.memory_space<hbm>> -> memref<640x128xf32, #tpu.memory_space<hbm>>
      %dma_wait3A_93 = arith.constant 0 : i32
      %dma_wait3A_94 = tpu.memref_slice %arg13[%mul3A_76, %dma_wait3A_93] : memref<10240x128xf32, #tpu.memory_space<vmem_shared>> -> memref<640x128xf32, #tpu.memory_space<vmem_shared>>
      tpu.wait_dma2 semaphore(%run_scoped3A : memref<!tpu.dma_semaphore, #tpu.memory_space<semaphore_mem>>) src(%dma_wait3A_94 : memref<640x128xf32, #tpu.memory_space<vmem_shared>>) dst(%dma_wait3A_92 : memref<640x128xf32, #tpu.memory_space<hbm>>)
      tpu.yield
    }) : () -> ()
    %mul3A_82 = arith.constant 640 : i32
    %mul3A_83 = arith.muli %arg1, %mul3A_82 : i32
    %mul3A_84 = arith.constant 10240 : i32
    %mul3A_85 = arith.muli %arg0, %mul3A_84 : i32
    %mul3A_86 = arith.constant 640 : i32
    %mul3A_87 = arith.muli %arg1, %mul3A_86 : i32
    %add3A_88 = arith.addi %mul3A_85, %mul3A_87 : i32
    "tpu.region"() ({
      %run_scoped3A = tpu.sem_alloc : memref<!tpu.dma_semaphore, #tpu.memory_space<semaphore_mem>>
      %dma_start3A = arith.constant 0 : i32
      %dma_start3A_89 = tpu.memref_slice %arg7[%add3A_88, %dma_start3A] : memref<20480x16xf32, #tpu.memory_space<hbm>> -> memref<640x16xf32, #tpu.memory_space<hbm>>
      %dma_start3A_90 = arith.constant 0 : i32
      %dma_start3A_91 = tpu.memref_slice %arg14[%mul3A_83, %dma_start3A_90] : memref<10240x16xf32, #tpu.memory_space<vmem_shared>> -> memref<640x16xf32, #tpu.memory_space<vmem_shared>>
      tpu.enqueue_dma source(%dma_start3A_91 : memref<640x16xf32, #tpu.memory_space<vmem_shared>>) target(%dma_start3A_89 : memref<640x16xf32, #tpu.memory_space<hbm>>) target_semaphore(%run_scoped3A : memref<!tpu.dma_semaphore, #tpu.memory_space<semaphore_mem>>)
      %dma_wait3A = arith.constant 0 : i32
      %dma_wait3A_92 = tpu.memref_slice %arg7[%add3A_88, %dma_wait3A] : memref<20480x16xf32, #tpu.memory_space<hbm>> -> memref<640x16xf32, #tpu.memory_space<hbm>>
      %dma_wait3A_93 = arith.constant 0 : i32
      %dma_wait3A_94 = tpu.memref_slice %arg14[%mul3A_83, %dma_wait3A_93] : memref<10240x16xf32, #tpu.memory_space<vmem_shared>> -> memref<640x16xf32, #tpu.memory_space<vmem_shared>>
      tpu.wait_dma2 semaphore(%run_scoped3A : memref<!tpu.dma_semaphore, #tpu.memory_space<semaphore_mem>>) src(%dma_wait3A_94 : memref<640x16xf32, #tpu.memory_space<vmem_shared>>) dst(%dma_wait3A_92 : memref<640x16xf32, #tpu.memory_space<hbm>>)
      tpu.yield
    }) : () -> ()
    return
  }
}

#map = affine_map<(d0, d1) -> (0)>
#map1 = affine_map<(d0, d1) -> (0, 0)>
module attributes {stable_mosaic.version = 14 : i64} {
  func.func @body(%arg0: i32, %arg1: i32, %arg2: memref<160000xi32, #tpu.memory_space<hbm>>, %arg3: memref<160000xi32, #tpu.memory_space<hbm>>, %arg4: memref<160000x16xf32, #tpu.memory_space<hbm>>, %arg5: memref<10000x128xf32, #tpu.memory_space<hbm>>, %arg6: memref<20480x128xf32, #tpu.memory_space<hbm>>, %arg7: memref<20480x16xf32, #tpu.memory_space<hbm>>, %arg8: memref<128xi32, #tpu.memory_space<vmem>>, %arg9: memref<128xi32, #tpu.memory_space<vmem>>, %arg10: memref<128x16xf32, #tpu.memory_space<vmem>>, %arg11: memref<128x128xf32, #tpu.memory_space<vmem>>, %arg12: memref<128x128xf32, #tpu.memory_space<vmem>>, %arg13: memref<10240x128xf32, #tpu.memory_space<vmem_shared>>, %arg14: memref<10240x16xf32, #tpu.memory_space<vmem_shared>>, %arg15: memref<!tpu.dma_semaphore, #tpu.memory_space<semaphore_mem>>) attributes {dimension_semantics = [#tpu.dimension_semantics<core_parallel>, #tpu.dimension_semantics<subcore_parallel>], iteration_bounds = array<i64: 2, 16>, scalar_prefetch = 0 : i64, scratch_operands = 8 : i64, tpu.core_type = #tpu.core_type<sc_vector_subcore>, window_params = [{transform_indices = #map}, {transform_indices = #map}, {transform_indices = #map1}, {transform_indices = #map1}, {transform_indices = #map1}, {transform_indices = #map1}]} {
    %mul3A = arith.constant 2 : i32
    %mul3A_0 = arith.muli %arg1, %mul3A : i32
    %add3A = arith.addi %mul3A_0, %arg0 : i32
    %scan3A = arith.constant 0 : i32
    %scan3A_1 = arith.constant 0 : i32
    %scan3A_2 = arith.constant 128 : i32
    %scan3A_3 = arith.addi %scan3A_1, %scan3A_2 : i32
    %scan3A_4 = arith.constant 1 : i32
    %scan3A_5 = scf.for %scan3A_89 = %scan3A_1 to %scan3A_3 step %scan3A_4 iter_args(%scan3A_90 = %scan3A) -> (i32)  : i32 {
      %broadcast_in_dim3A = arith.constant 0.000000e+00 : f32
      %broadcast_in_dim3A_91 = vector.broadcast %broadcast_in_dim3A : f32 to vector<16xf32>
      %swap3A = arith.index_cast %scan3A_89 : i32 to index
      %swap3A_92 = arith.constant 0 : index
      %swap3A_93 = tpu.vector_load %arg12[%swap3A, %swap3A_92] {strides = array<i32>} : memref<128x128xf32, #tpu.memory_space<vmem>>, vector<1x16xf32>,
      %swap3A_94 = vector.shape_cast %swap3A_93 : vector<1x16xf32> to vector<16xf32>
      %swap3A_95 = vector.shape_cast %broadcast_in_dim3A_91 : vector<16xf32> to vector<1x16xf32>
      tpu.vector_store %arg12[%swap3A, %swap3A_92], %swap3A_95 {strides = array<i32>} : memref<128x128xf32, #tpu.memory_space<vmem>>, vector<1x16xf32>,
      %broadcast_in_dim3A_96 = arith.constant 0.000000e+00 : f32
      %broadcast_in_dim3A_97 = vector.broadcast %broadcast_in_dim3A_96 : f32 to vector<16xf32>
      %swap3A_98 = arith.index_cast %scan3A_89 : i32 to index
      %swap3A_99 = arith.constant 16 : index
      %swap3A_100 = tpu.vector_load %arg12[%swap3A_98, %swap3A_99] {strides = array<i32>} : memref<128x128xf32, #tpu.memory_space<vmem>>, vector<1x16xf32>,
      %swap3A_101 = vector.shape_cast %swap3A_100 : vector<1x16xf32> to vector<16xf32>
      %swap3A_102 = vector.shape_cast %broadcast_in_dim3A_97 : vector<16xf32> to vector<1x16xf32>
      tpu.vector_store %arg12[%swap3A_98, %swap3A_99], %swap3A_102 {strides = array<i32>} : memref<128x128xf32, #tpu.memory_space<vmem>>, vector<1x16xf32>,
      %broadcast_in_dim3A_103 = arith.constant 0.000000e+00 : f32
      %broadcast_in_dim3A_104 = vector.broadcast %broadcast_in_dim3A_103 : f32 to vector<16xf32>
      %swap3A_105 = arith.index_cast %scan3A_89 : i32 to index
      %swap3A_106 = arith.constant 32 : index
      %swap3A_107 = tpu.vector_load %arg12[%swap3A_105, %swap3A_106] {strides = array<i32>} : memref<128x128xf32, #tpu.memory_space<vmem>>, vector<1x16xf32>,
      %swap3A_108 = vector.shape_cast %swap3A_107 : vector<1x16xf32> to vector<16xf32>
      %swap3A_109 = vector.shape_cast %broadcast_in_dim3A_104 : vector<16xf32> to vector<1x16xf32>
      tpu.vector_store %arg12[%swap3A_105, %swap3A_106], %swap3A_109 {strides = array<i32>} : memref<128x128xf32, #tpu.memory_space<vmem>>, vector<1x16xf32>,
      %broadcast_in_dim3A_110 = arith.constant 0.000000e+00 : f32
      %broadcast_in_dim3A_111 = vector.broadcast %broadcast_in_dim3A_110 : f32 to vector<16xf32>
      %swap3A_112 = arith.index_cast %scan3A_89 : i32 to index
      %swap3A_113 = arith.constant 48 : index
      %swap3A_114 = tpu.vector_load %arg12[%swap3A_112, %swap3A_113] {strides = array<i32>} : memref<128x128xf32, #tpu.memory_space<vmem>>, vector<1x16xf32>,
      %swap3A_115 = vector.shape_cast %swap3A_114 : vector<1x16xf32> to vector<16xf32>
      %swap3A_116 = vector.shape_cast %broadcast_in_dim3A_111 : vector<16xf32> to vector<1x16xf32>
      tpu.vector_store %arg12[%swap3A_112, %swap3A_113], %swap3A_116 {strides = array<i32>} : memref<128x128xf32, #tpu.memory_space<vmem>>, vector<1x16xf32>,
      %broadcast_in_dim3A_117 = arith.constant 0.000000e+00 : f32
      %broadcast_in_dim3A_118 = vector.broadcast %broadcast_in_dim3A_117 : f32 to vector<16xf32>
      %swap3A_119 = arith.index_cast %scan3A_89 : i32 to index
      %swap3A_120 = arith.constant 64 : index
      %swap3A_121 = tpu.vector_load %arg12[%swap3A_119, %swap3A_120] {strides = array<i32>} : memref<128x128xf32, #tpu.memory_space<vmem>>, vector<1x16xf32>,
      %swap3A_122 = vector.shape_cast %swap3A_121 : vector<1x16xf32> to vector<16xf32>
      %swap3A_123 = vector.shape_cast %broadcast_in_dim3A_118 : vector<16xf32> to vector<1x16xf32>
      tpu.vector_store %arg12[%swap3A_119, %swap3A_120], %swap3A_123 {strides = array<i32>} : memref<128x128xf32, #tpu.memory_space<vmem>>, vector<1x16xf32>,
      %broadcast_in_dim3A_124 = arith.constant 0.000000e+00 : f32
      %broadcast_in_dim3A_125 = vector.broadcast %broadcast_in_dim3A_124 : f32 to vector<16xf32>
      %swap3A_126 = arith.index_cast %scan3A_89 : i32 to index
      %swap3A_127 = arith.constant 80 : index
      %swap3A_128 = tpu.vector_load %arg12[%swap3A_126, %swap3A_127] {strides = array<i32>} : memref<128x128xf32, #tpu.memory_space<vmem>>, vector<1x16xf32>,
      %swap3A_129 = vector.shape_cast %swap3A_128 : vector<1x16xf32> to vector<16xf32>
      %swap3A_130 = vector.shape_cast %broadcast_in_dim3A_125 : vector<16xf32> to vector<1x16xf32>
      tpu.vector_store %arg12[%swap3A_126, %swap3A_127], %swap3A_130 {strides = array<i32>} : memref<128x128xf32, #tpu.memory_space<vmem>>, vector<1x16xf32>,
      %broadcast_in_dim3A_131 = arith.constant 0.000000e+00 : f32
      %broadcast_in_dim3A_132 = vector.broadcast %broadcast_in_dim3A_131 : f32 to vector<16xf32>
      %swap3A_133 = arith.index_cast %scan3A_89 : i32 to index
      %swap3A_134 = arith.constant 96 : index
      %swap3A_135 = tpu.vector_load %arg12[%swap3A_133, %swap3A_134] {strides = array<i32>} : memref<128x128xf32, #tpu.memory_space<vmem>>, vector<1x16xf32>,
      %swap3A_136 = vector.shape_cast %swap3A_135 : vector<1x16xf32> to vector<16xf32>
      %swap3A_137 = vector.shape_cast %broadcast_in_dim3A_132 : vector<16xf32> to vector<1x16xf32>
      tpu.vector_store %arg12[%swap3A_133, %swap3A_134], %swap3A_137 {strides = array<i32>} : memref<128x128xf32, #tpu.memory_space<vmem>>, vector<1x16xf32>,
      %broadcast_in_dim3A_138 = arith.constant 0.000000e+00 : f32
      %broadcast_in_dim3A_139 = vector.broadcast %broadcast_in_dim3A_138 : f32 to vector<16xf32>
      %swap3A_140 = arith.index_cast %scan3A_89 : i32 to index
      %swap3A_141 = arith.constant 112 : index
      %swap3A_142 = tpu.vector_load %arg12[%swap3A_140, %swap3A_141] {strides = array<i32>} : memref<128x128xf32, #tpu.memory_space<vmem>>, vector<1x16xf32>,
      %swap3A_143 = vector.shape_cast %swap3A_142 : vector<1x16xf32> to vector<16xf32>
      %swap3A_144 = vector.shape_cast %broadcast_in_dim3A_139 : vector<16xf32> to vector<1x16xf32>
      tpu.vector_store %arg12[%swap3A_140, %swap3A_141], %swap3A_144 {strides = array<i32>} : memref<128x128xf32, #tpu.memory_space<vmem>>, vector<1x16xf32>,
      %scan3A_145 = arith.constant 0 : i32
      scf.yield %scan3A_145 : i32
    }
    %scan3A_6 = arith.constant 128 : i32
    %mul3A_7 = arith.constant 5 : i32
    %mul3A_8 = arith.muli %arg1, %mul3A_7 : i32
    %add3A_9 = arith.constant 0 : i32
    %add3A_10 = arith.addi %mul3A_8, %add3A_9 : i32
    %mul3A_11 = arith.constant 128 : i32
    %mul3A_12 = arith.muli %add3A_10, %mul3A_11 : i32
    "tpu.region"() ({
      %run_scoped3A = tpu.sem_alloc : memref<!tpu.dma_semaphore, #tpu.memory_space<semaphore_mem>>
      %dma_start3A = arith.constant 0 : i32
      %dma_start3A_89 = tpu.memref_slice %arg13[%mul3A_12, %dma_start3A] : memref<10240x128xf32, #tpu.memory_space<vmem_shared>> -> memref<128x128xf32, #tpu.memory_space<vmem_shared>>
      %dma_start3A_90 = arith.constant 0 : i32
      %dma_start3A_91 = tpu.memref_slice %arg13[%mul3A_12, %dma_start3A_90] : memref<10240x128xf32, #tpu.memory_space<vmem_shared>> -> memref<128x128xf32, #tpu.memory_space<vmem_shared>>
      tpu.enqueue_dma source(%arg12 : memref<128x128xf32, #tpu.memory_space<vmem>>) target(%dma_start3A_91 : memref<128x128xf32, #tpu.memory_space<vmem_shared>>) target_semaphore(%run_scoped3A : memref<!tpu.dma_semaphore, #tpu.memory_space<semaphore_mem>>)
      %dma_wait3A = arith.constant 0 : i32
      %dma_wait3A_92 = tpu.memref_slice %arg13[%mul3A_12, %dma_wait3A] : memref<10240x128xf32, #tpu.memory_space<vmem_shared>> -> memref<128x128xf32, #tpu.memory_space<vmem_shared>>
      %dma_wait3A_93 = arith.constant 0 : i32
      %dma_wait3A_94 = tpu.memref_slice %arg13[%mul3A_12, %dma_wait3A_93] : memref<10240x128xf32, #tpu.memory_space<vmem_shared>> -> memref<128x128xf32, #tpu.memory_space<vmem_shared>>
      tpu.wait_dma2 semaphore(%run_scoped3A : memref<!tpu.dma_semaphore, #tpu.memory_space<semaphore_mem>>) src(%arg12 : memref<128x128xf32, #tpu.memory_space<vmem>>) dst(%dma_wait3A_94 : memref<128x128xf32, #tpu.memory_space<vmem_shared>>)
      tpu.yield
    }) : () -> ()
    %mul3A_13 = arith.constant 5 : i32
    %mul3A_14 = arith.muli %arg1, %mul3A_13 : i32
    %add3A_15 = arith.constant 0 : i32
    %add3A_16 = arith.addi %mul3A_14, %add3A_15 : i32
    %mul3A_17 = arith.constant 128 : i32
    %mul3A_18 = arith.muli %add3A_16, %mul3A_17 : i32
    "tpu.region"() ({
      %run_scoped3A = tpu.sem_alloc : memref<!tpu.dma_semaphore, #tpu.memory_space<semaphore_mem>>
      %dma_start3A = arith.constant 0 : i32
      %dma_start3A_89 = arith.constant 0 : i32
      %dma_start3A_90 = tpu.memref_slice %arg12[%dma_start3A, %dma_start3A_89] : memref<128x128xf32, #tpu.memory_space<vmem>> -> memref<128x16xf32, #tpu.memory_space<vmem>>
      %dma_start3A_91 = arith.constant 0 : i32
      %dma_start3A_92 = tpu.memref_slice %arg14[%mul3A_18, %dma_start3A_91] : memref<10240x16xf32, #tpu.memory_space<vmem_shared>> -> memref<128x16xf32, #tpu.memory_space<vmem_shared>>
      %dma_start3A_93 = arith.constant 0 : i32
      %dma_start3A_94 = tpu.memref_slice %arg14[%mul3A_18, %dma_start3A_93] : memref<10240x16xf32, #tpu.memory_space<vmem_shared>> -> memref<128x16xf32, #tpu.memory_space<vmem_shared>>
      %dma_start3A_95 = arith.constant 0 : i32
      %dma_start3A_96 = arith.constant 0 : i32
      %dma_start3A_97 = tpu.memref_slice %arg12[%dma_start3A_95, %dma_start3A_96] : memref<128x128xf32, #tpu.memory_space<vmem>> -> memref<128x16xf32, #tpu.memory_space<vmem>>
      tpu.enqueue_dma source(%dma_start3A_97 : memref<128x16xf32, #tpu.memory_space<vmem>>) target(%dma_start3A_94 : memref<128x16xf32, #tpu.memory_space<vmem_shared>>) target_semaphore(%run_scoped3A : memref<!tpu.dma_semaphore, #tpu.memory_space<semaphore_mem>>)
      %dma_wait3A = arith.constant 0 : i32
      %dma_wait3A_98 = arith.constant 0 : i32
      %dma_wait3A_99 = tpu.memref_slice %arg12[%dma_wait3A, %dma_wait3A_98] : memref<128x128xf32, #tpu.memory_space<vmem>> -> memref<128x16xf32, #tpu.memory_space<vmem>>
      %dma_wait3A_100 = arith.constant 0 : i32
      %dma_wait3A_101 = tpu.memref_slice %arg14[%mul3A_18, %dma_wait3A_100] : memref<10240x16xf32, #tpu.memory_space<vmem_shared>> -> memref<128x16xf32, #tpu.memory_space<vmem_shared>>
      %dma_wait3A_102 = arith.constant 0 : i32
      %dma_wait3A_103 = tpu.memref_slice %arg14[%mul3A_18, %dma_wait3A_102] : memref<10240x16xf32, #tpu.memory_space<vmem_shared>> -> memref<128x16xf32, #tpu.memory_space<vmem_shared>>
      %dma_wait3A_104 = arith.constant 0 : i32
      %dma_wait3A_105 = arith.constant 0 : i32
      %dma_wait3A_106 = tpu.memref_slice %arg12[%dma_wait3A_104, %dma_wait3A_105] : memref<128x128xf32, #tpu.memory_space<vmem>> -> memref<128x16xf32, #tpu.memory_space<vmem>>
      tpu.wait_dma2 semaphore(%run_scoped3A : memref<!tpu.dma_semaphore, #tpu.memory_space<semaphore_mem>>) src(%dma_wait3A_106 : memref<128x16xf32, #tpu.memory_space<vmem>>) dst(%dma_wait3A_103 : memref<128x16xf32, #tpu.memory_space<vmem_shared>>)
      tpu.yield
    }) : () -> ()
    %mul3A_19 = arith.constant 5 : i32
    %mul3A_20 = arith.muli %arg1, %mul3A_19 : i32
    %add3A_21 = arith.constant 1 : i32
    %add3A_22 = arith.addi %mul3A_20, %add3A_21 : i32
    %mul3A_23 = arith.constant 128 : i32
    %mul3A_24 = arith.muli %add3A_22, %mul3A_23 : i32
    "tpu.region"() ({
      %run_scoped3A = tpu.sem_alloc : memref<!tpu.dma_semaphore, #tpu.memory_space<semaphore_mem>>
      %dma_start3A = arith.constant 0 : i32
      %dma_start3A_89 = tpu.memref_slice %arg13[%mul3A_24, %dma_start3A] : memref<10240x128xf32, #tpu.memory_space<vmem_shared>> -> memref<128x128xf32, #tpu.memory_space<vmem_shared>>
      %dma_start3A_90 = arith.constant 0 : i32
      %dma_start3A_91 = tpu.memref_slice %arg13[%mul3A_24, %dma_start3A_90] : memref<10240x128xf32, #tpu.memory_space<vmem_shared>> -> memref<128x128xf32, #tpu.memory_space<vmem_shared>>
      tpu.enqueue_dma source(%arg12 : memref<128x128xf32, #tpu.memory_space<vmem>>) target(%dma_start3A_91 : memref<128x128xf32, #tpu.memory_space<vmem_shared>>) target_semaphore(%run_scoped3A : memref<!tpu.dma_semaphore, #tpu.memory_space<semaphore_mem>>)
      %dma_wait3A = arith.constant 0 : i32
      %dma_wait3A_92 = tpu.memref_slice %arg13[%mul3A_24, %dma_wait3A] : memref<10240x128xf32, #tpu.memory_space<vmem_shared>> -> memref<128x128xf32, #tpu.memory_space<vmem_shared>>
      %dma_wait3A_93 = arith.constant 0 : i32
      %dma_wait3A_94 = tpu.memref_slice %arg13[%mul3A_24, %dma_wait3A_93] : memref<10240x128xf32, #tpu.memory_space<vmem_shared>> -> memref<128x128xf32, #tpu.memory_space<vmem_shared>>
      tpu.wait_dma2 semaphore(%run_scoped3A : memref<!tpu.dma_semaphore, #tpu.memory_space<semaphore_mem>>) src(%arg12 : memref<128x128xf32, #tpu.memory_space<vmem>>) dst(%dma_wait3A_94 : memref<128x128xf32, #tpu.memory_space<vmem_shared>>)
      tpu.yield
    }) : () -> ()
    %mul3A_25 = arith.constant 5 : i32
    %mul3A_26 = arith.muli %arg1, %mul3A_25 : i32
    %add3A_27 = arith.constant 1 : i32
    %add3A_28 = arith.addi %mul3A_26, %add3A_27 : i32
    %mul3A_29 = arith.constant 128 : i32
    %mul3A_30 = arith.muli %add3A_28, %mul3A_29 : i32
    "tpu.region"() ({
      %run_scoped3A = tpu.sem_alloc : memref<!tpu.dma_semaphore, #tpu.memory_space<semaphore_mem>>
      %dma_start3A = arith.constant 0 : i32
      %dma_start3A_89 = arith.constant 0 : i32
      %dma_start3A_90 = tpu.memref_slice %arg12[%dma_start3A, %dma_start3A_89] : memref<128x128xf32, #tpu.memory_space<vmem>> -> memref<128x16xf32, #tpu.memory_space<vmem>>
      %dma_start3A_91 = arith.constant 0 : i32
      %dma_start3A_92 = tpu.memref_slice %arg14[%mul3A_30, %dma_start3A_91] : memref<10240x16xf32, #tpu.memory_space<vmem_shared>> -> memref<128x16xf32, #tpu.memory_space<vmem_shared>>
      %dma_start3A_93 = arith.constant 0 : i32
      %dma_start3A_94 = tpu.memref_slice %arg14[%mul3A_30, %dma_start3A_93] : memref<10240x16xf32, #tpu.memory_space<vmem_shared>> -> memref<128x16xf32, #tpu.memory_space<vmem_shared>>
      %dma_start3A_95 = arith.constant 0 : i32
      %dma_start3A_96 = arith.constant 0 : i32
      %dma_start3A_97 = tpu.memref_slice %arg12[%dma_start3A_95, %dma_start3A_96] : memref<128x128xf32, #tpu.memory_space<vmem>> -> memref<128x16xf32, #tpu.memory_space<vmem>>
      tpu.enqueue_dma source(%dma_start3A_97 : memref<128x16xf32, #tpu.memory_space<vmem>>) target(%dma_start3A_94 : memref<128x16xf32, #tpu.memory_space<vmem_shared>>) target_semaphore(%run_scoped3A : memref<!tpu.dma_semaphore, #tpu.memory_space<semaphore_mem>>)
      %dma_wait3A = arith.constant 0 : i32
      %dma_wait3A_98 = arith.constant 0 : i32
      %dma_wait3A_99 = tpu.memref_slice %arg12[%dma_wait3A, %dma_wait3A_98] : memref<128x128xf32, #tpu.memory_space<vmem>> -> memref<128x16xf32, #tpu.memory_space<vmem>>
      %dma_wait3A_100 = arith.constant 0 : i32
      %dma_wait3A_101 = tpu.memref_slice %arg14[%mul3A_30, %dma_wait3A_100] : memref<10240x16xf32, #tpu.memory_space<vmem_shared>> -> memref<128x16xf32, #tpu.memory_space<vmem_shared>>
      %dma_wait3A_102 = arith.constant 0 : i32
      %dma_wait3A_103 = tpu.memref_slice %arg14[%mul3A_30, %dma_wait3A_102] : memref<10240x16xf32, #tpu.memory_space<vmem_shared>> -> memref<128x16xf32, #tpu.memory_space<vmem_shared>>
      %dma_wait3A_104 = arith.constant 0 : i32
      %dma_wait3A_105 = arith.constant 0 : i32
      %dma_wait3A_106 = tpu.memref_slice %arg12[%dma_wait3A_104, %dma_wait3A_105] : memref<128x128xf32, #tpu.memory_space<vmem>> -> memref<128x16xf32, #tpu.memory_space<vmem>>
      tpu.wait_dma2 semaphore(%run_scoped3A : memref<!tpu.dma_semaphore, #tpu.memory_space<semaphore_mem>>) src(%dma_wait3A_106 : memref<128x16xf32, #tpu.memory_space<vmem>>) dst(%dma_wait3A_103 : memref<128x16xf32, #tpu.memory_space<vmem_shared>>)
      tpu.yield
    }) : () -> ()
    %mul3A_31 = arith.constant 5 : i32
    %mul3A_32 = arith.muli %arg1, %mul3A_31 : i32
    %add3A_33 = arith.constant 2 : i32
    %add3A_34 = arith.addi %mul3A_32, %add3A_33 : i32
    %mul3A_35 = arith.constant 128 : i32
    %mul3A_36 = arith.muli %add3A_34, %mul3A_35 : i32
    "tpu.region"() ({
      %run_scoped3A = tpu.sem_alloc : memref<!tpu.dma_semaphore, #tpu.memory_space<semaphore_mem>>
      %dma_start3A = arith.constant 0 : i32
      %dma_start3A_89 = tpu.memref_slice %arg13[%mul3A_36, %dma_start3A] : memref<10240x128xf32, #tpu.memory_space<vmem_shared>> -> memref<128x128xf32, #tpu.memory_space<vmem_shared>>
      %dma_start3A_90 = arith.constant 0 : i32
      %dma_start3A_91 = tpu.memref_slice %arg13[%mul3A_36, %dma_start3A_90] : memref<10240x128xf32, #tpu.memory_space<vmem_shared>> -> memref<128x128xf32, #tpu.memory_space<vmem_shared>>
      tpu.enqueue_dma source(%arg12 : memref<128x128xf32, #tpu.memory_space<vmem>>) target(%dma_start3A_91 : memref<128x128xf32, #tpu.memory_space<vmem_shared>>) target_semaphore(%run_scoped3A : memref<!tpu.dma_semaphore, #tpu.memory_space<semaphore_mem>>)
      %dma_wait3A = arith.constant 0 : i32
      %dma_wait3A_92 = tpu.memref_slice %arg13[%mul3A_36, %dma_wait3A] : memref<10240x128xf32, #tpu.memory_space<vmem_shared>> -> memref<128x128xf32, #tpu.memory_space<vmem_shared>>
      %dma_wait3A_93 = arith.constant 0 : i32
      %dma_wait3A_94 = tpu.memref_slice %arg13[%mul3A_36, %dma_wait3A_93] : memref<10240x128xf32, #tpu.memory_space<vmem_shared>> -> memref<128x128xf32, #tpu.memory_space<vmem_shared>>
      tpu.wait_dma2 semaphore(%run_scoped3A : memref<!tpu.dma_semaphore, #tpu.memory_space<semaphore_mem>>) src(%arg12 : memref<128x128xf32, #tpu.memory_space<vmem>>) dst(%dma_wait3A_94 : memref<128x128xf32, #tpu.memory_space<vmem_shared>>)
      tpu.yield
    }) : () -> ()
    %mul3A_37 = arith.constant 5 : i32
    %mul3A_38 = arith.muli %arg1, %mul3A_37 : i32
    %add3A_39 = arith.constant 2 : i32
    %add3A_40 = arith.addi %mul3A_38, %add3A_39 : i32
    %mul3A_41 = arith.constant 128 : i32
    %mul3A_42 = arith.muli %add3A_40, %mul3A_41 : i32
    "tpu.region"() ({
      %run_scoped3A = tpu.sem_alloc : memref<!tpu.dma_semaphore, #tpu.memory_space<semaphore_mem>>
      %dma_start3A = arith.constant 0 : i32
      %dma_start3A_89 = arith.constant 0 : i32
      %dma_start3A_90 = tpu.memref_slice %arg12[%dma_start3A, %dma_start3A_89] : memref<128x128xf32, #tpu.memory_space<vmem>> -> memref<128x16xf32, #tpu.memory_space<vmem>>
      %dma_start3A_91 = arith.constant 0 : i32
      %dma_start3A_92 = tpu.memref_slice %arg14[%mul3A_42, %dma_start3A_91] : memref<10240x16xf32, #tpu.memory_space<vmem_shared>> -> memref<128x16xf32, #tpu.memory_space<vmem_shared>>
      %dma_start3A_93 = arith.constant 0 : i32
      %dma_start3A_94 = tpu.memref_slice %arg14[%mul3A_42, %dma_start3A_93] : memref<10240x16xf32, #tpu.memory_space<vmem_shared>> -> memref<128x16xf32, #tpu.memory_space<vmem_shared>>
      %dma_start3A_95 = arith.constant 0 : i32
      %dma_start3A_96 = arith.constant 0 : i32
      %dma_start3A_97 = tpu.memref_slice %arg12[%dma_start3A_95, %dma_start3A_96] : memref<128x128xf32, #tpu.memory_space<vmem>> -> memref<128x16xf32, #tpu.memory_space<vmem>>
      tpu.enqueue_dma source(%dma_start3A_97 : memref<128x16xf32, #tpu.memory_space<vmem>>) target(%dma_start3A_94 : memref<128x16xf32, #tpu.memory_space<vmem_shared>>) target_semaphore(%run_scoped3A : memref<!tpu.dma_semaphore, #tpu.memory_space<semaphore_mem>>)
      %dma_wait3A = arith.constant 0 : i32
      %dma_wait3A_98 = arith.constant 0 : i32
      %dma_wait3A_99 = tpu.memref_slice %arg12[%dma_wait3A, %dma_wait3A_98] : memref<128x128xf32, #tpu.memory_space<vmem>> -> memref<128x16xf32, #tpu.memory_space<vmem>>
      %dma_wait3A_100 = arith.constant 0 : i32
      %dma_wait3A_101 = tpu.memref_slice %arg14[%mul3A_42, %dma_wait3A_100] : memref<10240x16xf32, #tpu.memory_space<vmem_shared>> -> memref<128x16xf32, #tpu.memory_space<vmem_shared>>
      %dma_wait3A_102 = arith.constant 0 : i32
      %dma_wait3A_103 = tpu.memref_slice %arg14[%mul3A_42, %dma_wait3A_102] : memref<10240x16xf32, #tpu.memory_space<vmem_shared>> -> memref<128x16xf32, #tpu.memory_space<vmem_shared>>
      %dma_wait3A_104 = arith.constant 0 : i32
      %dma_wait3A_105 = arith.constant 0 : i32
      %dma_wait3A_106 = tpu.memref_slice %arg12[%dma_wait3A_104, %dma_wait3A_105] : memref<128x128xf32, #tpu.memory_space<vmem>> -> memref<128x16xf32, #tpu.memory_space<vmem>>
      tpu.wait_dma2 semaphore(%run_scoped3A : memref<!tpu.dma_semaphore, #tpu.memory_space<semaphore_mem>>) src(%dma_wait3A_106 : memref<128x16xf32, #tpu.memory_space<vmem>>) dst(%dma_wait3A_103 : memref<128x16xf32, #tpu.memory_space<vmem_shared>>)
      tpu.yield
    }) : () -> ()
    %mul3A_43 = arith.constant 5 : i32
    %mul3A_44 = arith.muli %arg1, %mul3A_43 : i32
    %add3A_45 = arith.constant 3 : i32
    %add3A_46 = arith.addi %mul3A_44, %add3A_45 : i32
    %mul3A_47 = arith.constant 128 : i32
    %mul3A_48 = arith.muli %add3A_46, %mul3A_47 : i32
    "tpu.region"() ({
      %run_scoped3A = tpu.sem_alloc : memref<!tpu.dma_semaphore, #tpu.memory_space<semaphore_mem>>
      %dma_start3A = arith.constant 0 : i32
      %dma_start3A_89 = tpu.memref_slice %arg13[%mul3A_48, %dma_start3A] : memref<10240x128xf32, #tpu.memory_space<vmem_shared>> -> memref<128x128xf32, #tpu.memory_space<vmem_shared>>
      %dma_start3A_90 = arith.constant 0 : i32
      %dma_start3A_91 = tpu.memref_slice %arg13[%mul3A_48, %dma_start3A_90] : memref<10240x128xf32, #tpu.memory_space<vmem_shared>> -> memref<128x128xf32, #tpu.memory_space<vmem_shared>>
      tpu.enqueue_dma source(%arg12 : memref<128x128xf32, #tpu.memory_space<vmem>>) target(%dma_start3A_91 : memref<128x128xf32, #tpu.memory_space<vmem_shared>>) target_semaphore(%run_scoped3A : memref<!tpu.dma_semaphore, #tpu.memory_space<semaphore_mem>>)
      %dma_wait3A = arith.constant 0 : i32
      %dma_wait3A_92 = tpu.memref_slice %arg13[%mul3A_48, %dma_wait3A] : memref<10240x128xf32, #tpu.memory_space<vmem_shared>> -> memref<128x128xf32, #tpu.memory_space<vmem_shared>>
      %dma_wait3A_93 = arith.constant 0 : i32
      %dma_wait3A_94 = tpu.memref_slice %arg13[%mul3A_48, %dma_wait3A_93] : memref<10240x128xf32, #tpu.memory_space<vmem_shared>> -> memref<128x128xf32, #tpu.memory_space<vmem_shared>>
      tpu.wait_dma2 semaphore(%run_scoped3A : memref<!tpu.dma_semaphore, #tpu.memory_space<semaphore_mem>>) src(%arg12 : memref<128x128xf32, #tpu.memory_space<vmem>>) dst(%dma_wait3A_94 : memref<128x128xf32, #tpu.memory_space<vmem_shared>>)
      tpu.yield
    }) : () -> ()
    %mul3A_49 = arith.constant 5 : i32
    %mul3A_50 = arith.muli %arg1, %mul3A_49 : i32
    %add3A_51 = arith.constant 3 : i32
    %add3A_52 = arith.addi %mul3A_50, %add3A_51 : i32
    %mul3A_53 = arith.constant 128 : i32
    %mul3A_54 = arith.muli %add3A_52, %mul3A_53 : i32
    "tpu.region"() ({
      %run_scoped3A = tpu.sem_alloc : memref<!tpu.dma_semaphore, #tpu.memory_space<semaphore_mem>>
      %dma_start3A = arith.constant 0 : i32
      %dma_start3A_89 = arith.constant 0 : i32
      %dma_start3A_90 = tpu.memref_slice %arg12[%dma_start3A, %dma_start3A_89] : memref<128x128xf32, #tpu.memory_space<vmem>> -> memref<128x16xf32, #tpu.memory_space<vmem>>
      %dma_start3A_91 = arith.constant 0 : i32
      %dma_start3A_92 = tpu.memref_slice %arg14[%mul3A_54, %dma_start3A_91] : memref<10240x16xf32, #tpu.memory_space<vmem_shared>> -> memref<128x16xf32, #tpu.memory_space<vmem_shared>>
      %dma_start3A_93 = arith.constant 0 : i32
      %dma_start3A_94 = tpu.memref_slice %arg14[%mul3A_54, %dma_start3A_93] : memref<10240x16xf32, #tpu.memory_space<vmem_shared>> -> memref<128x16xf32, #tpu.memory_space<vmem_shared>>
      %dma_start3A_95 = arith.constant 0 : i32
      %dma_start3A_96 = arith.constant 0 : i32
      %dma_start3A_97 = tpu.memref_slice %arg12[%dma_start3A_95, %dma_start3A_96] : memref<128x128xf32, #tpu.memory_space<vmem>> -> memref<128x16xf32, #tpu.memory_space<vmem>>
      tpu.enqueue_dma source(%dma_start3A_97 : memref<128x16xf32, #tpu.memory_space<vmem>>) target(%dma_start3A_94 : memref<128x16xf32, #tpu.memory_space<vmem_shared>>) target_semaphore(%run_scoped3A : memref<!tpu.dma_semaphore, #tpu.memory_space<semaphore_mem>>)
      %dma_wait3A = arith.constant 0 : i32
      %dma_wait3A_98 = arith.constant 0 : i32
      %dma_wait3A_99 = tpu.memref_slice %arg12[%dma_wait3A, %dma_wait3A_98] : memref<128x128xf32, #tpu.memory_space<vmem>> -> memref<128x16xf32, #tpu.memory_space<vmem>>
      %dma_wait3A_100 = arith.constant 0 : i32
      %dma_wait3A_101 = tpu.memref_slice %arg14[%mul3A_54, %dma_wait3A_100] : memref<10240x16xf32, #tpu.memory_space<vmem_shared>> -> memref<128x16xf32, #tpu.memory_space<vmem_shared>>
      %dma_wait3A_102 = arith.constant 0 : i32
      %dma_wait3A_103 = tpu.memref_slice %arg14[%mul3A_54, %dma_wait3A_102] : memref<10240x16xf32, #tpu.memory_space<vmem_shared>> -> memref<128x16xf32, #tpu.memory_space<vmem_shared>>
      %dma_wait3A_104 = arith.constant 0 : i32
      %dma_wait3A_105 = arith.constant 0 : i32
      %dma_wait3A_106 = tpu.memref_slice %arg12[%dma_wait3A_104, %dma_wait3A_105] : memref<128x128xf32, #tpu.memory_space<vmem>> -> memref<128x16xf32, #tpu.memory_space<vmem>>
      tpu.wait_dma2 semaphore(%run_scoped3A : memref<!tpu.dma_semaphore, #tpu.memory_space<semaphore_mem>>) src(%dma_wait3A_106 : memref<128x16xf32, #tpu.memory_space<vmem>>) dst(%dma_wait3A_103 : memref<128x16xf32, #tpu.memory_space<vmem_shared>>)
      tpu.yield
    }) : () -> ()
    %mul3A_55 = arith.constant 5 : i32
    %mul3A_56 = arith.muli %arg1, %mul3A_55 : i32
    %add3A_57 = arith.constant 4 : i32
    %add3A_58 = arith.addi %mul3A_56, %add3A_57 : i32
    %mul3A_59 = arith.constant 128 : i32
    %mul3A_60 = arith.muli %add3A_58, %mul3A_59 : i32
    "tpu.region"() ({
      %run_scoped3A = tpu.sem_alloc : memref<!tpu.dma_semaphore, #tpu.memory_space<semaphore_mem>>
      %dma_start3A = arith.constant 0 : i32
      %dma_start3A_89 = tpu.memref_slice %arg13[%mul3A_60, %dma_start3A] : memref<10240x128xf32, #tpu.memory_space<vmem_shared>> -> memref<128x128xf32, #tpu.memory_space<vmem_shared>>
      %dma_start3A_90 = arith.constant 0 : i32
      %dma_start3A_91 = tpu.memref_slice %arg13[%mul3A_60, %dma_start3A_90] : memref<10240x128xf32, #tpu.memory_space<vmem_shared>> -> memref<128x128xf32, #tpu.memory_space<vmem_shared>>
      tpu.enqueue_dma source(%arg12 : memref<128x128xf32, #tpu.memory_space<vmem>>) target(%dma_start3A_91 : memref<128x128xf32, #tpu.memory_space<vmem_shared>>) target_semaphore(%run_scoped3A : memref<!tpu.dma_semaphore, #tpu.memory_space<semaphore_mem>>)
      %dma_wait3A = arith.constant 0 : i32
      %dma_wait3A_92 = tpu.memref_slice %arg13[%mul3A_60, %dma_wait3A] : memref<10240x128xf32, #tpu.memory_space<vmem_shared>> -> memref<128x128xf32, #tpu.memory_space<vmem_shared>>
      %dma_wait3A_93 = arith.constant 0 : i32
      %dma_wait3A_94 = tpu.memref_slice %arg13[%mul3A_60, %dma_wait3A_93] : memref<10240x128xf32, #tpu.memory_space<vmem_shared>> -> memref<128x128xf32, #tpu.memory_space<vmem_shared>>
      tpu.wait_dma2 semaphore(%run_scoped3A : memref<!tpu.dma_semaphore, #tpu.memory_space<semaphore_mem>>) src(%arg12 : memref<128x128xf32, #tpu.memory_space<vmem>>) dst(%dma_wait3A_94 : memref<128x128xf32, #tpu.memory_space<vmem_shared>>)
      tpu.yield
    }) : () -> ()
    %mul3A_61 = arith.constant 5 : i32
    %mul3A_62 = arith.muli %arg1, %mul3A_61 : i32
    %add3A_63 = arith.constant 4 : i32
    %add3A_64 = arith.addi %mul3A_62, %add3A_63 : i32
    %mul3A_65 = arith.constant 128 : i32
    %mul3A_66 = arith.muli %add3A_64, %mul3A_65 : i32
    "tpu.region"() ({
      %run_scoped3A = tpu.sem_alloc : memref<!tpu.dma_semaphore, #tpu.memory_space<semaphore_mem>>
      %dma_start3A = arith.constant 0 : i32
      %dma_start3A_89 = arith.constant 0 : i32
      %dma_start3A_90 = tpu.memref_slice %arg12[%dma_start3A, %dma_start3A_89] : memref<128x128xf32, #tpu.memory_space<vmem>> -> memref<128x16xf32, #tpu.memory_space<vmem>>
      %dma_start3A_91 = arith.constant 0 : i32
      %dma_start3A_92 = tpu.memref_slice %arg14[%mul3A_66, %dma_start3A_91] : memref<10240x16xf32, #tpu.memory_space<vmem_shared>> -> memref<128x16xf32, #tpu.memory_space<vmem_shared>>
      %dma_start3A_93 = arith.constant 0 : i32
      %dma_start3A_94 = tpu.memref_slice %arg14[%mul3A_66, %dma_start3A_93] : memref<10240x16xf32, #tpu.memory_space<vmem_shared>> -> memref<128x16xf32, #tpu.memory_space<vmem_shared>>
      %dma_start3A_95 = arith.constant 0 : i32
      %dma_start3A_96 = arith.constant 0 : i32
      %dma_start3A_97 = tpu.memref_slice %arg12[%dma_start3A_95, %dma_start3A_96] : memref<128x128xf32, #tpu.memory_space<vmem>> -> memref<128x16xf32, #tpu.memory_space<vmem>>
      tpu.enqueue_dma source(%dma_start3A_97 : memref<128x16xf32, #tpu.memory_space<vmem>>) target(%dma_start3A_94 : memref<128x16xf32, #tpu.memory_space<vmem_shared>>) target_semaphore(%run_scoped3A : memref<!tpu.dma_semaphore, #tpu.memory_space<semaphore_mem>>)
      %dma_wait3A = arith.constant 0 : i32
      %dma_wait3A_98 = arith.constant 0 : i32
      %dma_wait3A_99 = tpu.memref_slice %arg12[%dma_wait3A, %dma_wait3A_98] : memref<128x128xf32, #tpu.memory_space<vmem>> -> memref<128x16xf32, #tpu.memory_space<vmem>>
      %dma_wait3A_100 = arith.constant 0 : i32
      %dma_wait3A_101 = tpu.memref_slice %arg14[%mul3A_66, %dma_wait3A_100] : memref<10240x16xf32, #tpu.memory_space<vmem_shared>> -> memref<128x16xf32, #tpu.memory_space<vmem_shared>>
      %dma_wait3A_102 = arith.constant 0 : i32
      %dma_wait3A_103 = tpu.memref_slice %arg14[%mul3A_66, %dma_wait3A_102] : memref<10240x16xf32, #tpu.memory_space<vmem_shared>> -> memref<128x16xf32, #tpu.memory_space<vmem_shared>>
      %dma_wait3A_104 = arith.constant 0 : i32
      %dma_wait3A_105 = arith.constant 0 : i32
      %dma_wait3A_106 = tpu.memref_slice %arg12[%dma_wait3A_104, %dma_wait3A_105] : memref<128x128xf32, #tpu.memory_space<vmem>> -> memref<128x16xf32, #tpu.memory_space<vmem>>
      tpu.wait_dma2 semaphore(%run_scoped3A : memref<!tpu.dma_semaphore, #tpu.memory_space<semaphore_mem>>) src(%dma_wait3A_106 : memref<128x16xf32, #tpu.memory_space<vmem>>) dst(%dma_wait3A_103 : memref<128x16xf32, #tpu.memory_space<vmem_shared>>)
      tpu.yield
    }) : () -> ()
    %barrier3A = arith.constant 0 : index
    tpu.barrier barrier_id(%barrier3A)
    %scan3A_67 = arith.constant 0 : i32
    %scan3A_68 = arith.constant 0 : i32
    %scan3A_69 = arith.constant 40 : i32
    %scan3A_70 = arith.addi %scan3A_68, %scan3A_69 : i32
    %scan3A_71 = arith.constant 1 : i32
    %scan3A_72 = scf.for %scan3A_89 = %scan3A_68 to %scan3A_70 step %scan3A_71 iter_args(%scan3A_90 = %scan3A_67) -> (i32)  : i32 {
      %mul3A_91 = arith.constant 32 : i32
      %mul3A_92 = arith.muli %scan3A_89, %mul3A_91 : i32
      %add3A_93 = arith.addi %mul3A_92, %add3A : i32
      %lt3A = arith.constant 1250 : i32
      %lt3A_94 = arith.cmpi slt, %add3A_93, %lt3A : i32
      %convert_element_type3A = arith.extui %lt3A_94 : i1 to i32
      %cond3A = arith.constant 0 : i32
      %cond3A_95 = arith.cmpi ne, %convert_element_type3A, %cond3A : i32
      scf.if %cond3A_95 {
        %mul3A_97 = arith.constant 128 : i32
        %mul3A_98 = arith.muli %add3A_93, %mul3A_97 : i32
        "tpu.region"() ({
          %run_scoped3A = tpu.sem_alloc : memref<!tpu.dma_semaphore, #tpu.memory_space<semaphore_mem>>
          %dma_start3A_110 = tpu.memref_slice %arg2[%mul3A_98] : memref<160000xi32, #tpu.memory_space<hbm>> -> memref<128xi32, #tpu.memory_space<hbm>>
          %dma_start3A_111 = tpu.memref_slice %arg2[%mul3A_98] : memref<160000xi32, #tpu.memory_space<hbm>> -> memref<128xi32, #tpu.memory_space<hbm>>
          tpu.enqueue_dma source(%dma_start3A_111 : memref<128xi32, #tpu.memory_space<hbm>>) target(%arg8 : memref<128xi32, #tpu.memory_space<vmem>>) target_semaphore(%run_scoped3A : memref<!tpu.dma_semaphore, #tpu.memory_space<semaphore_mem>>)
          %dma_wait3A_112 = tpu.memref_slice %arg2[%mul3A_98] : memref<160000xi32, #tpu.memory_space<hbm>> -> memref<128xi32, #tpu.memory_space<hbm>>
          %dma_wait3A_113 = tpu.memref_slice %arg2[%mul3A_98] : memref<160000xi32, #tpu.memory_space<hbm>> -> memref<128xi32, #tpu.memory_space<hbm>>
          tpu.wait_dma2 semaphore(%run_scoped3A : memref<!tpu.dma_semaphore, #tpu.memory_space<semaphore_mem>>) src(%dma_wait3A_113 : memref<128xi32, #tpu.memory_space<hbm>>) dst(%arg8 : memref<128xi32, #tpu.memory_space<vmem>>)
          tpu.yield
        }) : () -> ()
        "tpu.region"() ({
          %run_scoped3A = tpu.sem_alloc : memref<!tpu.dma_semaphore, #tpu.memory_space<semaphore_mem>>
          %dma_start3A_110 = tpu.memref_slice %arg3[%mul3A_98] : memref<160000xi32, #tpu.memory_space<hbm>> -> memref<128xi32, #tpu.memory_space<hbm>>
          %dma_start3A_111 = tpu.memref_slice %arg3[%mul3A_98] : memref<160000xi32, #tpu.memory_space<hbm>> -> memref<128xi32, #tpu.memory_space<hbm>>
          tpu.enqueue_dma source(%dma_start3A_111 : memref<128xi32, #tpu.memory_space<hbm>>) target(%arg9 : memref<128xi32, #tpu.memory_space<vmem>>) target_semaphore(%run_scoped3A : memref<!tpu.dma_semaphore, #tpu.memory_space<semaphore_mem>>)
          %dma_wait3A_112 = tpu.memref_slice %arg3[%mul3A_98] : memref<160000xi32, #tpu.memory_space<hbm>> -> memref<128xi32, #tpu.memory_space<hbm>>
          %dma_wait3A_113 = tpu.memref_slice %arg3[%mul3A_98] : memref<160000xi32, #tpu.memory_space<hbm>> -> memref<128xi32, #tpu.memory_space<hbm>>
          tpu.wait_dma2 semaphore(%run_scoped3A : memref<!tpu.dma_semaphore, #tpu.memory_space<semaphore_mem>>) src(%dma_wait3A_113 : memref<128xi32, #tpu.memory_space<hbm>>) dst(%arg9 : memref<128xi32, #tpu.memory_space<vmem>>)
          tpu.yield
        }) : () -> ()
        "tpu.region"() ({
          %run_scoped3A = tpu.sem_alloc : memref<!tpu.dma_semaphore, #tpu.memory_space<semaphore_mem>>
          %dma_start3A_110 = arith.constant 0 : i32
          %dma_start3A_111 = tpu.memref_slice %arg4[%mul3A_98, %dma_start3A_110] : memref<160000x16xf32, #tpu.memory_space<hbm>> -> memref<128x16xf32, #tpu.memory_space<hbm>>
          %dma_start3A_112 = arith.constant 0 : i32
          %dma_start3A_113 = tpu.memref_slice %arg4[%mul3A_98, %dma_start3A_112] : memref<160000x16xf32, #tpu.memory_space<hbm>> -> memref<128x16xf32, #tpu.memory_space<hbm>>
          tpu.enqueue_dma source(%dma_start3A_113 : memref<128x16xf32, #tpu.memory_space<hbm>>) target(%arg10 : memref<128x16xf32, #tpu.memory_space<vmem>>) target_semaphore(%run_scoped3A : memref<!tpu.dma_semaphore, #tpu.memory_space<semaphore_mem>>)
          %dma_wait3A_114 = arith.constant 0 : i32
          %dma_wait3A_115 = tpu.memref_slice %arg4[%mul3A_98, %dma_wait3A_114] : memref<160000x16xf32, #tpu.memory_space<hbm>> -> memref<128x16xf32, #tpu.memory_space<hbm>>
          %dma_wait3A_116 = arith.constant 0 : i32
          %dma_wait3A_117 = tpu.memref_slice %arg4[%mul3A_98, %dma_wait3A_116] : memref<160000x16xf32, #tpu.memory_space<hbm>> -> memref<128x16xf32, #tpu.memory_space<hbm>>
          tpu.wait_dma2 semaphore(%run_scoped3A : memref<!tpu.dma_semaphore, #tpu.memory_space<semaphore_mem>>) src(%dma_wait3A_117 : memref<128x16xf32, #tpu.memory_space<hbm>>) dst(%arg10 : memref<128x16xf32, #tpu.memory_space<vmem>>)
          tpu.yield
        }) : () -> ()
        %dma_start3A = arith.constant 0 : i32
        %dma_start3A_99 = arith.constant 0 : i32
        %dma_start3A_100 = tpu.memref_slice %arg5[%dma_start3A, %dma_start3A_99] : memref<10000x128xf32, #tpu.memory_space<hbm>> -> memref<10000x128xf32, #tpu.memory_space<hbm>>
        tpu.enqueue_indirect_dma source(%dma_start3A_100 : memref<10000x128xf32, #tpu.memory_space<hbm>>) target(%arg11 : memref<128x128xf32, #tpu.memory_space<vmem>>) offsets(%arg8 : memref<128xi32, #tpu.memory_space<vmem>>) semaphore(%arg15 : memref<!tpu.dma_semaphore, #tpu.memory_space<semaphore_mem>>)
        %dma_wait3A = arith.constant 0 : i32
        %dma_wait3A_101 = arith.constant 0 : i32
        %dma_wait3A_102 = tpu.memref_slice %arg5[%dma_wait3A, %dma_wait3A_101] : memref<10000x128xf32, #tpu.memory_space<hbm>> -> memref<10000x128xf32, #tpu.memory_space<hbm>>
        tpu.wait_indirect_dma semaphore(%arg15 : memref<!tpu.dma_semaphore, #tpu.memory_space<semaphore_mem>>) src(%dma_wait3A_102 : memref<10000x128xf32, #tpu.memory_space<hbm>>) dst(%arg11 : memref<128x128xf32, #tpu.memory_space<vmem>>)
        %scan3A_103 = arith.constant 0 : i32
        %scan3A_104 = arith.constant 0 : i32
        %scan3A_105 = arith.constant 128 : i32
        %scan3A_106 = arith.addi %scan3A_104, %scan3A_105 : i32
        %scan3A_107 = arith.constant 1 : i32
        %scan3A_108 = scf.for %scan3A_110 = %scan3A_104 to %scan3A_106 step %scan3A_107 iter_args(%scan3A_111 = %scan3A_103) -> (i32)  : i32 {
          %get3A = arith.index_cast %scan3A_110 : i32 to index
          %get3A_112 = arith.constant 0 : index
          %get3A_113 = tpu.vector_load %arg10[%get3A, %get3A_112] {strides = array<i32>} : memref<128x16xf32, #tpu.memory_space<vmem>>, vector<1x16xf32>,
          %get3A_114 = vector.shape_cast %get3A_113 : vector<1x16xf32> to vector<16xf32>
          %slice3A = vector.extract_strided_slice %get3A_114 {offsets = [6], sizes = [1], strides = [1]} : vector<16xf32> to vector<1xf32>
          %squeeze3A = vector.extract %slice3A[0] : f32 from vector<1xf32>
          %get3A_115 = arith.index_cast %scan3A_110 : i32 to index
          %get3A_116 = arith.constant 0 : index
          %get3A_117 = tpu.vector_load %arg11[%get3A_115, %get3A_116] {strides = array<i32>} : memref<128x128xf32, #tpu.memory_space<vmem>>, vector<1x16xf32>,
          %get3A_118 = vector.shape_cast %get3A_117 : vector<1x16xf32> to vector<16xf32>
          %mul3A_119 = vector.broadcast %squeeze3A : f32 to vector<16xf32>
          %mul3A_120 = arith.mulf %get3A_118, %mul3A_119 : vector<16xf32>
          %swap3A = arith.index_cast %scan3A_110 : i32 to index
          %swap3A_121 = arith.constant 0 : index
          %swap3A_122 = tpu.vector_load %arg11[%swap3A, %swap3A_121] {strides = array<i32>} : memref<128x128xf32, #tpu.memory_space<vmem>>, vector<1x16xf32>,
          %swap3A_123 = vector.shape_cast %swap3A_122 : vector<1x16xf32> to vector<16xf32>
          %swap3A_124 = vector.shape_cast %mul3A_120 : vector<16xf32> to vector<1x16xf32>
          tpu.vector_store %arg11[%swap3A, %swap3A_121], %swap3A_124 {strides = array<i32>} : memref<128x128xf32, #tpu.memory_space<vmem>>, vector<1x16xf32>,
          %get3A_125 = arith.index_cast %scan3A_110 : i32 to index
          %get3A_126 = arith.constant 16 : index
          %get3A_127 = tpu.vector_load %arg11[%get3A_125, %get3A_126] {strides = array<i32>} : memref<128x128xf32, #tpu.memory_space<vmem>>, vector<1x16xf32>,
          %get3A_128 = vector.shape_cast %get3A_127 : vector<1x16xf32> to vector<16xf32>
          %mul3A_129 = vector.broadcast %squeeze3A : f32 to vector<16xf32>
          %mul3A_130 = arith.mulf %get3A_128, %mul3A_129 : vector<16xf32>
          %swap3A_131 = arith.index_cast %scan3A_110 : i32 to index
          %swap3A_132 = arith.constant 16 : index
          %swap3A_133 = tpu.vector_load %arg11[%swap3A_131, %swap3A_132] {strides = array<i32>} : memref<128x128xf32, #tpu.memory_space<vmem>>, vector<1x16xf32>,
          %swap3A_134 = vector.shape_cast %swap3A_133 : vector<1x16xf32> to vector<16xf32>
          %swap3A_135 = vector.shape_cast %mul3A_130 : vector<16xf32> to vector<1x16xf32>
          tpu.vector_store %arg11[%swap3A_131, %swap3A_132], %swap3A_135 {strides = array<i32>} : memref<128x128xf32, #tpu.memory_space<vmem>>, vector<1x16xf32>,
          %get3A_136 = arith.index_cast %scan3A_110 : i32 to index
          %get3A_137 = arith.constant 32 : index
          %get3A_138 = tpu.vector_load %arg11[%get3A_136, %get3A_137] {strides = array<i32>} : memref<128x128xf32, #tpu.memory_space<vmem>>, vector<1x16xf32>,
          %get3A_139 = vector.shape_cast %get3A_138 : vector<1x16xf32> to vector<16xf32>
          %mul3A_140 = vector.broadcast %squeeze3A : f32 to vector<16xf32>
          %mul3A_141 = arith.mulf %get3A_139, %mul3A_140 : vector<16xf32>
          %swap3A_142 = arith.index_cast %scan3A_110 : i32 to index
          %swap3A_143 = arith.constant 32 : index
          %swap3A_144 = tpu.vector_load %arg11[%swap3A_142, %swap3A_143] {strides = array<i32>} : memref<128x128xf32, #tpu.memory_space<vmem>>, vector<1x16xf32>,
          %swap3A_145 = vector.shape_cast %swap3A_144 : vector<1x16xf32> to vector<16xf32>
          %swap3A_146 = vector.shape_cast %mul3A_141 : vector<16xf32> to vector<1x16xf32>
          tpu.vector_store %arg11[%swap3A_142, %swap3A_143], %swap3A_146 {strides = array<i32>} : memref<128x128xf32, #tpu.memory_space<vmem>>, vector<1x16xf32>,
          %get3A_147 = arith.index_cast %scan3A_110 : i32 to index
          %get3A_148 = arith.constant 48 : index
          %get3A_149 = tpu.vector_load %arg11[%get3A_147, %get3A_148] {strides = array<i32>} : memref<128x128xf32, #tpu.memory_space<vmem>>, vector<1x16xf32>,
          %get3A_150 = vector.shape_cast %get3A_149 : vector<1x16xf32> to vector<16xf32>
          %mul3A_151 = vector.broadcast %squeeze3A : f32 to vector<16xf32>
          %mul3A_152 = arith.mulf %get3A_150, %mul3A_151 : vector<16xf32>
          %swap3A_153 = arith.index_cast %scan3A_110 : i32 to index
          %swap3A_154 = arith.constant 48 : index
          %swap3A_155 = tpu.vector_load %arg11[%swap3A_153, %swap3A_154] {strides = array<i32>} : memref<128x128xf32, #tpu.memory_space<vmem>>, vector<1x16xf32>,
          %swap3A_156 = vector.shape_cast %swap3A_155 : vector<1x16xf32> to vector<16xf32>
          %swap3A_157 = vector.shape_cast %mul3A_152 : vector<16xf32> to vector<1x16xf32>
          tpu.vector_store %arg11[%swap3A_153, %swap3A_154], %swap3A_157 {strides = array<i32>} : memref<128x128xf32, #tpu.memory_space<vmem>>, vector<1x16xf32>,
          %slice3A_158 = vector.extract_strided_slice %get3A_114 {offsets = [7], sizes = [1], strides = [1]} : vector<16xf32> to vector<1xf32>
          %squeeze3A_159 = vector.extract %slice3A_158[0] : f32 from vector<1xf32>
          %get3A_160 = arith.index_cast %scan3A_110 : i32 to index
          %get3A_161 = arith.constant 64 : index
          %get3A_162 = tpu.vector_load %arg11[%get3A_160, %get3A_161] {strides = array<i32>} : memref<128x128xf32, #tpu.memory_space<vmem>>, vector<1x16xf32>,
          %get3A_163 = vector.shape_cast %get3A_162 : vector<1x16xf32> to vector<16xf32>
          %mul3A_164 = vector.broadcast %squeeze3A_159 : f32 to vector<16xf32>
          %mul3A_165 = arith.mulf %get3A_163, %mul3A_164 : vector<16xf32>
          %swap3A_166 = arith.index_cast %scan3A_110 : i32 to index
          %swap3A_167 = arith.constant 64 : index
          %swap3A_168 = tpu.vector_load %arg11[%swap3A_166, %swap3A_167] {strides = array<i32>} : memref<128x128xf32, #tpu.memory_space<vmem>>, vector<1x16xf32>,
          %swap3A_169 = vector.shape_cast %swap3A_168 : vector<1x16xf32> to vector<16xf32>
          %swap3A_170 = vector.shape_cast %mul3A_165 : vector<16xf32> to vector<1x16xf32>
          tpu.vector_store %arg11[%swap3A_166, %swap3A_167], %swap3A_170 {strides = array<i32>} : memref<128x128xf32, #tpu.memory_space<vmem>>, vector<1x16xf32>,
          %get3A_171 = arith.index_cast %scan3A_110 : i32 to index
          %get3A_172 = arith.constant 80 : index
          %get3A_173 = tpu.vector_load %arg11[%get3A_171, %get3A_172] {strides = array<i32>} : memref<128x128xf32, #tpu.memory_space<vmem>>, vector<1x16xf32>,
          %get3A_174 = vector.shape_cast %get3A_173 : vector<1x16xf32> to vector<16xf32>
          %mul3A_175 = vector.broadcast %squeeze3A_159 : f32 to vector<16xf32>
          %mul3A_176 = arith.mulf %get3A_174, %mul3A_175 : vector<16xf32>
          %swap3A_177 = arith.index_cast %scan3A_110 : i32 to index
          %swap3A_178 = arith.constant 80 : index
          %swap3A_179 = tpu.vector_load %arg11[%swap3A_177, %swap3A_178] {strides = array<i32>} : memref<128x128xf32, #tpu.memory_space<vmem>>, vector<1x16xf32>,
          %swap3A_180 = vector.shape_cast %swap3A_179 : vector<1x16xf32> to vector<16xf32>
          %swap3A_181 = vector.shape_cast %mul3A_176 : vector<16xf32> to vector<1x16xf32>
          tpu.vector_store %arg11[%swap3A_177, %swap3A_178], %swap3A_181 {strides = array<i32>} : memref<128x128xf32, #tpu.memory_space<vmem>>, vector<1x16xf32>,
          %get3A_182 = arith.index_cast %scan3A_110 : i32 to index
          %get3A_183 = arith.constant 96 : index
          %get3A_184 = tpu.vector_load %arg11[%get3A_182, %get3A_183] {strides = array<i32>} : memref<128x128xf32, #tpu.memory_space<vmem>>, vector<1x16xf32>,
          %get3A_185 = vector.shape_cast %get3A_184 : vector<1x16xf32> to vector<16xf32>
          %mul3A_186 = vector.broadcast %squeeze3A_159 : f32 to vector<16xf32>
          %mul3A_187 = arith.mulf %get3A_185, %mul3A_186 : vector<16xf32>
          %swap3A_188 = arith.index_cast %scan3A_110 : i32 to index
          %swap3A_189 = arith.constant 96 : index
          %swap3A_190 = tpu.vector_load %arg11[%swap3A_188, %swap3A_189] {strides = array<i32>} : memref<128x128xf32, #tpu.memory_space<vmem>>, vector<1x16xf32>,
          %swap3A_191 = vector.shape_cast %swap3A_190 : vector<1x16xf32> to vector<16xf32>
          %swap3A_192 = vector.shape_cast %mul3A_187 : vector<16xf32> to vector<1x16xf32>
          tpu.vector_store %arg11[%swap3A_188, %swap3A_189], %swap3A_192 {strides = array<i32>} : memref<128x128xf32, #tpu.memory_space<vmem>>, vector<1x16xf32>,
          %get3A_193 = arith.index_cast %scan3A_110 : i32 to index
          %get3A_194 = arith.constant 112 : index
          %get3A_195 = tpu.vector_load %arg11[%get3A_193, %get3A_194] {strides = array<i32>} : memref<128x128xf32, #tpu.memory_space<vmem>>, vector<1x16xf32>,
          %get3A_196 = vector.shape_cast %get3A_195 : vector<1x16xf32> to vector<16xf32>
          %mul3A_197 = vector.broadcast %squeeze3A_159 : f32 to vector<16xf32>
          %mul3A_198 = arith.mulf %get3A_196, %mul3A_197 : vector<16xf32>
          %swap3A_199 = arith.index_cast %scan3A_110 : i32 to index
          %swap3A_200 = arith.constant 112 : index
          %swap3A_201 = tpu.vector_load %arg11[%swap3A_199, %swap3A_200] {strides = array<i32>} : memref<128x128xf32, #tpu.memory_space<vmem>>, vector<1x16xf32>,
          %swap3A_202 = vector.shape_cast %swap3A_201 : vector<1x16xf32> to vector<16xf32>
          %swap3A_203 = vector.shape_cast %mul3A_198 : vector<16xf32> to vector<1x16xf32>
          tpu.vector_store %arg11[%swap3A_199, %swap3A_200], %swap3A_203 {strides = array<i32>} : memref<128x128xf32, #tpu.memory_space<vmem>>, vector<1x16xf32>,
          %scan3A_204 = arith.constant 0 : i32
          scf.yield %scan3A_204 : i32
        }
        %scan3A_109 = arith.constant 128 : i32
        "tpu.region"() ({
          %run_scoped3A = tpu.sem_alloc : memref<!tpu.dma_semaphore, #tpu.memory_space<semaphore_mem>>
          %dma_start3A_110 = arith.constant 0 : i32
          %dma_start3A_111 = arith.constant 0 : i32
          %dma_start3A_112 = tpu.memref_slice %arg13[%dma_start3A_110, %dma_start3A_111] : memref<10240x128xf32, #tpu.memory_space<vmem_shared>> -> memref<10240x128xf32, #tpu.memory_space<vmem_shared>>
          tpu.enqueue_indirect_dma source(%arg11 : memref<128x128xf32, #tpu.memory_space<vmem>>) target(%dma_start3A_112 : memref<10240x128xf32, #tpu.memory_space<vmem_shared>>) offsets(%arg9 : memref<128xi32, #tpu.memory_space<vmem>>) semaphore(%run_scoped3A : memref<!tpu.dma_semaphore, #tpu.memory_space<semaphore_mem>>) {add = true}
          %dma_wait3A_113 = arith.constant 0 : i32
          %dma_wait3A_114 = arith.constant 0 : i32
          %dma_wait3A_115 = tpu.memref_slice %arg13[%dma_wait3A_113, %dma_wait3A_114] : memref<10240x128xf32, #tpu.memory_space<vmem_shared>> -> memref<10240x128xf32, #tpu.memory_space<vmem_shared>>
          tpu.wait_indirect_dma semaphore(%run_scoped3A : memref<!tpu.dma_semaphore, #tpu.memory_space<semaphore_mem>>) src(%arg11 : memref<128x128xf32, #tpu.memory_space<vmem>>) dst(%dma_wait3A_115 : memref<10240x128xf32, #tpu.memory_space<vmem_shared>>)
          tpu.yield
        }) : () -> ()
        "tpu.region"() ({
          %run_scoped3A = tpu.sem_alloc : memref<!tpu.dma_semaphore, #tpu.memory_space<semaphore_mem>>
          %dma_start3A_110 = arith.constant 0 : i32
          %dma_start3A_111 = arith.constant 0 : i32
          %dma_start3A_112 = tpu.memref_slice %arg14[%dma_start3A_110, %dma_start3A_111] : memref<10240x16xf32, #tpu.memory_space<vmem_shared>> -> memref<10240x16xf32, #tpu.memory_space<vmem_shared>>
          tpu.enqueue_indirect_dma source(%arg10 : memref<128x16xf32, #tpu.memory_space<vmem>>) target(%dma_start3A_112 : memref<10240x16xf32, #tpu.memory_space<vmem_shared>>) offsets(%arg9 : memref<128xi32, #tpu.memory_space<vmem>>) semaphore(%run_scoped3A : memref<!tpu.dma_semaphore, #tpu.memory_space<semaphore_mem>>) {add = true}
          %dma_wait3A_113 = arith.constant 0 : i32
          %dma_wait3A_114 = arith.constant 0 : i32
          %dma_wait3A_115 = tpu.memref_slice %arg14[%dma_wait3A_113, %dma_wait3A_114] : memref<10240x16xf32, #tpu.memory_space<vmem_shared>> -> memref<10240x16xf32, #tpu.memory_space<vmem_shared>>
          tpu.wait_indirect_dma semaphore(%run_scoped3A : memref<!tpu.dma_semaphore, #tpu.memory_space<semaphore_mem>>) src(%arg10 : memref<128x16xf32, #tpu.memory_space<vmem>>) dst(%dma_wait3A_115 : memref<10240x16xf32, #tpu.memory_space<vmem_shared>>)
          tpu.yield
        }) : () -> ()
      } else {
      }
      %scan3A_96 = arith.constant 0 : i32
      scf.yield %scan3A_96 : i32
    }
    %scan3A_73 = arith.constant 40 : i32
    %barrier3A_74 = arith.constant 0 : index
    tpu.barrier barrier_id(%barrier3A_74)
    %mul3A_75 = arith.constant 640 : i32
    %mul3A_76 = arith.muli %arg1, %mul3A_75 : i32
    %mul3A_77 = arith.constant 10240 : i32
    %mul3A_78 = arith.muli %arg0, %mul3A_77 : i32
    %mul3A_79 = arith.constant 640 : i32
    %mul3A_80 = arith.muli %arg1, %mul3A_79 : i32
    %add3A_81 = arith.addi %mul3A_78, %mul3A_80 : i32
    "tpu.region"() ({
      %run_scoped3A = tpu.sem_alloc : memref<!tpu.dma_semaphore, #tpu.memory_space<semaphore_mem>>
      %dma_start3A = arith.constant 0 : i32
      %dma_start3A_89 = tpu.memref_slice %arg6[%add3A_81, %dma_start3A] : memref<20480x128xf32, #tpu.memory_space<hbm>> -> memref<640x128xf32, #tpu.memory_space<hbm>>
      %dma_start3A_90 = arith.constant 0 : i32
      %dma_start3A_91 = tpu.memref_slice %arg13[%mul3A_76, %dma_start3A_90] : memref<10240x128xf32, #tpu.memory_space<vmem_shared>> -> memref<640x128xf32, #tpu.memory_space<vmem_shared>>
      tpu.enqueue_dma source(%dma_start3A_91 : memref<640x128xf32, #tpu.memory_space<vmem_shared>>) target(%dma_start3A_89 : memref<640x128xf32, #tpu.memory_space<hbm>>) target_semaphore(%run_scoped3A : memref<!tpu.dma_semaphore, #tpu.memory_space<semaphore_mem>>)
      %dma_wait3A = arith.constant 0 : i32
      %dma_wait3A_92 = tpu.memref_slice %arg6[%add3A_81, %dma_wait3A] : memref<20480x128xf32, #tpu.memory_space<hbm>> -> memref<640x128xf32, #tpu.memory_space<hbm>>
      %dma_wait3A_93 = arith.constant 0 : i32
      %dma_wait3A_94 = tpu.memref_slice %arg13[%mul3A_76, %dma_wait3A_93] : memref<10240x128xf32, #tpu.memory_space<vmem_shared>> -> memref<640x128xf32, #tpu.memory_space<vmem_shared>>
      tpu.wait_dma2 semaphore(%run_scoped3A : memref<!tpu.dma_semaphore, #tpu.memory_space<semaphore_mem>>) src(%dma_wait3A_94 : memref<640x128xf32, #tpu.memory_space<vmem_shared>>) dst(%dma_wait3A_92 : memref<640x128xf32, #tpu.memory_space<hbm>>)
      tpu.yield
    }) : () -> ()
    %mul3A_82 = arith.constant 640 : i32
    %mul3A_83 = arith.muli %arg1, %mul3A_82 : i32
    %mul3A_84 = arith.constant 10240 : i32
    %mul3A_85 = arith.muli %arg0, %mul3A_84 : i32
    %mul3A_86 = arith.constant 640 : i32
    %mul3A_87 = arith.muli %arg1, %mul3A_86 : i32
    %add3A_88 = arith.addi %mul3A_85, %mul3A_87 : i32
    "tpu.region"() ({
      %run_scoped3A = tpu.sem_alloc : memref<!tpu.dma_semaphore, #tpu.memory_space<semaphore_mem>>
      %dma_start3A = arith.constant 0 : i32
      %dma_start3A_89 = tpu.memref_slice %arg7[%add3A_88, %dma_start3A] : memref<20480x16xf32, #tpu.memory_space<hbm>> -> memref<640x16xf32, #tpu.memory_space<hbm>>
      %dma_start3A_90 = arith.constant 0 : i32
      %dma_start3A_91 = tpu.memref_slice %arg14[%mul3A_83, %dma_start3A_90] : memref<10240x16xf32, #tpu.memory_space<vmem_shared>> -> memref<640x16xf32, #tpu.memory_space<vmem_shared>>
      tpu.enqueue_dma source(%dma_start3A_91 : memref<640x16xf32, #tpu.memory_space<vmem_shared>>) target(%dma_start3A_89 : memref<640x16xf32, #tpu.memory_space<hbm>>) target_semaphore(%run_scoped3A : memref<!tpu.dma_semaphore, #tpu.memory_space<semaphore_mem>>)
      %dma_wait3A = arith.constant 0 : i32
      %dma_wait3A_92 = tpu.memref_slice %arg7[%add3A_88, %dma_wait3A] : memref<20480x16xf32, #tpu.memory_space<hbm>> -> memref<640x16xf32, #tpu.memory_space<hbm>>
      %dma_wait3A_93 = arith.constant 0 : i32
      %dma_wait3A_94 = tpu.memref_slice %arg14[%mul3A_83, %dma_wait3A_93] : memref<10240x16xf32, #tpu.memory_space<vmem_shared>> -> memref<640x16xf32, #tpu.memory_space<vmem_shared>>
      tpu.wait_dma2 semaphore(%run_scoped3A : memref<!tpu.dma_semaphore, #tpu.memory_space<semaphore_mem>>) src(%dma_wait3A_94 : memref<640x16xf32, #tpu.memory_space<vmem_shared>>) dst(%dma_wait3A_92 : memref<640x16xf32, #tpu.memory_space<hbm>>)
      tpu.yield
    }) : () -> ()
    return
  }
}

#map = affine_map<(d0, d1) -> (0)>
#map1 = affine_map<(d0, d1) -> (0, 0)>
module attributes {stable_mosaic.version = 14 : i64} {
  func.func @_sc_attention(%arg0: i32, %arg1: i32, %arg2: memref<160000xi32, #tpu.memory_space<hbm>>, %arg3: memref<160000xi32, #tpu.memory_space<hbm>>, %arg4: memref<10000x16xf32, #tpu.memory_space<hbm>>, %arg5: memref<10000x16xf32, #tpu.memory_space<hbm>>, %arg6: memref<160000x16xf32, #tpu.memory_space<hbm>>, %arg7: memref<128xi32, #tpu.memory_space<vmem>>, %arg8: memref<128xi32, #tpu.memory_space<vmem>>, %arg9: memref<128x16xf32, #tpu.memory_space<vmem>>, %arg10: memref<128x16xf32, #tpu.memory_space<vmem>>, %arg11: memref<128x16xf32, #tpu.memory_space<vmem>>, %arg12: memref<!tpu.dma_semaphore, #tpu.memory_space<semaphore_mem>>, %arg13: memref<!tpu.dma_semaphore, #tpu.memory_space<semaphore_mem>>) attributes {dimension_semantics = [#tpu.dimension_semantics<core_parallel>, #tpu.dimension_semantics<subcore_parallel>], iteration_bounds = array<i64: 2, 16>, scalar_prefetch = 0 : i64, scratch_operands = 7 : i64, tpu.core_type = #tpu.core_type<sc_vector_subcore>, window_params = [{transform_indices = #map}, {transform_indices = #map}, {transform_indices = #map1}, {transform_indices = #map1}, {transform_indices = #map1}]} {
    %mul3A = arith.constant 2 : i32
    %mul3A_0 = arith.muli %arg1, %mul3A : i32
    %add3A = arith.addi %mul3A_0, %arg0 : i32
    %scan3A = arith.constant 0 : i32
    %scan3A_1 = arith.constant 0 : i32
    %scan3A_2 = arith.constant 40 : i32
    %scan3A_3 = arith.addi %scan3A_1, %scan3A_2 : i32
    %scan3A_4 = arith.constant 1 : i32
    %scan3A_5 = scf.for %scan3A_7 = %scan3A_1 to %scan3A_3 step %scan3A_4 iter_args(%scan3A_8 = %scan3A) -> (i32)  : i32 {
      %mul3A_9 = arith.constant 32 : i32
      %mul3A_10 = arith.muli %scan3A_7, %mul3A_9 : i32
      %add3A_11 = arith.addi %mul3A_10, %add3A : i32
      %lt3A = arith.constant 1250 : i32
      %lt3A_12 = arith.cmpi slt, %add3A_11, %lt3A : i32
      %convert_element_type3A = arith.extui %lt3A_12 : i1 to i32
      %cond3A = arith.constant 0 : i32
      %cond3A_13 = arith.cmpi ne, %convert_element_type3A, %cond3A : i32
      scf.if %cond3A_13 {
        %mul3A_15 = arith.constant 128 : i32
        %mul3A_16 = arith.muli %add3A_11, %mul3A_15 : i32
        "tpu.region"() ({
          %run_scoped3A = tpu.sem_alloc : memref<!tpu.dma_semaphore, #tpu.memory_space<semaphore_mem>>
          %dma_start3A_34 = tpu.memref_slice %arg2[%mul3A_16] : memref<160000xi32, #tpu.memory_space<hbm>> -> memref<128xi32, #tpu.memory_space<hbm>>
          %dma_start3A_35 = tpu.memref_slice %arg2[%mul3A_16] : memref<160000xi32, #tpu.memory_space<hbm>> -> memref<128xi32, #tpu.memory_space<hbm>>
          tpu.enqueue_dma source(%dma_start3A_35 : memref<128xi32, #tpu.memory_space<hbm>>) target(%arg7 : memref<128xi32, #tpu.memory_space<vmem>>) target_semaphore(%run_scoped3A : memref<!tpu.dma_semaphore, #tpu.memory_space<semaphore_mem>>)
          %dma_wait3A_36 = tpu.memref_slice %arg2[%mul3A_16] : memref<160000xi32, #tpu.memory_space<hbm>> -> memref<128xi32, #tpu.memory_space<hbm>>
          %dma_wait3A_37 = tpu.memref_slice %arg2[%mul3A_16] : memref<160000xi32, #tpu.memory_space<hbm>> -> memref<128xi32, #tpu.memory_space<hbm>>
          tpu.wait_dma2 semaphore(%run_scoped3A : memref<!tpu.dma_semaphore, #tpu.memory_space<semaphore_mem>>) src(%dma_wait3A_37 : memref<128xi32, #tpu.memory_space<hbm>>) dst(%arg7 : memref<128xi32, #tpu.memory_space<vmem>>)
          tpu.yield
        }) : () -> ()
        "tpu.region"() ({
          %run_scoped3A = tpu.sem_alloc : memref<!tpu.dma_semaphore, #tpu.memory_space<semaphore_mem>>
          %dma_start3A_34 = tpu.memref_slice %arg3[%mul3A_16] : memref<160000xi32, #tpu.memory_space<hbm>> -> memref<128xi32, #tpu.memory_space<hbm>>
          %dma_start3A_35 = tpu.memref_slice %arg3[%mul3A_16] : memref<160000xi32, #tpu.memory_space<hbm>> -> memref<128xi32, #tpu.memory_space<hbm>>
          tpu.enqueue_dma source(%dma_start3A_35 : memref<128xi32, #tpu.memory_space<hbm>>) target(%arg8 : memref<128xi32, #tpu.memory_space<vmem>>) target_semaphore(%run_scoped3A : memref<!tpu.dma_semaphore, #tpu.memory_space<semaphore_mem>>)
          %dma_wait3A_36 = tpu.memref_slice %arg3[%mul3A_16] : memref<160000xi32, #tpu.memory_space<hbm>> -> memref<128xi32, #tpu.memory_space<hbm>>
          %dma_wait3A_37 = tpu.memref_slice %arg3[%mul3A_16] : memref<160000xi32, #tpu.memory_space<hbm>> -> memref<128xi32, #tpu.memory_space<hbm>>
          tpu.wait_dma2 semaphore(%run_scoped3A : memref<!tpu.dma_semaphore, #tpu.memory_space<semaphore_mem>>) src(%dma_wait3A_37 : memref<128xi32, #tpu.memory_space<hbm>>) dst(%arg8 : memref<128xi32, #tpu.memory_space<vmem>>)
          tpu.yield
        }) : () -> ()
        %dma_start3A = arith.constant 0 : i32
        %dma_start3A_17 = arith.constant 0 : i32
        %dma_start3A_18 = tpu.memref_slice %arg4[%dma_start3A, %dma_start3A_17] : memref<10000x16xf32, #tpu.memory_space<hbm>> -> memref<10000x16xf32, #tpu.memory_space<hbm>>
        tpu.enqueue_indirect_dma source(%dma_start3A_18 : memref<10000x16xf32, #tpu.memory_space<hbm>>) target(%arg9 : memref<128x16xf32, #tpu.memory_space<vmem>>) offsets(%arg7 : memref<128xi32, #tpu.memory_space<vmem>>) semaphore(%arg12 : memref<!tpu.dma_semaphore, #tpu.memory_space<semaphore_mem>>)
        %dma_start3A_19 = arith.constant 0 : i32
        %dma_start3A_20 = arith.constant 0 : i32
        %dma_start3A_21 = tpu.memref_slice %arg5[%dma_start3A_19, %dma_start3A_20] : memref<10000x16xf32, #tpu.memory_space<hbm>> -> memref<10000x16xf32, #tpu.memory_space<hbm>>
        tpu.enqueue_indirect_dma source(%dma_start3A_21 : memref<10000x16xf32, #tpu.memory_space<hbm>>) target(%arg10 : memref<128x16xf32, #tpu.memory_space<vmem>>) offsets(%arg8 : memref<128xi32, #tpu.memory_space<vmem>>) semaphore(%arg13 : memref<!tpu.dma_semaphore, #tpu.memory_space<semaphore_mem>>)
        %dma_wait3A = arith.constant 0 : i32
        %dma_wait3A_22 = arith.constant 0 : i32
        %dma_wait3A_23 = tpu.memref_slice %arg4[%dma_wait3A, %dma_wait3A_22] : memref<10000x16xf32, #tpu.memory_space<hbm>> -> memref<10000x16xf32, #tpu.memory_space<hbm>>
        tpu.wait_indirect_dma semaphore(%arg12 : memref<!tpu.dma_semaphore, #tpu.memory_space<semaphore_mem>>) src(%dma_wait3A_23 : memref<10000x16xf32, #tpu.memory_space<hbm>>) dst(%arg9 : memref<128x16xf32, #tpu.memory_space<vmem>>)
        %dma_wait3A_24 = arith.constant 0 : i32
        %dma_wait3A_25 = arith.constant 0 : i32
        %dma_wait3A_26 = tpu.memref_slice %arg5[%dma_wait3A_24, %dma_wait3A_25] : memref<10000x16xf32, #tpu.memory_space<hbm>> -> memref<10000x16xf32, #tpu.memory_space<hbm>>
        tpu.wait_indirect_dma semaphore(%arg13 : memref<!tpu.dma_semaphore, #tpu.memory_space<semaphore_mem>>) src(%dma_wait3A_26 : memref<10000x16xf32, #tpu.memory_space<hbm>>) dst(%arg10 : memref<128x16xf32, #tpu.memory_space<vmem>>)
        %scan3A_27 = arith.constant 0 : i32
        %scan3A_28 = arith.constant 0 : i32
        %scan3A_29 = arith.constant 128 : i32
        %scan3A_30 = arith.addi %scan3A_28, %scan3A_29 : i32
        %scan3A_31 = arith.constant 1 : i32
        %scan3A_32 = scf.for %scan3A_34 = %scan3A_28 to %scan3A_30 step %scan3A_31 iter_args(%scan3A_35 = %scan3A_27) -> (i32)  : i32 {
          %get3A = arith.index_cast %scan3A_34 : i32 to index
          %get3A_36 = arith.constant 0 : index
          %get3A_37 = tpu.vector_load %arg9[%get3A, %get3A_36] {strides = array<i32>} : memref<128x16xf32, #tpu.memory_space<vmem>>, vector<1x16xf32>,
          %get3A_38 = vector.shape_cast %get3A_37 : vector<1x16xf32> to vector<16xf32>
          %get3A_39 = arith.index_cast %scan3A_34 : i32 to index
          %get3A_40 = arith.constant 0 : index
          %get3A_41 = tpu.vector_load %arg10[%get3A_39, %get3A_40] {strides = array<i32>} : memref<128x16xf32, #tpu.memory_space<vmem>>, vector<1x16xf32>,
          %get3A_42 = vector.shape_cast %get3A_41 : vector<1x16xf32> to vector<16xf32>
          %add3A_43 = arith.addf %get3A_38, %get3A_42 : vector<16xf32>
          %ge3A = arith.constant 0.000000e+00 : f32
          %ge3A_44 = vector.broadcast %ge3A : f32 to vector<16xf32>
          %ge3A_45 = arith.cmpf oge, %add3A_43, %ge3A_44 : vector<16xf32>
          %mul3A_46 = arith.constant 2.000000e-01 : f32
          %mul3A_47 = vector.broadcast %mul3A_46 : f32 to vector<16xf32>
          %mul3A_48 = arith.mulf %mul3A_47, %add3A_43 : vector<16xf32>
          %select_n3A = arith.select %ge3A_45, %add3A_43, %mul3A_48 : vector<16xi1>, vector<16xf32>
          %swap3A = arith.index_cast %scan3A_34 : i32 to index
          %swap3A_49 = arith.constant 0 : index
          %swap3A_50 = tpu.vector_load %arg11[%swap3A, %swap3A_49] {strides = array<i32>} : memref<128x16xf32, #tpu.memory_space<vmem>>, vector<1x16xf32>,
          %swap3A_51 = vector.shape_cast %swap3A_50 : vector<1x16xf32> to vector<16xf32>
          %swap3A_52 = vector.shape_cast %select_n3A : vector<16xf32> to vector<1x16xf32>
          tpu.vector_store %arg11[%swap3A, %swap3A_49], %swap3A_52 {strides = array<i32>} : memref<128x16xf32, #tpu.memory_space<vmem>>, vector<1x16xf32>,
          %scan3A_53 = arith.constant 0 : i32
          scf.yield %scan3A_53 : i32
        }
        %scan3A_33 = arith.constant 128 : i32
        "tpu.region"() ({
          %run_scoped3A = tpu.sem_alloc : memref<!tpu.dma_semaphore, #tpu.memory_space<semaphore_mem>>
          %dma_start3A_34 = arith.constant 0 : i32
          %dma_start3A_35 = tpu.memref_slice %arg6[%mul3A_16, %dma_start3A_34] : memref<160000x16xf32, #tpu.memory_space<hbm>> -> memref<128x16xf32, #tpu.memory_space<hbm>>
          %dma_start3A_36 = arith.constant 0 : i32
          %dma_start3A_37 = tpu.memref_slice %arg6[%mul3A_16, %dma_start3A_36] : memref<160000x16xf32, #tpu.memory_space<hbm>> -> memref<128x16xf32, #tpu.memory_space<hbm>>
          tpu.enqueue_dma source(%arg11 : memref<128x16xf32, #tpu.memory_space<vmem>>) target(%dma_start3A_37 : memref<128x16xf32, #tpu.memory_space<hbm>>) target_semaphore(%run_scoped3A : memref<!tpu.dma_semaphore, #tpu.memory_space<semaphore_mem>>)
          %dma_wait3A_38 = arith.constant 0 : i32
          %dma_wait3A_39 = tpu.memref_slice %arg6[%mul3A_16, %dma_wait3A_38] : memref<160000x16xf32, #tpu.memory_space<hbm>> -> memref<128x16xf32, #tpu.memory_space<hbm>>
          %dma_wait3A_40 = arith.constant 0 : i32
          %dma_wait3A_41 = tpu.memref_slice %arg6[%mul3A_16, %dma_wait3A_40] : memref<160000x16xf32, #tpu.memory_space<hbm>> -> memref<128x16xf32, #tpu.memory_space<hbm>>
          tpu.wait_dma2 semaphore(%run_scoped3A : memref<!tpu.dma_semaphore, #tpu.memory_space<semaphore_mem>>) src(%arg11 : memref<128x16xf32, #tpu.memory_space<vmem>>) dst(%dma_wait3A_41 : memref<128x16xf32, #tpu.memory_space<hbm>>)
          tpu.yield
        }) : () -> ()
      } else {
      }
      %scan3A_14 = arith.constant 0 : i32
      scf.yield %scan3A_14 : i32
    }
    %scan3A_6 = arith.constant 40 : i32
    return
  }
}

#map = affine_map<(d0, d1) -> (0)>
#map1 = affine_map<(d0, d1) -> (0, 0)>
module attributes {stable_mosaic.version = 14 : i64} {
  func.func @body(%arg0: i32, %arg1: i32, %arg2: memref<160000xi32, #tpu.memory_space<hbm>>, %arg3: memref<160000xi32, #tpu.memory_space<hbm>>, %arg4: memref<160000x16xf32, #tpu.memory_space<hbm>>, %arg5: memref<10000x64xf32, #tpu.memory_space<hbm>>, %arg6: memref<20480x64xf32, #tpu.memory_space<hbm>>, %arg7: memref<20480x16xf32, #tpu.memory_space<hbm>>, %arg8: memref<128xi32, #tpu.memory_space<vmem>>, %arg9: memref<128xi32, #tpu.memory_space<vmem>>, %arg10: memref<128x16xf32, #tpu.memory_space<vmem>>, %arg11: memref<128x64xf32, #tpu.memory_space<vmem>>, %arg12: memref<128x64xf32, #tpu.memory_space<vmem>>, %arg13: memref<10240x64xf32, #tpu.memory_space<vmem_shared>>, %arg14: memref<10240x16xf32, #tpu.memory_space<vmem_shared>>, %arg15: memref<!tpu.dma_semaphore, #tpu.memory_space<semaphore_mem>>) attributes {dimension_semantics = [#tpu.dimension_semantics<core_parallel>, #tpu.dimension_semantics<subcore_parallel>], iteration_bounds = array<i64: 2, 16>, scalar_prefetch = 0 : i64, scratch_operands = 8 : i64, tpu.core_type = #tpu.core_type<sc_vector_subcore>, window_params = [{transform_indices = #map}, {transform_indices = #map}, {transform_indices = #map1}, {transform_indices = #map1}, {transform_indices = #map1}, {transform_indices = #map1}]} {
    %mul3A = arith.constant 2 : i32
    %mul3A_0 = arith.muli %arg1, %mul3A : i32
    %add3A = arith.addi %mul3A_0, %arg0 : i32
    %scan3A = arith.constant 0 : i32
    %scan3A_1 = arith.constant 0 : i32
    %scan3A_2 = arith.constant 128 : i32
    %scan3A_3 = arith.addi %scan3A_1, %scan3A_2 : i32
    %scan3A_4 = arith.constant 1 : i32
    %scan3A_5 = scf.for %scan3A_89 = %scan3A_1 to %scan3A_3 step %scan3A_4 iter_args(%scan3A_90 = %scan3A) -> (i32)  : i32 {
      %broadcast_in_dim3A = arith.constant 0.000000e+00 : f32
      %broadcast_in_dim3A_91 = vector.broadcast %broadcast_in_dim3A : f32 to vector<16xf32>
      %swap3A = arith.index_cast %scan3A_89 : i32 to index
      %swap3A_92 = arith.constant 0 : index
      %swap3A_93 = tpu.vector_load %arg12[%swap3A, %swap3A_92] {strides = array<i32>} : memref<128x64xf32, #tpu.memory_space<vmem>>, vector<1x16xf32>,
      %swap3A_94 = vector.shape_cast %swap3A_93 : vector<1x16xf32> to vector<16xf32>
      %swap3A_95 = vector.shape_cast %broadcast_in_dim3A_91 : vector<16xf32> to vector<1x16xf32>
      tpu.vector_store %arg12[%swap3A, %swap3A_92], %swap3A_95 {strides = array<i32>} : memref<128x64xf32, #tpu.memory_space<vmem>>, vector<1x16xf32>,
      %broadcast_in_dim3A_96 = arith.constant 0.000000e+00 : f32
      %broadcast_in_dim3A_97 = vector.broadcast %broadcast_in_dim3A_96 : f32 to vector<16xf32>
      %swap3A_98 = arith.index_cast %scan3A_89 : i32 to index
      %swap3A_99 = arith.constant 16 : index
      %swap3A_100 = tpu.vector_load %arg12[%swap3A_98, %swap3A_99] {strides = array<i32>} : memref<128x64xf32, #tpu.memory_space<vmem>>, vector<1x16xf32>,
      %swap3A_101 = vector.shape_cast %swap3A_100 : vector<1x16xf32> to vector<16xf32>
      %swap3A_102 = vector.shape_cast %broadcast_in_dim3A_97 : vector<16xf32> to vector<1x16xf32>
      tpu.vector_store %arg12[%swap3A_98, %swap3A_99], %swap3A_102 {strides = array<i32>} : memref<128x64xf32, #tpu.memory_space<vmem>>, vector<1x16xf32>,
      %broadcast_in_dim3A_103 = arith.constant 0.000000e+00 : f32
      %broadcast_in_dim3A_104 = vector.broadcast %broadcast_in_dim3A_103 : f32 to vector<16xf32>
      %swap3A_105 = arith.index_cast %scan3A_89 : i32 to index
      %swap3A_106 = arith.constant 32 : index
      %swap3A_107 = tpu.vector_load %arg12[%swap3A_105, %swap3A_106] {strides = array<i32>} : memref<128x64xf32, #tpu.memory_space<vmem>>, vector<1x16xf32>,
      %swap3A_108 = vector.shape_cast %swap3A_107 : vector<1x16xf32> to vector<16xf32>
      %swap3A_109 = vector.shape_cast %broadcast_in_dim3A_104 : vector<16xf32> to vector<1x16xf32>
      tpu.vector_store %arg12[%swap3A_105, %swap3A_106], %swap3A_109 {strides = array<i32>} : memref<128x64xf32, #tpu.memory_space<vmem>>, vector<1x16xf32>,
      %broadcast_in_dim3A_110 = arith.constant 0.000000e+00 : f32
      %broadcast_in_dim3A_111 = vector.broadcast %broadcast_in_dim3A_110 : f32 to vector<16xf32>
      %swap3A_112 = arith.index_cast %scan3A_89 : i32 to index
      %swap3A_113 = arith.constant 48 : index
      %swap3A_114 = tpu.vector_load %arg12[%swap3A_112, %swap3A_113] {strides = array<i32>} : memref<128x64xf32, #tpu.memory_space<vmem>>, vector<1x16xf32>,
      %swap3A_115 = vector.shape_cast %swap3A_114 : vector<1x16xf32> to vector<16xf32>
      %swap3A_116 = vector.shape_cast %broadcast_in_dim3A_111 : vector<16xf32> to vector<1x16xf32>
      tpu.vector_store %arg12[%swap3A_112, %swap3A_113], %swap3A_116 {strides = array<i32>} : memref<128x64xf32, #tpu.memory_space<vmem>>, vector<1x16xf32>,
      %scan3A_117 = arith.constant 0 : i32
      scf.yield %scan3A_117 : i32
    }
    %scan3A_6 = arith.constant 128 : i32
    %mul3A_7 = arith.constant 5 : i32
    %mul3A_8 = arith.muli %arg1, %mul3A_7 : i32
    %add3A_9 = arith.constant 0 : i32
    %add3A_10 = arith.addi %mul3A_8, %add3A_9 : i32
    %mul3A_11 = arith.constant 128 : i32
    %mul3A_12 = arith.muli %add3A_10, %mul3A_11 : i32
    "tpu.region"() ({
      %run_scoped3A = tpu.sem_alloc : memref<!tpu.dma_semaphore, #tpu.memory_space<semaphore_mem>>
      %dma_start3A = arith.constant 0 : i32
      %dma_start3A_89 = tpu.memref_slice %arg13[%mul3A_12, %dma_start3A] : memref<10240x64xf32, #tpu.memory_space<vmem_shared>> -> memref<128x64xf32, #tpu.memory_space<vmem_shared>>
      %dma_start3A_90 = arith.constant 0 : i32
      %dma_start3A_91 = tpu.memref_slice %arg13[%mul3A_12, %dma_start3A_90] : memref<10240x64xf32, #tpu.memory_space<vmem_shared>> -> memref<128x64xf32, #tpu.memory_space<vmem_shared>>
      tpu.enqueue_dma source(%arg12 : memref<128x64xf32, #tpu.memory_space<vmem>>) target(%dma_start3A_91 : memref<128x64xf32, #tpu.memory_space<vmem_shared>>) target_semaphore(%run_scoped3A : memref<!tpu.dma_semaphore, #tpu.memory_space<semaphore_mem>>)
      %dma_wait3A = arith.constant 0 : i32
      %dma_wait3A_92 = tpu.memref_slice %arg13[%mul3A_12, %dma_wait3A] : memref<10240x64xf32, #tpu.memory_space<vmem_shared>> -> memref<128x64xf32, #tpu.memory_space<vmem_shared>>
      %dma_wait3A_93 = arith.constant 0 : i32
      %dma_wait3A_94 = tpu.memref_slice %arg13[%mul3A_12, %dma_wait3A_93] : memref<10240x64xf32, #tpu.memory_space<vmem_shared>> -> memref<128x64xf32, #tpu.memory_space<vmem_shared>>
      tpu.wait_dma2 semaphore(%run_scoped3A : memref<!tpu.dma_semaphore, #tpu.memory_space<semaphore_mem>>) src(%arg12 : memref<128x64xf32, #tpu.memory_space<vmem>>) dst(%dma_wait3A_94 : memref<128x64xf32, #tpu.memory_space<vmem_shared>>)
      tpu.yield
    }) : () -> ()
    %mul3A_13 = arith.constant 5 : i32
    %mul3A_14 = arith.muli %arg1, %mul3A_13 : i32
    %add3A_15 = arith.constant 0 : i32
    %add3A_16 = arith.addi %mul3A_14, %add3A_15 : i32
    %mul3A_17 = arith.constant 128 : i32
    %mul3A_18 = arith.muli %add3A_16, %mul3A_17 : i32
    "tpu.region"() ({
      %run_scoped3A = tpu.sem_alloc : memref<!tpu.dma_semaphore, #tpu.memory_space<semaphore_mem>>
      %dma_start3A = arith.constant 0 : i32
      %dma_start3A_89 = arith.constant 0 : i32
      %dma_start3A_90 = tpu.memref_slice %arg12[%dma_start3A, %dma_start3A_89] : memref<128x64xf32, #tpu.memory_space<vmem>> -> memref<128x16xf32, #tpu.memory_space<vmem>>
      %dma_start3A_91 = arith.constant 0 : i32
      %dma_start3A_92 = tpu.memref_slice %arg14[%mul3A_18, %dma_start3A_91] : memref<10240x16xf32, #tpu.memory_space<vmem_shared>> -> memref<128x16xf32, #tpu.memory_space<vmem_shared>>
      %dma_start3A_93 = arith.constant 0 : i32
      %dma_start3A_94 = tpu.memref_slice %arg14[%mul3A_18, %dma_start3A_93] : memref<10240x16xf32, #tpu.memory_space<vmem_shared>> -> memref<128x16xf32, #tpu.memory_space<vmem_shared>>
      %dma_start3A_95 = arith.constant 0 : i32
      %dma_start3A_96 = arith.constant 0 : i32
      %dma_start3A_97 = tpu.memref_slice %arg12[%dma_start3A_95, %dma_start3A_96] : memref<128x64xf32, #tpu.memory_space<vmem>> -> memref<128x16xf32, #tpu.memory_space<vmem>>
      tpu.enqueue_dma source(%dma_start3A_97 : memref<128x16xf32, #tpu.memory_space<vmem>>) target(%dma_start3A_94 : memref<128x16xf32, #tpu.memory_space<vmem_shared>>) target_semaphore(%run_scoped3A : memref<!tpu.dma_semaphore, #tpu.memory_space<semaphore_mem>>)
      %dma_wait3A = arith.constant 0 : i32
      %dma_wait3A_98 = arith.constant 0 : i32
      %dma_wait3A_99 = tpu.memref_slice %arg12[%dma_wait3A, %dma_wait3A_98] : memref<128x64xf32, #tpu.memory_space<vmem>> -> memref<128x16xf32, #tpu.memory_space<vmem>>
      %dma_wait3A_100 = arith.constant 0 : i32
      %dma_wait3A_101 = tpu.memref_slice %arg14[%mul3A_18, %dma_wait3A_100] : memref<10240x16xf32, #tpu.memory_space<vmem_shared>> -> memref<128x16xf32, #tpu.memory_space<vmem_shared>>
      %dma_wait3A_102 = arith.constant 0 : i32
      %dma_wait3A_103 = tpu.memref_slice %arg14[%mul3A_18, %dma_wait3A_102] : memref<10240x16xf32, #tpu.memory_space<vmem_shared>> -> memref<128x16xf32, #tpu.memory_space<vmem_shared>>
      %dma_wait3A_104 = arith.constant 0 : i32
      %dma_wait3A_105 = arith.constant 0 : i32
      %dma_wait3A_106 = tpu.memref_slice %arg12[%dma_wait3A_104, %dma_wait3A_105] : memref<128x64xf32, #tpu.memory_space<vmem>> -> memref<128x16xf32, #tpu.memory_space<vmem>>
      tpu.wait_dma2 semaphore(%run_scoped3A : memref<!tpu.dma_semaphore, #tpu.memory_space<semaphore_mem>>) src(%dma_wait3A_106 : memref<128x16xf32, #tpu.memory_space<vmem>>) dst(%dma_wait3A_103 : memref<128x16xf32, #tpu.memory_space<vmem_shared>>)
      tpu.yield
    }) : () -> ()
    %mul3A_19 = arith.constant 5 : i32
    %mul3A_20 = arith.muli %arg1, %mul3A_19 : i32
    %add3A_21 = arith.constant 1 : i32
    %add3A_22 = arith.addi %mul3A_20, %add3A_21 : i32
    %mul3A_23 = arith.constant 128 : i32
    %mul3A_24 = arith.muli %add3A_22, %mul3A_23 : i32
    "tpu.region"() ({
      %run_scoped3A = tpu.sem_alloc : memref<!tpu.dma_semaphore, #tpu.memory_space<semaphore_mem>>
      %dma_start3A = arith.constant 0 : i32
      %dma_start3A_89 = tpu.memref_slice %arg13[%mul3A_24, %dma_start3A] : memref<10240x64xf32, #tpu.memory_space<vmem_shared>> -> memref<128x64xf32, #tpu.memory_space<vmem_shared>>
      %dma_start3A_90 = arith.constant 0 : i32
      %dma_start3A_91 = tpu.memref_slice %arg13[%mul3A_24, %dma_start3A_90] : memref<10240x64xf32, #tpu.memory_space<vmem_shared>> -> memref<128x64xf32, #tpu.memory_space<vmem_shared>>
      tpu.enqueue_dma source(%arg12 : memref<128x64xf32, #tpu.memory_space<vmem>>) target(%dma_start3A_91 : memref<128x64xf32, #tpu.memory_space<vmem_shared>>) target_semaphore(%run_scoped3A : memref<!tpu.dma_semaphore, #tpu.memory_space<semaphore_mem>>)
      %dma_wait3A = arith.constant 0 : i32
      %dma_wait3A_92 = tpu.memref_slice %arg13[%mul3A_24, %dma_wait3A] : memref<10240x64xf32, #tpu.memory_space<vmem_shared>> -> memref<128x64xf32, #tpu.memory_space<vmem_shared>>
      %dma_wait3A_93 = arith.constant 0 : i32
      %dma_wait3A_94 = tpu.memref_slice %arg13[%mul3A_24, %dma_wait3A_93] : memref<10240x64xf32, #tpu.memory_space<vmem_shared>> -> memref<128x64xf32, #tpu.memory_space<vmem_shared>>
      tpu.wait_dma2 semaphore(%run_scoped3A : memref<!tpu.dma_semaphore, #tpu.memory_space<semaphore_mem>>) src(%arg12 : memref<128x64xf32, #tpu.memory_space<vmem>>) dst(%dma_wait3A_94 : memref<128x64xf32, #tpu.memory_space<vmem_shared>>)
      tpu.yield
    }) : () -> ()
    %mul3A_25 = arith.constant 5 : i32
    %mul3A_26 = arith.muli %arg1, %mul3A_25 : i32
    %add3A_27 = arith.constant 1 : i32
    %add3A_28 = arith.addi %mul3A_26, %add3A_27 : i32
    %mul3A_29 = arith.constant 128 : i32
    %mul3A_30 = arith.muli %add3A_28, %mul3A_29 : i32
    "tpu.region"() ({
      %run_scoped3A = tpu.sem_alloc : memref<!tpu.dma_semaphore, #tpu.memory_space<semaphore_mem>>
      %dma_start3A = arith.constant 0 : i32
      %dma_start3A_89 = arith.constant 0 : i32
      %dma_start3A_90 = tpu.memref_slice %arg12[%dma_start3A, %dma_start3A_89] : memref<128x64xf32, #tpu.memory_space<vmem>> -> memref<128x16xf32, #tpu.memory_space<vmem>>
      %dma_start3A_91 = arith.constant 0 : i32
      %dma_start3A_92 = tpu.memref_slice %arg14[%mul3A_30, %dma_start3A_91] : memref<10240x16xf32, #tpu.memory_space<vmem_shared>> -> memref<128x16xf32, #tpu.memory_space<vmem_shared>>
      %dma_start3A_93 = arith.constant 0 : i32
      %dma_start3A_94 = tpu.memref_slice %arg14[%mul3A_30, %dma_start3A_93] : memref<10240x16xf32, #tpu.memory_space<vmem_shared>> -> memref<128x16xf32, #tpu.memory_space<vmem_shared>>
      %dma_start3A_95 = arith.constant 0 : i32
      %dma_start3A_96 = arith.constant 0 : i32
      %dma_start3A_97 = tpu.memref_slice %arg12[%dma_start3A_95, %dma_start3A_96] : memref<128x64xf32, #tpu.memory_space<vmem>> -> memref<128x16xf32, #tpu.memory_space<vmem>>
      tpu.enqueue_dma source(%dma_start3A_97 : memref<128x16xf32, #tpu.memory_space<vmem>>) target(%dma_start3A_94 : memref<128x16xf32, #tpu.memory_space<vmem_shared>>) target_semaphore(%run_scoped3A : memref<!tpu.dma_semaphore, #tpu.memory_space<semaphore_mem>>)
      %dma_wait3A = arith.constant 0 : i32
      %dma_wait3A_98 = arith.constant 0 : i32
      %dma_wait3A_99 = tpu.memref_slice %arg12[%dma_wait3A, %dma_wait3A_98] : memref<128x64xf32, #tpu.memory_space<vmem>> -> memref<128x16xf32, #tpu.memory_space<vmem>>
      %dma_wait3A_100 = arith.constant 0 : i32
      %dma_wait3A_101 = tpu.memref_slice %arg14[%mul3A_30, %dma_wait3A_100] : memref<10240x16xf32, #tpu.memory_space<vmem_shared>> -> memref<128x16xf32, #tpu.memory_space<vmem_shared>>
      %dma_wait3A_102 = arith.constant 0 : i32
      %dma_wait3A_103 = tpu.memref_slice %arg14[%mul3A_30, %dma_wait3A_102] : memref<10240x16xf32, #tpu.memory_space<vmem_shared>> -> memref<128x16xf32, #tpu.memory_space<vmem_shared>>
      %dma_wait3A_104 = arith.constant 0 : i32
      %dma_wait3A_105 = arith.constant 0 : i32
      %dma_wait3A_106 = tpu.memref_slice %arg12[%dma_wait3A_104, %dma_wait3A_105] : memref<128x64xf32, #tpu.memory_space<vmem>> -> memref<128x16xf32, #tpu.memory_space<vmem>>
      tpu.wait_dma2 semaphore(%run_scoped3A : memref<!tpu.dma_semaphore, #tpu.memory_space<semaphore_mem>>) src(%dma_wait3A_106 : memref<128x16xf32, #tpu.memory_space<vmem>>) dst(%dma_wait3A_103 : memref<128x16xf32, #tpu.memory_space<vmem_shared>>)
      tpu.yield
    }) : () -> ()
    %mul3A_31 = arith.constant 5 : i32
    %mul3A_32 = arith.muli %arg1, %mul3A_31 : i32
    %add3A_33 = arith.constant 2 : i32
    %add3A_34 = arith.addi %mul3A_32, %add3A_33 : i32
    %mul3A_35 = arith.constant 128 : i32
    %mul3A_36 = arith.muli %add3A_34, %mul3A_35 : i32
    "tpu.region"() ({
      %run_scoped3A = tpu.sem_alloc : memref<!tpu.dma_semaphore, #tpu.memory_space<semaphore_mem>>
      %dma_start3A = arith.constant 0 : i32
      %dma_start3A_89 = tpu.memref_slice %arg13[%mul3A_36, %dma_start3A] : memref<10240x64xf32, #tpu.memory_space<vmem_shared>> -> memref<128x64xf32, #tpu.memory_space<vmem_shared>>
      %dma_start3A_90 = arith.constant 0 : i32
      %dma_start3A_91 = tpu.memref_slice %arg13[%mul3A_36, %dma_start3A_90] : memref<10240x64xf32, #tpu.memory_space<vmem_shared>> -> memref<128x64xf32, #tpu.memory_space<vmem_shared>>
      tpu.enqueue_dma source(%arg12 : memref<128x64xf32, #tpu.memory_space<vmem>>) target(%dma_start3A_91 : memref<128x64xf32, #tpu.memory_space<vmem_shared>>) target_semaphore(%run_scoped3A : memref<!tpu.dma_semaphore, #tpu.memory_space<semaphore_mem>>)
      %dma_wait3A = arith.constant 0 : i32
      %dma_wait3A_92 = tpu.memref_slice %arg13[%mul3A_36, %dma_wait3A] : memref<10240x64xf32, #tpu.memory_space<vmem_shared>> -> memref<128x64xf32, #tpu.memory_space<vmem_shared>>
      %dma_wait3A_93 = arith.constant 0 : i32
      %dma_wait3A_94 = tpu.memref_slice %arg13[%mul3A_36, %dma_wait3A_93] : memref<10240x64xf32, #tpu.memory_space<vmem_shared>> -> memref<128x64xf32, #tpu.memory_space<vmem_shared>>
      tpu.wait_dma2 semaphore(%run_scoped3A : memref<!tpu.dma_semaphore, #tpu.memory_space<semaphore_mem>>) src(%arg12 : memref<128x64xf32, #tpu.memory_space<vmem>>) dst(%dma_wait3A_94 : memref<128x64xf32, #tpu.memory_space<vmem_shared>>)
      tpu.yield
    }) : () -> ()
    %mul3A_37 = arith.constant 5 : i32
    %mul3A_38 = arith.muli %arg1, %mul3A_37 : i32
    %add3A_39 = arith.constant 2 : i32
    %add3A_40 = arith.addi %mul3A_38, %add3A_39 : i32
    %mul3A_41 = arith.constant 128 : i32
    %mul3A_42 = arith.muli %add3A_40, %mul3A_41 : i32
    "tpu.region"() ({
      %run_scoped3A = tpu.sem_alloc : memref<!tpu.dma_semaphore, #tpu.memory_space<semaphore_mem>>
      %dma_start3A = arith.constant 0 : i32
      %dma_start3A_89 = arith.constant 0 : i32
      %dma_start3A_90 = tpu.memref_slice %arg12[%dma_start3A, %dma_start3A_89] : memref<128x64xf32, #tpu.memory_space<vmem>> -> memref<128x16xf32, #tpu.memory_space<vmem>>
      %dma_start3A_91 = arith.constant 0 : i32
      %dma_start3A_92 = tpu.memref_slice %arg14[%mul3A_42, %dma_start3A_91] : memref<10240x16xf32, #tpu.memory_space<vmem_shared>> -> memref<128x16xf32, #tpu.memory_space<vmem_shared>>
      %dma_start3A_93 = arith.constant 0 : i32
      %dma_start3A_94 = tpu.memref_slice %arg14[%mul3A_42, %dma_start3A_93] : memref<10240x16xf32, #tpu.memory_space<vmem_shared>> -> memref<128x16xf32, #tpu.memory_space<vmem_shared>>
      %dma_start3A_95 = arith.constant 0 : i32
      %dma_start3A_96 = arith.constant 0 : i32
      %dma_start3A_97 = tpu.memref_slice %arg12[%dma_start3A_95, %dma_start3A_96] : memref<128x64xf32, #tpu.memory_space<vmem>> -> memref<128x16xf32, #tpu.memory_space<vmem>>
      tpu.enqueue_dma source(%dma_start3A_97 : memref<128x16xf32, #tpu.memory_space<vmem>>) target(%dma_start3A_94 : memref<128x16xf32, #tpu.memory_space<vmem_shared>>) target_semaphore(%run_scoped3A : memref<!tpu.dma_semaphore, #tpu.memory_space<semaphore_mem>>)
      %dma_wait3A = arith.constant 0 : i32
      %dma_wait3A_98 = arith.constant 0 : i32
      %dma_wait3A_99 = tpu.memref_slice %arg12[%dma_wait3A, %dma_wait3A_98] : memref<128x64xf32, #tpu.memory_space<vmem>> -> memref<128x16xf32, #tpu.memory_space<vmem>>
      %dma_wait3A_100 = arith.constant 0 : i32
      %dma_wait3A_101 = tpu.memref_slice %arg14[%mul3A_42, %dma_wait3A_100] : memref<10240x16xf32, #tpu.memory_space<vmem_shared>> -> memref<128x16xf32, #tpu.memory_space<vmem_shared>>
      %dma_wait3A_102 = arith.constant 0 : i32
      %dma_wait3A_103 = tpu.memref_slice %arg14[%mul3A_42, %dma_wait3A_102] : memref<10240x16xf32, #tpu.memory_space<vmem_shared>> -> memref<128x16xf32, #tpu.memory_space<vmem_shared>>
      %dma_wait3A_104 = arith.constant 0 : i32
      %dma_wait3A_105 = arith.constant 0 : i32
      %dma_wait3A_106 = tpu.memref_slice %arg12[%dma_wait3A_104, %dma_wait3A_105] : memref<128x64xf32, #tpu.memory_space<vmem>> -> memref<128x16xf32, #tpu.memory_space<vmem>>
      tpu.wait_dma2 semaphore(%run_scoped3A : memref<!tpu.dma_semaphore, #tpu.memory_space<semaphore_mem>>) src(%dma_wait3A_106 : memref<128x16xf32, #tpu.memory_space<vmem>>) dst(%dma_wait3A_103 : memref<128x16xf32, #tpu.memory_space<vmem_shared>>)
      tpu.yield
    }) : () -> ()
    %mul3A_43 = arith.constant 5 : i32
    %mul3A_44 = arith.muli %arg1, %mul3A_43 : i32
    %add3A_45 = arith.constant 3 : i32
    %add3A_46 = arith.addi %mul3A_44, %add3A_45 : i32
    %mul3A_47 = arith.constant 128 : i32
    %mul3A_48 = arith.muli %add3A_46, %mul3A_47 : i32
    "tpu.region"() ({
      %run_scoped3A = tpu.sem_alloc : memref<!tpu.dma_semaphore, #tpu.memory_space<semaphore_mem>>
      %dma_start3A = arith.constant 0 : i32
      %dma_start3A_89 = tpu.memref_slice %arg13[%mul3A_48, %dma_start3A] : memref<10240x64xf32, #tpu.memory_space<vmem_shared>> -> memref<128x64xf32, #tpu.memory_space<vmem_shared>>
      %dma_start3A_90 = arith.constant 0 : i32
      %dma_start3A_91 = tpu.memref_slice %arg13[%mul3A_48, %dma_start3A_90] : memref<10240x64xf32, #tpu.memory_space<vmem_shared>> -> memref<128x64xf32, #tpu.memory_space<vmem_shared>>
      tpu.enqueue_dma source(%arg12 : memref<128x64xf32, #tpu.memory_space<vmem>>) target(%dma_start3A_91 : memref<128x64xf32, #tpu.memory_space<vmem_shared>>) target_semaphore(%run_scoped3A : memref<!tpu.dma_semaphore, #tpu.memory_space<semaphore_mem>>)
      %dma_wait3A = arith.constant 0 : i32
      %dma_wait3A_92 = tpu.memref_slice %arg13[%mul3A_48, %dma_wait3A] : memref<10240x64xf32, #tpu.memory_space<vmem_shared>> -> memref<128x64xf32, #tpu.memory_space<vmem_shared>>
      %dma_wait3A_93 = arith.constant 0 : i32
      %dma_wait3A_94 = tpu.memref_slice %arg13[%mul3A_48, %dma_wait3A_93] : memref<10240x64xf32, #tpu.memory_space<vmem_shared>> -> memref<128x64xf32, #tpu.memory_space<vmem_shared>>
      tpu.wait_dma2 semaphore(%run_scoped3A : memref<!tpu.dma_semaphore, #tpu.memory_space<semaphore_mem>>) src(%arg12 : memref<128x64xf32, #tpu.memory_space<vmem>>) dst(%dma_wait3A_94 : memref<128x64xf32, #tpu.memory_space<vmem_shared>>)
      tpu.yield
    }) : () -> ()
    %mul3A_49 = arith.constant 5 : i32
    %mul3A_50 = arith.muli %arg1, %mul3A_49 : i32
    %add3A_51 = arith.constant 3 : i32
    %add3A_52 = arith.addi %mul3A_50, %add3A_51 : i32
    %mul3A_53 = arith.constant 128 : i32
    %mul3A_54 = arith.muli %add3A_52, %mul3A_53 : i32
    "tpu.region"() ({
      %run_scoped3A = tpu.sem_alloc : memref<!tpu.dma_semaphore, #tpu.memory_space<semaphore_mem>>
      %dma_start3A = arith.constant 0 : i32
      %dma_start3A_89 = arith.constant 0 : i32
      %dma_start3A_90 = tpu.memref_slice %arg12[%dma_start3A, %dma_start3A_89] : memref<128x64xf32, #tpu.memory_space<vmem>> -> memref<128x16xf32, #tpu.memory_space<vmem>>
      %dma_start3A_91 = arith.constant 0 : i32
      %dma_start3A_92 = tpu.memref_slice %arg14[%mul3A_54, %dma_start3A_91] : memref<10240x16xf32, #tpu.memory_space<vmem_shared>> -> memref<128x16xf32, #tpu.memory_space<vmem_shared>>
      %dma_start3A_93 = arith.constant 0 : i32
      %dma_start3A_94 = tpu.memref_slice %arg14[%mul3A_54, %dma_start3A_93] : memref<10240x16xf32, #tpu.memory_space<vmem_shared>> -> memref<128x16xf32, #tpu.memory_space<vmem_shared>>
      %dma_start3A_95 = arith.constant 0 : i32
      %dma_start3A_96 = arith.constant 0 : i32
      %dma_start3A_97 = tpu.memref_slice %arg12[%dma_start3A_95, %dma_start3A_96] : memref<128x64xf32, #tpu.memory_space<vmem>> -> memref<128x16xf32, #tpu.memory_space<vmem>>
      tpu.enqueue_dma source(%dma_start3A_97 : memref<128x16xf32, #tpu.memory_space<vmem>>) target(%dma_start3A_94 : memref<128x16xf32, #tpu.memory_space<vmem_shared>>) target_semaphore(%run_scoped3A : memref<!tpu.dma_semaphore, #tpu.memory_space<semaphore_mem>>)
      %dma_wait3A = arith.constant 0 : i32
      %dma_wait3A_98 = arith.constant 0 : i32
      %dma_wait3A_99 = tpu.memref_slice %arg12[%dma_wait3A, %dma_wait3A_98] : memref<128x64xf32, #tpu.memory_space<vmem>> -> memref<128x16xf32, #tpu.memory_space<vmem>>
      %dma_wait3A_100 = arith.constant 0 : i32
      %dma_wait3A_101 = tpu.memref_slice %arg14[%mul3A_54, %dma_wait3A_100] : memref<10240x16xf32, #tpu.memory_space<vmem_shared>> -> memref<128x16xf32, #tpu.memory_space<vmem_shared>>
      %dma_wait3A_102 = arith.constant 0 : i32
      %dma_wait3A_103 = tpu.memref_slice %arg14[%mul3A_54, %dma_wait3A_102] : memref<10240x16xf32, #tpu.memory_space<vmem_shared>> -> memref<128x16xf32, #tpu.memory_space<vmem_shared>>
      %dma_wait3A_104 = arith.constant 0 : i32
      %dma_wait3A_105 = arith.constant 0 : i32
      %dma_wait3A_106 = tpu.memref_slice %arg12[%dma_wait3A_104, %dma_wait3A_105] : memref<128x64xf32, #tpu.memory_space<vmem>> -> memref<128x16xf32, #tpu.memory_space<vmem>>
      tpu.wait_dma2 semaphore(%run_scoped3A : memref<!tpu.dma_semaphore, #tpu.memory_space<semaphore_mem>>) src(%dma_wait3A_106 : memref<128x16xf32, #tpu.memory_space<vmem>>) dst(%dma_wait3A_103 : memref<128x16xf32, #tpu.memory_space<vmem_shared>>)
      tpu.yield
    }) : () -> ()
    %mul3A_55 = arith.constant 5 : i32
    %mul3A_56 = arith.muli %arg1, %mul3A_55 : i32
    %add3A_57 = arith.constant 4 : i32
    %add3A_58 = arith.addi %mul3A_56, %add3A_57 : i32
    %mul3A_59 = arith.constant 128 : i32
    %mul3A_60 = arith.muli %add3A_58, %mul3A_59 : i32
    "tpu.region"() ({
      %run_scoped3A = tpu.sem_alloc : memref<!tpu.dma_semaphore, #tpu.memory_space<semaphore_mem>>
      %dma_start3A = arith.constant 0 : i32
      %dma_start3A_89 = tpu.memref_slice %arg13[%mul3A_60, %dma_start3A] : memref<10240x64xf32, #tpu.memory_space<vmem_shared>> -> memref<128x64xf32, #tpu.memory_space<vmem_shared>>
      %dma_start3A_90 = arith.constant 0 : i32
      %dma_start3A_91 = tpu.memref_slice %arg13[%mul3A_60, %dma_start3A_90] : memref<10240x64xf32, #tpu.memory_space<vmem_shared>> -> memref<128x64xf32, #tpu.memory_space<vmem_shared>>
      tpu.enqueue_dma source(%arg12 : memref<128x64xf32, #tpu.memory_space<vmem>>) target(%dma_start3A_91 : memref<128x64xf32, #tpu.memory_space<vmem_shared>>) target_semaphore(%run_scoped3A : memref<!tpu.dma_semaphore, #tpu.memory_space<semaphore_mem>>)
      %dma_wait3A = arith.constant 0 : i32
      %dma_wait3A_92 = tpu.memref_slice %arg13[%mul3A_60, %dma_wait3A] : memref<10240x64xf32, #tpu.memory_space<vmem_shared>> -> memref<128x64xf32, #tpu.memory_space<vmem_shared>>
      %dma_wait3A_93 = arith.constant 0 : i32
      %dma_wait3A_94 = tpu.memref_slice %arg13[%mul3A_60, %dma_wait3A_93] : memref<10240x64xf32, #tpu.memory_space<vmem_shared>> -> memref<128x64xf32, #tpu.memory_space<vmem_shared>>
      tpu.wait_dma2 semaphore(%run_scoped3A : memref<!tpu.dma_semaphore, #tpu.memory_space<semaphore_mem>>) src(%arg12 : memref<128x64xf32, #tpu.memory_space<vmem>>) dst(%dma_wait3A_94 : memref<128x64xf32, #tpu.memory_space<vmem_shared>>)
      tpu.yield
    }) : () -> ()
    %mul3A_61 = arith.constant 5 : i32
    %mul3A_62 = arith.muli %arg1, %mul3A_61 : i32
    %add3A_63 = arith.constant 4 : i32
    %add3A_64 = arith.addi %mul3A_62, %add3A_63 : i32
    %mul3A_65 = arith.constant 128 : i32
    %mul3A_66 = arith.muli %add3A_64, %mul3A_65 : i32
    "tpu.region"() ({
      %run_scoped3A = tpu.sem_alloc : memref<!tpu.dma_semaphore, #tpu.memory_space<semaphore_mem>>
      %dma_start3A = arith.constant 0 : i32
      %dma_start3A_89 = arith.constant 0 : i32
      %dma_start3A_90 = tpu.memref_slice %arg12[%dma_start3A, %dma_start3A_89] : memref<128x64xf32, #tpu.memory_space<vmem>> -> memref<128x16xf32, #tpu.memory_space<vmem>>
      %dma_start3A_91 = arith.constant 0 : i32
      %dma_start3A_92 = tpu.memref_slice %arg14[%mul3A_66, %dma_start3A_91] : memref<10240x16xf32, #tpu.memory_space<vmem_shared>> -> memref<128x16xf32, #tpu.memory_space<vmem_shared>>
      %dma_start3A_93 = arith.constant 0 : i32
      %dma_start3A_94 = tpu.memref_slice %arg14[%mul3A_66, %dma_start3A_93] : memref<10240x16xf32, #tpu.memory_space<vmem_shared>> -> memref<128x16xf32, #tpu.memory_space<vmem_shared>>
      %dma_start3A_95 = arith.constant 0 : i32
      %dma_start3A_96 = arith.constant 0 : i32
      %dma_start3A_97 = tpu.memref_slice %arg12[%dma_start3A_95, %dma_start3A_96] : memref<128x64xf32, #tpu.memory_space<vmem>> -> memref<128x16xf32, #tpu.memory_space<vmem>>
      tpu.enqueue_dma source(%dma_start3A_97 : memref<128x16xf32, #tpu.memory_space<vmem>>) target(%dma_start3A_94 : memref<128x16xf32, #tpu.memory_space<vmem_shared>>) target_semaphore(%run_scoped3A : memref<!tpu.dma_semaphore, #tpu.memory_space<semaphore_mem>>)
      %dma_wait3A = arith.constant 0 : i32
      %dma_wait3A_98 = arith.constant 0 : i32
      %dma_wait3A_99 = tpu.memref_slice %arg12[%dma_wait3A, %dma_wait3A_98] : memref<128x64xf32, #tpu.memory_space<vmem>> -> memref<128x16xf32, #tpu.memory_space<vmem>>
      %dma_wait3A_100 = arith.constant 0 : i32
      %dma_wait3A_101 = tpu.memref_slice %arg14[%mul3A_66, %dma_wait3A_100] : memref<10240x16xf32, #tpu.memory_space<vmem_shared>> -> memref<128x16xf32, #tpu.memory_space<vmem_shared>>
      %dma_wait3A_102 = arith.constant 0 : i32
      %dma_wait3A_103 = tpu.memref_slice %arg14[%mul3A_66, %dma_wait3A_102] : memref<10240x16xf32, #tpu.memory_space<vmem_shared>> -> memref<128x16xf32, #tpu.memory_space<vmem_shared>>
      %dma_wait3A_104 = arith.constant 0 : i32
      %dma_wait3A_105 = arith.constant 0 : i32
      %dma_wait3A_106 = tpu.memref_slice %arg12[%dma_wait3A_104, %dma_wait3A_105] : memref<128x64xf32, #tpu.memory_space<vmem>> -> memref<128x16xf32, #tpu.memory_space<vmem>>
      tpu.wait_dma2 semaphore(%run_scoped3A : memref<!tpu.dma_semaphore, #tpu.memory_space<semaphore_mem>>) src(%dma_wait3A_106 : memref<128x16xf32, #tpu.memory_space<vmem>>) dst(%dma_wait3A_103 : memref<128x16xf32, #tpu.memory_space<vmem_shared>>)
      tpu.yield
    }) : () -> ()
    %barrier3A = arith.constant 0 : index
    tpu.barrier barrier_id(%barrier3A)
    %scan3A_67 = arith.constant 0 : i32
    %scan3A_68 = arith.constant 0 : i32
    %scan3A_69 = arith.constant 40 : i32
    %scan3A_70 = arith.addi %scan3A_68, %scan3A_69 : i32
    %scan3A_71 = arith.constant 1 : i32
    %scan3A_72 = scf.for %scan3A_89 = %scan3A_68 to %scan3A_70 step %scan3A_71 iter_args(%scan3A_90 = %scan3A_67) -> (i32)  : i32 {
      %mul3A_91 = arith.constant 32 : i32
      %mul3A_92 = arith.muli %scan3A_89, %mul3A_91 : i32
      %add3A_93 = arith.addi %mul3A_92, %add3A : i32
      %lt3A = arith.constant 1250 : i32
      %lt3A_94 = arith.cmpi slt, %add3A_93, %lt3A : i32
      %convert_element_type3A = arith.extui %lt3A_94 : i1 to i32
      %cond3A = arith.constant 0 : i32
      %cond3A_95 = arith.cmpi ne, %convert_element_type3A, %cond3A : i32
      scf.if %cond3A_95 {
        %mul3A_97 = arith.constant 128 : i32
        %mul3A_98 = arith.muli %add3A_93, %mul3A_97 : i32
        "tpu.region"() ({
          %run_scoped3A = tpu.sem_alloc : memref<!tpu.dma_semaphore, #tpu.memory_space<semaphore_mem>>
          %dma_start3A_110 = tpu.memref_slice %arg2[%mul3A_98] : memref<160000xi32, #tpu.memory_space<hbm>> -> memref<128xi32, #tpu.memory_space<hbm>>
          %dma_start3A_111 = tpu.memref_slice %arg2[%mul3A_98] : memref<160000xi32, #tpu.memory_space<hbm>> -> memref<128xi32, #tpu.memory_space<hbm>>
          tpu.enqueue_dma source(%dma_start3A_111 : memref<128xi32, #tpu.memory_space<hbm>>) target(%arg8 : memref<128xi32, #tpu.memory_space<vmem>>) target_semaphore(%run_scoped3A : memref<!tpu.dma_semaphore, #tpu.memory_space<semaphore_mem>>)
          %dma_wait3A_112 = tpu.memref_slice %arg2[%mul3A_98] : memref<160000xi32, #tpu.memory_space<hbm>> -> memref<128xi32, #tpu.memory_space<hbm>>
          %dma_wait3A_113 = tpu.memref_slice %arg2[%mul3A_98] : memref<160000xi32, #tpu.memory_space<hbm>> -> memref<128xi32, #tpu.memory_space<hbm>>
          tpu.wait_dma2 semaphore(%run_scoped3A : memref<!tpu.dma_semaphore, #tpu.memory_space<semaphore_mem>>) src(%dma_wait3A_113 : memref<128xi32, #tpu.memory_space<hbm>>) dst(%arg8 : memref<128xi32, #tpu.memory_space<vmem>>)
          tpu.yield
        }) : () -> ()
        "tpu.region"() ({
          %run_scoped3A = tpu.sem_alloc : memref<!tpu.dma_semaphore, #tpu.memory_space<semaphore_mem>>
          %dma_start3A_110 = tpu.memref_slice %arg3[%mul3A_98] : memref<160000xi32, #tpu.memory_space<hbm>> -> memref<128xi32, #tpu.memory_space<hbm>>
          %dma_start3A_111 = tpu.memref_slice %arg3[%mul3A_98] : memref<160000xi32, #tpu.memory_space<hbm>> -> memref<128xi32, #tpu.memory_space<hbm>>
          tpu.enqueue_dma source(%dma_start3A_111 : memref<128xi32, #tpu.memory_space<hbm>>) target(%arg9 : memref<128xi32, #tpu.memory_space<vmem>>) target_semaphore(%run_scoped3A : memref<!tpu.dma_semaphore, #tpu.memory_space<semaphore_mem>>)
          %dma_wait3A_112 = tpu.memref_slice %arg3[%mul3A_98] : memref<160000xi32, #tpu.memory_space<hbm>> -> memref<128xi32, #tpu.memory_space<hbm>>
          %dma_wait3A_113 = tpu.memref_slice %arg3[%mul3A_98] : memref<160000xi32, #tpu.memory_space<hbm>> -> memref<128xi32, #tpu.memory_space<hbm>>
          tpu.wait_dma2 semaphore(%run_scoped3A : memref<!tpu.dma_semaphore, #tpu.memory_space<semaphore_mem>>) src(%dma_wait3A_113 : memref<128xi32, #tpu.memory_space<hbm>>) dst(%arg9 : memref<128xi32, #tpu.memory_space<vmem>>)
          tpu.yield
        }) : () -> ()
        "tpu.region"() ({
          %run_scoped3A = tpu.sem_alloc : memref<!tpu.dma_semaphore, #tpu.memory_space<semaphore_mem>>
          %dma_start3A_110 = arith.constant 0 : i32
          %dma_start3A_111 = tpu.memref_slice %arg4[%mul3A_98, %dma_start3A_110] : memref<160000x16xf32, #tpu.memory_space<hbm>> -> memref<128x16xf32, #tpu.memory_space<hbm>>
          %dma_start3A_112 = arith.constant 0 : i32
          %dma_start3A_113 = tpu.memref_slice %arg4[%mul3A_98, %dma_start3A_112] : memref<160000x16xf32, #tpu.memory_space<hbm>> -> memref<128x16xf32, #tpu.memory_space<hbm>>
          tpu.enqueue_dma source(%dma_start3A_113 : memref<128x16xf32, #tpu.memory_space<hbm>>) target(%arg10 : memref<128x16xf32, #tpu.memory_space<vmem>>) target_semaphore(%run_scoped3A : memref<!tpu.dma_semaphore, #tpu.memory_space<semaphore_mem>>)
          %dma_wait3A_114 = arith.constant 0 : i32
          %dma_wait3A_115 = tpu.memref_slice %arg4[%mul3A_98, %dma_wait3A_114] : memref<160000x16xf32, #tpu.memory_space<hbm>> -> memref<128x16xf32, #tpu.memory_space<hbm>>
          %dma_wait3A_116 = arith.constant 0 : i32
          %dma_wait3A_117 = tpu.memref_slice %arg4[%mul3A_98, %dma_wait3A_116] : memref<160000x16xf32, #tpu.memory_space<hbm>> -> memref<128x16xf32, #tpu.memory_space<hbm>>
          tpu.wait_dma2 semaphore(%run_scoped3A : memref<!tpu.dma_semaphore, #tpu.memory_space<semaphore_mem>>) src(%dma_wait3A_117 : memref<128x16xf32, #tpu.memory_space<hbm>>) dst(%arg10 : memref<128x16xf32, #tpu.memory_space<vmem>>)
          tpu.yield
        }) : () -> ()
        %dma_start3A = arith.constant 0 : i32
        %dma_start3A_99 = arith.constant 0 : i32
        %dma_start3A_100 = tpu.memref_slice %arg5[%dma_start3A, %dma_start3A_99] : memref<10000x64xf32, #tpu.memory_space<hbm>> -> memref<10000x64xf32, #tpu.memory_space<hbm>>
        tpu.enqueue_indirect_dma source(%dma_start3A_100 : memref<10000x64xf32, #tpu.memory_space<hbm>>) target(%arg11 : memref<128x64xf32, #tpu.memory_space<vmem>>) offsets(%arg8 : memref<128xi32, #tpu.memory_space<vmem>>) semaphore(%arg15 : memref<!tpu.dma_semaphore, #tpu.memory_space<semaphore_mem>>)
        %dma_wait3A = arith.constant 0 : i32
        %dma_wait3A_101 = arith.constant 0 : i32
        %dma_wait3A_102 = tpu.memref_slice %arg5[%dma_wait3A, %dma_wait3A_101] : memref<10000x64xf32, #tpu.memory_space<hbm>> -> memref<10000x64xf32, #tpu.memory_space<hbm>>
        tpu.wait_indirect_dma semaphore(%arg15 : memref<!tpu.dma_semaphore, #tpu.memory_space<semaphore_mem>>) src(%dma_wait3A_102 : memref<10000x64xf32, #tpu.memory_space<hbm>>) dst(%arg11 : memref<128x64xf32, #tpu.memory_space<vmem>>)
        %scan3A_103 = arith.constant 0 : i32
        %scan3A_104 = arith.constant 0 : i32
        %scan3A_105 = arith.constant 128 : i32
        %scan3A_106 = arith.addi %scan3A_104, %scan3A_105 : i32
        %scan3A_107 = arith.constant 1 : i32
        %scan3A_108 = scf.for %scan3A_110 = %scan3A_104 to %scan3A_106 step %scan3A_107 iter_args(%scan3A_111 = %scan3A_103) -> (i32)  : i32 {
          %get3A = arith.index_cast %scan3A_110 : i32 to index
          %get3A_112 = arith.constant 0 : index
          %get3A_113 = tpu.vector_load %arg10[%get3A, %get3A_112] {strides = array<i32>} : memref<128x16xf32, #tpu.memory_space<vmem>>, vector<1x16xf32>,
          %get3A_114 = vector.shape_cast %get3A_113 : vector<1x16xf32> to vector<16xf32>
          %slice3A = vector.extract_strided_slice %get3A_114 {offsets = [0], sizes = [1], strides = [1]} : vector<16xf32> to vector<1xf32>
          %squeeze3A = vector.extract %slice3A[0] : f32 from vector<1xf32>
          %get3A_115 = arith.index_cast %scan3A_110 : i32 to index
          %get3A_116 = arith.constant 0 : index
          %get3A_117 = tpu.vector_load %arg11[%get3A_115, %get3A_116] {strides = array<i32>} : memref<128x64xf32, #tpu.memory_space<vmem>>, vector<1x16xf32>,
          %get3A_118 = vector.shape_cast %get3A_117 : vector<1x16xf32> to vector<16xf32>
          %mul3A_119 = vector.broadcast %squeeze3A : f32 to vector<16xf32>
          %mul3A_120 = arith.mulf %get3A_118, %mul3A_119 : vector<16xf32>
          %swap3A = arith.index_cast %scan3A_110 : i32 to index
          %swap3A_121 = arith.constant 0 : index
          %swap3A_122 = tpu.vector_load %arg11[%swap3A, %swap3A_121] {strides = array<i32>} : memref<128x64xf32, #tpu.memory_space<vmem>>, vector<1x16xf32>,
          %swap3A_123 = vector.shape_cast %swap3A_122 : vector<1x16xf32> to vector<16xf32>
          %swap3A_124 = vector.shape_cast %mul3A_120 : vector<16xf32> to vector<1x16xf32>
          tpu.vector_store %arg11[%swap3A, %swap3A_121], %swap3A_124 {strides = array<i32>} : memref<128x64xf32, #tpu.memory_space<vmem>>, vector<1x16xf32>,
          %get3A_125 = arith.index_cast %scan3A_110 : i32 to index
          %get3A_126 = arith.constant 16 : index
          %get3A_127 = tpu.vector_load %arg11[%get3A_125, %get3A_126] {strides = array<i32>} : memref<128x64xf32, #tpu.memory_space<vmem>>, vector<1x16xf32>,
          %get3A_128 = vector.shape_cast %get3A_127 : vector<1x16xf32> to vector<16xf32>
          %mul3A_129 = vector.broadcast %squeeze3A : f32 to vector<16xf32>
          %mul3A_130 = arith.mulf %get3A_128, %mul3A_129 : vector<16xf32>
          %swap3A_131 = arith.index_cast %scan3A_110 : i32 to index
          %swap3A_132 = arith.constant 16 : index
          %swap3A_133 = tpu.vector_load %arg11[%swap3A_131, %swap3A_132] {strides = array<i32>} : memref<128x64xf32, #tpu.memory_space<vmem>>, vector<1x16xf32>,
          %swap3A_134 = vector.shape_cast %swap3A_133 : vector<1x16xf32> to vector<16xf32>
          %swap3A_135 = vector.shape_cast %mul3A_130 : vector<16xf32> to vector<1x16xf32>
          tpu.vector_store %arg11[%swap3A_131, %swap3A_132], %swap3A_135 {strides = array<i32>} : memref<128x64xf32, #tpu.memory_space<vmem>>, vector<1x16xf32>,
          %get3A_136 = arith.index_cast %scan3A_110 : i32 to index
          %get3A_137 = arith.constant 32 : index
          %get3A_138 = tpu.vector_load %arg11[%get3A_136, %get3A_137] {strides = array<i32>} : memref<128x64xf32, #tpu.memory_space<vmem>>, vector<1x16xf32>,
          %get3A_139 = vector.shape_cast %get3A_138 : vector<1x16xf32> to vector<16xf32>
          %mul3A_140 = vector.broadcast %squeeze3A : f32 to vector<16xf32>
          %mul3A_141 = arith.mulf %get3A_139, %mul3A_140 : vector<16xf32>
          %swap3A_142 = arith.index_cast %scan3A_110 : i32 to index
          %swap3A_143 = arith.constant 32 : index
          %swap3A_144 = tpu.vector_load %arg11[%swap3A_142, %swap3A_143] {strides = array<i32>} : memref<128x64xf32, #tpu.memory_space<vmem>>, vector<1x16xf32>,
          %swap3A_145 = vector.shape_cast %swap3A_144 : vector<1x16xf32> to vector<16xf32>
          %swap3A_146 = vector.shape_cast %mul3A_141 : vector<16xf32> to vector<1x16xf32>
          tpu.vector_store %arg11[%swap3A_142, %swap3A_143], %swap3A_146 {strides = array<i32>} : memref<128x64xf32, #tpu.memory_space<vmem>>, vector<1x16xf32>,
          %get3A_147 = arith.index_cast %scan3A_110 : i32 to index
          %get3A_148 = arith.constant 48 : index
          %get3A_149 = tpu.vector_load %arg11[%get3A_147, %get3A_148] {strides = array<i32>} : memref<128x64xf32, #tpu.memory_space<vmem>>, vector<1x16xf32>,
          %get3A_150 = vector.shape_cast %get3A_149 : vector<1x16xf32> to vector<16xf32>
          %mul3A_151 = vector.broadcast %squeeze3A : f32 to vector<16xf32>
          %mul3A_152 = arith.mulf %get3A_150, %mul3A_151 : vector<16xf32>
          %swap3A_153 = arith.index_cast %scan3A_110 : i32 to index
          %swap3A_154 = arith.constant 48 : index
          %swap3A_155 = tpu.vector_load %arg11[%swap3A_153, %swap3A_154] {strides = array<i32>} : memref<128x64xf32, #tpu.memory_space<vmem>>, vector<1x16xf32>,
          %swap3A_156 = vector.shape_cast %swap3A_155 : vector<1x16xf32> to vector<16xf32>
          %swap3A_157 = vector.shape_cast %mul3A_152 : vector<16xf32> to vector<1x16xf32>
          tpu.vector_store %arg11[%swap3A_153, %swap3A_154], %swap3A_157 {strides = array<i32>} : memref<128x64xf32, #tpu.memory_space<vmem>>, vector<1x16xf32>,
          %scan3A_158 = arith.constant 0 : i32
          scf.yield %scan3A_158 : i32
        }
        %scan3A_109 = arith.constant 128 : i32
        "tpu.region"() ({
          %run_scoped3A = tpu.sem_alloc : memref<!tpu.dma_semaphore, #tpu.memory_space<semaphore_mem>>
          %dma_start3A_110 = arith.constant 0 : i32
          %dma_start3A_111 = arith.constant 0 : i32
          %dma_start3A_112 = tpu.memref_slice %arg13[%dma_start3A_110, %dma_start3A_111] : memref<10240x64xf32, #tpu.memory_space<vmem_shared>> -> memref<10240x64xf32, #tpu.memory_space<vmem_shared>>
          tpu.enqueue_indirect_dma source(%arg11 : memref<128x64xf32, #tpu.memory_space<vmem>>) target(%dma_start3A_112 : memref<10240x64xf32, #tpu.memory_space<vmem_shared>>) offsets(%arg9 : memref<128xi32, #tpu.memory_space<vmem>>) semaphore(%run_scoped3A : memref<!tpu.dma_semaphore, #tpu.memory_space<semaphore_mem>>) {add = true}
          %dma_wait3A_113 = arith.constant 0 : i32
          %dma_wait3A_114 = arith.constant 0 : i32
          %dma_wait3A_115 = tpu.memref_slice %arg13[%dma_wait3A_113, %dma_wait3A_114] : memref<10240x64xf32, #tpu.memory_space<vmem_shared>> -> memref<10240x64xf32, #tpu.memory_space<vmem_shared>>
          tpu.wait_indirect_dma semaphore(%run_scoped3A : memref<!tpu.dma_semaphore, #tpu.memory_space<semaphore_mem>>) src(%arg11 : memref<128x64xf32, #tpu.memory_space<vmem>>) dst(%dma_wait3A_115 : memref<10240x64xf32, #tpu.memory_space<vmem_shared>>)
          tpu.yield
        }) : () -> ()
        "tpu.region"() ({
          %run_scoped3A = tpu.sem_alloc : memref<!tpu.dma_semaphore, #tpu.memory_space<semaphore_mem>>
          %dma_start3A_110 = arith.constant 0 : i32
          %dma_start3A_111 = arith.constant 0 : i32
          %dma_start3A_112 = tpu.memref_slice %arg14[%dma_start3A_110, %dma_start3A_111] : memref<10240x16xf32, #tpu.memory_space<vmem_shared>> -> memref<10240x16xf32, #tpu.memory_space<vmem_shared>>
          tpu.enqueue_indirect_dma source(%arg10 : memref<128x16xf32, #tpu.memory_space<vmem>>) target(%dma_start3A_112 : memref<10240x16xf32, #tpu.memory_space<vmem_shared>>) offsets(%arg9 : memref<128xi32, #tpu.memory_space<vmem>>) semaphore(%run_scoped3A : memref<!tpu.dma_semaphore, #tpu.memory_space<semaphore_mem>>) {add = true}
          %dma_wait3A_113 = arith.constant 0 : i32
          %dma_wait3A_114 = arith.constant 0 : i32
          %dma_wait3A_115 = tpu.memref_slice %arg14[%dma_wait3A_113, %dma_wait3A_114] : memref<10240x16xf32, #tpu.memory_space<vmem_shared>> -> memref<10240x16xf32, #tpu.memory_space<vmem_shared>>
          tpu.wait_indirect_dma semaphore(%run_scoped3A : memref<!tpu.dma_semaphore, #tpu.memory_space<semaphore_mem>>) src(%arg10 : memref<128x16xf32, #tpu.memory_space<vmem>>) dst(%dma_wait3A_115 : memref<10240x16xf32, #tpu.memory_space<vmem_shared>>)
          tpu.yield
        }) : () -> ()
      } else {
      }
      %scan3A_96 = arith.constant 0 : i32
      scf.yield %scan3A_96 : i32
    }
    %scan3A_73 = arith.constant 40 : i32
    %barrier3A_74 = arith.constant 0 : index
    tpu.barrier barrier_id(%barrier3A_74)
    %mul3A_75 = arith.constant 640 : i32
    %mul3A_76 = arith.muli %arg1, %mul3A_75 : i32
    %mul3A_77 = arith.constant 10240 : i32
    %mul3A_78 = arith.muli %arg0, %mul3A_77 : i32
    %mul3A_79 = arith.constant 640 : i32
    %mul3A_80 = arith.muli %arg1, %mul3A_79 : i32
    %add3A_81 = arith.addi %mul3A_78, %mul3A_80 : i32
    "tpu.region"() ({
      %run_scoped3A = tpu.sem_alloc : memref<!tpu.dma_semaphore, #tpu.memory_space<semaphore_mem>>
      %dma_start3A = arith.constant 0 : i32
      %dma_start3A_89 = tpu.memref_slice %arg6[%add3A_81, %dma_start3A] : memref<20480x64xf32, #tpu.memory_space<hbm>> -> memref<640x64xf32, #tpu.memory_space<hbm>>
      %dma_start3A_90 = arith.constant 0 : i32
      %dma_start3A_91 = tpu.memref_slice %arg13[%mul3A_76, %dma_start3A_90] : memref<10240x64xf32, #tpu.memory_space<vmem_shared>> -> memref<640x64xf32, #tpu.memory_space<vmem_shared>>
      tpu.enqueue_dma source(%dma_start3A_91 : memref<640x64xf32, #tpu.memory_space<vmem_shared>>) target(%dma_start3A_89 : memref<640x64xf32, #tpu.memory_space<hbm>>) target_semaphore(%run_scoped3A : memref<!tpu.dma_semaphore, #tpu.memory_space<semaphore_mem>>)
      %dma_wait3A = arith.constant 0 : i32
      %dma_wait3A_92 = tpu.memref_slice %arg6[%add3A_81, %dma_wait3A] : memref<20480x64xf32, #tpu.memory_space<hbm>> -> memref<640x64xf32, #tpu.memory_space<hbm>>
      %dma_wait3A_93 = arith.constant 0 : i32
      %dma_wait3A_94 = tpu.memref_slice %arg13[%mul3A_76, %dma_wait3A_93] : memref<10240x64xf32, #tpu.memory_space<vmem_shared>> -> memref<640x64xf32, #tpu.memory_space<vmem_shared>>
      tpu.wait_dma2 semaphore(%run_scoped3A : memref<!tpu.dma_semaphore, #tpu.memory_space<semaphore_mem>>) src(%dma_wait3A_94 : memref<640x64xf32, #tpu.memory_space<vmem_shared>>) dst(%dma_wait3A_92 : memref<640x64xf32, #tpu.memory_space<hbm>>)
      tpu.yield
    }) : () -> ()
    %mul3A_82 = arith.constant 640 : i32
    %mul3A_83 = arith.muli %arg1, %mul3A_82 : i32
    %mul3A_84 = arith.constant 10240 : i32
    %mul3A_85 = arith.muli %arg0, %mul3A_84 : i32
    %mul3A_86 = arith.constant 640 : i32
    %mul3A_87 = arith.muli %arg1, %mul3A_86 : i32
    %add3A_88 = arith.addi %mul3A_85, %mul3A_87 : i32
    "tpu.region"() ({
      %run_scoped3A = tpu.sem_alloc : memref<!tpu.dma_semaphore, #tpu.memory_space<semaphore_mem>>
      %dma_start3A = arith.constant 0 : i32
      %dma_start3A_89 = tpu.memref_slice %arg7[%add3A_88, %dma_start3A] : memref<20480x16xf32, #tpu.memory_space<hbm>> -> memref<640x16xf32, #tpu.memory_space<hbm>>
      %dma_start3A_90 = arith.constant 0 : i32
      %dma_start3A_91 = tpu.memref_slice %arg14[%mul3A_83, %dma_start3A_90] : memref<10240x16xf32, #tpu.memory_space<vmem_shared>> -> memref<640x16xf32, #tpu.memory_space<vmem_shared>>
      tpu.enqueue_dma source(%dma_start3A_91 : memref<640x16xf32, #tpu.memory_space<vmem_shared>>) target(%dma_start3A_89 : memref<640x16xf32, #tpu.memory_space<hbm>>) target_semaphore(%run_scoped3A : memref<!tpu.dma_semaphore, #tpu.memory_space<semaphore_mem>>)
      %dma_wait3A = arith.constant 0 : i32
      %dma_wait3A_92 = tpu.memref_slice %arg7[%add3A_88, %dma_wait3A] : memref<20480x16xf32, #tpu.memory_space<hbm>> -> memref<640x16xf32, #tpu.memory_space<hbm>>
      %dma_wait3A_93 = arith.constant 0 : i32
      %dma_wait3A_94 = tpu.memref_slice %arg14[%mul3A_83, %dma_wait3A_93] : memref<10240x16xf32, #tpu.memory_space<vmem_shared>> -> memref<640x16xf32, #tpu.memory_space<vmem_shared>>
      tpu.wait_dma2 semaphore(%run_scoped3A : memref<!tpu.dma_semaphore, #tpu.memory_space<semaphore_mem>>) src(%dma_wait3A_94 : memref<640x16xf32, #tpu.memory_space<vmem_shared>>) dst(%dma_wait3A_92 : memref<640x16xf32, #tpu.memory_space<hbm>>)
      tpu.yield
    }) : () -> ()
    return
  }
}

#map = affine_map<(d0, d1) -> (0)>
#map1 = affine_map<(d0, d1) -> (0, 0)>
module attributes {stable_mosaic.version = 14 : i64} {
  func.func @_sc_pool(%arg0: i32, %arg1: i32, %arg2: memref<10240xi32, #tpu.memory_space<hbm>>, %arg3: memref<10240x128xf32, #tpu.memory_space<hbm>>, %arg4: memref<512x128xf32, #tpu.memory_space<hbm>>, %arg5: memref<128xi32, #tpu.memory_space<vmem>>, %arg6: memref<128x128xf32, #tpu.memory_space<vmem>>, %arg7: memref<16x128xf32, #tpu.memory_space<vmem>>, %arg8: memref<256x128xf32, #tpu.memory_space<vmem_shared>>, %arg9: memref<!tpu.dma_semaphore, #tpu.memory_space<semaphore_mem>>) attributes {dimension_semantics = [#tpu.dimension_semantics<core_parallel>, #tpu.dimension_semantics<subcore_parallel>], iteration_bounds = array<i64: 2, 16>, scalar_prefetch = 0 : i64, scratch_operands = 5 : i64, tpu.core_type = #tpu.core_type<sc_vector_subcore>, window_params = [{transform_indices = #map}, {transform_indices = #map1}, {transform_indices = #map1}]} {
    %mul3A = arith.constant 2 : i32
    %mul3A_0 = arith.muli %arg1, %mul3A : i32
    %add3A = arith.addi %mul3A_0, %arg0 : i32
    %scan3A = arith.constant 0 : i32
    %scan3A_1 = arith.constant 0 : i32
    %scan3A_2 = arith.constant 16 : i32
    %scan3A_3 = arith.addi %scan3A_1, %scan3A_2 : i32
    %scan3A_4 = arith.constant 1 : i32
    %scan3A_5 = scf.for %scan3A_24 = %scan3A_1 to %scan3A_3 step %scan3A_4 iter_args(%scan3A_25 = %scan3A) -> (i32)  : i32 {
      %broadcast_in_dim3A = arith.constant 0.000000e+00 : f32
      %broadcast_in_dim3A_26 = vector.broadcast %broadcast_in_dim3A : f32 to vector<16xf32>
      %swap3A = arith.index_cast %scan3A_24 : i32 to index
      %swap3A_27 = arith.constant 0 : index
      %swap3A_28 = tpu.vector_load %arg7[%swap3A, %swap3A_27] {strides = array<i32>} : memref<16x128xf32, #tpu.memory_space<vmem>>, vector<1x16xf32>,
      %swap3A_29 = vector.shape_cast %swap3A_28 : vector<1x16xf32> to vector<16xf32>
      %swap3A_30 = vector.shape_cast %broadcast_in_dim3A_26 : vector<16xf32> to vector<1x16xf32>
      tpu.vector_store %arg7[%swap3A, %swap3A_27], %swap3A_30 {strides = array<i32>} : memref<16x128xf32, #tpu.memory_space<vmem>>, vector<1x16xf32>,
      %broadcast_in_dim3A_31 = arith.constant 0.000000e+00 : f32
      %broadcast_in_dim3A_32 = vector.broadcast %broadcast_in_dim3A_31 : f32 to vector<16xf32>
      %swap3A_33 = arith.index_cast %scan3A_24 : i32 to index
      %swap3A_34 = arith.constant 16 : index
      %swap3A_35 = tpu.vector_load %arg7[%swap3A_33, %swap3A_34] {strides = array<i32>} : memref<16x128xf32, #tpu.memory_space<vmem>>, vector<1x16xf32>,
      %swap3A_36 = vector.shape_cast %swap3A_35 : vector<1x16xf32> to vector<16xf32>
      %swap3A_37 = vector.shape_cast %broadcast_in_dim3A_32 : vector<16xf32> to vector<1x16xf32>
      tpu.vector_store %arg7[%swap3A_33, %swap3A_34], %swap3A_37 {strides = array<i32>} : memref<16x128xf32, #tpu.memory_space<vmem>>, vector<1x16xf32>,
      %broadcast_in_dim3A_38 = arith.constant 0.000000e+00 : f32
      %broadcast_in_dim3A_39 = vector.broadcast %broadcast_in_dim3A_38 : f32 to vector<16xf32>
      %swap3A_40 = arith.index_cast %scan3A_24 : i32 to index
      %swap3A_41 = arith.constant 32 : index
      %swap3A_42 = tpu.vector_load %arg7[%swap3A_40, %swap3A_41] {strides = array<i32>} : memref<16x128xf32, #tpu.memory_space<vmem>>, vector<1x16xf32>,
      %swap3A_43 = vector.shape_cast %swap3A_42 : vector<1x16xf32> to vector<16xf32>
      %swap3A_44 = vector.shape_cast %broadcast_in_dim3A_39 : vector<16xf32> to vector<1x16xf32>
      tpu.vector_store %arg7[%swap3A_40, %swap3A_41], %swap3A_44 {strides = array<i32>} : memref<16x128xf32, #tpu.memory_space<vmem>>, vector<1x16xf32>,
      %broadcast_in_dim3A_45 = arith.constant 0.000000e+00 : f32
      %broadcast_in_dim3A_46 = vector.broadcast %broadcast_in_dim3A_45 : f32 to vector<16xf32>
      %swap3A_47 = arith.index_cast %scan3A_24 : i32 to index
      %swap3A_48 = arith.constant 48 : index
      %swap3A_49 = tpu.vector_load %arg7[%swap3A_47, %swap3A_48] {strides = array<i32>} : memref<16x128xf32, #tpu.memory_space<vmem>>, vector<1x16xf32>,
      %swap3A_50 = vector.shape_cast %swap3A_49 : vector<1x16xf32> to vector<16xf32>
      %swap3A_51 = vector.shape_cast %broadcast_in_dim3A_46 : vector<16xf32> to vector<1x16xf32>
      tpu.vector_store %arg7[%swap3A_47, %swap3A_48], %swap3A_51 {strides = array<i32>} : memref<16x128xf32, #tpu.memory_space<vmem>>, vector<1x16xf32>,
      %broadcast_in_dim3A_52 = arith.constant 0.000000e+00 : f32
      %broadcast_in_dim3A_53 = vector.broadcast %broadcast_in_dim3A_52 : f32 to vector<16xf32>
      %swap3A_54 = arith.index_cast %scan3A_24 : i32 to index
      %swap3A_55 = arith.constant 64 : index
      %swap3A_56 = tpu.vector_load %arg7[%swap3A_54, %swap3A_55] {strides = array<i32>} : memref<16x128xf32, #tpu.memory_space<vmem>>, vector<1x16xf32>,
      %swap3A_57 = vector.shape_cast %swap3A_56 : vector<1x16xf32> to vector<16xf32>
      %swap3A_58 = vector.shape_cast %broadcast_in_dim3A_53 : vector<16xf32> to vector<1x16xf32>
      tpu.vector_store %arg7[%swap3A_54, %swap3A_55], %swap3A_58 {strides = array<i32>} : memref<16x128xf32, #tpu.memory_space<vmem>>, vector<1x16xf32>,
      %broadcast_in_dim3A_59 = arith.constant 0.000000e+00 : f32
      %broadcast_in_dim3A_60 = vector.broadcast %broadcast_in_dim3A_59 : f32 to vector<16xf32>
      %swap3A_61 = arith.index_cast %scan3A_24 : i32 to index
      %swap3A_62 = arith.constant 80 : index
      %swap3A_63 = tpu.vector_load %arg7[%swap3A_61, %swap3A_62] {strides = array<i32>} : memref<16x128xf32, #tpu.memory_space<vmem>>, vector<1x16xf32>,
      %swap3A_64 = vector.shape_cast %swap3A_63 : vector<1x16xf32> to vector<16xf32>
      %swap3A_65 = vector.shape_cast %broadcast_in_dim3A_60 : vector<16xf32> to vector<1x16xf32>
      tpu.vector_store %arg7[%swap3A_61, %swap3A_62], %swap3A_65 {strides = array<i32>} : memref<16x128xf32, #tpu.memory_space<vmem>>, vector<1x16xf32>,
      %broadcast_in_dim3A_66 = arith.constant 0.000000e+00 : f32
      %broadcast_in_dim3A_67 = vector.broadcast %broadcast_in_dim3A_66 : f32 to vector<16xf32>
      %swap3A_68 = arith.index_cast %scan3A_24 : i32 to index
      %swap3A_69 = arith.constant 96 : index
      %swap3A_70 = tpu.vector_load %arg7[%swap3A_68, %swap3A_69] {strides = array<i32>} : memref<16x128xf32, #tpu.memory_space<vmem>>, vector<1x16xf32>,
      %swap3A_71 = vector.shape_cast %swap3A_70 : vector<1x16xf32> to vector<16xf32>
      %swap3A_72 = vector.shape_cast %broadcast_in_dim3A_67 : vector<16xf32> to vector<1x16xf32>
      tpu.vector_store %arg7[%swap3A_68, %swap3A_69], %swap3A_72 {strides = array<i32>} : memref<16x128xf32, #tpu.memory_space<vmem>>, vector<1x16xf32>,
      %broadcast_in_dim3A_73 = arith.constant 0.000000e+00 : f32
      %broadcast_in_dim3A_74 = vector.broadcast %broadcast_in_dim3A_73 : f32 to vector<16xf32>
      %swap3A_75 = arith.index_cast %scan3A_24 : i32 to index
      %swap3A_76 = arith.constant 112 : index
      %swap3A_77 = tpu.vector_load %arg7[%swap3A_75, %swap3A_76] {strides = array<i32>} : memref<16x128xf32, #tpu.memory_space<vmem>>, vector<1x16xf32>,
      %swap3A_78 = vector.shape_cast %swap3A_77 : vector<1x16xf32> to vector<16xf32>
      %swap3A_79 = vector.shape_cast %broadcast_in_dim3A_74 : vector<16xf32> to vector<1x16xf32>
      tpu.vector_store %arg7[%swap3A_75, %swap3A_76], %swap3A_79 {strides = array<i32>} : memref<16x128xf32, #tpu.memory_space<vmem>>, vector<1x16xf32>,
      %scan3A_80 = arith.constant 0 : i32
      scf.yield %scan3A_80 : i32
    }
    %scan3A_6 = arith.constant 16 : i32
    %mul3A_7 = arith.constant 16 : i32
    %mul3A_8 = arith.muli %arg1, %mul3A_7 : i32
    "tpu.region"() ({
      %run_scoped3A = tpu.sem_alloc : memref<!tpu.dma_semaphore, #tpu.memory_space<semaphore_mem>>
      %dma_start3A = arith.constant 0 : i32
      %dma_start3A_24 = tpu.memref_slice %arg8[%mul3A_8, %dma_start3A] : memref<256x128xf32, #tpu.memory_space<vmem_shared>> -> memref<16x128xf32, #tpu.memory_space<vmem_shared>>
      %dma_start3A_25 = arith.constant 0 : i32
      %dma_start3A_26 = tpu.memref_slice %arg8[%mul3A_8, %dma_start3A_25] : memref<256x128xf32, #tpu.memory_space<vmem_shared>> -> memref<16x128xf32, #tpu.memory_space<vmem_shared>>
      tpu.enqueue_dma source(%arg7 : memref<16x128xf32, #tpu.memory_space<vmem>>) target(%dma_start3A_26 : memref<16x128xf32, #tpu.memory_space<vmem_shared>>) target_semaphore(%run_scoped3A : memref<!tpu.dma_semaphore, #tpu.memory_space<semaphore_mem>>)
      %dma_wait3A = arith.constant 0 : i32
      %dma_wait3A_27 = tpu.memref_slice %arg8[%mul3A_8, %dma_wait3A] : memref<256x128xf32, #tpu.memory_space<vmem_shared>> -> memref<16x128xf32, #tpu.memory_space<vmem_shared>>
      %dma_wait3A_28 = arith.constant 0 : i32
      %dma_wait3A_29 = tpu.memref_slice %arg8[%mul3A_8, %dma_wait3A_28] : memref<256x128xf32, #tpu.memory_space<vmem_shared>> -> memref<16x128xf32, #tpu.memory_space<vmem_shared>>
      tpu.wait_dma2 semaphore(%run_scoped3A : memref<!tpu.dma_semaphore, #tpu.memory_space<semaphore_mem>>) src(%arg7 : memref<16x128xf32, #tpu.memory_space<vmem>>) dst(%dma_wait3A_29 : memref<16x128xf32, #tpu.memory_space<vmem_shared>>)
      tpu.yield
    }) : () -> ()
    %barrier3A = arith.constant 0 : index
    tpu.barrier barrier_id(%barrier3A)
    %scan3A_9 = arith.constant 0 : i32
    %scan3A_10 = arith.constant 0 : i32
    %scan3A_11 = arith.constant 3 : i32
    %scan3A_12 = arith.addi %scan3A_10, %scan3A_11 : i32
    %scan3A_13 = arith.constant 1 : i32
    %scan3A_14 = scf.for %scan3A_24 = %scan3A_10 to %scan3A_12 step %scan3A_13 iter_args(%scan3A_25 = %scan3A_9) -> (i32)  : i32 {
      %mul3A_26 = arith.constant 32 : i32
      %mul3A_27 = arith.muli %scan3A_24, %mul3A_26 : i32
      %add3A_28 = arith.addi %mul3A_27, %add3A : i32
      %lt3A = arith.constant 80 : i32
      %lt3A_29 = arith.cmpi slt, %add3A_28, %lt3A : i32
      %convert_element_type3A = arith.extui %lt3A_29 : i1 to i32
      %cond3A = arith.constant 0 : i32
      %cond3A_30 = arith.cmpi ne, %convert_element_type3A, %cond3A : i32
      scf.if %cond3A_30 {
        %mul3A_32 = arith.constant 128 : i32
        %mul3A_33 = arith.muli %add3A_28, %mul3A_32 : i32
        "tpu.region"() ({
          %run_scoped3A = tpu.sem_alloc : memref<!tpu.dma_semaphore, #tpu.memory_space<semaphore_mem>>
          %dma_start3A = tpu.memref_slice %arg2[%mul3A_33] : memref<10240xi32, #tpu.memory_space<hbm>> -> memref<128xi32, #tpu.memory_space<hbm>>
          %dma_start3A_34 = tpu.memref_slice %arg2[%mul3A_33] : memref<10240xi32, #tpu.memory_space<hbm>> -> memref<128xi32, #tpu.memory_space<hbm>>
          tpu.enqueue_dma source(%dma_start3A_34 : memref<128xi32, #tpu.memory_space<hbm>>) target(%arg5 : memref<128xi32, #tpu.memory_space<vmem>>) target_semaphore(%run_scoped3A : memref<!tpu.dma_semaphore, #tpu.memory_space<semaphore_mem>>)
          %dma_wait3A = tpu.memref_slice %arg2[%mul3A_33] : memref<10240xi32, #tpu.memory_space<hbm>> -> memref<128xi32, #tpu.memory_space<hbm>>
          %dma_wait3A_35 = tpu.memref_slice %arg2[%mul3A_33] : memref<10240xi32, #tpu.memory_space<hbm>> -> memref<128xi32, #tpu.memory_space<hbm>>
          tpu.wait_dma2 semaphore(%run_scoped3A : memref<!tpu.dma_semaphore, #tpu.memory_space<semaphore_mem>>) src(%dma_wait3A_35 : memref<128xi32, #tpu.memory_space<hbm>>) dst(%arg5 : memref<128xi32, #tpu.memory_space<vmem>>)
          tpu.yield
        }) : () -> ()
        "tpu.region"() ({
          %run_scoped3A = tpu.sem_alloc : memref<!tpu.dma_semaphore, #tpu.memory_space<semaphore_mem>>
          %dma_start3A = arith.constant 0 : i32
          %dma_start3A_34 = tpu.memref_slice %arg3[%mul3A_33, %dma_start3A] : memref<10240x128xf32, #tpu.memory_space<hbm>> -> memref<128x128xf32, #tpu.memory_space<hbm>>
          %dma_start3A_35 = arith.constant 0 : i32
          %dma_start3A_36 = tpu.memref_slice %arg3[%mul3A_33, %dma_start3A_35] : memref<10240x128xf32, #tpu.memory_space<hbm>> -> memref<128x128xf32, #tpu.memory_space<hbm>>
          tpu.enqueue_dma source(%dma_start3A_36 : memref<128x128xf32, #tpu.memory_space<hbm>>) target(%arg6 : memref<128x128xf32, #tpu.memory_space<vmem>>) target_semaphore(%run_scoped3A : memref<!tpu.dma_semaphore, #tpu.memory_space<semaphore_mem>>)
          %dma_wait3A = arith.constant 0 : i32
          %dma_wait3A_37 = tpu.memref_slice %arg3[%mul3A_33, %dma_wait3A] : memref<10240x128xf32, #tpu.memory_space<hbm>> -> memref<128x128xf32, #tpu.memory_space<hbm>>
          %dma_wait3A_38 = arith.constant 0 : i32
          %dma_wait3A_39 = tpu.memref_slice %arg3[%mul3A_33, %dma_wait3A_38] : memref<10240x128xf32, #tpu.memory_space<hbm>> -> memref<128x128xf32, #tpu.memory_space<hbm>>
          tpu.wait_dma2 semaphore(%run_scoped3A : memref<!tpu.dma_semaphore, #tpu.memory_space<semaphore_mem>>) src(%dma_wait3A_39 : memref<128x128xf32, #tpu.memory_space<hbm>>) dst(%arg6 : memref<128x128xf32, #tpu.memory_space<vmem>>)
          tpu.yield
        }) : () -> ()
        "tpu.region"() ({
          %run_scoped3A = tpu.sem_alloc : memref<!tpu.dma_semaphore, #tpu.memory_space<semaphore_mem>>
          %dma_start3A = arith.constant 0 : i32
          %dma_start3A_34 = arith.constant 0 : i32
          %dma_start3A_35 = tpu.memref_slice %arg8[%dma_start3A, %dma_start3A_34] : memref<256x128xf32, #tpu.memory_space<vmem_shared>> -> memref<256x128xf32, #tpu.memory_space<vmem_shared>>
          tpu.enqueue_indirect_dma source(%arg6 : memref<128x128xf32, #tpu.memory_space<vmem>>) target(%dma_start3A_35 : memref<256x128xf32, #tpu.memory_space<vmem_shared>>) offsets(%arg5 : memref<128xi32, #tpu.memory_space<vmem>>) semaphore(%run_scoped3A : memref<!tpu.dma_semaphore, #tpu.memory_space<semaphore_mem>>) {add = true}
          %dma_wait3A = arith.constant 0 : i32
          %dma_wait3A_36 = arith.constant 0 : i32
          %dma_wait3A_37 = tpu.memref_slice %arg8[%dma_wait3A, %dma_wait3A_36] : memref<256x128xf32, #tpu.memory_space<vmem_shared>> -> memref<256x128xf32, #tpu.memory_space<vmem_shared>>
          tpu.wait_indirect_dma semaphore(%run_scoped3A : memref<!tpu.dma_semaphore, #tpu.memory_space<semaphore_mem>>) src(%arg6 : memref<128x128xf32, #tpu.memory_space<vmem>>) dst(%dma_wait3A_37 : memref<256x128xf32, #tpu.memory_space<vmem_shared>>)
          tpu.yield
        }) : () -> ()
      } else {
      }
      %scan3A_31 = arith.constant 0 : i32
      scf.yield %scan3A_31 : i32
    }
    %scan3A_15 = arith.constant 3 : i32
    %barrier3A_16 = arith.constant 0 : index
    tpu.barrier barrier_id(%barrier3A_16)
    %mul3A_17 = arith.constant 16 : i32
    %mul3A_18 = arith.muli %arg1, %mul3A_17 : i32
    %mul3A_19 = arith.constant 256 : i32
    %mul3A_20 = arith.muli %arg0, %mul3A_19 : i32
    %mul3A_21 = arith.constant 16 : i32
    %mul3A_22 = arith.muli %arg1, %mul3A_21 : i32
    %add3A_23 = arith.addi %mul3A_20, %mul3A_22 : i32
    "tpu.region"() ({
      %run_scoped3A = tpu.sem_alloc : memref<!tpu.dma_semaphore, #tpu.memory_space<semaphore_mem>>
      %dma_start3A = arith.constant 0 : i32
      %dma_start3A_24 = tpu.memref_slice %arg4[%add3A_23, %dma_start3A] : memref<512x128xf32, #tpu.memory_space<hbm>> -> memref<16x128xf32, #tpu.memory_space<hbm>>
      %dma_start3A_25 = arith.constant 0 : i32
      %dma_start3A_26 = tpu.memref_slice %arg8[%mul3A_18, %dma_start3A_25] : memref<256x128xf32, #tpu.memory_space<vmem_shared>> -> memref<16x128xf32, #tpu.memory_space<vmem_shared>>
      tpu.enqueue_dma source(%dma_start3A_26 : memref<16x128xf32, #tpu.memory_space<vmem_shared>>) target(%dma_start3A_24 : memref<16x128xf32, #tpu.memory_space<hbm>>) target_semaphore(%run_scoped3A : memref<!tpu.dma_semaphore, #tpu.memory_space<semaphore_mem>>)
      %dma_wait3A = arith.constant 0 : i32
      %dma_wait3A_27 = tpu.memref_slice %arg4[%add3A_23, %dma_wait3A] : memref<512x128xf32, #tpu.memory_space<hbm>> -> memref<16x128xf32, #tpu.memory_space<hbm>>
      %dma_wait3A_28 = arith.constant 0 : i32
      %dma_wait3A_29 = tpu.memref_slice %arg8[%mul3A_18, %dma_wait3A_28] : memref<256x128xf32, #tpu.memory_space<vmem_shared>> -> memref<16x128xf32, #tpu.memory_space<vmem_shared>>
      tpu.wait_dma2 semaphore(%run_scoped3A : memref<!tpu.dma_semaphore, #tpu.memory_space<semaphore_mem>>) src(%dma_wait3A_29 : memref<16x128xf32, #tpu.memory_space<vmem_shared>>) dst(%dma_wait3A_27 : memref<16x128xf32, #tpu.memory_space<hbm>>)
      tpu.yield
    }) : () -> ()
    return
  }
}

module attributes {stable_mosaic.version = 14 : i64} {
  func.func @_mm_kernel(%arg0: i32, %arg1: memref<512x128xf32, #tpu.memory_space<vmem>>, %arg2: memref<128x640xf32, #tpu.memory_space<vmem>>, %arg3: memref<512x640xf32, #tpu.memory_space<vmem>>) attributes {dimension_semantics = [#tpu.dimension_semantics<arbitrary>], iteration_bounds = array<i64: 20>, scalar_prefetch = 0 : i64, scratch_operands = 0 : i64, tpu.core_type = #tpu.core_type<tc>, window_params = [{transform_indices = @transform_0, window_bounds = array<i64: 512, 128>}, {pipeline_mode = #tpu.pipeline_mode<synchronous>, transform_indices = @transform_1, window_bounds = array<i64: 128, 640>}, {transform_indices = @transform_2, window_bounds = array<i64: 512, 640>}]} {
    %get3A = arith.constant 0 : index
    %get3A_0 = arith.constant 0 : index
    %get3A_1 = vector.load %arg1[%get3A, %get3A_0] : memref<512x128xf32, #tpu.memory_space<vmem>>, vector<512x128xf32>
    %convert_element_type3A = arith.truncf %get3A_1 : vector<512x128xf32> to vector<512x128xbf16>
    %get3A_2 = arith.constant 0 : index
    %get3A_3 = arith.constant 0 : index
    %get3A_4 = vector.load %arg2[%get3A_2, %get3A_3] : memref<128x640xf32, #tpu.memory_space<vmem>>, vector<128x640xf32>
    %convert_element_type3A_5 = arith.truncf %get3A_4 : vector<128x640xf32> to vector<128x640xbf16>
    %dot_general3A = arith.constant dense<0.000000e+00> : vector<512x640xf32>
    %dot_general3A_6 = tpu.matmul %convert_element_type3A, %convert_element_type3A_5, %dot_general3A {dimension_numbers = #tpu.dot_dimension_numbers<[1], [0], [0], [1], [0, 0, 1, 1], [], []>, transpose_lhs_hint = false} : vector<512x128xbf16>, vector<128x640xbf16>, vector<512x640xf32> -> vector<512x640xf32>
    %swap3A = arith.constant 0 : index
    %swap3A_7 = arith.constant 0 : index
    %swap3A_8 = vector.load %arg3[%swap3A, %swap3A_7] : memref<512x640xf32, #tpu.memory_space<vmem>>, vector<512x640xf32>
    tpu.vector_store %arg3[%swap3A, %swap3A_7], %dot_general3A_6 {strides = array<i32>} : memref<512x640xf32, #tpu.memory_space<vmem>>, vector<512x640xf32>,
    return
  }
  func.func @transform_0(%arg0: i32) -> (i32, i32) {
    %c0_i32 = arith.constant 0 : i32
    %c0_i32_0 = arith.constant 0 : i32
    return %arg0, %c0_i32 : i32, i32
  }
  func.func @transform_1(%arg0: i32) -> (i32, i32) {
    %c0_i32 = arith.constant 0 : i32
    %c0_i32_0 = arith.constant 0 : i32
    %c0_i32_1 = arith.constant 0 : i32
    return %c0_i32, %c0_i32_0 : i32, i32
  }
  func.func @transform_2(%arg0: i32) -> (i32, i32) {
    %c0_i32 = arith.constant 0 : i32
    %c0_i32_0 = arith.constant 0 : i32
    return %arg0, %c0_i32 : i32, i32
  }
}

module attributes {stable_mosaic.version = 14 : i64} {
  func.func @_mm_kernel(%arg0: i32, %arg1: memref<512x512xf32, #tpu.memory_space<vmem>>, %arg2: memref<512x128xf32, #tpu.memory_space<vmem>>, %arg3: memref<512x128xf32, #tpu.memory_space<vmem>>) attributes {dimension_semantics = [#tpu.dimension_semantics<arbitrary>], iteration_bounds = array<i64: 20>, scalar_prefetch = 0 : i64, scratch_operands = 0 : i64, tpu.core_type = #tpu.core_type<tc>, window_params = [{transform_indices = @transform_0, window_bounds = array<i64: 512, 512>}, {pipeline_mode = #tpu.pipeline_mode<synchronous>, transform_indices = @transform_1, window_bounds = array<i64: 512, 128>}, {transform_indices = @transform_2, window_bounds = array<i64: 512, 128>}]} {
    %get3A = arith.constant 0 : index
    %get3A_0 = arith.constant 0 : index
    %get3A_1 = vector.load %arg1[%get3A, %get3A_0] : memref<512x512xf32, #tpu.memory_space<vmem>>, vector<512x512xf32>
    %convert_element_type3A = arith.truncf %get3A_1 : vector<512x512xf32> to vector<512x512xbf16>
    %get3A_2 = arith.constant 0 : index
    %get3A_3 = arith.constant 0 : index
    %get3A_4 = vector.load %arg2[%get3A_2, %get3A_3] : memref<512x128xf32, #tpu.memory_space<vmem>>, vector<512x128xf32>
    %convert_element_type3A_5 = arith.truncf %get3A_4 : vector<512x128xf32> to vector<512x128xbf16>
    %dot_general3A = arith.constant dense<0.000000e+00> : vector<512x128xf32>
    %dot_general3A_6 = tpu.matmul %convert_element_type3A, %convert_element_type3A_5, %dot_general3A {dimension_numbers = #tpu.dot_dimension_numbers<[1], [0], [0], [1], [0, 0, 1, 1], [], []>, transpose_lhs_hint = false} : vector<512x512xbf16>, vector<512x128xbf16>, vector<512x128xf32> -> vector<512x128xf32>
    %swap3A = arith.constant 0 : index
    %swap3A_7 = arith.constant 0 : index
    %swap3A_8 = vector.load %arg3[%swap3A, %swap3A_7] : memref<512x128xf32, #tpu.memory_space<vmem>>, vector<512x128xf32>
    tpu.vector_store %arg3[%swap3A, %swap3A_7], %dot_general3A_6 {strides = array<i32>} : memref<512x128xf32, #tpu.memory_space<vmem>>, vector<512x128xf32>,
    return
  }
  func.func @transform_0(%arg0: i32) -> (i32, i32) {
    %c0_i32 = arith.constant 0 : i32
    %c0_i32_0 = arith.constant 0 : i32
    return %arg0, %c0_i32 : i32, i32
  }
  func.func @transform_1(%arg0: i32) -> (i32, i32) {
    %c0_i32 = arith.constant 0 : i32
    %c0_i32_0 = arith.constant 0 : i32
    %c0_i32_1 = arith.constant 0 : i32
    return %c0_i32, %c0_i32_0 : i32, i32
  }
  func.func @transform_2(%arg0: i32) -> (i32, i32) {
    %c0_i32 = arith.constant 0 : i32
    %c0_i32_0 = arith.constant 0 : i32
    return %arg0, %c0_i32 : i32, i32
  }
}

</mosaic_0001>

<sc_bundles>
// kernel: kernel.12.cloned.1.call-start
scs
__scs_entry_jumppad:
0x0: {  	(pc) =	sbr.rel $0x88, $3  }
0x1: {  	(tag) =	ssettag $0x0;
	lr =	simm.s32 $0x1  }
0x2: {  	[smem:$0x3F92] =	sst lr;
	_ =	strace $0xD0000000  }
0x3: {  	_ = 	snop  }
0x4: {  	_ = 	snop  }
0x5: {  	_ = 	snop  }
0x6: {  	_ = 	snop  }
0x7: {  	_ = 	snop  }
__scs_overlays_trampoline_lowered:
0x8: {  	[smem:$0x3FA1] =	sst s0  }
0x9: {  	[smem:$0x3FA2] =	sst s1  }
0xa: {  	[smem:$0x3FA3] =	sst s2  }
0xb: {  	[smem:$0x3FA4] =	sst s3  }
0xc: {  	[smem:$0x3FA5] =	sst s4  }
0xd: {  	[smem:$0x3FA6] =	sst s5  }
0xe: {  	[smem:$0x3FA7] =	sst s6  }
0xf: {  	[smem:$0x3FA8] =	sst s7  }
0x10: {  	[smem:$0x3FA9] =	sst s8  }
0x11: {  	[smem:$0x3FAA] =	sst s9;
	s0 =	simm.s32 @!p0 $0x0  }
0x12: {  	s1 =	sld [smem:$0x3F90];
	s0 =	simm.s32 @p0 $0x1  }
0x13: {  	[smem:$0x3FAB] =	sst s0;
	s0 =	simm.s32 @!p1 $0x0  }
0x14: {  	s2 =	sld [smem:$0x3F8F];
	s0 =	simm.s32 @p1 $0x1  }
0x15: {  	[smem:$0x3FAC] =	sst s0;
	s0 =	simm.s32 @!p2 $0x0  }
0x16: {  	s3 =	sld [smem:$0x3FDB];
	s0 =	simm.s32 @p2 $0x1  }
0x17: {  	s4 =	simm.s32 $0x1BF5;
	[smem:$0x3FAE] =	sst s0  }
0x18: {  	s0 =	sld [smem:$0x3F91];
	_ =	swait.ge [sflag:s4], $0x0  }
0x19: {  	s7 =	sld [smem:$0x3F92]  }
0x1a: {  	s8 =	sadd.s32 $0xFFFFE003, lr  }
0x1b: {  	s9 =	sadd.s32 $0xFFFFFEF7, lr;
	s5 =	simm.s32 $0xFFFFFFFF;
	p2 =	slt.u32 s8, $0xFFFFF086  }
0x1c: {  	p1 =	slt.u32 s9, $0xF7A;
	s5 =	simm.s32 @!p2 $0x0  }
0x1d: {  	s5 =	simm.s32 @p1 $0x1;
	p0 =	seq.s32 s7, s2  }
0x1e: {  	s7 =	smul.u32 @!p0 $0xF7A, s2;
	p2 =	seq.s32 @!p0 s5, $0x0  }
0x1f: {  	s9 =	smul.u32 $0xF7A, s1;
	s8 =	simm.s32 @!p0 $0x1BF5;
	p2 =	por !p2, p0  }
0x20: {  	[sflag:s8] =	ssyncset.s32 @!p0 $0xFFFFF086;
	s6 =	sadd.s32 @!p0 s3, s7;
	s7 =	simm.s32 @!p0 $0x108  }
0x21: {  	s3 =	sadd.s32 s3, s9;
	s6 =	sadd.s32 @!p0 $0x88, s6;
	s7 =	simm.s32 @p2 $0x1082  }
0x22: {  	[simem:s7], [sflag:s8] =	dma.local @!p0 [hbm:s6], $0xF7A  }
0x23: {  	s9 =	sor.u32 $0xD0000000, s2;
	s6 =	simm.s32 $0x108;
	_ =	swait.ge @!p0 [sflag:s8], $0x0  }
0x24: {  	s3 =	sadd.s32 $0x88, s3;
	s6 =	simm.s32 @!p1 $0x1082;
	[sflag:s4] =	ssyncset.s32 $0xFFFFF086  }
0x25: {  	[simem:s6], [sflag:s4] =	dma.local [hbm:s3], $0xF7A  }
0x26: {  	[smem:$0x3F92] =	sst s1;
	(tag) =	ssettag s2;
	_ =	strace s9  }
0x27: {  	s1 =	sld [smem:$0x3FA2]  }
0x28: {  	s2 =	sld [smem:$0x3FA3]  }
0x29: {  	s4 =	sld [smem:$0x3FA5]  }
0x2a: {  	p0 =	seq.s32 s5, $0x0;
	s5 =	sld [smem:$0x3FA6]  }
0x2b: {  	s6 =	sld [smem:$0x3FA7]  }
0x2c: {  	s7 =	sld [smem:$0x3FA8]  }
0x2d: {  	s3 =	simm.s32 $0x108;
	s8 =	sld [smem:$0x3FA9]  }
0x2e: {  	s3 =	simm.s32 @!p0 $0x1082;
	s9 =	sld [smem:$0x3FAA]  }
0x2f: {  	lr =	sadd.s32 s0, s3;
	s0 =	sld [smem:$0x3FA1]  }
0x30: {  	s3 =	sld [smem:$0x3FA4]  }
0x31: {  	[smem:$0x3FAD] =	sst s10  }
0x32: {  	s10 =	sld [smem:$0x3FAB];
	_ =	sdelay $0x3  }
0x33: {  	p0 =	seq.s32 s10, $0x1;
	s10 =	sld [smem:$0x3FAD];
	_ =	sdelay $0x3  }
0x34: {  	[smem:$0x3FAD] =	sst s10  }
0x35: {  	s10 =	sld [smem:$0x3FAC];
	_ =	sdelay $0x3  }
0x36: {  	p1 =	seq.s32 s10, $0x1;
	s10 =	sld [smem:$0x3FAD];
	_ =	sdelay $0x3  }
0x37: {  	[smem:$0x3FAD] =	sst s10  }
0x38: {  	s10 =	sld [smem:$0x3FAE]  }
0x39: {  	_ = 	snop;
	(pc) =	sbr.ind lr, $3  }
0x3a: {  	_ = 	snop  }
0x3b: {  	_ = 	snop  }
0x3c: {  	p2 =	seq.s32 s10, $0x1;
	s10 =	sld [smem:$0x3FAD]  }
0x3d: {  	_ =	shalt  }
0x3e: {  	_ =	shalt  }
0x3f: {  	_ =	shalt  }
0x40: {  	_ =	shalt  }
0x41: {  	_ =	shalt  }
0x42: {  	_ =	shalt  }
0x43: {  	_ =	shalt  }
0x44: {  	_ =	shalt  }
0x45: {  	_ =	shalt  }
0x46: {  	_ =	shalt  }
0x47: {  	_ =	shalt  }
0x48: {  	_ =	shalt  }
0x49: {  	_ =	shalt  }
0x4a: {  	_ =	shalt  }
0x4b: {  	_ =	shalt  }
0x4c: {  	_ =	shalt  }
0x4d: {  	_ =	shalt  }
0x4e: {  	_ =	shalt  }
0x4f: {  	_ =	shalt  }
0x50: {  	_ =	shalt  }
0x51: {  	_ =	shalt  }
0x52: {  	_ =	shalt  }
0x53: {  	_ =	shalt  }
0x54: {  	_ =	shalt  }
0x55: {  	_ =	shalt  }
0x56: {  	_ =	shalt  }
0x57: {  	_ =	shalt  }
0x58: {  	_ =	shalt  }
0x59: {  	_ =	shalt  }
0x5a: {  	_ =	shalt  }
0x5b: {  	_ =	shalt  }
0x5c: {  	_ =	shalt  }
0x5d: {  	_ =	shalt  }
0x5e: {  	_ =	shalt  }
0x5f: {  	_ =	shalt  }
0x60: {  	_ =	shalt  }
0x61: {  	_ =	shalt  }
0x62: {  	_ =	shalt  }
0x63: {  	_ =	shalt  }
0x64: {  	_ =	shalt  }
0x65: {  	_ =	shalt  }
0x66: {  	_ =	shalt  }
0x67: {  	_ =	shalt  }
0x68: {  	_ =	shalt  }
0x69: {  	_ =	shalt  }
0x6a: {  	_ =	shalt  }
0x6b: {  	_ =	shalt  }
0x6c: {  	_ =	shalt  }
0x6d: {  	_ =	shalt  }
0x6e: {  	_ =	shalt  }
0x6f: {  	_ =	shalt  }
0x70: {  	_ =	shalt  }
0x71: {  	_ =	shalt  }
0x72: {  	_ =	shalt  }
0x73: {  	_ =	shalt  }
0x74: {  	_ =	shalt  }
0x75: {  	_ =	shalt  }
0x76: {  	_ =	shalt  }
0x77: {  	_ =	shalt  }
0x78: {  	_ =	shalt  }
0x79: {  	_ =	shalt  }
0x7a: {  	_ =	shalt  }
0x7b: {  	_ =	shalt  }
0x7c: {  	_ =	shalt  }
0x7d: {  	_ =	shalt  }
0x7e: {  	_ =	shalt  }
0x7f: {  	_ =	shalt  }
0x80: {  	_ =	shalt  }
0x81: {  	_ =	shalt  }
0x82: {  	_ =	shalt  }
0x83: {  	_ =	shalt  }
0x84: {  	_ =	shalt  }
0x85: {  	_ =	shalt  }
0x86: {  	_ =	shalt  }
0x87: {  	_ =	shalt  }
.Lfunc_end0:
.L_simem_size_0:
called_computation_lowered:
.L_overlay_start_0:
0x88: {  	s2 =	sld [smem:$0x3FD9]  }
0x89: {  	s3 =	sld [smem:$0x3FFE];
	_ =	sdelay $0x1  }
0x8a: {  	s1 =	srdreg.scid  }
0x8b: {  	s0 =	sand.u32 $0x1, s1  }
0x8c: {  	s16 =	sshll.u32 s0, $0xA;
	s2 =	sadd.s32 s3, s2  }
0x8d: {  	s2 =	sadd.s32 s2, s16  }
0x8e: {  	[smem:$0x3FB9] =	sst s2  }
0x8f: {  	_ = 	snop  }
0x90: {  	(tm) =	ssettm $0x1  }
0x91: {  	s17 =	sld [smem:$0x3FFB];
	_ =	sdelay $0x3  }
0x92: {  	_ =	strace s17  }
0x93: {  	s2 =	sld [smem:$0x3FFC];
	_ =	sdelay $0x3  }
0x94: {  	_ =	strace s2  }
0x95: {  	s2 =	sld [smem:$0x3FFD];
	_ =	sdelay $0x3  }
0x96: {  	_ =	strace s2  }
0x97: {  	_ =	strace $0x8FFFFFFF  }
0x98: {  	s18 =	sld [smem:$0x3FDB];
	_ =	sdelay $0x1  }
0x99: {  	s19 =	simm.s32 $_scs_section_size  }
0x9a: {  	s4 =	simm.s32 $_size__tile_overlayer_lowered;
	s5 =	simm.s32 $_tile_overlayer_lowered  }
0x9b: {  	s22 =	simm.s32 $0x1BFF;
	s21 =	sshll.u32 s5, $0x1;
	s2 =	sadd.s32 s19, s18  }
0x9c: {  	s6 =	simm.s32 $0x0;
	s20 =	sshll.u32 s4, $0x1;
	s4 =	sadd.s32 s21, s2  }
0x9d: {  	[timem:s6], [sflag:s22] =	dma.local [hbm:s4], s20  }
0x9e: {  	_ =	swait.ge [sflag:s22], s20  }
0x9f: {  	s3 =	ssub.s32 $0x0, s20;
	[sflag:s22] =	ssyncset.done $0x0  }
0xa0: {  	[sflag:s22] =	ssyncadd.s32 s3;
	_ =	sdelay $0x1  }
0xa1: {  	s23 =	simm.s32 $0x1B8B  }
0xa2: {  	_ =	swait.ge [sflag:s23], $0x1  }
0xa3: {  	[sflag:s23] =	ssyncset.done $0x0  }
0xa4: {  	s25 =	simm.s32 $0x1B8E;
	s24 =	sld [smem:$0x3FFE];
	[sflag:s23] =	ssyncadd.s32 $0xFFFFFFFF  }
0xa5: {  	s26 =	simm.s32 $execute0_lowered;
	[smem:$0x3FD2] =	sst s25  }
0xa6: {  	s4 =	sshll.u32 s26, $0x1;
	_ =	strace $0x80000046;
	[dreg:$0x1] =	wrdreg $0xFFFFFFFF  }
0xa7: {  	s28 =	simm.s32 $_size_execute0_lowered;
	s2 =	sadd.s32 s2, s4;
	[dreg:$0x0] =	wrdreg $0x0  }
0xa8: {  	s4 =	sshll.u32 s28, $0x1;
	[dreg:$0x2] =	wrdreg s2  }
0xa9: {  	[dreg:$0x3] =	wrdreg s4  }
0xaa: {  	[dreg:$0x4] =	wrdreg $0xC0  }
0xab: {  	_ =	task [dreg:s6], $0x5FFFF  }
0xac: {  	[dreg:$0x1] =	wrdreg $0xFFFFFFFF  }
0xad: {  	[dreg:$0x0] =	wrdreg $0x60  }
0xae: {  	[dreg:$0x2] =	wrdreg s24  }
0xaf: {  	[dreg:$0x3] =	wrdreg $0x9  }
0xb0: {  	_ =	task.clear_ibuf [dreg:s6], $0x4FFFF;
	_ =	strace $0x90000046  }
0xb1: {  	s29 =	simm.s32 $0x9;
	_ =	strace $0x80000048  }
0xb2: {  	_ =	swait.ge [sflag:s29], $0x1  }
0xb3: {  	[sflag:s29] =	ssyncadd.s32 $0xFFFFFFFF  }
0xb4: {  	_ =	strace $0x90000048  }
0xb5: {  	_ =	sfence  }
0xb6: {  	s30 =	sld [smem:$0x0];
	_ =	sdelay $0x2  }
0xb7: {  	s31 =	sshll.u32 s1, $0xD;
	s1 =	sshrl.u32 s1, $0x2  }
0xb8: {  	s3 =	sand.u32 $0x4000, s31;
	s1 =	sadd.s32 s1, s30  }
0xb9: {  	s0 =	sor.u32 s3, s0;
	s1 =	sshll.u32 s1, $0x11  }
0xba: {  	s0 =	sor.u32 s1, s0  }
0xbb: {  	s0 =	sadd.s32 $0x8F2B, s0  }
0xbc: {  	[sflag:s0] =	ssyncadd.remote.s32 $0x1  }
0xbd: {  	_ =	sfence.sel $0xFFFF  }
0xbe: {  	[dreg:$0x0] =	wrdreg $0xFFFFFFFF;
	(pc) =	sbr.abs _section_cstart, $3  }
0xbf: {  	[dreg:$0x1] =	wrdreg $0xFFFFFFFF  }
0xc0: {  	_ =	task.clear_ibuf [dreg:s6], $0x2FFFF;
	_ =	strace $0x9FFFFFFF  }
0xc1: {  	(tm) =	ssettm $0x7FFFFFFF  }
tec
execute0_lowered:
.L_overlay_start_1:
0x0: {  	(tag) =	ssettag $0x1  }
0x1: {  	s8 =	rddreg [dreg:$0x0]  }
0x2: {  	s0 =	rddreg [dreg:$0x1];
	s1 =	simm.s32 $0x0;
	s2 =	srdreg.scid  }
0x3: {  	s4 =	stileid.u32;
	s11 =	simm.s32 $0x4;
	s12 =	simm.s32 $0x80  }
0x4: {  	s13 =	simm.s32 $0x100;
	s14 =	simm.s32 $0x900;
	s15 =	simm.s32 $0x1  }
0x5: {  	s16 =	simm.s32 $0x2;
	s17 =	simm.s32 $0x1100;
	s18 =	simm.s32 $0x3  }
.Ltmp0:
0x6: {  	s19 =	simm.s32 $0x0;
	s2 =	sand.u32 $0x1, s2;
	(pc) =	sbr.rel .LBB2_1-.Ltmp0, $4  }
0x7: {  	[smem:$0x7FF] =	sst s1;
	s3 =	sadd.s32 $0xC600, s8;
	s9 =	ssub.s32 $0x2, s2  }
0x8: {  	s5 =	sadd.s32 $0x7600, s8;
	s6 =	sadd.s32 $0xDE600, s8;
	s10 =	sshrl.u32 s9, $0x1  }
0x9: {  	s7 =	sadd.s32 $0xD9600, s8;
	s8 =	sadd.s32 $0xE3600, s8;
	s10 =	ssub.s32 s9, s10  }
0xa: {  	_ =	strace $0x80000047;
	s9 =	sshll.u32 s4, $0x1;
	s10 =	smax.u32 s10, $0x1  }
.LBB2_7:
0xb: {  	s19 =	sadd.s32 $0x1, s19  }
0xc: {  	p0 =	sne.s32 s19, s10  }
.Ltmp1:
0xd: {  	_ = 	snop;
	(pc) =	sbr.rel @!p0 .LBB2_8-.Ltmp1, $1  }
0xe: {  	_ =	sdelay $0x3  }
.LBB2_1:
.Ltmp2:
0xf: {  	(pc) =	sbr.rel .LBB2_2-.Ltmp2, $2  }
0x10: {  	_ =	sdelay $0x2  }
0x11: {  	s20 =	simm.s32 $0x0  }
.LBB2_6:
0x12: {  	s20 =	sadd.s32 $0x1, s20  }
0x13: {  	p0 =	sne.s32 s20, $0x28  }
.Ltmp3:
0x14: {  	_ = 	snop;
	(pc) =	sbr.rel @!p0 .LBB2_7-.Ltmp3, $1  }
0x15: {  	_ =	sdelay $0x3  }
.LBB2_2:
0x16: {  	s21 =	sshll.u32 s20, $0x5  }
0x17: {  	s21 =	sor.u32 s9, s21  }
0x18: {  	p0 =	sgt.u32 s21, $0x4E1  }
.Ltmp4:
0x19: {  	_ = 	snop;
	(pc) =	sbr.rel @p0 .LBB2_6-.Ltmp4, $1  }
0x1a: {  	_ =	sdelay $0x3  }
0x1b: {  	s21 =	sor.u32 s2, s21  }
0x1c: {  	s22 =	sshll.u32 s21, $0x4  }
0x1d: {  	s24 =	simm.s32 $0x0;
	s23 =	sadd.s32 s3, s22  }
0x1e: {  	[tilespmem:s24], [sflag:$0x4] =	stream.linear.gather [hbm4b:s23+s24], $0x80, $0x38;
	[tilespmem:$0x1900] =	vst v63  }
0x1f: {  	_ =	swait.ge [sflag:s11], $0x80  }
0x20: {  	[sflag:s11] =	ssyncset.done $0x0  }
0x21: {  	s22 =	sadd.s32 s5, s22;
	[sflag:s11] =	ssyncadd.s32 $0xFFFFFF80  }
0x22: {  	[tilespmem:s12], [sflag:$0x4] =	stream.linear.gather [hbm4b:s22+s24], $0x80, $0x38;
	[tilespmem:$0x1900] =	vst v63  }
0x23: {  	_ =	swait.ge [sflag:s11], $0x80  }
0x24: {  	[sflag:s11] =	ssyncset.done $0x0  }
0x25: {  	[sflag:s11] =	ssyncadd.s32 $0xFFFFFF80  }
0x26: {  	[tilespmem:s13], [sflag:$0x1] =	stream.indirect.gather [hbm4b:s6+s12], $0x10, s24, s12, $0xb8;
	[tilespmem:$0x1900] =	vst v63  }
0x27: {  	_ = 	snop  }
0x28: {  	[tilespmem:s14], [sflag:$0x2] =	stream.indirect.gather [hbm4b:s7+s12], $0x10, s12, s12, $0xb8;
	[tilespmem:$0x1900] =	vst v63  }
0x29: {  	_ =	swait.ge [sflag:s15], $0x800  }
0x2a: {  	[sflag:s15] =	ssyncset.done $0x0  }
0x2b: {  	[sflag:s15] =	ssyncadd.s32 $0xFFFFF800  }
0x2c: {  	_ =	swait.ge [sflag:s16], $0x800  }
0x2d: {  	[sflag:s16] =	ssyncset.done $0x0  }
0x2e: {  	s22 =	simm.s32 $0x0;
	[sflag:s16] =	ssyncadd.s32 $0xFFFFF800  }
0x2f: {  	v0 =	vld [tilespmem:s22+$0x100]  }
0x30: {  	v1 =	vld [tilespmem:s22+$0x900];
	_ =	sdelay $0x3  }
0x31: {  	s23 =	simm.s32 $0x10  }
0x32: {  	v2 =	vadd.f32 v1, v0;
	v0 =	vld [tilespmem:s23+$0x100]  }
0x33: {  	v1 =	vld [tilespmem:s23+$0x900]  }
0x34: {  	v3 =	vmul.f32 $2.000000030e-01, v2  }
0x35: {  	vm0 =	vge.f32 v2, $0.0e+00  }
0x36: {  	s24 =	simm.s32 $0x80;
	v2 =	vsel vm0, v2, v3  }
.LBB2_4:
0x37: {  	[tilespmem:s22+$0x1100] =	vst v2;
	s22 =	smov.u32 s23;
	s23 =	sshra.s32 s24, $0x2;
	p0 =	sne.s32 s24, $0x1FC0  }
.Ltmp5:
0x38: {  	s24 =	sadd.s32 $0x40, s24;
	v2 =	vadd.f32 v1, v0;
	v0 =	vld [tilespmem:s23+$0x100];
	(pc) =	sbr.rel @p0 .LBB2_4-.Ltmp5, $4  }
0x39: {  	v1 =	vld [tilespmem:s23+$0x900]  }
0x3a: {  	v3 =	vmul.f32 $2.000000030e-01, v2  }
0x3b: {  	vm0 =	vge.f32 v2, $0.0e+00  }
0x3c: {  	v2 =	vsel vm0, v2, v3  }
0x3d: {  	_ = 	snop  }
0x3e: {  	v0 =	vadd.f32 v1, v0;
	_ =	sdelay $0x1  }
0x3f: {  	v1 =	vmul.f32 $2.000000030e-01, v0  }
0x40: {  	vm0 =	vge.f32 v0, $0.0e+00  }
0x41: {  	[tilespmem:s22+$0x1100] =	vst v2;
	s21 =	sshll.u32 s21, $0x8;
	v0 =	vsel vm0, v0, v1  }
.Ltmp6:
0x42: {  	s21 =	sadd.s32 s8, s21;
	[tilespmem:s23+$0x1100] =	vst v0;
	(pc) =	sbr.rel .LBB2_6-.Ltmp6, $4  }
0x43: {  	[hbm4b:s21+s1] =	stream.linear.scatter [tilespmem:s17], [sflag:$0x3], $0x800, $0x38;
	[tilespmem:$0x1900] =	vst v63  }
0x44: {  	_ =	swait.ge [sflag:s18], $0x800  }
0x45: {  	[sflag:s18] =	ssyncset.done $0x0  }
0x46: {  	[sflag:s18] =	ssyncadd.s32 $0xFFFFF800  }
.LBB2_8:
0x47: {  	_ =	sfence.sel $0x180000  }
0x48: {  	[bflag:$0x0] =	sbarrier.arrive $0xFFFF  }
0x49: {  	p0 =	sne.s32 s4, $0x0;
	_ =	strace $0x90000047  }
0x4a: {  	s0 =	sadd.s32 @!p0 $0x100000, s0;
	[bflag:$0x2] =	sbarrier.arrive $0xFFFF  }
0x4b: {  	[sflag:s0] =	ssyncadd.tile.s32 @!p0 $0x1;
	_ =	shalt  }
.Lfunc_end2:
_tile_overlayer_lowered:
.L_overlay_start_2:
0x4c: {  	(tag) =	ssettag $0x2  }
0x4d: {  	s0 =	rddreg [dreg:$0x0];
	s2 =	stileid.u32  }
0x4e: {  	s1 =	rddreg [dreg:$0x1];
	p0 =	sne.s32 s2, $0x0  }
0x4f: {  	s3 =	rddreg [dreg:$0x2];
	[bflag:$0x3] =	sbarrier.arrive $0xFFFF;
	s2 =	simm.s32 @!p0 $0x1C03  }
0x50: {  	[timem:s3], [sflag:s2] =	dma.local @!p0 [hbm:s0], s1  }
0x51: {  	s0 =	simm.s32 @!p0 $0x3  }
0x52: {  	_ =	swait.ge @!p0 [sflag:s0], s1  }
0x53: {  	s1 =	ssub.s32 @!p0 $0x0, s1;
	[sflag:s0] =	ssyncset.done @!p0 $0x0  }
0x54: {  	[sflag:s0] =	ssyncadd.s32 @!p0 s1  }
0x55: {  	[bflag:$0x3] =	sbarrier.arrive $0xFFFF  }
0x56: {  	_ =	shalt  }

// kernel: kernel.15.cloned.1.call-start
scs
__scs_entry_jumppad:
0x0: {  	(pc) =	sbr.rel $0x88, $3  }
0x1: {  	(tag) =	ssettag $0x0;
	lr =	simm.s32 $0x1  }
0x2: {  	[smem:$0x3F92] =	sst lr;
	_ =	strace $0xD0000000  }
0x3: {  	_ = 	snop  }
0x4: {  	_ = 	snop  }
0x5: {  	_ = 	snop  }
0x6: {  	_ = 	snop  }
0x7: {  	_ = 	snop  }
__scs_overlays_trampoline_lowered:
0x8: {  	[smem:$0x3FA1] =	sst s0  }
0x9: {  	[smem:$0x3FA2] =	sst s1  }
0xa: {  	[smem:$0x3FA3] =	sst s2  }
0xb: {  	[smem:$0x3FA4] =	sst s3  }
0xc: {  	[smem:$0x3FA5] =	sst s4  }
0xd: {  	[smem:$0x3FA6] =	sst s5  }
0xe: {  	[smem:$0x3FA7] =	sst s6  }
0xf: {  	[smem:$0x3FA8] =	sst s7  }
0x10: {  	[smem:$0x3FA9] =	sst s8  }
0x11: {  	[smem:$0x3FAA] =	sst s9;
	s0 =	simm.s32 @!p0 $0x0  }
0x12: {  	s1 =	sld [smem:$0x3F90];
	s0 =	simm.s32 @p0 $0x1  }
0x13: {  	[smem:$0x3FAB] =	sst s0;
	s0 =	simm.s32 @!p1 $0x0  }
0x14: {  	s2 =	sld [smem:$0x3F8F];
	s0 =	simm.s32 @p1 $0x1  }
0x15: {  	[smem:$0x3FAC] =	sst s0;
	s0 =	simm.s32 @!p2 $0x0  }
0x16: {  	s3 =	sld [smem:$0x3FDB];
	s0 =	simm.s32 @p2 $0x1  }
0x17: {  	s4 =	simm.s32 $0x1BF5;
	[smem:$0x3FAE] =	sst s0  }
0x18: {  	s0 =	sld [smem:$0x3F91];
	_ =	swait.ge [sflag:s4], $0x0  }
0x19: {  	s7 =	sld [smem:$0x3F92]  }
0x1a: {  	s8 =	sadd.s32 $0xFFFFE003, lr  }
0x1b: {  	s9 =	sadd.s32 $0xFFFFFEF7, lr;
	s5 =	simm.s32 $0xFFFFFFFF;
	p2 =	slt.u32 s8, $0xFFFFF086  }
0x1c: {  	p1 =	slt.u32 s9, $0xF7A;
	s5 =	simm.s32 @!p2 $0x0  }
0x1d: {  	s5 =	simm.s32 @p1 $0x1;
	p0 =	seq.s32 s7, s2  }
0x1e: {  	s7 =	smul.u32 @!p0 $0xF7A, s2;
	p2 =	seq.s32 @!p0 s5, $0x0  }
0x1f: {  	s9 =	smul.u32 $0xF7A, s1;
	s8 =	simm.s32 @!p0 $0x1BF5;
	p2 =	por !p2, p0  }
0x20: {  	[sflag:s8] =	ssyncset.s32 @!p0 $0xFFFFF086;
	s6 =	sadd.s32 @!p0 s3, s7;
	s7 =	simm.s32 @!p0 $0x108  }
0x21: {  	s3 =	sadd.s32 s3, s9;
	s6 =	sadd.s32 @!p0 $0x88, s6;
	s7 =	simm.s32 @p2 $0x1082  }
0x22: {  	[simem:s7], [sflag:s8] =	dma.local @!p0 [hbm:s6], $0xF7A  }
0x23: {  	s9 =	sor.u32 $0xD0000000, s2;
	s6 =	simm.s32 $0x108;
	_ =	swait.ge @!p0 [sflag:s8], $0x0  }
0x24: {  	s3 =	sadd.s32 $0x88, s3;
	s6 =	simm.s32 @!p1 $0x1082;
	[sflag:s4] =	ssyncset.s32 $0xFFFFF086  }
0x25: {  	[simem:s6], [sflag:s4] =	dma.local [hbm:s3], $0xF7A  }
0x26: {  	[smem:$0x3F92] =	sst s1;
	(tag) =	ssettag s2;
	_ =	strace s9  }
0x27: {  	s1 =	sld [smem:$0x3FA2]  }
0x28: {  	s2 =	sld [smem:$0x3FA3]  }
0x29: {  	s4 =	sld [smem:$0x3FA5]  }
0x2a: {  	p0 =	seq.s32 s5, $0x0;
	s5 =	sld [smem:$0x3FA6]  }
0x2b: {  	s6 =	sld [smem:$0x3FA7]  }
0x2c: {  	s7 =	sld [smem:$0x3FA8]  }
0x2d: {  	s3 =	simm.s32 $0x108;
	s8 =	sld [smem:$0x3FA9]  }
0x2e: {  	s3 =	simm.s32 @!p0 $0x1082;
	s9 =	sld [smem:$0x3FAA]  }
0x2f: {  	lr =	sadd.s32 s0, s3;
	s0 =	sld [smem:$0x3FA1]  }
0x30: {  	s3 =	sld [smem:$0x3FA4]  }
0x31: {  	[smem:$0x3FAD] =	sst s10  }
0x32: {  	s10 =	sld [smem:$0x3FAB];
	_ =	sdelay $0x3  }
0x33: {  	p0 =	seq.s32 s10, $0x1;
	s10 =	sld [smem:$0x3FAD];
	_ =	sdelay $0x3  }
0x34: {  	[smem:$0x3FAD] =	sst s10  }
0x35: {  	s10 =	sld [smem:$0x3FAC];
	_ =	sdelay $0x3  }
0x36: {  	p1 =	seq.s32 s10, $0x1;
	s10 =	sld [smem:$0x3FAD];
	_ =	sdelay $0x3  }
0x37: {  	[smem:$0x3FAD] =	sst s10  }
0x38: {  	s10 =	sld [smem:$0x3FAE]  }
0x39: {  	_ = 	snop;
	(pc) =	sbr.ind lr, $3  }
0x3a: {  	_ = 	snop  }
0x3b: {  	_ = 	snop  }
0x3c: {  	p2 =	seq.s32 s10, $0x1;
	s10 =	sld [smem:$0x3FAD]  }
0x3d: {  	_ =	shalt  }
0x3e: {  	_ =	shalt  }
0x3f: {  	_ =	shalt  }
0x40: {  	_ =	shalt  }
0x41: {  	_ =	shalt  }
0x42: {  	_ =	shalt  }
0x43: {  	_ =	shalt  }
0x44: {  	_ =	shalt  }
0x45: {  	_ =	shalt  }
0x46: {  	_ =	shalt  }
0x47: {  	_ =	shalt  }
0x48: {  	_ =	shalt  }
0x49: {  	_ =	shalt  }
0x4a: {  	_ =	shalt  }
0x4b: {  	_ =	shalt  }
0x4c: {  	_ =	shalt  }
0x4d: {  	_ =	shalt  }
0x4e: {  	_ =	shalt  }
0x4f: {  	_ =	shalt  }
0x50: {  	_ =	shalt  }
0x51: {  	_ =	shalt  }
0x52: {  	_ =	shalt  }
0x53: {  	_ =	shalt  }
0x54: {  	_ =	shalt  }
0x55: {  	_ =	shalt  }
0x56: {  	_ =	shalt  }
0x57: {  	_ =	shalt  }
0x58: {  	_ =	shalt  }
0x59: {  	_ =	shalt  }
0x5a: {  	_ =	shalt  }
0x5b: {  	_ =	shalt  }
0x5c: {  	_ =	shalt  }
0x5d: {  	_ =	shalt  }
0x5e: {  	_ =	shalt  }
0x5f: {  	_ =	shalt  }
0x60: {  	_ =	shalt  }
0x61: {  	_ =	shalt  }
0x62: {  	_ =	shalt  }
0x63: {  	_ =	shalt  }
0x64: {  	_ =	shalt  }
0x65: {  	_ =	shalt  }
0x66: {  	_ =	shalt  }
0x67: {  	_ =	shalt  }
0x68: {  	_ =	shalt  }
0x69: {  	_ =	shalt  }
0x6a: {  	_ =	shalt  }
0x6b: {  	_ =	shalt  }
0x6c: {  	_ =	shalt  }
0x6d: {  	_ =	shalt  }
0x6e: {  	_ =	shalt  }
0x6f: {  	_ =	shalt  }
0x70: {  	_ =	shalt  }
0x71: {  	_ =	shalt  }
0x72: {  	_ =	shalt  }
0x73: {  	_ =	shalt  }
0x74: {  	_ =	shalt  }
0x75: {  	_ =	shalt  }
0x76: {  	_ =	shalt  }
0x77: {  	_ =	shalt  }
0x78: {  	_ =	shalt  }
0x79: {  	_ =	shalt  }
0x7a: {  	_ =	shalt  }
0x7b: {  	_ =	shalt  }
0x7c: {  	_ =	shalt  }
0x7d: {  	_ =	shalt  }
0x7e: {  	_ =	shalt  }
0x7f: {  	_ =	shalt  }
0x80: {  	_ =	shalt  }
0x81: {  	_ =	shalt  }
0x82: {  	_ =	shalt  }
0x83: {  	_ =	shalt  }
0x84: {  	_ =	shalt  }
0x85: {  	_ =	shalt  }
0x86: {  	_ =	shalt  }
0x87: {  	_ =	shalt  }
.Lfunc_end0:
.L_simem_size_0:
called_computation.1_lowered:
.L_overlay_start_0:
0x88: {  	s2 =	sld [smem:$0x3FD9]  }
0x89: {  	s3 =	sld [smem:$0x3FFE];
	_ =	sdelay $0x1  }
0x8a: {  	s1 =	srdreg.scid  }
0x8b: {  	s0 =	sand.u32 $0x1, s1  }
0x8c: {  	s16 =	sshll.u32 s0, $0xA;
	s2 =	sadd.s32 s3, s2  }
0x8d: {  	s2 =	sadd.s32 s2, s16  }
0x8e: {  	[smem:$0x3FB9] =	sst s2  }
0x8f: {  	_ = 	snop  }
0x90: {  	(tm) =	ssettm $0x1  }
0x91: {  	s17 =	sld [smem:$0x3FFB];
	_ =	sdelay $0x3  }
0x92: {  	_ =	strace s17  }
0x93: {  	s2 =	sld [smem:$0x3FFC];
	_ =	sdelay $0x3  }
0x94: {  	_ =	strace s2  }
0x95: {  	s2 =	sld [smem:$0x3FFD];
	_ =	sdelay $0x3  }
0x96: {  	_ =	strace s2  }
0x97: {  	_ =	strace $0x8FFFFFFF  }
0x98: {  	s18 =	sld [smem:$0x3FDB];
	_ =	sdelay $0x1  }
0x99: {  	s19 =	simm.s32 $_scs_section_size  }
0x9a: {  	s4 =	simm.s32 $_size__tile_overlayer_lowered;
	s5 =	simm.s32 $_tile_overlayer_lowered  }
0x9b: {  	s22 =	simm.s32 $0x1BFF;
	s21 =	sshll.u32 s5, $0x1;
	s2 =	sadd.s32 s19, s18  }
0x9c: {  	s6 =	simm.s32 $0x0;
	s20 =	sshll.u32 s4, $0x1;
	s4 =	sadd.s32 s21, s2  }
0x9d: {  	[timem:s6], [sflag:s22] =	dma.local [hbm:s4], s20  }
0x9e: {  	_ =	swait.ge [sflag:s22], s20  }
0x9f: {  	s3 =	ssub.s32 $0x0, s20;
	[sflag:s22] =	ssyncset.done $0x0  }
0xa0: {  	[sflag:s22] =	ssyncadd.s32 s3;
	_ =	sdelay $0x1  }
0xa1: {  	s23 =	simm.s32 $0x1B8B  }
0xa2: {  	_ =	swait.ge [sflag:s23], $0x1  }
0xa3: {  	[sflag:s23] =	ssyncset.done $0x0  }
0xa4: {  	s25 =	simm.s32 $0x1B8E;
	s24 =	sld [smem:$0x3FFE];
	[sflag:s23] =	ssyncadd.s32 $0xFFFFFFFF  }
0xa5: {  	s26 =	simm.s32 $execute0_lowered;
	[smem:$0x3FD2] =	sst s25  }
0xa6: {  	s4 =	sshll.u32 s26, $0x1;
	_ =	strace $0x80000049;
	[dreg:$0x1] =	wrdreg $0xFFFFFFFF  }
0xa7: {  	s28 =	simm.s32 $_size_execute0_lowered;
	s2 =	sadd.s32 s2, s4;
	[dreg:$0x0] =	wrdreg $0x0  }
0xa8: {  	s4 =	sshll.u32 s28, $0x1;
	[dreg:$0x2] =	wrdreg s2  }
0xa9: {  	[dreg:$0x3] =	wrdreg s4  }
0xaa: {  	[dreg:$0x4] =	wrdreg $0xC0  }
0xab: {  	_ =	task [dreg:s6], $0x5FFFF  }
0xac: {  	[dreg:$0x1] =	wrdreg $0xFFFFFFFF  }
0xad: {  	[dreg:$0x0] =	wrdreg $0x60  }
0xae: {  	[dreg:$0x2] =	wrdreg s24  }
0xaf: {  	[dreg:$0x3] =	wrdreg $0x89000  }
0xb0: {  	[dreg:$0x4] =	wrdreg $0x1C9000  }
0xb1: {  	[dreg:$0x5] =	wrdreg $0x9  }
0xb2: {  	_ =	task.clear_ibuf [dreg:s6], $0x6FFFF;
	_ =	strace $0x90000049  }
0xb3: {  	s29 =	simm.s32 $0x9;
	_ =	strace $0x8000004B  }
0xb4: {  	_ =	swait.ge [sflag:s29], $0x1  }
0xb5: {  	[sflag:s29] =	ssyncadd.s32 $0xFFFFFFFF  }
0xb6: {  	_ =	strace $0x9000004B  }
0xb7: {  	_ =	sfence  }
0xb8: {  	s30 =	sld [smem:$0x0];
	_ =	sdelay $0x2  }
0xb9: {  	s31 =	sshll.u32 s1, $0xD;
	s1 =	sshrl.u32 s1, $0x2  }
0xba: {  	s3 =	sand.u32 $0x4000, s31;
	s1 =	sadd.s32 s1, s30  }
0xbb: {  	s0 =	sor.u32 s3, s0;
	s1 =	sshll.u32 s1, $0x11  }
0xbc: {  	s0 =	sor.u32 s1, s0  }
0xbd: {  	s0 =	sadd.s32 $0x8F2B, s0  }
0xbe: {  	[sflag:s0] =	ssyncadd.remote.s32 $0x1  }
0xbf: {  	_ =	sfence.sel $0xFFFF  }
0xc0: {  	[dreg:$0x0] =	wrdreg $0xFFFFFFFF;
	(pc) =	sbr.abs _section_cstart, $3  }
0xc1: {  	[dreg:$0x1] =	wrdreg $0xFFFFFFFF  }
0xc2: {  	_ =	task.clear_ibuf [dreg:s6], $0x2FFFF;
	_ =	strace $0x9FFFFFFF  }
0xc3: {  	(tm) =	ssettm $0x7FFFFFFF  }
tec
execute0_lowered:
.L_overlay_start_1:
0x0: {  	(tag) =	ssettag $0x1  }
0x1: {  	s0 =	rddreg [dreg:$0x0]  }
0x2: {  	s2 =	rddreg [dreg:$0x1]  }
0x3: {  	s3 =	rddreg [dreg:$0x2]  }
0x4: {  	s1 =	srdreg.scid;
	s16 =	stileid.u32  }
0x5: {  	s4 =	simm.s32 $0x0;
	s28 =	simm.s32 $0x100;
	s29 =	simm.s32 $0x900  }
0x6: {  	s30 =	simm.s32 $0x1;
	s5 =	sand.u32 $0x1, s1;
	s19 =	smul.u32 $0x280, s16  }
0x7: {  	[smem:$0x7FF] =	sst s4;
	s6 =	sadd.s32 $0xC600, s0;
	s12 =	smul.u32 $0x50000, s16  }
0x8: {  	s7 =	sadd.s32 $0x7600, s0;
	s9 =	sadd.s32 $0x131800, s0;
	s15 =	smul.u32 $0xA000, s16  }
0x9: {  	s8 =	smul.u32 $0x2800, s5;
	_ =	strace $0x8000004A;
	s20 =	ssub.s32 $0x2, s5  }
0xa: {  	s14 =	sshrl.u32 s20, $0x1;
	s21 =	sshrl.u32 s12, $0x2;
	s22 =	sshrl.u32 s15, $0x2  }
0xb: {  	s24 =	sadd.s32 $0x80, s19;
	s26 =	sadd.s32 $0x100, s19;
	s18 =	sadd.s32 $0x180, s19  }
0xc: {  	s1 =	sadd.s32 $0x200, s19;
	s10 =	sadd.s32 s19, s8;
	s8 =	sadd.s32 $0xD9600, s0  }
0xd: {  	s23 =	ssub.s32 s20, s14;
	s12 =	sadd.s32 s22, s3;
	s25 =	sshll.u32 s24, $0x7  }
0xe: {  	s14 =	sshll.u32 s24, $0x4;
	s31 =	sshll.u32 s26, $0x7;
	s17 =	sshll.u32 s18, $0x7  }
0xf: {  	s18 =	sshll.u32 s18, $0x4;
	s19 =	sshll.u32 s1, $0x7;
	s1 =	sshll.u32 s1, $0x4  }
0x10: {  	s24 =	simm.s32 $0x2;
	s11 =	sshll.u32 s10, $0x4;
	s10 =	sshll.u32 s10, $0x1  }
0x11: {  	s15 =	sadd.s32 s25, s2;
	s14 =	sadd.s32 s14, s3;
	s17 =	sadd.s32 s17, s2  }
0x12: {  	s18 =	sadd.s32 s18, s3;
	s19 =	sadd.s32 s19, s2;
	s20 =	sadd.s32 s1, s3  }
.Ltmp0:
0x13: {  	s23 =	smax.u32 s23, $0x1;
	s25 =	simm.s32 $0x3;
	(pc) =	sbr.rel .LBB2_1-.Ltmp0, $4  }
0x14: {  	s13 =	sadd.s32 s11, s0;
	s0 =	sadd.s32 s10, s0;
	s10 =	sshll.u32 s16, $0x1  }
0x15: {  	s11 =	sadd.s32 s21, s2;
	[dreg:$0x4] =	wrdreg s15;
	s15 =	sadd.s32 s31, s2  }
0x16: {  	s16 =	sshll.u32 s26, $0x4;
	s26 =	simm.s32 $0x80;
	[dreg:$0x5] =	wrdreg s15  }
0x17: {  	v0 =	vimm.f32 $0.0e+00;
	s16 =	sadd.s32 s16, s3;
	s21 =	sadd.s32 $0x1CE000, s13;
	s22 =	sadd.s32 $0x127800, s0  }
.LBB2_19:
0x18: {  	s0 =	stileid.u32  }
0x19: {  	s0 =	sshll.u32 s0, $0x6  }
0x1a: {  	[bflag:$0x0] =	sbarrier.arrive $0xFFFF;
	s1 =	sshrl.u32 s11, $0x3;
	s0 =	sor.u32 $0x1C02, s0  }
0x1b: {  	[hbm:s21], [sflag:s0] =	dma.local [spmem:s1], $0x2800  }
0x1c: {  	s4 =	sadd.s32 $0x1, s4;
	_ =	swait.ge [sflag:s24], $0x2800  }
0x1d: {  	p0 =	sne.s32 s4, s23;
	[sflag:s24] =	ssyncset.done $0x0  }
.Ltmp1:
0x1e: {  	s31 =	sshrl.u32 s12, $0x3;
	[sflag:s24] =	ssyncadd.s32 $0xFFFFD800;
	(pc) =	sbr.rel @!p0 .LBB2_20-.Ltmp1, $4  }
0x1f: {  	[hbm:s22], [sflag:s0] =	dma.local [spmem:s31], $0x500  }
0x20: {  	_ =	swait.ge [sflag:s24], $0x500  }
0x21: {  	[sflag:s24] =	ssyncset.done $0x0  }
0x22: {  	[sflag:s24] =	ssyncadd.s32 $0xFFFFFB00  }
.LBB2_1:
0x23: {  	s0 =	simm.s32 $0x0;
	s1 =	simm.s32 $0x200  }
.LBB2_2:
0x24: {  	p0 =	sne.s32 s1, $0xFE00;
	[tilespmem:s0+$0x4970] =	vst v0  }
0x25: {  	[tilespmem:s0+$0x4900] =	vst v0  }
0x26: {  	[tilespmem:s0+$0x4910] =	vst v0  }
.Ltmp2:
0x27: {  	[tilespmem:s0+$0x4920] =	vst v0;
	(pc) =	sbr.rel @p0 .LBB2_2-.Ltmp2, $4  }
0x28: {  	[tilespmem:s0+$0x4930] =	vst v0  }
0x29: {  	[tilespmem:s0+$0x4940] =	vst v0  }
0x2a: {  	[tilespmem:s0+$0x4950] =	vst v0  }
0x2b: {  	[tilespmem:s0+$0x4960] =	vst v0;
	s0 =	sshra.s32 s1, $0x2;
	s1 =	sadd.s32 $0x200, s1  }
0x2c: {  	[tilespmem:s0+$0x4970] =	vst v0  }
0x2d: {  	[tilespmem:s0+$0x4900] =	vst v0  }
0x2e: {  	[tilespmem:s0+$0x4910] =	vst v0  }
0x2f: {  	[tilespmem:s0+$0x4920] =	vst v0  }
0x30: {  	[tilespmem:s0+$0x4930] =	vst v0  }
0x31: {  	[tilespmem:s0+$0x4940] =	vst v0  }
0x32: {  	[tilespmem:s0+$0x4950] =	vst v0  }
0x33: {  	[tilespmem:s0+$0x4960] =	vst v0;
	s0 =	simm.s32 $0x4900  }
0x34: {  	[spmem:s11] =	stream.linear.scatter [tilespmem:s0], [sflag:$0x2], $0x4000, $0x38;
	[tilespmem:$0x1F100] =	vst v63  }
0x35: {  	_ =	swait.ge [sflag:s24], $0x4000  }
0x36: {  	[sflag:s24] =	ssyncset.done $0x0  }
0x37: {  	s1 =	sadd.s32 $0x0, s12;
	[sflag:s24] =	ssyncadd.s32 $0xFFFFC000  }
0x38: {  	[spmem:s1] =	stream.linear.scatter [tilespmem:s0], [sflag:$0x2], $0x10, $0x38;
	[tilespmem:$0x1F100] =	vst v63  }
0x39: {  	s1 =	simm.s32 $0x40  }
.LBB2_4:
0x3a: {  	p0 =	sne.s32 s1, $0x1FC0  }
.Ltmp3:
0x3b: {  	_ = 	snop;
	(pc) =	sbr.rel @p0 .LBB2_4-.Ltmp3, $4  }
0x3c: {  	_ = 	snop  }
0x3d: {  	s13 =	sshra.s32 s1, $0x2;
	s1 =	sadd.s32 $0x40, s1  }
0x3e: {  	s0 =	sadd.s32 $0x80, s0;
	s13 =	sadd.s32 s13, s12  }
0x3f: {  	[spmem:s13] =	stream.linear.scatter [tilespmem:s0], [sflag:$0x2], $0x10, $0x38;
	[tilespmem:$0x1F100] =	vst v63  }
0x40: {  	_ =	swait.ge [sflag:s24], $0x800  }
0x41: {  	[sflag:s24] =	ssyncset.done $0x0  }
0x42: {  	s0 =	simm.s32 $0x4900;
	s1 =	rddreg [dreg:$0x4];
	[sflag:s24] =	ssyncadd.s32 $0xFFFFF800  }
0x43: {  	[spmem:s1] =	stream.linear.scatter [tilespmem:s0], [sflag:$0x2], $0x4000, $0x38;
	[tilespmem:$0x1F100] =	vst v63  }
0x44: {  	_ =	swait.ge [sflag:s24], $0x4000  }
0x45: {  	[sflag:s24] =	ssyncset.done $0x0  }
0x46: {  	s31 =	sadd.s32 $0x0, s14;
	s1 =	simm.s32 $0x40;
	[sflag:s24] =	ssyncadd.s32 $0xFFFFC000  }
0x47: {  	[spmem:s31] =	stream.linear.scatter [tilespmem:s0], [sflag:$0x2], $0x10, $0x38;
	[tilespmem:$0x1F100] =	vst v63  }
.LBB2_6:
0x48: {  	p0 =	sne.s32 s1, $0x1FC0  }
.Ltmp4:
0x49: {  	_ = 	snop;
	(pc) =	sbr.rel @p0 .LBB2_6-.Ltmp4, $4  }
0x4a: {  	_ = 	snop  }
0x4b: {  	s13 =	sshra.s32 s1, $0x2;
	s1 =	sadd.s32 $0x40, s1  }
0x4c: {  	s0 =	sadd.s32 $0x80, s0;
	s13 =	sadd.s32 s13, s14  }
0x4d: {  	[spmem:s13] =	stream.linear.scatter [tilespmem:s0], [sflag:$0x2], $0x10, $0x38;
	[tilespmem:$0x1F100] =	vst v63  }
0x4e: {  	_ =	swait.ge [sflag:s24], $0x800  }
0x4f: {  	[sflag:s24] =	ssyncset.done $0x0  }
0x50: {  	s0 =	simm.s32 $0x4900;
	s1 =	rddreg [dreg:$0x5];
	[sflag:s24] =	ssyncadd.s32 $0xFFFFF800  }
0x51: {  	[spmem:s1] =	stream.linear.scatter [tilespmem:s0], [sflag:$0x2], $0x4000, $0x38;
	[tilespmem:$0x1F100] =	vst v63  }
0x52: {  	_ =	swait.ge [sflag:s24], $0x4000  }
0x53: {  	[sflag:s24] =	ssyncset.done $0x0  }
0x54: {  	s31 =	sadd.s32 $0x0, s16;
	s1 =	simm.s32 $0x40;
	[sflag:s24] =	ssyncadd.s32 $0xFFFFC000  }
0x55: {  	[spmem:s31] =	stream.linear.scatter [tilespmem:s0], [sflag:$0x2], $0x10, $0x38;
	[tilespmem:$0x1F100] =	vst v63  }
.LBB2_8:
0x56: {  	p0 =	sne.s32 s1, $0x1FC0  }
.Ltmp5:
0x57: {  	_ = 	snop;
	(pc) =	sbr.rel @p0 .LBB2_8-.Ltmp5, $4  }
0x58: {  	_ = 	snop  }
0x59: {  	s13 =	sshra.s32 s1, $0x2;
	s1 =	sadd.s32 $0x40, s1  }
0x5a: {  	s0 =	sadd.s32 $0x80, s0;
	s13 =	sadd.s32 s13, s16  }
0x5b: {  	[spmem:s13] =	stream.linear.scatter [tilespmem:s0], [sflag:$0x2], $0x10, $0x38;
	[tilespmem:$0x1F100] =	vst v63  }
0x5c: {  	_ =	swait.ge [sflag:s24], $0x800  }
0x5d: {  	[sflag:s24] =	ssyncset.done $0x0  }
0x5e: {  	s0 =	simm.s32 $0x4900;
	[sflag:s24] =	ssyncadd.s32 $0xFFFFF800  }
0x5f: {  	[spmem:s17] =	stream.linear.scatter [tilespmem:s0], [sflag:$0x2], $0x4000, $0x38;
	[tilespmem:$0x1F100] =	vst v63  }
0x60: {  	_ =	swait.ge [sflag:s24], $0x4000  }
0x61: {  	[sflag:s24] =	ssyncset.done $0x0  }
0x62: {  	s1 =	sadd.s32 $0x0, s18;
	[sflag:s24] =	ssyncadd.s32 $0xFFFFC000  }
0x63: {  	[spmem:s1] =	stream.linear.scatter [tilespmem:s0], [sflag:$0x2], $0x10, $0x38;
	[tilespmem:$0x1F100] =	vst v63  }
0x64: {  	s1 =	simm.s32 $0x40  }
.LBB2_10:
0x65: {  	p0 =	sne.s32 s1, $0x1FC0  }
.Ltmp6:
0x66: {  	_ = 	snop;
	(pc) =	sbr.rel @p0 .LBB2_10-.Ltmp6, $4  }
0x67: {  	_ = 	snop  }
0x68: {  	s13 =	sshra.s32 s1, $0x2;
	s1 =	sadd.s32 $0x40, s1  }
0x69: {  	s0 =	sadd.s32 $0x80, s0;
	s13 =	sadd.s32 s13, s18  }
0x6a: {  	[spmem:s13] =	stream.linear.scatter [tilespmem:s0], [sflag:$0x2], $0x10, $0x38;
	[tilespmem:$0x1F100] =	vst v63  }
0x6b: {  	_ =	swait.ge [sflag:s24], $0x800  }
0x6c: {  	[sflag:s24] =	ssyncset.done $0x0  }
0x6d: {  	s0 =	simm.s32 $0x4900;
	[sflag:s24] =	ssyncadd.s32 $0xFFFFF800  }
0x6e: {  	[spmem:s19] =	stream.linear.scatter [tilespmem:s0], [sflag:$0x2], $0x4000, $0x38;
	[tilespmem:$0x1F100] =	vst v63  }
0x6f: {  	_ =	swait.ge [sflag:s24], $0x4000  }
0x70: {  	[sflag:s24] =	ssyncset.done $0x0  }
0x71: {  	s1 =	sadd.s32 $0x0, s20;
	[sflag:s24] =	ssyncadd.s32 $0xFFFFC000  }
0x72: {  	[spmem:s1] =	stream.linear.scatter [tilespmem:s0], [sflag:$0x2], $0x10, $0x38;
	[tilespmem:$0x1F100] =	vst v63  }
0x73: {  	s1 =	simm.s32 $0x40  }
.LBB2_12:
0x74: {  	p0 =	sne.s32 s1, $0x1FC0  }
.Ltmp7:
0x75: {  	_ = 	snop;
	(pc) =	sbr.rel @p0 .LBB2_12-.Ltmp7, $4  }
0x76: {  	_ = 	snop  }
0x77: {  	s13 =	sshra.s32 s1, $0x2;
	s1 =	sadd.s32 $0x40, s1  }
0x78: {  	s0 =	sadd.s32 $0x80, s0;
	s13 =	sadd.s32 s13, s20  }
0x79: {  	[spmem:s13] =	stream.linear.scatter [tilespmem:s0], [sflag:$0x2], $0x10, $0x38;
	[tilespmem:$0x1F100] =	vst v63  }
.Ltmp8:
0x7a: {  	_ =	swait.ge [sflag:s24], $0x800;
	(pc) =	sbr.rel .LBB2_14-.Ltmp8, $4  }
0x7b: {  	[sflag:s24] =	ssyncset.done $0x0  }
0x7c: {  	[sflag:s24] =	ssyncadd.s32 $0xFFFFF800  }
0x7d: {  	[bflag:$0x0] =	sbarrier.arrive $0xFFFF  }
0x7e: {  	s31 =	simm.s32 $0x0  }
.LBB2_18:
0x7f: {  	s31 =	sadd.s32 $0x1, s31  }
0x80: {  	p0 =	sne.s32 s31, $0x28  }
.Ltmp9:
0x81: {  	_ = 	snop;
	(pc) =	sbr.rel @!p0 .LBB2_19-.Ltmp9, $1  }
0x82: {  	_ =	sdelay $0x3  }
.LBB2_14:
0x83: {  	s0 =	sshll.u32 s31, $0x5  }
0x84: {  	s0 =	sor.u32 s10, s0  }
0x85: {  	p0 =	sgt.u32 s0, $0x4E1  }
.Ltmp10:
0x86: {  	_ = 	snop;
	(pc) =	sbr.rel @p0 .LBB2_18-.Ltmp10, $1  }
0x87: {  	_ =	sdelay $0x3  }
0x88: {  	s0 =	sor.u32 s5, s0  }
0x89: {  	s1 =	sshll.u32 s0, $0x4  }
0x8a: {  	s15 =	simm.s32 $0x0;
	s13 =	sadd.s32 s6, s1  }
0x8b: {  	[tilespmem:s15], [sflag:$0x3] =	stream.linear.gather [hbm4b:s13+s15], $0x80, $0x38;
	[tilespmem:$0x1F100] =	vst v63  }
0x8c: {  	_ =	swait.ge [sflag:s25], $0x80  }
0x8d: {  	[sflag:s25] =	ssyncset.done $0x0  }
0x8e: {  	s1 =	sadd.s32 s7, s1;
	[sflag:s25] =	ssyncadd.s32 $0xFFFFFF80  }
0x8f: {  	[tilespmem:s26], [sflag:$0x3] =	stream.linear.gather [hbm4b:s1+s15], $0x80, $0x38;
	[tilespmem:$0x1F100] =	vst v63  }
0x90: {  	_ =	swait.ge [sflag:s25], $0x80  }
0x91: {  	s0 =	sshll.u32 s0, $0x8;
	[sflag:s25] =	ssyncset.done $0x0  }
0x92: {  	s0 =	sadd.s32 s8, s0;
	[sflag:s25] =	ssyncadd.s32 $0xFFFFFF80  }
0x93: {  	[tilespmem:s28], [sflag:$0x3] =	stream.linear.gather [hbm4b:s0+s15], $0x800, $0x38;
	[tilespmem:$0x1F100] =	vst v63  }
0x94: {  	_ =	swait.ge [sflag:s25], $0x800  }
0x95: {  	[sflag:s25] =	ssyncset.done $0x0  }
0x96: {  	[sflag:s25] =	ssyncadd.s32 $0xFFFFF800  }
0x97: {  	[tilespmem:s29], [sflag:$0x1] =	stream.indirect.gather [hbm4b:s9+s26], $0x80, s15, s26, $0xb8;
	[tilespmem:$0x1F100] =	vst v63  }
0x98: {  	_ =	swait.ge [sflag:s30], $0x4000  }
0x99: {  	[sflag:s30] =	ssyncset.done $0x0  }
0x9a: {  	s0 =	simm.s32 $0x940;
	[sflag:s30] =	ssyncadd.s32 $0xFFFFC000  }
0x9b: {  	s15 =	simm.s32 $0x0;
	v6 =	vld [tilespmem:s0+$0x30]  }
0x9c: {  	v3 =	vld [tilespmem:s15+$0x100]  }
0x9d: {  	v9 =	vld [tilespmem:s0+$0x10]  }
0x9e: {  	v7 =	vld [tilespmem:s0+$0xFFFFFFC0]  }
0x9f: {  	v11 =	vld [tilespmem:s0+$0xFFFFFFE0]  }
0xa0: {  	v1 =	vld [tilespmem:s0+$0xFFFFFFF0]  }
0xa1: {  	v4 =	vld [tilespmem:s0+$0x20];
	v2 =	vbroadcast v3, $0x0;
	v3 =	vbroadcast v3, $0x1  }
0xa2: {  	v5 =	vld [tilespmem:s0+$0xFFFFFFD0]  }
0xa3: {  	v10 =	vmul.f32 v6, v3;
	v6 =	vld [tilespmem:s0+$0x0]  }
0xa4: {  	v8 =	vmul.f32 v2, v7  }
0xa5: {  	s13 =	simm.s32 $0x940;
	s1 =	simm.s32 $0x40;
	v7 =	vmul.f32 v11, v2;
	v9 =	vmul.f32 v9, v3  }
.LBB2_16:
0xa6: {  	p0 =	sne.s32 s1, $0x1FC0  }
0xa7: {  	v5 =	vmul.f32 v5, v2;
	v4 =	vmul.f32 v4, v3;
	[tilespmem:s0+$0x30] =	vst v10;
	s13 =	sadd.s32 $0x80, s13;
	s15 =	smov.u32 s1;
	s1 =	sadd.s32 $0x40, s1  }
0xa8: {  	v1 =	vmul.f32 v1, v2;
	[tilespmem:s0+$0xFFFFFFC0] =	vst v8;
	v2 =	vmul.f32 v6, v3  }
0xa9: {  	[tilespmem:s0+$0x10] =	vst v9  }
0xaa: {  	[tilespmem:s0+$0xFFFFFFE0] =	vst v7  }
0xab: {  	[tilespmem:s0+$0xFFFFFFF0] =	vst v1  }
0xac: {  	v1 =	vld [tilespmem:s13+$0xFFFFFFF0];
	[tilespmem:s0+$0x0] =	vst v2  }
0xad: {  	v7 =	vld [tilespmem:s13+$0x30];
	[tilespmem:s0+$0x20] =	vst v4  }
0xae: {  	s15 =	sshra.s32 s15, $0x2;
	v9 =	vld [tilespmem:s13+$0x10];
	[tilespmem:s0+$0xFFFFFFD0] =	vst v5;
	s0 =	smov.u32 s13  }
0xaf: {  	v3 =	vld [tilespmem:s15+$0x100]  }
0xb0: {  	v8 =	vld [tilespmem:s13+$0xFFFFFFC0]  }
0xb1: {  	v11 =	vld [tilespmem:s13+$0xFFFFFFE0]  }
0xb2: {  	v4 =	vld [tilespmem:s13+$0x20]  }
.Ltmp11:
0xb3: {  	v5 =	vld [tilespmem:s13+$0xFFFFFFD0];
	(pc) =	sbr.rel @p0 .LBB2_16-.Ltmp11, $3  }
0xb4: {  	v2 =	vbroadcast v3, $0x0;
	v6 =	vld [tilespmem:s13+$0x0];
	v3 =	vbroadcast v3, $0x1;
	_ =	sdelay $0x1  }
0xb5: {  	v8 =	vmul.f32 v2, v8;
	v10 =	vmul.f32 v7, v3  }
0xb6: {  	v7 =	vmul.f32 v11, v2;
	v9 =	vmul.f32 v9, v3  }
0xb7: {  	[tilespmem:s0+$0x30] =	vst v10  }
0xb8: {  	[tilespmem:s0+$0xFFFFFFC0] =	vst v8  }
0xb9: {  	v1 =	vmul.f32 v1, v2;
	[tilespmem:s0+$0x10] =	vst v9  }
0xba: {  	v6 =	vmul.f32 v6, v3;
	[tilespmem:s0+$0xFFFFFFE0] =	vst v7  }
0xbb: {  	v3 =	vmul.f32 v4, v3;
	[tilespmem:s0+$0xFFFFFFF0] =	vst v1  }
0xbc: {  	v1 =	vmul.f32 v5, v2;
	[tilespmem:s0+$0x0] =	vst v6  }
0xbd: {  	[tilespmem:s0+$0x20] =	vst v3  }
0xbe: {  	[tilespmem:s0+$0xFFFFFFD0] =	vst v1  }
0xbf: {  	[spmem:s2] =	stream.indirect.scatter.add.f32 [tilespmem:s29], [sflag:$0x3], $0x80, s26, s26, $0xb8;
	[tilespmem:$0x1F100] =	vst v63  }
0xc0: {  	_ =	swait.ge [sflag:s25], $0x4000  }
0xc1: {  	[sflag:s25] =	ssyncset.done $0x0  }
.Ltmp12:
0xc2: {  	[sflag:s25] =	ssyncadd.s32 $0xFFFFC000;
	(pc) =	sbr.rel .LBB2_18-.Ltmp12, $4  }
0xc3: {  	[spmem:s3] =	stream.indirect.scatter.add.f32 [tilespmem:s28], [sflag:$0x2], $0x10, s26, s26, $0xb8;
	[tilespmem:$0x1F100] =	vst v63  }
0xc4: {  	_ =	swait.ge [sflag:s24], $0x800  }
0xc5: {  	[sflag:s24] =	ssyncset.done $0x0  }
0xc6: {  	[sflag:s24] =	ssyncadd.s32 $0xFFFFF800  }
.LBB2_20:
0xc7: {  	_ =	sfence.sel $0x180000  }
0xc8: {  	[bflag:$0x0] =	sbarrier.arrive $0xFFFF  }
0xc9: {  	_ =	strace $0x9000004A  }
0xca: {  	s0 =	stileid.u32;
	[bflag:$0x2] =	sbarrier.arrive $0xFFFF  }
0xcb: {  	p0 =	sne.s32 s0, $0x0;
	s0 =	rddreg [dreg:$0x3]  }
0xcc: {  	s0 =	sadd.s32 @!p0 $0x100000, s0  }
0xcd: {  	[sflag:s0] =	ssyncadd.tile.s32 @!p0 $0x1;
	_ =	shalt  }
.Lfunc_end2:
_tile_overlayer_lowered:
.L_overlay_start_2:
0xce: {  	(tag) =	ssettag $0x2  }
0xcf: {  	s0 =	rddreg [dreg:$0x0];
	s2 =	stileid.u32  }
0xd0: {  	s1 =	rddreg [dreg:$0x1];
	p0 =	sne.s32 s2, $0x0  }
0xd1: {  	s3 =	rddreg [dreg:$0x2];
	[bflag:$0x3] =	sbarrier.arrive $0xFFFF;
	s2 =	simm.s32 @!p0 $0x1C02  }
0xd2: {  	[timem:s3], [sflag:s2] =	dma.local @!p0 [hbm:s0], s1  }
0xd3: {  	s0 =	simm.s32 @!p0 $0x2  }
0xd4: {  	_ =	swait.ge @!p0 [sflag:s0], s1  }
0xd5: {  	s1 =	ssub.s32 @!p0 $0x0, s1;
	[sflag:s0] =	ssyncset.done @!p0 $0x0  }
0xd6: {  	[sflag:s0] =	ssyncadd.s32 @!p0 s1  }
0xd7: {  	[bflag:$0x3] =	sbarrier.arrive $0xFFFF  }
0xd8: {  	_ =	shalt  }

// kernel: kernel.18.cloned.1.call-start
scs
__scs_entry_jumppad:
0x0: {  	(pc) =	sbr.rel $0x88, $3  }
0x1: {  	(tag) =	ssettag $0x0;
	lr =	simm.s32 $0x1  }
0x2: {  	[smem:$0x3F92] =	sst lr;
	_ =	strace $0xD0000000  }
0x3: {  	_ = 	snop  }
0x4: {  	_ = 	snop  }
0x5: {  	_ = 	snop  }
0x6: {  	_ = 	snop  }
0x7: {  	_ = 	snop  }
__scs_overlays_trampoline_lowered:
0x8: {  	[smem:$0x3FA1] =	sst s0  }
0x9: {  	[smem:$0x3FA2] =	sst s1  }
0xa: {  	[smem:$0x3FA3] =	sst s2  }
0xb: {  	[smem:$0x3FA4] =	sst s3  }
0xc: {  	[smem:$0x3FA5] =	sst s4  }
0xd: {  	[smem:$0x3FA6] =	sst s5  }
0xe: {  	[smem:$0x3FA7] =	sst s6  }
0xf: {  	[smem:$0x3FA8] =	sst s7  }
0x10: {  	[smem:$0x3FA9] =	sst s8  }
0x11: {  	[smem:$0x3FAA] =	sst s9;
	s0 =	simm.s32 @!p0 $0x0  }
0x12: {  	s1 =	sld [smem:$0x3F90];
	s0 =	simm.s32 @p0 $0x1  }
0x13: {  	[smem:$0x3FAB] =	sst s0;
	s0 =	simm.s32 @!p1 $0x0  }
0x14: {  	s2 =	sld [smem:$0x3F8F];
	s0 =	simm.s32 @p1 $0x1  }
0x15: {  	[smem:$0x3FAC] =	sst s0;
	s0 =	simm.s32 @!p2 $0x0  }
0x16: {  	s3 =	sld [smem:$0x3FDB];
	s0 =	simm.s32 @p2 $0x1  }
0x17: {  	s4 =	simm.s32 $0x1BF5;
	[smem:$0x3FAE] =	sst s0  }
0x18: {  	s0 =	sld [smem:$0x3F91];
	_ =	swait.ge [sflag:s4], $0x0  }
0x19: {  	s7 =	sld [smem:$0x3F92]  }
0x1a: {  	s8 =	sadd.s32 $0xFFFFE003, lr  }
0x1b: {  	s9 =	sadd.s32 $0xFFFFFEF7, lr;
	s5 =	simm.s32 $0xFFFFFFFF;
	p2 =	slt.u32 s8, $0xFFFFF086  }
0x1c: {  	p1 =	slt.u32 s9, $0xF7A;
	s5 =	simm.s32 @!p2 $0x0  }
0x1d: {  	s5 =	simm.s32 @p1 $0x1;
	p0 =	seq.s32 s7, s2  }
0x1e: {  	s7 =	smul.u32 @!p0 $0xF7A, s2;
	p2 =	seq.s32 @!p0 s5, $0x0  }
0x1f: {  	s9 =	smul.u32 $0xF7A, s1;
	s8 =	simm.s32 @!p0 $0x1BF5;
	p2 =	por !p2, p0  }
0x20: {  	[sflag:s8] =	ssyncset.s32 @!p0 $0xFFFFF086;
	s6 =	sadd.s32 @!p0 s3, s7;
	s7 =	simm.s32 @!p0 $0x108  }
0x21: {  	s3 =	sadd.s32 s3, s9;
	s6 =	sadd.s32 @!p0 $0x88, s6;
	s7 =	simm.s32 @p2 $0x1082  }
0x22: {  	[simem:s7], [sflag:s8] =	dma.local @!p0 [hbm:s6], $0xF7A  }
0x23: {  	s9 =	sor.u32 $0xD0000000, s2;
	s6 =	simm.s32 $0x108;
	_ =	swait.ge @!p0 [sflag:s8], $0x0  }
0x24: {  	s3 =	sadd.s32 $0x88, s3;
	s6 =	simm.s32 @!p1 $0x1082;
	[sflag:s4] =	ssyncset.s32 $0xFFFFF086  }
0x25: {  	[simem:s6], [sflag:s4] =	dma.local [hbm:s3], $0xF7A  }
0x26: {  	[smem:$0x3F92] =	sst s1;
	(tag) =	ssettag s2;
	_ =	strace s9  }
0x27: {  	s1 =	sld [smem:$0x3FA2]  }
0x28: {  	s2 =	sld [smem:$0x3FA3]  }
0x29: {  	s4 =	sld [smem:$0x3FA5]  }
0x2a: {  	p0 =	seq.s32 s5, $0x0;
	s5 =	sld [smem:$0x3FA6]  }
0x2b: {  	s6 =	sld [smem:$0x3FA7]  }
0x2c: {  	s7 =	sld [smem:$0x3FA8]  }
0x2d: {  	s3 =	simm.s32 $0x108;
	s8 =	sld [smem:$0x3FA9]  }
0x2e: {  	s3 =	simm.s32 @!p0 $0x1082;
	s9 =	sld [smem:$0x3FAA]  }
0x2f: {  	lr =	sadd.s32 s0, s3;
	s0 =	sld [smem:$0x3FA1]  }
0x30: {  	s3 =	sld [smem:$0x3FA4]  }
0x31: {  	[smem:$0x3FAD] =	sst s10  }
0x32: {  	s10 =	sld [smem:$0x3FAB];
	_ =	sdelay $0x3  }
0x33: {  	p0 =	seq.s32 s10, $0x1;
	s10 =	sld [smem:$0x3FAD];
	_ =	sdelay $0x3  }
0x34: {  	[smem:$0x3FAD] =	sst s10  }
0x35: {  	s10 =	sld [smem:$0x3FAC];
	_ =	sdelay $0x3  }
0x36: {  	p1 =	seq.s32 s10, $0x1;
	s10 =	sld [smem:$0x3FAD];
	_ =	sdelay $0x3  }
0x37: {  	[smem:$0x3FAD] =	sst s10  }
0x38: {  	s10 =	sld [smem:$0x3FAE]  }
0x39: {  	_ = 	snop;
	(pc) =	sbr.ind lr, $3  }
0x3a: {  	_ = 	snop  }
0x3b: {  	_ = 	snop  }
0x3c: {  	p2 =	seq.s32 s10, $0x1;
	s10 =	sld [smem:$0x3FAD]  }
0x3d: {  	_ =	shalt  }
0x3e: {  	_ =	shalt  }
0x3f: {  	_ =	shalt  }
0x40: {  	_ =	shalt  }
0x41: {  	_ =	shalt  }
0x42: {  	_ =	shalt  }
0x43: {  	_ =	shalt  }
0x44: {  	_ =	shalt  }
0x45: {  	_ =	shalt  }
0x46: {  	_ =	shalt  }
0x47: {  	_ =	shalt  }
0x48: {  	_ =	shalt  }
0x49: {  	_ =	shalt  }
0x4a: {  	_ =	shalt  }
0x4b: {  	_ =	shalt  }
0x4c: {  	_ =	shalt  }
0x4d: {  	_ =	shalt  }
0x4e: {  	_ =	shalt  }
0x4f: {  	_ =	shalt  }
0x50: {  	_ =	shalt  }
0x51: {  	_ =	shalt  }
0x52: {  	_ =	shalt  }
0x53: {  	_ =	shalt  }
0x54: {  	_ =	shalt  }
0x55: {  	_ =	shalt  }
0x56: {  	_ =	shalt  }
0x57: {  	_ =	shalt  }
0x58: {  	_ =	shalt  }
0x59: {  	_ =	shalt  }
0x5a: {  	_ =	shalt  }
0x5b: {  	_ =	shalt  }
0x5c: {  	_ =	shalt  }
0x5d: {  	_ =	shalt  }
0x5e: {  	_ =	shalt  }
0x5f: {  	_ =	shalt  }
0x60: {  	_ =	shalt  }
0x61: {  	_ =	shalt  }
0x62: {  	_ =	shalt  }
0x63: {  	_ =	shalt  }
0x64: {  	_ =	shalt  }
0x65: {  	_ =	shalt  }
0x66: {  	_ =	shalt  }
0x67: {  	_ =	shalt  }
0x68: {  	_ =	shalt  }
0x69: {  	_ =	shalt  }
0x6a: {  	_ =	shalt  }
0x6b: {  	_ =	shalt  }
0x6c: {  	_ =	shalt  }
0x6d: {  	_ =	shalt  }
0x6e: {  	_ =	shalt  }
0x6f: {  	_ =	shalt  }
0x70: {  	_ =	shalt  }
0x71: {  	_ =	shalt  }
0x72: {  	_ =	shalt  }
0x73: {  	_ =	shalt  }
0x74: {  	_ =	shalt  }
0x75: {  	_ =	shalt  }
0x76: {  	_ =	shalt  }
0x77: {  	_ =	shalt  }
0x78: {  	_ =	shalt  }
0x79: {  	_ =	shalt  }
0x7a: {  	_ =	shalt  }
0x7b: {  	_ =	shalt  }
0x7c: {  	_ =	shalt  }
0x7d: {  	_ =	shalt  }
0x7e: {  	_ =	shalt  }
0x7f: {  	_ =	shalt  }
0x80: {  	_ =	shalt  }
0x81: {  	_ =	shalt  }
0x82: {  	_ =	shalt  }
0x83: {  	_ =	shalt  }
0x84: {  	_ =	shalt  }
0x85: {  	_ =	shalt  }
0x86: {  	_ =	shalt  }
0x87: {  	_ =	shalt  }
.Lfunc_end0:
.L_simem_size_0:
called_computation.2_lowered:
.L_overlay_start_0:
0x88: {  	s2 =	sld [smem:$0x3FD9]  }
0x89: {  	s3 =	sld [smem:$0x3FFE];
	_ =	sdelay $0x1  }
0x8a: {  	s1 =	srdreg.scid  }
0x8b: {  	s0 =	sand.u32 $0x1, s1  }
0x8c: {  	s17 =	sshll.u32 s0, $0xA;
	s2 =	sadd.s32 s3, s2  }
0x8d: {  	s2 =	sadd.s32 s2, s17  }
0x8e: {  	[smem:$0x3FB9] =	sst s2  }
0x8f: {  	_ = 	snop  }
0x90: {  	(tm) =	ssettm $0x1  }
0x91: {  	s18 =	sld [smem:$0x3FFB];
	_ =	sdelay $0x3  }
0x92: {  	_ =	strace s18  }
0x93: {  	s2 =	sld [smem:$0x3FFC];
	_ =	sdelay $0x3  }
0x94: {  	_ =	strace s2  }
0x95: {  	s2 =	sld [smem:$0x3FFD];
	_ =	sdelay $0x3  }
0x96: {  	_ =	strace s2  }
0x97: {  	_ =	strace $0x8FFFFFFF  }
0x98: {  	s19 =	sld [smem:$0x3FDB];
	_ =	sdelay $0x1  }
0x99: {  	s20 =	simm.s32 $_scs_section_size  }
0x9a: {  	s4 =	simm.s32 $_size__tile_overlayer_lowered;
	s5 =	simm.s32 $_tile_overlayer_lowered  }
0x9b: {  	s6 =	simm.s32 $0x1BFF;
	s21 =	sshll.u32 s5, $0x1;
	s3 =	sadd.s32 s20, s19  }
0x9c: {  	s22 =	simm.s32 $0x0;
	s4 =	sshll.u32 s4, $0x1;
	s5 =	sadd.s32 s21, s3  }
0x9d: {  	[timem:s22], [sflag:s6] =	dma.local [hbm:s5], s4  }
0x9e: {  	_ =	swait.ge [sflag:s6], s4  }
0x9f: {  	s4 =	ssub.s32 $0x0, s4;
	[sflag:s6] =	ssyncset.done $0x0  }
0xa0: {  	[sflag:s6] =	ssyncadd.s32 s4;
	_ =	sdelay $0x1  }
0xa1: {  	s23 =	simm.s32 $0x1B8B  }
0xa2: {  	_ =	swait.ge [sflag:s23], $0x1  }
0xa3: {  	[sflag:s23] =	ssyncset.done $0x0  }
0xa4: {  	[sflag:s23] =	ssyncadd.s32 $0xFFFFFFFF  }
0xa5: {  	s4 =	sld [smem:$0x0]  }
0xa6: {  	s5 =	sand.u32 $0xFFFFFFFE, s1  }
0xa7: {  	p0 =	sne.s32 s1, s5  }
0xa8: {  	s5 =	sshll.u32 @p0 s5, $0xE  }
0xa9: {  	s5 =	sadd.s32 @p0 $0x11B8D, s5;
	s6 =	sshll.u32 @p0 s4, $0x11  }
0xaa: {  	s5 =	sor.u32 @p0 s6, s5  }
0xab: {  	[sflag:s5] =	ssyncadd.remote.s32 @p0 $0x1;
	_ =	sdelay $0x1  }
0xac: {  	s5 =	simm.s32 @p0 $0x1B8D  }
0xad: {  	_ =	swait.eq @p0 [sflag:s5], $0x1  }
0xae: {  	[sflag:s5] =	ssyncadd.s32 @p0 $0xFFFFFFFF  }
0xaf: {  	s6 =	sshll.u32 @!p0 s1, $0xE  }
0xb0: {  	s6 =	sor.u32 @!p0 $0x4000, s6;
	s5 =	simm.s32 @!p0 $0x1B8D  }
0xb1: {  	s4 =	sshll.u32 @!p0 s4, $0x11;
	s6 =	sadd.s32 @!p0 $0x11B8D, s6;
	_ =	swait.eq @!p0 [sflag:s5], $0x1  }
0xb2: {  	s4 =	sor.u32 @!p0 s4, s6;
	[sflag:s5] =	ssyncadd.s32 @!p0 $0xFFFFFFFF  }
0xb3: {  	s25 =	simm.s32 $0x1B8E;
	s24 =	sld [smem:$0x3FFE];
	[sflag:s4] =	ssyncadd.remote.s32 @!p0 $0x1  }
0xb4: {  	s26 =	simm.s32 $execute0_lowered;
	[smem:$0x3FD2] =	sst s25  }
0xb5: {  	s5 =	sshll.u32 s26, $0x1;
	_ =	strace $0x8000004C;
	[dreg:$0x1] =	wrdreg $0xFFFFFFFF  }
0xb6: {  	s28 =	simm.s32 $_size_execute0_lowered;
	s3 =	sadd.s32 s3, s5;
	[dreg:$0x0] =	wrdreg $0x0  }
0xb7: {  	s5 =	sshll.u32 s28, $0x1;
	[dreg:$0x2] =	wrdreg s3  }
0xb8: {  	[dreg:$0x3] =	wrdreg s5  }
0xb9: {  	[dreg:$0x4] =	wrdreg $0xC0  }
0xba: {  	_ =	task [dreg:s22], $0x5FFFF  }
0xbb: {  	[dreg:$0x1] =	wrdreg $0xFFFFFFFF  }
0xbc: {  	[dreg:$0x0] =	wrdreg $0x60  }
0xbd: {  	[dreg:$0x2] =	wrdreg s24  }
0xbe: {  	[dreg:$0x3] =	wrdreg $0x89000  }
0xbf: {  	[dreg:$0x4] =	wrdreg $0x1C9000  }
0xc0: {  	[dreg:$0x5] =	wrdreg $0xA  }
0xc1: {  	_ =	task.clear_ibuf [dreg:s22], $0x6FFFF;
	_ =	strace $0x9000004C  }
0xc2: {  	s29 =	simm.s32 $0xA;
	_ =	strace $0x8000004E  }
0xc3: {  	_ =	swait.ge [sflag:s29], $0x1  }
0xc4: {  	[sflag:s29] =	ssyncadd.s32 $0xFFFFFFFF  }
0xc5: {  	_ =	strace $0x9000004E  }
0xc6: {  	_ =	sfence  }
0xc7: {  	s30 =	sld [smem:$0x0];
	_ =	sdelay $0x2  }
0xc8: {  	s31 =	sshll.u32 s1, $0xD;
	s1 =	sshrl.u32 s1, $0x2  }
0xc9: {  	s4 =	sand.u32 $0x4000, s31;
	s1 =	sadd.s32 s1, s30  }
0xca: {  	s0 =	sor.u32 s4, s0;
	s1 =	sshll.u32 s1, $0x11  }
0xcb: {  	s0 =	sor.u32 s1, s0  }
0xcc: {  	s0 =	sadd.s32 $0x8F2B, s0  }
0xcd: {  	[sflag:s0] =	ssyncadd.remote.s32 $0x1  }
0xce: {  	_ =	sfence.sel $0xFFFF  }
0xcf: {  	[dreg:$0x0] =	wrdreg $0xFFFFFFFF;
	(pc) =	sbr.abs _section_cstart, $3  }
0xd0: {  	[dreg:$0x1] =	wrdreg $0xFFFFFFFF  }
0xd1: {  	_ =	task.clear_ibuf [dreg:s22], $0x2FFFF;
	_ =	strace $0x9FFFFFFF  }
0xd2: {  	(tm) =	ssettm $0x7FFFFFFF  }
0xd3: {  	_ =	shalt  }
tec
execute0_lowered:
.L_overlay_start_1:
0x0: {  	(tag) =	ssettag $0x1  }
0x1: {  	s0 =	rddreg [dreg:$0x0]  }
0x2: {  	s2 =	rddreg [dreg:$0x1]  }
0x3: {  	s3 =	rddreg [dreg:$0x2]  }
0x4: {  	s1 =	srdreg.scid;
	s16 =	stileid.u32  }
0x5: {  	s4 =	simm.s32 $0x0;
	s28 =	simm.s32 $0x100;
	s29 =	simm.s32 $0x900  }
0x6: {  	s30 =	simm.s32 $0x1;
	s5 =	sand.u32 $0x1, s1;
	s19 =	smul.u32 $0x280, s16  }
0x7: {  	[smem:$0x7FF] =	sst s4;
	s6 =	sadd.s32 $0xC600, s0;
	s12 =	smul.u32 $0x50000, s16  }
0x8: {  	s7 =	sadd.s32 $0x7600, s0;
	s9 =	sadd.s32 $0x158A00, s0;
	s15 =	smul.u32 $0xA000, s16  }
0x9: {  	s8 =	smul.u32 $0x2800, s5;
	_ =	strace $0x8000004D;
	s20 =	ssub.s32 $0x2, s5  }
0xa: {  	s14 =	sshrl.u32 s20, $0x1;
	s21 =	sshrl.u32 s12, $0x2;
	s22 =	sshrl.u32 s15, $0x2  }
0xb: {  	s24 =	sadd.s32 $0x80, s19;
	s26 =	sadd.s32 $0x100, s19;
	s18 =	sadd.s32 $0x180, s19  }
0xc: {  	s1 =	sadd.s32 $0x200, s19;
	s10 =	sadd.s32 s19, s8;
	s8 =	sadd.s32 $0xD9600, s0  }
0xd: {  	s23 =	ssub.s32 s20, s14;
	s12 =	sadd.s32 s22, s3;
	s25 =	sshll.u32 s24, $0x7  }
0xe: {  	s14 =	sshll.u32 s24, $0x4;
	s31 =	sshll.u32 s26, $0x7;
	s17 =	sshll.u32 s18, $0x7  }
0xf: {  	s18 =	sshll.u32 s18, $0x4;
	s19 =	sshll.u32 s1, $0x7;
	s1 =	sshll.u32 s1, $0x4  }
0x10: {  	s24 =	simm.s32 $0x2;
	s11 =	sshll.u32 s10, $0x4;
	s10 =	sshll.u32 s10, $0x1  }
0x11: {  	s15 =	sadd.s32 s25, s2;
	s14 =	sadd.s32 s14, s3;
	s17 =	sadd.s32 s17, s2  }
0x12: {  	s18 =	sadd.s32 s18, s3;
	s19 =	sadd.s32 s19, s2;
	s20 =	sadd.s32 s1, s3  }
.Ltmp0:
0x13: {  	s23 =	smax.u32 s23, $0x1;
	s25 =	simm.s32 $0x3;
	(pc) =	sbr.rel .LBB2_1-.Ltmp0, $4  }
0x14: {  	s13 =	sadd.s32 s11, s0;
	s0 =	sadd.s32 s10, s0;
	s10 =	sshll.u32 s16, $0x1  }
0x15: {  	s11 =	sadd.s32 s21, s2;
	[dreg:$0x4] =	wrdreg s15;
	s15 =	sadd.s32 s31, s2  }
0x16: {  	s16 =	sshll.u32 s26, $0x4;
	s26 =	simm.s32 $0x80;
	[dreg:$0x5] =	wrdreg s15  }
0x17: {  	v0 =	vimm.f32 $0.0e+00;
	s16 =	sadd.s32 s16, s3;
	s21 =	sadd.s32 $0x228000, s13;
	s22 =	sadd.s32 $0x21E000, s0  }
.LBB2_19:
0x18: {  	s0 =	stileid.u32  }
0x19: {  	s0 =	sshll.u32 s0, $0x6  }
0x1a: {  	[bflag:$0x0] =	sbarrier.arrive $0xFFFF;
	s1 =	sshrl.u32 s11, $0x3;
	s0 =	sor.u32 $0x1C02, s0  }
0x1b: {  	[hbm:s21], [sflag:s0] =	dma.local [spmem:s1], $0x2800  }
0x1c: {  	s4 =	sadd.s32 $0x1, s4;
	_ =	swait.ge [sflag:s24], $0x2800  }
0x1d: {  	p0 =	sne.s32 s4, s23;
	[sflag:s24] =	ssyncset.done $0x0  }
.Ltmp1:
0x1e: {  	s31 =	sshrl.u32 s12, $0x3;
	[sflag:s24] =	ssyncadd.s32 $0xFFFFD800;
	(pc) =	sbr.rel @!p0 .LBB2_20-.Ltmp1, $4  }
0x1f: {  	[hbm:s22], [sflag:s0] =	dma.local [spmem:s31], $0x500  }
0x20: {  	_ =	swait.ge [sflag:s24], $0x500  }
0x21: {  	[sflag:s24] =	ssyncset.done $0x0  }
0x22: {  	[sflag:s24] =	ssyncadd.s32 $0xFFFFFB00  }
.LBB2_1:
0x23: {  	s0 =	simm.s32 $0x0;
	s1 =	simm.s32 $0x200  }
.LBB2_2:
0x24: {  	p0 =	sne.s32 s1, $0xFE00;
	[tilespmem:s0+$0x4970] =	vst v0  }
0x25: {  	[tilespmem:s0+$0x4900] =	vst v0  }
0x26: {  	[tilespmem:s0+$0x4910] =	vst v0  }
.Ltmp2:
0x27: {  	[tilespmem:s0+$0x4920] =	vst v0;
	(pc) =	sbr.rel @p0 .LBB2_2-.Ltmp2, $4  }
0x28: {  	[tilespmem:s0+$0x4930] =	vst v0  }
0x29: {  	[tilespmem:s0+$0x4940] =	vst v0  }
0x2a: {  	[tilespmem:s0+$0x4950] =	vst v0  }
0x2b: {  	[tilespmem:s0+$0x4960] =	vst v0;
	s0 =	sshra.s32 s1, $0x2;
	s1 =	sadd.s32 $0x200, s1  }
0x2c: {  	[tilespmem:s0+$0x4970] =	vst v0  }
0x2d: {  	[tilespmem:s0+$0x4900] =	vst v0  }
0x2e: {  	[tilespmem:s0+$0x4910] =	vst v0  }
0x2f: {  	[tilespmem:s0+$0x4920] =	vst v0  }
0x30: {  	[tilespmem:s0+$0x4930] =	vst v0  }
0x31: {  	[tilespmem:s0+$0x4940] =	vst v0  }
0x32: {  	[tilespmem:s0+$0x4950] =	vst v0  }
0x33: {  	[tilespmem:s0+$0x4960] =	vst v0;
	s0 =	simm.s32 $0x4900  }
0x34: {  	[spmem:s11] =	stream.linear.scatter [tilespmem:s0], [sflag:$0x2], $0x4000, $0x38;
	[tilespmem:$0x1F100] =	vst v63  }
0x35: {  	_ =	swait.ge [sflag:s24], $0x4000  }
0x36: {  	[sflag:s24] =	ssyncset.done $0x0  }
0x37: {  	s1 =	sadd.s32 $0x0, s12;
	[sflag:s24] =	ssyncadd.s32 $0xFFFFC000  }
0x38: {  	[spmem:s1] =	stream.linear.scatter [tilespmem:s0], [sflag:$0x2], $0x10, $0x38;
	[tilespmem:$0x1F100] =	vst v63  }
0x39: {  	s1 =	simm.s32 $0x40  }
.LBB2_4:
0x3a: {  	p0 =	sne.s32 s1, $0x1FC0  }
.Ltmp3:
0x3b: {  	_ = 	snop;
	(pc) =	sbr.rel @p0 .LBB2_4-.Ltmp3, $4  }
0x3c: {  	_ = 	snop  }
0x3d: {  	s13 =	sshra.s32 s1, $0x2;
	s1 =	sadd.s32 $0x40, s1  }
0x3e: {  	s0 =	sadd.s32 $0x80, s0;
	s13 =	sadd.s32 s13, s12  }
0x3f: {  	[spmem:s13] =	stream.linear.scatter [tilespmem:s0], [sflag:$0x2], $0x10, $0x38;
	[tilespmem:$0x1F100] =	vst v63  }
0x40: {  	_ =	swait.ge [sflag:s24], $0x800  }
0x41: {  	[sflag:s24] =	ssyncset.done $0x0  }
0x42: {  	s0 =	simm.s32 $0x4900;
	s1 =	rddreg [dreg:$0x4];
	[sflag:s24] =	ssyncadd.s32 $0xFFFFF800  }
0x43: {  	[spmem:s1] =	stream.linear.scatter [tilespmem:s0], [sflag:$0x2], $0x4000, $0x38;
	[tilespmem:$0x1F100] =	vst v63  }
0x44: {  	_ =	swait.ge [sflag:s24], $0x4000  }
0x45: {  	[sflag:s24] =	ssyncset.done $0x0  }
0x46: {  	s31 =	sadd.s32 $0x0, s14;
	s1 =	simm.s32 $0x40;
	[sflag:s24] =	ssyncadd.s32 $0xFFFFC000  }
0x47: {  	[spmem:s31] =	stream.linear.scatter [tilespmem:s0], [sflag:$0x2], $0x10, $0x38;
	[tilespmem:$0x1F100] =	vst v63  }
.LBB2_6:
0x48: {  	p0 =	sne.s32 s1, $0x1FC0  }
.Ltmp4:
0x49: {  	_ = 	snop;
	(pc) =	sbr.rel @p0 .LBB2_6-.Ltmp4, $4  }
0x4a: {  	_ = 	snop  }
0x4b: {  	s13 =	sshra.s32 s1, $0x2;
	s1 =	sadd.s32 $0x40, s1  }
0x4c: {  	s0 =	sadd.s32 $0x80, s0;
	s13 =	sadd.s32 s13, s14  }
0x4d: {  	[spmem:s13] =	stream.linear.scatter [tilespmem:s0], [sflag:$0x2], $0x10, $0x38;
	[tilespmem:$0x1F100] =	vst v63  }
0x4e: {  	_ =	swait.ge [sflag:s24], $0x800  }
0x4f: {  	[sflag:s24] =	ssyncset.done $0x0  }
0x50: {  	s0 =	simm.s32 $0x4900;
	s1 =	rddreg [dreg:$0x5];
	[sflag:s24] =	ssyncadd.s32 $0xFFFFF800  }
0x51: {  	[spmem:s1] =	stream.linear.scatter [tilespmem:s0], [sflag:$0x2], $0x4000, $0x38;
	[tilespmem:$0x1F100] =	vst v63  }
0x52: {  	_ =	swait.ge [sflag:s24], $0x4000  }
0x53: {  	[sflag:s24] =	ssyncset.done $0x0  }
0x54: {  	s31 =	sadd.s32 $0x0, s16;
	s1 =	simm.s32 $0x40;
	[sflag:s24] =	ssyncadd.s32 $0xFFFFC000  }
0x55: {  	[spmem:s31] =	stream.linear.scatter [tilespmem:s0], [sflag:$0x2], $0x10, $0x38;
	[tilespmem:$0x1F100] =	vst v63  }
.LBB2_8:
0x56: {  	p0 =	sne.s32 s1, $0x1FC0  }
.Ltmp5:
0x57: {  	_ = 	snop;
	(pc) =	sbr.rel @p0 .LBB2_8-.Ltmp5, $4  }
0x58: {  	_ = 	snop  }
0x59: {  	s13 =	sshra.s32 s1, $0x2;
	s1 =	sadd.s32 $0x40, s1  }
0x5a: {  	s0 =	sadd.s32 $0x80, s0;
	s13 =	sadd.s32 s13, s16  }
0x5b: {  	[spmem:s13] =	stream.linear.scatter [tilespmem:s0], [sflag:$0x2], $0x10, $0x38;
	[tilespmem:$0x1F100] =	vst v63  }
0x5c: {  	_ =	swait.ge [sflag:s24], $0x800  }
0x5d: {  	[sflag:s24] =	ssyncset.done $0x0  }
0x5e: {  	s0 =	simm.s32 $0x4900;
	[sflag:s24] =	ssyncadd.s32 $0xFFFFF800  }
0x5f: {  	[spmem:s17] =	stream.linear.scatter [tilespmem:s0], [sflag:$0x2], $0x4000, $0x38;
	[tilespmem:$0x1F100] =	vst v63  }
0x60: {  	_ =	swait.ge [sflag:s24], $0x4000  }
0x61: {  	[sflag:s24] =	ssyncset.done $0x0  }
0x62: {  	s1 =	sadd.s32 $0x0, s18;
	[sflag:s24] =	ssyncadd.s32 $0xFFFFC000  }
0x63: {  	[spmem:s1] =	stream.linear.scatter [tilespmem:s0], [sflag:$0x2], $0x10, $0x38;
	[tilespmem:$0x1F100] =	vst v63  }
0x64: {  	s1 =	simm.s32 $0x40  }
.LBB2_10:
0x65: {  	p0 =	sne.s32 s1, $0x1FC0  }
.Ltmp6:
0x66: {  	_ = 	snop;
	(pc) =	sbr.rel @p0 .LBB2_10-.Ltmp6, $4  }
0x67: {  	_ = 	snop  }
0x68: {  	s13 =	sshra.s32 s1, $0x2;
	s1 =	sadd.s32 $0x40, s1  }
0x69: {  	s0 =	sadd.s32 $0x80, s0;
	s13 =	sadd.s32 s13, s18  }
0x6a: {  	[spmem:s13] =	stream.linear.scatter [tilespmem:s0], [sflag:$0x2], $0x10, $0x38;
	[tilespmem:$0x1F100] =	vst v63  }
0x6b: {  	_ =	swait.ge [sflag:s24], $0x800  }
0x6c: {  	[sflag:s24] =	ssyncset.done $0x0  }
0x6d: {  	s0 =	simm.s32 $0x4900;
	[sflag:s24] =	ssyncadd.s32 $0xFFFFF800  }
0x6e: {  	[spmem:s19] =	stream.linear.scatter [tilespmem:s0], [sflag:$0x2], $0x4000, $0x38;
	[tilespmem:$0x1F100] =	vst v63  }
0x6f: {  	_ =	swait.ge [sflag:s24], $0x4000  }
0x70: {  	[sflag:s24] =	ssyncset.done $0x0  }
0x71: {  	s1 =	sadd.s32 $0x0, s20;
	[sflag:s24] =	ssyncadd.s32 $0xFFFFC000  }
0x72: {  	[spmem:s1] =	stream.linear.scatter [tilespmem:s0], [sflag:$0x2], $0x10, $0x38;
	[tilespmem:$0x1F100] =	vst v63  }
0x73: {  	s1 =	simm.s32 $0x40  }
.LBB2_12:
0x74: {  	p0 =	sne.s32 s1, $0x1FC0  }
.Ltmp7:
0x75: {  	_ = 	snop;
	(pc) =	sbr.rel @p0 .LBB2_12-.Ltmp7, $4  }
0x76: {  	_ = 	snop  }
0x77: {  	s13 =	sshra.s32 s1, $0x2;
	s1 =	sadd.s32 $0x40, s1  }
0x78: {  	s0 =	sadd.s32 $0x80, s0;
	s13 =	sadd.s32 s13, s20  }
0x79: {  	[spmem:s13] =	stream.linear.scatter [tilespmem:s0], [sflag:$0x2], $0x10, $0x38;
	[tilespmem:$0x1F100] =	vst v63  }
.Ltmp8:
0x7a: {  	_ =	swait.ge [sflag:s24], $0x800;
	(pc) =	sbr.rel .LBB2_14-.Ltmp8, $4  }
0x7b: {  	[sflag:s24] =	ssyncset.done $0x0  }
0x7c: {  	[sflag:s24] =	ssyncadd.s32 $0xFFFFF800  }
0x7d: {  	[bflag:$0x0] =	sbarrier.arrive $0xFFFF  }
0x7e: {  	s31 =	simm.s32 $0x0  }
.LBB2_18:
0x7f: {  	s31 =	sadd.s32 $0x1, s31  }
0x80: {  	p0 =	sne.s32 s31, $0x28  }
.Ltmp9:
0x81: {  	_ = 	snop;
	(pc) =	sbr.rel @!p0 .LBB2_19-.Ltmp9, $1  }
0x82: {  	_ =	sdelay $0x3  }
.LBB2_14:
0x83: {  	s0 =	sshll.u32 s31, $0x5  }
0x84: {  	s0 =	sor.u32 s10, s0  }
0x85: {  	p0 =	sgt.u32 s0, $0x4E1  }
.Ltmp10:
0x86: {  	_ = 	snop;
	(pc) =	sbr.rel @p0 .LBB2_18-.Ltmp10, $1  }
0x87: {  	_ =	sdelay $0x3  }
0x88: {  	s0 =	sor.u32 s5, s0  }
0x89: {  	s1 =	sshll.u32 s0, $0x4  }
0x8a: {  	s15 =	simm.s32 $0x0;
	s13 =	sadd.s32 s6, s1  }
0x8b: {  	[tilespmem:s15], [sflag:$0x3] =	stream.linear.gather [hbm4b:s13+s15], $0x80, $0x38;
	[tilespmem:$0x1F100] =	vst v63  }
0x8c: {  	_ =	swait.ge [sflag:s25], $0x80  }
0x8d: {  	[sflag:s25] =	ssyncset.done $0x0  }
0x8e: {  	s1 =	sadd.s32 s7, s1;
	[sflag:s25] =	ssyncadd.s32 $0xFFFFFF80  }
0x8f: {  	[tilespmem:s26], [sflag:$0x3] =	stream.linear.gather [hbm4b:s1+s15], $0x80, $0x38;
	[tilespmem:$0x1F100] =	vst v63  }
0x90: {  	_ =	swait.ge [sflag:s25], $0x80  }
0x91: {  	s0 =	sshll.u32 s0, $0x8;
	[sflag:s25] =	ssyncset.done $0x0  }
0x92: {  	s0 =	sadd.s32 s8, s0;
	[sflag:s25] =	ssyncadd.s32 $0xFFFFFF80  }
0x93: {  	[tilespmem:s28], [sflag:$0x3] =	stream.linear.gather [hbm4b:s0+s15], $0x800, $0x38;
	[tilespmem:$0x1F100] =	vst v63  }
0x94: {  	_ =	swait.ge [sflag:s25], $0x800  }
0x95: {  	[sflag:s25] =	ssyncset.done $0x0  }
0x96: {  	[sflag:s25] =	ssyncadd.s32 $0xFFFFF800  }
0x97: {  	[tilespmem:s29], [sflag:$0x1] =	stream.indirect.gather [hbm4b:s9+s26], $0x80, s15, s26, $0xb8;
	[tilespmem:$0x1F100] =	vst v63  }
0x98: {  	_ =	swait.ge [sflag:s30], $0x4000  }
0x99: {  	[sflag:s30] =	ssyncset.done $0x0  }
0x9a: {  	s0 =	simm.s32 $0x940;
	[sflag:s30] =	ssyncadd.s32 $0xFFFFC000  }
0x9b: {  	s15 =	simm.s32 $0x0;
	v6 =	vld [tilespmem:s0+$0x30]  }
0x9c: {  	v3 =	vld [tilespmem:s15+$0x100]  }
0x9d: {  	v9 =	vld [tilespmem:s0+$0x10]  }
0x9e: {  	v7 =	vld [tilespmem:s0+$0xFFFFFFC0]  }
0x9f: {  	v11 =	vld [tilespmem:s0+$0xFFFFFFE0]  }
0xa0: {  	v1 =	vld [tilespmem:s0+$0xFFFFFFF0]  }
0xa1: {  	v4 =	vld [tilespmem:s0+$0x20];
	v2 =	vbroadcast v3, $0x2;
	v3 =	vbroadcast v3, $0x3  }
0xa2: {  	v5 =	vld [tilespmem:s0+$0xFFFFFFD0]  }
0xa3: {  	v10 =	vmul.f32 v6, v3;
	v6 =	vld [tilespmem:s0+$0x0]  }
0xa4: {  	v8 =	vmul.f32 v2, v7  }
0xa5: {  	s13 =	simm.s32 $0x940;
	s1 =	simm.s32 $0x40;
	v7 =	vmul.f32 v11, v2;
	v9 =	vmul.f32 v9, v3  }
.LBB2_16:
0xa6: {  	p0 =	sne.s32 s1, $0x1FC0  }
0xa7: {  	v5 =	vmul.f32 v5, v2;
	v4 =	vmul.f32 v4, v3;
	[tilespmem:s0+$0x30] =	vst v10;
	s13 =	sadd.s32 $0x80, s13;
	s15 =	smov.u32 s1;
	s1 =	sadd.s32 $0x40, s1  }
0xa8: {  	v1 =	vmul.f32 v1, v2;
	[tilespmem:s0+$0xFFFFFFC0] =	vst v8;
	v2 =	vmul.f32 v6, v3  }
0xa9: {  	[tilespmem:s0+$0x10] =	vst v9  }
0xaa: {  	[tilespmem:s0+$0xFFFFFFE0] =	vst v7  }
0xab: {  	[tilespmem:s0+$0xFFFFFFF0] =	vst v1  }
0xac: {  	v1 =	vld [tilespmem:s13+$0xFFFFFFF0];
	[tilespmem:s0+$0x0] =	vst v2  }
0xad: {  	v7 =	vld [tilespmem:s13+$0x30];
	[tilespmem:s0+$0x20] =	vst v4  }
0xae: {  	s15 =	sshra.s32 s15, $0x2;
	v9 =	vld [tilespmem:s13+$0x10];
	[tilespmem:s0+$0xFFFFFFD0] =	vst v5;
	s0 =	smov.u32 s13  }
0xaf: {  	v3 =	vld [tilespmem:s15+$0x100]  }
0xb0: {  	v8 =	vld [tilespmem:s13+$0xFFFFFFC0]  }
0xb1: {  	v11 =	vld [tilespmem:s13+$0xFFFFFFE0]  }
0xb2: {  	v4 =	vld [tilespmem:s13+$0x20]  }
.Ltmp11:
0xb3: {  	v5 =	vld [tilespmem:s13+$0xFFFFFFD0];
	(pc) =	sbr.rel @p0 .LBB2_16-.Ltmp11, $3  }
0xb4: {  	v2 =	vbroadcast v3, $0x2;
	v6 =	vld [tilespmem:s13+$0x0];
	v3 =	vbroadcast v3, $0x3;
	_ =	sdelay $0x1  }
0xb5: {  	v8 =	vmul.f32 v2, v8;
	v10 =	vmul.f32 v7, v3  }
0xb6: {  	v7 =	vmul.f32 v11, v2;
	v9 =	vmul.f32 v9, v3  }
0xb7: {  	[tilespmem:s0+$0x30] =	vst v10  }
0xb8: {  	[tilespmem:s0+$0xFFFFFFC0] =	vst v8  }
0xb9: {  	v1 =	vmul.f32 v1, v2;
	[tilespmem:s0+$0x10] =	vst v9  }
0xba: {  	v6 =	vmul.f32 v6, v3;
	[tilespmem:s0+$0xFFFFFFE0] =	vst v7  }
0xbb: {  	v3 =	vmul.f32 v4, v3;
	[tilespmem:s0+$0xFFFFFFF0] =	vst v1  }
0xbc: {  	v1 =	vmul.f32 v5, v2;
	[tilespmem:s0+$0x0] =	vst v6  }
0xbd: {  	[tilespmem:s0+$0x20] =	vst v3  }
0xbe: {  	[tilespmem:s0+$0xFFFFFFD0] =	vst v1  }
0xbf: {  	[spmem:s2] =	stream.indirect.scatter.add.f32 [tilespmem:s29], [sflag:$0x3], $0x80, s26, s26, $0xb8;
	[tilespmem:$0x1F100] =	vst v63  }
0xc0: {  	_ =	swait.ge [sflag:s25], $0x4000  }
0xc1: {  	[sflag:s25] =	ssyncset.done $0x0  }
.Ltmp12:
0xc2: {  	[sflag:s25] =	ssyncadd.s32 $0xFFFFC000;
	(pc) =	sbr.rel .LBB2_18-.Ltmp12, $4  }
0xc3: {  	[spmem:s3] =	stream.indirect.scatter.add.f32 [tilespmem:s28], [sflag:$0x2], $0x10, s26, s26, $0xb8;
	[tilespmem:$0x1F100] =	vst v63  }
0xc4: {  	_ =	swait.ge [sflag:s24], $0x800  }
0xc5: {  	[sflag:s24] =	ssyncset.done $0x0  }
0xc6: {  	[sflag:s24] =	ssyncadd.s32 $0xFFFFF800  }
.LBB2_20:
0xc7: {  	_ =	sfence.sel $0x180000  }
0xc8: {  	[bflag:$0x0] =	sbarrier.arrive $0xFFFF  }
0xc9: {  	_ =	strace $0x9000004D  }
0xca: {  	s0 =	stileid.u32;
	[bflag:$0x2] =	sbarrier.arrive $0xFFFF  }
0xcb: {  	p0 =	sne.s32 s0, $0x0;
	s0 =	rddreg [dreg:$0x3]  }
0xcc: {  	s0 =	sadd.s32 @!p0 $0x100000, s0  }
0xcd: {  	[sflag:s0] =	ssyncadd.tile.s32 @!p0 $0x1;
	_ =	shalt  }
.Lfunc_end2:
_tile_overlayer_lowered:
.L_overlay_start_2:
0xce: {  	(tag) =	ssettag $0x2  }
0xcf: {  	s0 =	rddreg [dreg:$0x0];
	s2 =	stileid.u32  }
0xd0: {  	s1 =	rddreg [dreg:$0x1];
	p0 =	sne.s32 s2, $0x0  }
0xd1: {  	s3 =	rddreg [dreg:$0x2];
	[bflag:$0x3] =	sbarrier.arrive $0xFFFF;
	s2 =	simm.s32 @!p0 $0x1C02  }
0xd2: {  	[timem:s3], [sflag:s2] =	dma.local @!p0 [hbm:s0], s1  }
0xd3: {  	s0 =	simm.s32 @!p0 $0x2  }
0xd4: {  	_ =	swait.ge @!p0 [sflag:s0], s1  }
0xd5: {  	s1 =	ssub.s32 @!p0 $0x0, s1;
	[sflag:s0] =	ssyncset.done @!p0 $0x0  }
0xd6: {  	[sflag:s0] =	ssyncadd.s32 @!p0 s1  }
0xd7: {  	[bflag:$0x3] =	sbarrier.arrive $0xFFFF  }
0xd8: {  	_ =	shalt  }

// kernel: kernel.21.cloned.1.call-start
scs
__scs_entry_jumppad:
0x0: {  	(pc) =	sbr.rel $0x88, $3  }
0x1: {  	(tag) =	ssettag $0x0;
	lr =	simm.s32 $0x1  }
0x2: {  	[smem:$0x3F92] =	sst lr;
	_ =	strace $0xD0000000  }
0x3: {  	_ = 	snop  }
0x4: {  	_ = 	snop  }
0x5: {  	_ = 	snop  }
0x6: {  	_ = 	snop  }
0x7: {  	_ = 	snop  }
__scs_overlays_trampoline_lowered:
0x8: {  	[smem:$0x3FA1] =	sst s0  }
0x9: {  	[smem:$0x3FA2] =	sst s1  }
0xa: {  	[smem:$0x3FA3] =	sst s2  }
0xb: {  	[smem:$0x3FA4] =	sst s3  }
0xc: {  	[smem:$0x3FA5] =	sst s4  }
0xd: {  	[smem:$0x3FA6] =	sst s5  }
0xe: {  	[smem:$0x3FA7] =	sst s6  }
0xf: {  	[smem:$0x3FA8] =	sst s7  }
0x10: {  	[smem:$0x3FA9] =	sst s8  }
0x11: {  	[smem:$0x3FAA] =	sst s9;
	s0 =	simm.s32 @!p0 $0x0  }
0x12: {  	s1 =	sld [smem:$0x3F90];
	s0 =	simm.s32 @p0 $0x1  }
0x13: {  	[smem:$0x3FAB] =	sst s0;
	s0 =	simm.s32 @!p1 $0x0  }
0x14: {  	s2 =	sld [smem:$0x3F8F];
	s0 =	simm.s32 @p1 $0x1  }
0x15: {  	[smem:$0x3FAC] =	sst s0;
	s0 =	simm.s32 @!p2 $0x0  }
0x16: {  	s3 =	sld [smem:$0x3FDB];
	s0 =	simm.s32 @p2 $0x1  }
0x17: {  	s4 =	simm.s32 $0x1BF5;
	[smem:$0x3FAE] =	sst s0  }
0x18: {  	s0 =	sld [smem:$0x3F91];
	_ =	swait.ge [sflag:s4], $0x0  }
0x19: {  	s7 =	sld [smem:$0x3F92]  }
0x1a: {  	s8 =	sadd.s32 $0xFFFFE003, lr  }
0x1b: {  	s9 =	sadd.s32 $0xFFFFFEF7, lr;
	s5 =	simm.s32 $0xFFFFFFFF;
	p2 =	slt.u32 s8, $0xFFFFF086  }
0x1c: {  	p1 =	slt.u32 s9, $0xF7A;
	s5 =	simm.s32 @!p2 $0x0  }
0x1d: {  	s5 =	simm.s32 @p1 $0x1;
	p0 =	seq.s32 s7, s2  }
0x1e: {  	s7 =	smul.u32 @!p0 $0xF7A, s2;
	p2 =	seq.s32 @!p0 s5, $0x0  }
0x1f: {  	s9 =	smul.u32 $0xF7A, s1;
	s8 =	simm.s32 @!p0 $0x1BF5;
	p2 =	por !p2, p0  }
0x20: {  	[sflag:s8] =	ssyncset.s32 @!p0 $0xFFFFF086;
	s6 =	sadd.s32 @!p0 s3, s7;
	s7 =	simm.s32 @!p0 $0x108  }
0x21: {  	s3 =	sadd.s32 s3, s9;
	s6 =	sadd.s32 @!p0 $0x88, s6;
	s7 =	simm.s32 @p2 $0x1082  }
0x22: {  	[simem:s7], [sflag:s8] =	dma.local @!p0 [hbm:s6], $0xF7A  }
0x23: {  	s9 =	sor.u32 $0xD0000000, s2;
	s6 =	simm.s32 $0x108;
	_ =	swait.ge @!p0 [sflag:s8], $0x0  }
0x24: {  	s3 =	sadd.s32 $0x88, s3;
	s6 =	simm.s32 @!p1 $0x1082;
	[sflag:s4] =	ssyncset.s32 $0xFFFFF086  }
0x25: {  	[simem:s6], [sflag:s4] =	dma.local [hbm:s3], $0xF7A  }
0x26: {  	[smem:$0x3F92] =	sst s1;
	(tag) =	ssettag s2;
	_ =	strace s9  }
0x27: {  	s1 =	sld [smem:$0x3FA2]  }
0x28: {  	s2 =	sld [smem:$0x3FA3]  }
0x29: {  	s4 =	sld [smem:$0x3FA5]  }
0x2a: {  	p0 =	seq.s32 s5, $0x0;
	s5 =	sld [smem:$0x3FA6]  }
0x2b: {  	s6 =	sld [smem:$0x3FA7]  }
0x2c: {  	s7 =	sld [smem:$0x3FA8]  }
0x2d: {  	s3 =	simm.s32 $0x108;
	s8 =	sld [smem:$0x3FA9]  }
0x2e: {  	s3 =	simm.s32 @!p0 $0x1082;
	s9 =	sld [smem:$0x3FAA]  }
0x2f: {  	lr =	sadd.s32 s0, s3;
	s0 =	sld [smem:$0x3FA1]  }
0x30: {  	s3 =	sld [smem:$0x3FA4]  }
0x31: {  	[smem:$0x3FAD] =	sst s10  }
0x32: {  	s10 =	sld [smem:$0x3FAB];
	_ =	sdelay $0x3  }
0x33: {  	p0 =	seq.s32 s10, $0x1;
	s10 =	sld [smem:$0x3FAD];
	_ =	sdelay $0x3  }
0x34: {  	[smem:$0x3FAD] =	sst s10  }
0x35: {  	s10 =	sld [smem:$0x3FAC];
	_ =	sdelay $0x3  }
0x36: {  	p1 =	seq.s32 s10, $0x1;
	s10 =	sld [smem:$0x3FAD];
	_ =	sdelay $0x3  }
0x37: {  	[smem:$0x3FAD] =	sst s10  }
0x38: {  	s10 =	sld [smem:$0x3FAE]  }
0x39: {  	_ = 	snop;
	(pc) =	sbr.ind lr, $3  }
0x3a: {  	_ = 	snop  }
0x3b: {  	_ = 	snop  }
0x3c: {  	p2 =	seq.s32 s10, $0x1;
	s10 =	sld [smem:$0x3FAD]  }
0x3d: {  	_ =	shalt  }
0x3e: {  	_ =	shalt  }
0x3f: {  	_ =	shalt  }
0x40: {  	_ =	shalt  }
0x41: {  	_ =	shalt  }
0x42: {  	_ =	shalt  }
0x43: {  	_ =	shalt  }
0x44: {  	_ =	shalt  }
0x45: {  	_ =	shalt  }
0x46: {  	_ =	shalt  }
0x47: {  	_ =	shalt  }
0x48: {  	_ =	shalt  }
0x49: {  	_ =	shalt  }
0x4a: {  	_ =	shalt  }
0x4b: {  	_ =	shalt  }
0x4c: {  	_ =	shalt  }
0x4d: {  	_ =	shalt  }
0x4e: {  	_ =	shalt  }
0x4f: {  	_ =	shalt  }
0x50: {  	_ =	shalt  }
0x51: {  	_ =	shalt  }
0x52: {  	_ =	shalt  }
0x53: {  	_ =	shalt  }
0x54: {  	_ =	shalt  }
0x55: {  	_ =	shalt  }
0x56: {  	_ =	shalt  }
0x57: {  	_ =	shalt  }
0x58: {  	_ =	shalt  }
0x59: {  	_ =	shalt  }
0x5a: {  	_ =	shalt  }
0x5b: {  	_ =	shalt  }
0x5c: {  	_ =	shalt  }
0x5d: {  	_ =	shalt  }
0x5e: {  	_ =	shalt  }
0x5f: {  	_ =	shalt  }
0x60: {  	_ =	shalt  }
0x61: {  	_ =	shalt  }
0x62: {  	_ =	shalt  }
0x63: {  	_ =	shalt  }
0x64: {  	_ =	shalt  }
0x65: {  	_ =	shalt  }
0x66: {  	_ =	shalt  }
0x67: {  	_ =	shalt  }
0x68: {  	_ =	shalt  }
0x69: {  	_ =	shalt  }
0x6a: {  	_ =	shalt  }
0x6b: {  	_ =	shalt  }
0x6c: {  	_ =	shalt  }
0x6d: {  	_ =	shalt  }
0x6e: {  	_ =	shalt  }
0x6f: {  	_ =	shalt  }
0x70: {  	_ =	shalt  }
0x71: {  	_ =	shalt  }
0x72: {  	_ =	shalt  }
0x73: {  	_ =	shalt  }
0x74: {  	_ =	shalt  }
0x75: {  	_ =	shalt  }
0x76: {  	_ =	shalt  }
0x77: {  	_ =	shalt  }
0x78: {  	_ =	shalt  }
0x79: {  	_ =	shalt  }
0x7a: {  	_ =	shalt  }
0x7b: {  	_ =	shalt  }
0x7c: {  	_ =	shalt  }
0x7d: {  	_ =	shalt  }
0x7e: {  	_ =	shalt  }
0x7f: {  	_ =	shalt  }
0x80: {  	_ =	shalt  }
0x81: {  	_ =	shalt  }
0x82: {  	_ =	shalt  }
0x83: {  	_ =	shalt  }
0x84: {  	_ =	shalt  }
0x85: {  	_ =	shalt  }
0x86: {  	_ =	shalt  }
0x87: {  	_ =	shalt  }
.Lfunc_end0:
.L_simem_size_0:
called_computation.3_lowered:
.L_overlay_start_0:
0x88: {  	s2 =	sld [smem:$0x3FD9]  }
0x89: {  	s3 =	sld [smem:$0x3FFE];
	_ =	sdelay $0x1  }
0x8a: {  	s1 =	srdreg.scid  }
0x8b: {  	s0 =	sand.u32 $0x1, s1  }
0x8c: {  	s17 =	sshll.u32 s0, $0xA;
	s2 =	sadd.s32 s3, s2  }
0x8d: {  	s2 =	sadd.s32 s2, s17  }
0x8e: {  	[smem:$0x3FB9] =	sst s2  }
0x8f: {  	_ = 	snop  }
0x90: {  	(tm) =	ssettm $0x1  }
0x91: {  	s18 =	sld [smem:$0x3FFB];
	_ =	sdelay $0x3  }
0x92: {  	_ =	strace s18  }
0x93: {  	s2 =	sld [smem:$0x3FFC];
	_ =	sdelay $0x3  }
0x94: {  	_ =	strace s2  }
0x95: {  	s2 =	sld [smem:$0x3FFD];
	_ =	sdelay $0x3  }
0x96: {  	_ =	strace s2  }
0x97: {  	_ =	strace $0x8FFFFFFF  }
0x98: {  	s19 =	sld [smem:$0x3FDB];
	_ =	sdelay $0x1  }
0x99: {  	s20 =	simm.s32 $_scs_section_size  }
0x9a: {  	s4 =	simm.s32 $_size__tile_overlayer_lowered;
	s5 =	simm.s32 $_tile_overlayer_lowered  }
0x9b: {  	s6 =	simm.s32 $0x1BFF;
	s21 =	sshll.u32 s5, $0x1;
	s3 =	sadd.s32 s20, s19  }
0x9c: {  	s22 =	simm.s32 $0x0;
	s4 =	sshll.u32 s4, $0x1;
	s5 =	sadd.s32 s21, s3  }
0x9d: {  	[timem:s22], [sflag:s6] =	dma.local [hbm:s5], s4  }
0x9e: {  	_ =	swait.ge [sflag:s6], s4  }
0x9f: {  	s4 =	ssub.s32 $0x0, s4;
	[sflag:s6] =	ssyncset.done $0x0  }
0xa0: {  	[sflag:s6] =	ssyncadd.s32 s4;
	_ =	sdelay $0x1  }
0xa1: {  	s23 =	simm.s32 $0x1B8B  }
0xa2: {  	_ =	swait.ge [sflag:s23], $0x1  }
0xa3: {  	[sflag:s23] =	ssyncset.done $0x0  }
0xa4: {  	[sflag:s23] =	ssyncadd.s32 $0xFFFFFFFF  }
0xa5: {  	s4 =	sld [smem:$0x0]  }
0xa6: {  	s5 =	sand.u32 $0xFFFFFFFE, s1  }
0xa7: {  	p0 =	sne.s32 s1, s5  }
0xa8: {  	s5 =	sshll.u32 @p0 s5, $0xE  }
0xa9: {  	s5 =	sadd.s32 @p0 $0x11B8D, s5;
	s6 =	sshll.u32 @p0 s4, $0x11  }
0xaa: {  	s5 =	sor.u32 @p0 s6, s5  }
0xab: {  	[sflag:s5] =	ssyncadd.remote.s32 @p0 $0x1;
	_ =	sdelay $0x1  }
0xac: {  	s5 =	simm.s32 @p0 $0x1B8D  }
0xad: {  	_ =	swait.eq @p0 [sflag:s5], $0x1  }
0xae: {  	[sflag:s5] =	ssyncadd.s32 @p0 $0xFFFFFFFF  }
0xaf: {  	s6 =	sshll.u32 @!p0 s1, $0xE  }
0xb0: {  	s6 =	sor.u32 @!p0 $0x4000, s6;
	s5 =	simm.s32 @!p0 $0x1B8D  }
0xb1: {  	s4 =	sshll.u32 @!p0 s4, $0x11;
	s6 =	sadd.s32 @!p0 $0x11B8D, s6;
	_ =	swait.eq @!p0 [sflag:s5], $0x1  }
0xb2: {  	s4 =	sor.u32 @!p0 s4, s6;
	[sflag:s5] =	ssyncadd.s32 @!p0 $0xFFFFFFFF  }
0xb3: {  	s25 =	simm.s32 $0x1B8E;
	s24 =	sld [smem:$0x3FFE];
	[sflag:s4] =	ssyncadd.remote.s32 @!p0 $0x1  }
0xb4: {  	s26 =	simm.s32 $execute0_lowered;
	[smem:$0x3FD2] =	sst s25  }
0xb5: {  	s5 =	sshll.u32 s26, $0x1;
	_ =	strace $0x8000004F;
	[dreg:$0x1] =	wrdreg $0xFFFFFFFF  }
0xb6: {  	s28 =	simm.s32 $_size_execute0_lowered;
	s3 =	sadd.s32 s3, s5;
	[dreg:$0x0] =	wrdreg $0x0  }
0xb7: {  	s5 =	sshll.u32 s28, $0x1;
	[dreg:$0x2] =	wrdreg s3  }
0xb8: {  	[dreg:$0x3] =	wrdreg s5  }
0xb9: {  	[dreg:$0x4] =	wrdreg $0xC0  }
0xba: {  	_ =	task [dreg:s22], $0x5FFFF  }
0xbb: {  	[dreg:$0x1] =	wrdreg $0xFFFFFFFF  }
0xbc: {  	[dreg:$0x0] =	wrdreg $0x60  }
0xbd: {  	[dreg:$0x2] =	wrdreg s24  }
0xbe: {  	[dreg:$0x3] =	wrdreg $0x89000  }
0xbf: {  	[dreg:$0x4] =	wrdreg $0x1C9000  }
0xc0: {  	[dreg:$0x5] =	wrdreg $0xB  }
0xc1: {  	_ =	task.clear_ibuf [dreg:s22], $0x6FFFF;
	_ =	strace $0x9000004F  }
0xc2: {  	s29 =	simm.s32 $0xB;
	_ =	strace $0x80000051  }
0xc3: {  	_ =	swait.ge [sflag:s29], $0x1  }
0xc4: {  	[sflag:s29] =	ssyncadd.s32 $0xFFFFFFFF  }
0xc5: {  	_ =	strace $0x90000051  }
0xc6: {  	_ =	sfence  }
0xc7: {  	s30 =	sld [smem:$0x0];
	_ =	sdelay $0x2  }
0xc8: {  	s31 =	sshll.u32 s1, $0xD;
	s1 =	sshrl.u32 s1, $0x2  }
0xc9: {  	s4 =	sand.u32 $0x4000, s31;
	s1 =	sadd.s32 s1, s30  }
0xca: {  	s0 =	sor.u32 s4, s0;
	s1 =	sshll.u32 s1, $0x11  }
0xcb: {  	s0 =	sor.u32 s1, s0  }
0xcc: {  	s0 =	sadd.s32 $0x8F2B, s0  }
0xcd: {  	[sflag:s0] =	ssyncadd.remote.s32 $0x1  }
0xce: {  	_ =	sfence.sel $0xFFFF  }
0xcf: {  	[dreg:$0x0] =	wrdreg $0xFFFFFFFF;
	(pc) =	sbr.abs _section_cstart, $3  }
0xd0: {  	[dreg:$0x1] =	wrdreg $0xFFFFFFFF  }
0xd1: {  	_ =	task.clear_ibuf [dreg:s22], $0x2FFFF;
	_ =	strace $0x9FFFFFFF  }
0xd2: {  	(tm) =	ssettm $0x7FFFFFFF  }
0xd3: {  	_ =	shalt  }
tec
execute0_lowered:
.L_overlay_start_1:
0x0: {  	(tag) =	ssettag $0x1  }
0x1: {  	s0 =	rddreg [dreg:$0x0]  }
0x2: {  	s2 =	rddreg [dreg:$0x1]  }
0x3: {  	s3 =	rddreg [dreg:$0x2]  }
0x4: {  	s1 =	srdreg.scid;
	s16 =	stileid.u32  }
0x5: {  	s4 =	simm.s32 $0x0;
	s28 =	simm.s32 $0x100;
	s29 =	simm.s32 $0x900  }
0x6: {  	s30 =	simm.s32 $0x1;
	s5 =	sand.u32 $0x1, s1;
	s19 =	smul.u32 $0x280, s16  }
0x7: {  	[smem:$0x7FF] =	sst s4;
	s6 =	sadd.s32 $0xC600, s0;
	s12 =	smul.u32 $0x50000, s16  }
0x8: {  	s7 =	sadd.s32 $0x7600, s0;
	s9 =	sadd.s32 $0x17FC00, s0;
	s15 =	smul.u32 $0xA000, s16  }
0x9: {  	s8 =	smul.u32 $0x2800, s5;
	_ =	strace $0x80000050;
	s20 =	ssub.s32 $0x2, s5  }
0xa: {  	s14 =	sshrl.u32 s20, $0x1;
	s21 =	sshrl.u32 s12, $0x2;
	s22 =	sshrl.u32 s15, $0x2  }
0xb: {  	s24 =	sadd.s32 $0x80, s19;
	s26 =	sadd.s32 $0x100, s19;
	s18 =	sadd.s32 $0x180, s19  }
0xc: {  	s1 =	sadd.s32 $0x200, s19;
	s10 =	sadd.s32 s19, s8;
	s8 =	sadd.s32 $0xD9600, s0  }
0xd: {  	s23 =	ssub.s32 s20, s14;
	s12 =	sadd.s32 s22, s3;
	s25 =	sshll.u32 s24, $0x7  }
0xe: {  	s14 =	sshll.u32 s24, $0x4;
	s31 =	sshll.u32 s26, $0x7;
	s17 =	sshll.u32 s18, $0x7  }
0xf: {  	s18 =	sshll.u32 s18, $0x4;
	s19 =	sshll.u32 s1, $0x7;
	s1 =	sshll.u32 s1, $0x4  }
0x10: {  	s24 =	simm.s32 $0x2;
	s11 =	sshll.u32 s10, $0x4;
	s10 =	sshll.u32 s10, $0x1  }
0x11: {  	s15 =	sadd.s32 s25, s2;
	s14 =	sadd.s32 s14, s3;
	s17 =	sadd.s32 s17, s2  }
0x12: {  	s18 =	sadd.s32 s18, s3;
	s19 =	sadd.s32 s19, s2;
	s20 =	sadd.s32 s1, s3  }
.Ltmp0:
0x13: {  	s23 =	smax.u32 s23, $0x1;
	s25 =	simm.s32 $0x3;
	(pc) =	sbr.rel .LBB2_1-.Ltmp0, $4  }
0x14: {  	s13 =	sadd.s32 s11, s0;
	s0 =	sadd.s32 s10, s0;
	s10 =	sshll.u32 s16, $0x1  }
0x15: {  	s11 =	sadd.s32 s21, s2;
	[dreg:$0x4] =	wrdreg s15;
	s15 =	sadd.s32 s31, s2  }
0x16: {  	s16 =	sshll.u32 s26, $0x4;
	s26 =	simm.s32 $0x80;
	[dreg:$0x5] =	wrdreg s15  }
0x17: {  	v0 =	vimm.f32 $0.0e+00;
	s16 =	sadd.s32 s16, s3;
	s21 =	sadd.s32 $0x282000, s13;
	s22 =	sadd.s32 $0x278000, s0  }
.LBB2_19:
0x18: {  	s0 =	stileid.u32  }
0x19: {  	s0 =	sshll.u32 s0, $0x6  }
0x1a: {  	[bflag:$0x0] =	sbarrier.arrive $0xFFFF;
	s1 =	sshrl.u32 s11, $0x3;
	s0 =	sor.u32 $0x1C02, s0  }
0x1b: {  	[hbm:s21], [sflag:s0] =	dma.local [spmem:s1], $0x2800  }
0x1c: {  	s4 =	sadd.s32 $0x1, s4;
	_ =	swait.ge [sflag:s24], $0x2800  }
0x1d: {  	p0 =	sne.s32 s4, s23;
	[sflag:s24] =	ssyncset.done $0x0  }
.Ltmp1:
0x1e: {  	s31 =	sshrl.u32 s12, $0x3;
	[sflag:s24] =	ssyncadd.s32 $0xFFFFD800;
	(pc) =	sbr.rel @!p0 .LBB2_20-.Ltmp1, $4  }
0x1f: {  	[hbm:s22], [sflag:s0] =	dma.local [spmem:s31], $0x500  }
0x20: {  	_ =	swait.ge [sflag:s24], $0x500  }
0x21: {  	[sflag:s24] =	ssyncset.done $0x0  }
0x22: {  	[sflag:s24] =	ssyncadd.s32 $0xFFFFFB00  }
.LBB2_1:
0x23: {  	s0 =	simm.s32 $0x0;
	s1 =	simm.s32 $0x200  }
.LBB2_2:
0x24: {  	p0 =	sne.s32 s1, $0xFE00;
	[tilespmem:s0+$0x4970] =	vst v0  }
0x25: {  	[tilespmem:s0+$0x4900] =	vst v0  }
0x26: {  	[tilespmem:s0+$0x4910] =	vst v0  }
.Ltmp2:
0x27: {  	[tilespmem:s0+$0x4920] =	vst v0;
	(pc) =	sbr.rel @p0 .LBB2_2-.Ltmp2, $4  }
0x28: {  	[tilespmem:s0+$0x4930] =	vst v0  }
0x29: {  	[tilespmem:s0+$0x4940] =	vst v0  }
0x2a: {  	[tilespmem:s0+$0x4950] =	vst v0  }
0x2b: {  	[tilespmem:s0+$0x4960] =	vst v0;
	s0 =	sshra.s32 s1, $0x2;
	s1 =	sadd.s32 $0x200, s1  }
0x2c: {  	[tilespmem:s0+$0x4970] =	vst v0  }
0x2d: {  	[tilespmem:s0+$0x4900] =	vst v0  }
0x2e: {  	[tilespmem:s0+$0x4910] =	vst v0  }
0x2f: {  	[tilespmem:s0+$0x4920] =	vst v0  }
0x30: {  	[tilespmem:s0+$0x4930] =	vst v0  }
0x31: {  	[tilespmem:s0+$0x4940] =	vst v0  }
0x32: {  	[tilespmem:s0+$0x4950] =	vst v0  }
0x33: {  	[tilespmem:s0+$0x4960] =	vst v0;
	s0 =	simm.s32 $0x4900  }
0x34: {  	[spmem:s11] =	stream.linear.scatter [tilespmem:s0], [sflag:$0x2], $0x4000, $0x38;
	[tilespmem:$0x1F100] =	vst v63  }
0x35: {  	_ =	swait.ge [sflag:s24], $0x4000  }
0x36: {  	[sflag:s24] =	ssyncset.done $0x0  }
0x37: {  	s1 =	sadd.s32 $0x0, s12;
	[sflag:s24] =	ssyncadd.s32 $0xFFFFC000  }
0x38: {  	[spmem:s1] =	stream.linear.scatter [tilespmem:s0], [sflag:$0x2], $0x10, $0x38;
	[tilespmem:$0x1F100] =	vst v63  }
0x39: {  	s1 =	simm.s32 $0x40  }
.LBB2_4:
0x3a: {  	p0 =	sne.s32 s1, $0x1FC0  }
.Ltmp3:
0x3b: {  	_ = 	snop;
	(pc) =	sbr.rel @p0 .LBB2_4-.Ltmp3, $4  }
0x3c: {  	_ = 	snop  }
0x3d: {  	s13 =	sshra.s32 s1, $0x2;
	s1 =	sadd.s32 $0x40, s1  }
0x3e: {  	s0 =	sadd.s32 $0x80, s0;
	s13 =	sadd.s32 s13, s12  }
0x3f: {  	[spmem:s13] =	stream.linear.scatter [tilespmem:s0], [sflag:$0x2], $0x10, $0x38;
	[tilespmem:$0x1F100] =	vst v63  }
0x40: {  	_ =	swait.ge [sflag:s24], $0x800  }
0x41: {  	[sflag:s24] =	ssyncset.done $0x0  }
0x42: {  	s0 =	simm.s32 $0x4900;
	s1 =	rddreg [dreg:$0x4];
	[sflag:s24] =	ssyncadd.s32 $0xFFFFF800  }
0x43: {  	[spmem:s1] =	stream.linear.scatter [tilespmem:s0], [sflag:$0x2], $0x4000, $0x38;
	[tilespmem:$0x1F100] =	vst v63  }
0x44: {  	_ =	swait.ge [sflag:s24], $0x4000  }
0x45: {  	[sflag:s24] =	ssyncset.done $0x0  }
0x46: {  	s31 =	sadd.s32 $0x0, s14;
	s1 =	simm.s32 $0x40;
	[sflag:s24] =	ssyncadd.s32 $0xFFFFC000  }
0x47: {  	[spmem:s31] =	stream.linear.scatter [tilespmem:s0], [sflag:$0x2], $0x10, $0x38;
	[tilespmem:$0x1F100] =	vst v63  }
.LBB2_6:
0x48: {  	p0 =	sne.s32 s1, $0x1FC0  }
.Ltmp4:
0x49: {  	_ = 	snop;
	(pc) =	sbr.rel @p0 .LBB2_6-.Ltmp4, $4  }
0x4a: {  	_ = 	snop  }
0x4b: {  	s13 =	sshra.s32 s1, $0x2;
	s1 =	sadd.s32 $0x40, s1  }
0x4c: {  	s0 =	sadd.s32 $0x80, s0;
	s13 =	sadd.s32 s13, s14  }
0x4d: {  	[spmem:s13] =	stream.linear.scatter [tilespmem:s0], [sflag:$0x2], $0x10, $0x38;
	[tilespmem:$0x1F100] =	vst v63  }
0x4e: {  	_ =	swait.ge [sflag:s24], $0x800  }
0x4f: {  	[sflag:s24] =	ssyncset.done $0x0  }
0x50: {  	s0 =	simm.s32 $0x4900;
	s1 =	rddreg [dreg:$0x5];
	[sflag:s24] =	ssyncadd.s32 $0xFFFFF800  }
0x51: {  	[spmem:s1] =	stream.linear.scatter [tilespmem:s0], [sflag:$0x2], $0x4000, $0x38;
	[tilespmem:$0x1F100] =	vst v63  }
0x52: {  	_ =	swait.ge [sflag:s24], $0x4000  }
0x53: {  	[sflag:s24] =	ssyncset.done $0x0  }
0x54: {  	s31 =	sadd.s32 $0x0, s16;
	s1 =	simm.s32 $0x40;
	[sflag:s24] =	ssyncadd.s32 $0xFFFFC000  }
0x55: {  	[spmem:s31] =	stream.linear.scatter [tilespmem:s0], [sflag:$0x2], $0x10, $0x38;
	[tilespmem:$0x1F100] =	vst v63  }
.LBB2_8:
0x56: {  	p0 =	sne.s32 s1, $0x1FC0  }
.Ltmp5:
0x57: {  	_ = 	snop;
	(pc) =	sbr.rel @p0 .LBB2_8-.Ltmp5, $4  }
0x58: {  	_ = 	snop  }
0x59: {  	s13 =	sshra.s32 s1, $0x2;
	s1 =	sadd.s32 $0x40, s1  }
0x5a: {  	s0 =	sadd.s32 $0x80, s0;
	s13 =	sadd.s32 s13, s16  }
0x5b: {  	[spmem:s13] =	stream.linear.scatter [tilespmem:s0], [sflag:$0x2], $0x10, $0x38;
	[tilespmem:$0x1F100] =	vst v63  }
0x5c: {  	_ =	swait.ge [sflag:s24], $0x800  }
0x5d: {  	[sflag:s24] =	ssyncset.done $0x0  }
0x5e: {  	s0 =	simm.s32 $0x4900;
	[sflag:s24] =	ssyncadd.s32 $0xFFFFF800  }
0x5f: {  	[spmem:s17] =	stream.linear.scatter [tilespmem:s0], [sflag:$0x2], $0x4000, $0x38;
	[tilespmem:$0x1F100] =	vst v63  }
0x60: {  	_ =	swait.ge [sflag:s24], $0x4000  }
0x61: {  	[sflag:s24] =	ssyncset.done $0x0  }
0x62: {  	s1 =	sadd.s32 $0x0, s18;
	[sflag:s24] =	ssyncadd.s32 $0xFFFFC000  }
0x63: {  	[spmem:s1] =	stream.linear.scatter [tilespmem:s0], [sflag:$0x2], $0x10, $0x38;
	[tilespmem:$0x1F100] =	vst v63  }
0x64: {  	s1 =	simm.s32 $0x40  }
.LBB2_10:
0x65: {  	p0 =	sne.s32 s1, $0x1FC0  }
.Ltmp6:
0x66: {  	_ = 	snop;
	(pc) =	sbr.rel @p0 .LBB2_10-.Ltmp6, $4  }
0x67: {  	_ = 	snop  }
0x68: {  	s13 =	sshra.s32 s1, $0x2;
	s1 =	sadd.s32 $0x40, s1  }
0x69: {  	s0 =	sadd.s32 $0x80, s0;
	s13 =	sadd.s32 s13, s18  }
0x6a: {  	[spmem:s13] =	stream.linear.scatter [tilespmem:s0], [sflag:$0x2], $0x10, $0x38;
	[tilespmem:$0x1F100] =	vst v63  }
0x6b: {  	_ =	swait.ge [sflag:s24], $0x800  }
0x6c: {  	[sflag:s24] =	ssyncset.done $0x0  }
0x6d: {  	s0 =	simm.s32 $0x4900;
	[sflag:s24] =	ssyncadd.s32 $0xFFFFF800  }
0x6e: {  	[spmem:s19] =	stream.linear.scatter [tilespmem:s0], [sflag:$0x2], $0x4000, $0x38;
	[tilespmem:$0x1F100] =	vst v63  }
0x6f: {  	_ =	swait.ge [sflag:s24], $0x4000  }
0x70: {  	[sflag:s24] =	ssyncset.done $0x0  }
0x71: {  	s1 =	sadd.s32 $0x0, s20;
	[sflag:s24] =	ssyncadd.s32 $0xFFFFC000  }
0x72: {  	[spmem:s1] =	stream.linear.scatter [tilespmem:s0], [sflag:$0x2], $0x10, $0x38;
	[tilespmem:$0x1F100] =	vst v63  }
0x73: {  	s1 =	simm.s32 $0x40  }
.LBB2_12:
0x74: {  	p0 =	sne.s32 s1, $0x1FC0  }
.Ltmp7:
0x75: {  	_ = 	snop;
	(pc) =	sbr.rel @p0 .LBB2_12-.Ltmp7, $4  }
0x76: {  	_ = 	snop  }
0x77: {  	s13 =	sshra.s32 s1, $0x2;
	s1 =	sadd.s32 $0x40, s1  }
0x78: {  	s0 =	sadd.s32 $0x80, s0;
	s13 =	sadd.s32 s13, s20  }
0x79: {  	[spmem:s13] =	stream.linear.scatter [tilespmem:s0], [sflag:$0x2], $0x10, $0x38;
	[tilespmem:$0x1F100] =	vst v63  }
.Ltmp8:
0x7a: {  	_ =	swait.ge [sflag:s24], $0x800;
	(pc) =	sbr.rel .LBB2_14-.Ltmp8, $4  }
0x7b: {  	[sflag:s24] =	ssyncset.done $0x0  }
0x7c: {  	[sflag:s24] =	ssyncadd.s32 $0xFFFFF800  }
0x7d: {  	[bflag:$0x0] =	sbarrier.arrive $0xFFFF  }
0x7e: {  	s31 =	simm.s32 $0x0  }
.LBB2_18:
0x7f: {  	s31 =	sadd.s32 $0x1, s31  }
0x80: {  	p0 =	sne.s32 s31, $0x28  }
.Ltmp9:
0x81: {  	_ = 	snop;
	(pc) =	sbr.rel @!p0 .LBB2_19-.Ltmp9, $1  }
0x82: {  	_ =	sdelay $0x3  }
.LBB2_14:
0x83: {  	s0 =	sshll.u32 s31, $0x5  }
0x84: {  	s0 =	sor.u32 s10, s0  }
0x85: {  	p0 =	sgt.u32 s0, $0x4E1  }
.Ltmp10:
0x86: {  	_ = 	snop;
	(pc) =	sbr.rel @p0 .LBB2_18-.Ltmp10, $1  }
0x87: {  	_ =	sdelay $0x3  }
0x88: {  	s0 =	sor.u32 s5, s0  }
0x89: {  	s1 =	sshll.u32 s0, $0x4  }
0x8a: {  	s15 =	simm.s32 $0x0;
	s13 =	sadd.s32 s6, s1  }
0x8b: {  	[tilespmem:s15], [sflag:$0x3] =	stream.linear.gather [hbm4b:s13+s15], $0x80, $0x38;
	[tilespmem:$0x1F100] =	vst v63  }
0x8c: {  	_ =	swait.ge [sflag:s25], $0x80  }
0x8d: {  	[sflag:s25] =	ssyncset.done $0x0  }
0x8e: {  	s1 =	sadd.s32 s7, s1;
	[sflag:s25] =	ssyncadd.s32 $0xFFFFFF80  }
0x8f: {  	[tilespmem:s26], [sflag:$0x3] =	stream.linear.gather [hbm4b:s1+s15], $0x80, $0x38;
	[tilespmem:$0x1F100] =	vst v63  }
0x90: {  	_ =	swait.ge [sflag:s25], $0x80  }
0x91: {  	s0 =	sshll.u32 s0, $0x8;
	[sflag:s25] =	ssyncset.done $0x0  }
0x92: {  	s0 =	sadd.s32 s8, s0;
	[sflag:s25] =	ssyncadd.s32 $0xFFFFFF80  }
0x93: {  	[tilespmem:s28], [sflag:$0x3] =	stream.linear.gather [hbm4b:s0+s15], $0x800, $0x38;
	[tilespmem:$0x1F100] =	vst v63  }
0x94: {  	_ =	swait.ge [sflag:s25], $0x800  }
0x95: {  	[sflag:s25] =	ssyncset.done $0x0  }
0x96: {  	[sflag:s25] =	ssyncadd.s32 $0xFFFFF800  }
0x97: {  	[tilespmem:s29], [sflag:$0x1] =	stream.indirect.gather [hbm4b:s9+s26], $0x80, s15, s26, $0xb8;
	[tilespmem:$0x1F100] =	vst v63  }
0x98: {  	_ =	swait.ge [sflag:s30], $0x4000  }
0x99: {  	[sflag:s30] =	ssyncset.done $0x0  }
0x9a: {  	s0 =	simm.s32 $0x940;
	[sflag:s30] =	ssyncadd.s32 $0xFFFFC000  }
0x9b: {  	s15 =	simm.s32 $0x0;
	v6 =	vld [tilespmem:s0+$0x30]  }
0x9c: {  	v3 =	vld [tilespmem:s15+$0x100]  }
0x9d: {  	v9 =	vld [tilespmem:s0+$0x10]  }
0x9e: {  	v7 =	vld [tilespmem:s0+$0xFFFFFFC0]  }
0x9f: {  	v11 =	vld [tilespmem:s0+$0xFFFFFFE0]  }
0xa0: {  	v1 =	vld [tilespmem:s0+$0xFFFFFFF0]  }
0xa1: {  	v4 =	vld [tilespmem:s0+$0x20];
	v2 =	vbroadcast v3, $0x4;
	v3 =	vbroadcast v3, $0x5  }
0xa2: {  	v5 =	vld [tilespmem:s0+$0xFFFFFFD0]  }
0xa3: {  	v10 =	vmul.f32 v6, v3;
	v6 =	vld [tilespmem:s0+$0x0]  }
0xa4: {  	v8 =	vmul.f32 v2, v7  }
0xa5: {  	s13 =	simm.s32 $0x940;
	s1 =	simm.s32 $0x40;
	v7 =	vmul.f32 v11, v2;
	v9 =	vmul.f32 v9, v3  }
.LBB2_16:
0xa6: {  	p0 =	sne.s32 s1, $0x1FC0  }
0xa7: {  	v5 =	vmul.f32 v5, v2;
	v4 =	vmul.f32 v4, v3;
	[tilespmem:s0+$0x30] =	vst v10;
	s13 =	sadd.s32 $0x80, s13;
	s15 =	smov.u32 s1;
	s1 =	sadd.s32 $0x40, s1  }
0xa8: {  	v1 =	vmul.f32 v1, v2;
	[tilespmem:s0+$0xFFFFFFC0] =	vst v8;
	v2 =	vmul.f32 v6, v3  }
0xa9: {  	[tilespmem:s0+$0x10] =	vst v9  }
0xaa: {  	[tilespmem:s0+$0xFFFFFFE0] =	vst v7  }
0xab: {  	[tilespmem:s0+$0xFFFFFFF0] =	vst v1  }
0xac: {  	v1 =	vld [tilespmem:s13+$0xFFFFFFF0];
	[tilespmem:s0+$0x0] =	vst v2  }
0xad: {  	v7 =	vld [tilespmem:s13+$0x30];
	[tilespmem:s0+$0x20] =	vst v4  }
0xae: {  	s15 =	sshra.s32 s15, $0x2;
	v9 =	vld [tilespmem:s13+$0x10];
	[tilespmem:s0+$0xFFFFFFD0] =	vst v5;
	s0 =	smov.u32 s13  }
0xaf: {  	v3 =	vld [tilespmem:s15+$0x100]  }
0xb0: {  	v8 =	vld [tilespmem:s13+$0xFFFFFFC0]  }
0xb1: {  	v11 =	vld [tilespmem:s13+$0xFFFFFFE0]  }
0xb2: {  	v4 =	vld [tilespmem:s13+$0x20]  }
.Ltmp11:
0xb3: {  	v5 =	vld [tilespmem:s13+$0xFFFFFFD0];
	(pc) =	sbr.rel @p0 .LBB2_16-.Ltmp11, $3  }
0xb4: {  	v2 =	vbroadcast v3, $0x4;
	v6 =	vld [tilespmem:s13+$0x0];
	v3 =	vbroadcast v3, $0x5;
	_ =	sdelay $0x1  }
0xb5: {  	v8 =	vmul.f32 v2, v8;
	v10 =	vmul.f32 v7, v3  }
0xb6: {  	v7 =	vmul.f32 v11, v2;
	v9 =	vmul.f32 v9, v3  }
0xb7: {  	[tilespmem:s0+$0x30] =	vst v10  }
0xb8: {  	[tilespmem:s0+$0xFFFFFFC0] =	vst v8  }
0xb9: {  	v1 =	vmul.f32 v1, v2;
	[tilespmem:s0+$0x10] =	vst v9  }
0xba: {  	v6 =	vmul.f32 v6, v3;
	[tilespmem:s0+$0xFFFFFFE0] =	vst v7  }
0xbb: {  	v3 =	vmul.f32 v4, v3;
	[tilespmem:s0+$0xFFFFFFF0] =	vst v1  }
0xbc: {  	v1 =	vmul.f32 v5, v2;
	[tilespmem:s0+$0x0] =	vst v6  }
0xbd: {  	[tilespmem:s0+$0x20] =	vst v3  }
0xbe: {  	[tilespmem:s0+$0xFFFFFFD0] =	vst v1  }
0xbf: {  	[spmem:s2] =	stream.indirect.scatter.add.f32 [tilespmem:s29], [sflag:$0x3], $0x80, s26, s26, $0xb8;
	[tilespmem:$0x1F100] =	vst v63  }
0xc0: {  	_ =	swait.ge [sflag:s25], $0x4000  }
0xc1: {  	[sflag:s25] =	ssyncset.done $0x0  }
.Ltmp12:
0xc2: {  	[sflag:s25] =	ssyncadd.s32 $0xFFFFC000;
	(pc) =	sbr.rel .LBB2_18-.Ltmp12, $4  }
0xc3: {  	[spmem:s3] =	stream.indirect.scatter.add.f32 [tilespmem:s28], [sflag:$0x2], $0x10, s26, s26, $0xb8;
	[tilespmem:$0x1F100] =	vst v63  }
0xc4: {  	_ =	swait.ge [sflag:s24], $0x800  }
0xc5: {  	[sflag:s24] =	ssyncset.done $0x0  }
0xc6: {  	[sflag:s24] =	ssyncadd.s32 $0xFFFFF800  }
.LBB2_20:
0xc7: {  	_ =	sfence.sel $0x180000  }
0xc8: {  	[bflag:$0x0] =	sbarrier.arrive $0xFFFF  }
0xc9: {  	_ =	strace $0x90000050  }
0xca: {  	s0 =	stileid.u32;
	[bflag:$0x2] =	sbarrier.arrive $0xFFFF  }
0xcb: {  	p0 =	sne.s32 s0, $0x0;
	s0 =	rddreg [dreg:$0x3]  }
0xcc: {  	s0 =	sadd.s32 @!p0 $0x100000, s0  }
0xcd: {  	[sflag:s0] =	ssyncadd.tile.s32 @!p0 $0x1;
	_ =	shalt  }
.Lfunc_end2:
_tile_overlayer_lowered:
.L_overlay_start_2:
0xce: {  	(tag) =	ssettag $0x2  }
0xcf: {  	s0 =	rddreg [dreg:$0x0];
	s2 =	stileid.u32  }
0xd0: {  	s1 =	rddreg [dreg:$0x1];
	p0 =	sne.s32 s2, $0x0  }
0xd1: {  	s3 =	rddreg [dreg:$0x2];
	[bflag:$0x3] =	sbarrier.arrive $0xFFFF;
	s2 =	simm.s32 @!p0 $0x1C02  }
0xd2: {  	[timem:s3], [sflag:s2] =	dma.local @!p0 [hbm:s0], s1  }
0xd3: {  	s0 =	simm.s32 @!p0 $0x2  }
0xd4: {  	_ =	swait.ge @!p0 [sflag:s0], s1  }
0xd5: {  	s1 =	ssub.s32 @!p0 $0x0, s1;
	[sflag:s0] =	ssyncset.done @!p0 $0x0  }
0xd6: {  	[sflag:s0] =	ssyncadd.s32 @!p0 s1  }
0xd7: {  	[bflag:$0x3] =	sbarrier.arrive $0xFFFF  }
0xd8: {  	_ =	shalt  }

// kernel: kernel.24.cloned.1.call-start
scs
__scs_entry_jumppad:
0x0: {  	(pc) =	sbr.rel $0x88, $3  }
0x1: {  	(tag) =	ssettag $0x0;
	lr =	simm.s32 $0x1  }
0x2: {  	[smem:$0x3F92] =	sst lr;
	_ =	strace $0xD0000000  }
0x3: {  	_ = 	snop  }
0x4: {  	_ = 	snop  }
0x5: {  	_ = 	snop  }
0x6: {  	_ = 	snop  }
0x7: {  	_ = 	snop  }
__scs_overlays_trampoline_lowered:
0x8: {  	[smem:$0x3FA1] =	sst s0  }
0x9: {  	[smem:$0x3FA2] =	sst s1  }
0xa: {  	[smem:$0x3FA3] =	sst s2  }
0xb: {  	[smem:$0x3FA4] =	sst s3  }
0xc: {  	[smem:$0x3FA5] =	sst s4  }
0xd: {  	[smem:$0x3FA6] =	sst s5  }
0xe: {  	[smem:$0x3FA7] =	sst s6  }
0xf: {  	[smem:$0x3FA8] =	sst s7  }
0x10: {  	[smem:$0x3FA9] =	sst s8  }
0x11: {  	[smem:$0x3FAA] =	sst s9;
	s0 =	simm.s32 @!p0 $0x0  }
0x12: {  	s1 =	sld [smem:$0x3F90];
	s0 =	simm.s32 @p0 $0x1  }
0x13: {  	[smem:$0x3FAB] =	sst s0;
	s0 =	simm.s32 @!p1 $0x0  }
0x14: {  	s2 =	sld [smem:$0x3F8F];
	s0 =	simm.s32 @p1 $0x1  }
0x15: {  	[smem:$0x3FAC] =	sst s0;
	s0 =	simm.s32 @!p2 $0x0  }
0x16: {  	s3 =	sld [smem:$0x3FDB];
	s0 =	simm.s32 @p2 $0x1  }
0x17: {  	s4 =	simm.s32 $0x1BF5;
	[smem:$0x3FAE] =	sst s0  }
0x18: {  	s0 =	sld [smem:$0x3F91];
	_ =	swait.ge [sflag:s4], $0x0  }
0x19: {  	s7 =	sld [smem:$0x3F92]  }
0x1a: {  	s8 =	sadd.s32 $0xFFFFE003, lr  }
0x1b: {  	s9 =	sadd.s32 $0xFFFFFEF7, lr;
	s5 =	simm.s32 $0xFFFFFFFF;
	p2 =	slt.u32 s8, $0xFFFFF086  }
0x1c: {  	p1 =	slt.u32 s9, $0xF7A;
	s5 =	simm.s32 @!p2 $0x0  }
0x1d: {  	s5 =	simm.s32 @p1 $0x1;
	p0 =	seq.s32 s7, s2  }
0x1e: {  	s7 =	smul.u32 @!p0 $0xF7A, s2;
	p2 =	seq.s32 @!p0 s5, $0x0  }
0x1f: {  	s9 =	smul.u32 $0xF7A, s1;
	s8 =	simm.s32 @!p0 $0x1BF5;
	p2 =	por !p2, p0  }
0x20: {  	[sflag:s8] =	ssyncset.s32 @!p0 $0xFFFFF086;
	s6 =	sadd.s32 @!p0 s3, s7;
	s7 =	simm.s32 @!p0 $0x108  }
0x21: {  	s3 =	sadd.s32 s3, s9;
	s6 =	sadd.s32 @!p0 $0x88, s6;
	s7 =	simm.s32 @p2 $0x1082  }
0x22: {  	[simem:s7], [sflag:s8] =	dma.local @!p0 [hbm:s6], $0xF7A  }
0x23: {  	s9 =	sor.u32 $0xD0000000, s2;
	s6 =	simm.s32 $0x108;
	_ =	swait.ge @!p0 [sflag:s8], $0x0  }
0x24: {  	s3 =	sadd.s32 $0x88, s3;
	s6 =	simm.s32 @!p1 $0x1082;
	[sflag:s4] =	ssyncset.s32 $0xFFFFF086  }
0x25: {  	[simem:s6], [sflag:s4] =	dma.local [hbm:s3], $0xF7A  }
0x26: {  	[smem:$0x3F92] =	sst s1;
	(tag) =	ssettag s2;
	_ =	strace s9  }
0x27: {  	s1 =	sld [smem:$0x3FA2]  }
0x28: {  	s2 =	sld [smem:$0x3FA3]  }
0x29: {  	s4 =	sld [smem:$0x3FA5]  }
0x2a: {  	p0 =	seq.s32 s5, $0x0;
	s5 =	sld [smem:$0x3FA6]  }
0x2b: {  	s6 =	sld [smem:$0x3FA7]  }
0x2c: {  	s7 =	sld [smem:$0x3FA8]  }
0x2d: {  	s3 =	simm.s32 $0x108;
	s8 =	sld [smem:$0x3FA9]  }
0x2e: {  	s3 =	simm.s32 @!p0 $0x1082;
	s9 =	sld [smem:$0x3FAA]  }
0x2f: {  	lr =	sadd.s32 s0, s3;
	s0 =	sld [smem:$0x3FA1]  }
0x30: {  	s3 =	sld [smem:$0x3FA4]  }
0x31: {  	[smem:$0x3FAD] =	sst s10  }
0x32: {  	s10 =	sld [smem:$0x3FAB];
	_ =	sdelay $0x3  }
0x33: {  	p0 =	seq.s32 s10, $0x1;
	s10 =	sld [smem:$0x3FAD];
	_ =	sdelay $0x3  }
0x34: {  	[smem:$0x3FAD] =	sst s10  }
0x35: {  	s10 =	sld [smem:$0x3FAC];
	_ =	sdelay $0x3  }
0x36: {  	p1 =	seq.s32 s10, $0x1;
	s10 =	sld [smem:$0x3FAD];
	_ =	sdelay $0x3  }
0x37: {  	[smem:$0x3FAD] =	sst s10  }
0x38: {  	s10 =	sld [smem:$0x3FAE]  }
0x39: {  	_ = 	snop;
	(pc) =	sbr.ind lr, $3  }
0x3a: {  	_ = 	snop  }
0x3b: {  	_ = 	snop  }
0x3c: {  	p2 =	seq.s32 s10, $0x1;
	s10 =	sld [smem:$0x3FAD]  }
0x3d: {  	_ =	shalt  }
0x3e: {  	_ =	shalt  }
0x3f: {  	_ =	shalt  }
0x40: {  	_ =	shalt  }
0x41: {  	_ =	shalt  }
0x42: {  	_ =	shalt  }
0x43: {  	_ =	shalt  }
0x44: {  	_ =	shalt  }
0x45: {  	_ =	shalt  }
0x46: {  	_ =	shalt  }
0x47: {  	_ =	shalt  }
0x48: {  	_ =	shalt  }
0x49: {  	_ =	shalt  }
0x4a: {  	_ =	shalt  }
0x4b: {  	_ =	shalt  }
0x4c: {  	_ =	shalt  }
0x4d: {  	_ =	shalt  }
0x4e: {  	_ =	shalt  }
0x4f: {  	_ =	shalt  }
0x50: {  	_ =	shalt  }
0x51: {  	_ =	shalt  }
0x52: {  	_ =	shalt  }
0x53: {  	_ =	shalt  }
0x54: {  	_ =	shalt  }
0x55: {  	_ =	shalt  }
0x56: {  	_ =	shalt  }
0x57: {  	_ =	shalt  }
0x58: {  	_ =	shalt  }
0x59: {  	_ =	shalt  }
0x5a: {  	_ =	shalt  }
0x5b: {  	_ =	shalt  }
0x5c: {  	_ =	shalt  }
0x5d: {  	_ =	shalt  }
0x5e: {  	_ =	shalt  }
0x5f: {  	_ =	shalt  }
0x60: {  	_ =	shalt  }
0x61: {  	_ =	shalt  }
0x62: {  	_ =	shalt  }
0x63: {  	_ =	shalt  }
0x64: {  	_ =	shalt  }
0x65: {  	_ =	shalt  }
0x66: {  	_ =	shalt  }
0x67: {  	_ =	shalt  }
0x68: {  	_ =	shalt  }
0x69: {  	_ =	shalt  }
0x6a: {  	_ =	shalt  }
0x6b: {  	_ =	shalt  }
0x6c: {  	_ =	shalt  }
0x6d: {  	_ =	shalt  }
0x6e: {  	_ =	shalt  }
0x6f: {  	_ =	shalt  }
0x70: {  	_ =	shalt  }
0x71: {  	_ =	shalt  }
0x72: {  	_ =	shalt  }
0x73: {  	_ =	shalt  }
0x74: {  	_ =	shalt  }
0x75: {  	_ =	shalt  }
0x76: {  	_ =	shalt  }
0x77: {  	_ =	shalt  }
0x78: {  	_ =	shalt  }
0x79: {  	_ =	shalt  }
0x7a: {  	_ =	shalt  }
0x7b: {  	_ =	shalt  }
0x7c: {  	_ =	shalt  }
0x7d: {  	_ =	shalt  }
0x7e: {  	_ =	shalt  }
0x7f: {  	_ =	shalt  }
0x80: {  	_ =	shalt  }
0x81: {  	_ =	shalt  }
0x82: {  	_ =	shalt  }
0x83: {  	_ =	shalt  }
0x84: {  	_ =	shalt  }
0x85: {  	_ =	shalt  }
0x86: {  	_ =	shalt  }
0x87: {  	_ =	shalt  }
.Lfunc_end0:
.L_simem_size_0:
called_computation.4_lowered:
.L_overlay_start_0:
0x88: {  	s2 =	sld [smem:$0x3FD9]  }
0x89: {  	s3 =	sld [smem:$0x3FFE];
	_ =	sdelay $0x1  }
0x8a: {  	s1 =	srdreg.scid  }
0x8b: {  	s0 =	sand.u32 $0x1, s1  }
0x8c: {  	s17 =	sshll.u32 s0, $0xA;
	s2 =	sadd.s32 s3, s2  }
0x8d: {  	s2 =	sadd.s32 s2, s17  }
0x8e: {  	[smem:$0x3FB9] =	sst s2  }
0x8f: {  	_ = 	snop  }
0x90: {  	(tm) =	ssettm $0x1  }
0x91: {  	s18 =	sld [smem:$0x3FFB];
	_ =	sdelay $0x3  }
0x92: {  	_ =	strace s18  }
0x93: {  	s2 =	sld [smem:$0x3FFC];
	_ =	sdelay $0x3  }
0x94: {  	_ =	strace s2  }
0x95: {  	s2 =	sld [smem:$0x3FFD];
	_ =	sdelay $0x3  }
0x96: {  	_ =	strace s2  }
0x97: {  	_ =	strace $0x8FFFFFFF  }
0x98: {  	s19 =	sld [smem:$0x3FDB];
	_ =	sdelay $0x1  }
0x99: {  	s20 =	simm.s32 $_scs_section_size  }
0x9a: {  	s4 =	simm.s32 $_size__tile_overlayer_lowered;
	s5 =	simm.s32 $_tile_overlayer_lowered  }
0x9b: {  	s6 =	simm.s32 $0x1BFF;
	s21 =	sshll.u32 s5, $0x1;
	s3 =	sadd.s32 s20, s19  }
0x9c: {  	s22 =	simm.s32 $0x0;
	s4 =	sshll.u32 s4, $0x1;
	s5 =	sadd.s32 s21, s3  }
0x9d: {  	[timem:s22], [sflag:s6] =	dma.local [hbm:s5], s4  }
0x9e: {  	_ =	swait.ge [sflag:s6], s4  }
0x9f: {  	s4 =	ssub.s32 $0x0, s4;
	[sflag:s6] =	ssyncset.done $0x0  }
0xa0: {  	[sflag:s6] =	ssyncadd.s32 s4;
	_ =	sdelay $0x1  }
0xa1: {  	s23 =	simm.s32 $0x1B8B  }
0xa2: {  	_ =	swait.ge [sflag:s23], $0x1  }
0xa3: {  	[sflag:s23] =	ssyncset.done $0x0  }
0xa4: {  	[sflag:s23] =	ssyncadd.s32 $0xFFFFFFFF  }
0xa5: {  	s4 =	sld [smem:$0x0]  }
0xa6: {  	s5 =	sand.u32 $0xFFFFFFFE, s1  }
0xa7: {  	p0 =	sne.s32 s1, s5  }
0xa8: {  	s5 =	sshll.u32 @p0 s5, $0xE  }
0xa9: {  	s5 =	sadd.s32 @p0 $0x11B8D, s5;
	s6 =	sshll.u32 @p0 s4, $0x11  }
0xaa: {  	s5 =	sor.u32 @p0 s6, s5  }
0xab: {  	[sflag:s5] =	ssyncadd.remote.s32 @p0 $0x1;
	_ =	sdelay $0x1  }
0xac: {  	s5 =	simm.s32 @p0 $0x1B8D  }
0xad: {  	_ =	swait.eq @p0 [sflag:s5], $0x1  }
0xae: {  	[sflag:s5] =	ssyncadd.s32 @p0 $0xFFFFFFFF  }
0xaf: {  	s6 =	sshll.u32 @!p0 s1, $0xE  }
0xb0: {  	s6 =	sor.u32 @!p0 $0x4000, s6;
	s5 =	simm.s32 @!p0 $0x1B8D  }
0xb1: {  	s4 =	sshll.u32 @!p0 s4, $0x11;
	s6 =	sadd.s32 @!p0 $0x11B8D, s6;
	_ =	swait.eq @!p0 [sflag:s5], $0x1  }
0xb2: {  	s4 =	sor.u32 @!p0 s4, s6;
	[sflag:s5] =	ssyncadd.s32 @!p0 $0xFFFFFFFF  }
0xb3: {  	s25 =	simm.s32 $0x1B8E;
	s24 =	sld [smem:$0x3FFE];
	[sflag:s4] =	ssyncadd.remote.s32 @!p0 $0x1  }
0xb4: {  	s26 =	simm.s32 $execute0_lowered;
	[smem:$0x3FD2] =	sst s25  }
0xb5: {  	s5 =	sshll.u32 s26, $0x1;
	_ =	strace $0x80000052;
	[dreg:$0x1] =	wrdreg $0xFFFFFFFF  }
0xb6: {  	s28 =	simm.s32 $_size_execute0_lowered;
	s3 =	sadd.s32 s3, s5;
	[dreg:$0x0] =	wrdreg $0x0  }
0xb7: {  	s5 =	sshll.u32 s28, $0x1;
	[dreg:$0x2] =	wrdreg s3  }
0xb8: {  	[dreg:$0x3] =	wrdreg s5  }
0xb9: {  	[dreg:$0x4] =	wrdreg $0xC0  }
0xba: {  	_ =	task [dreg:s22], $0x5FFFF  }
0xbb: {  	[dreg:$0x1] =	wrdreg $0xFFFFFFFF  }
0xbc: {  	[dreg:$0x0] =	wrdreg $0x60  }
0xbd: {  	[dreg:$0x2] =	wrdreg s24  }
0xbe: {  	[dreg:$0x3] =	wrdreg $0x89000  }
0xbf: {  	[dreg:$0x4] =	wrdreg $0x1C9000  }
0xc0: {  	[dreg:$0x5] =	wrdreg $0xC  }
0xc1: {  	_ =	task.clear_ibuf [dreg:s22], $0x6FFFF;
	_ =	strace $0x90000052  }
0xc2: {  	s29 =	simm.s32 $0xC;
	_ =	strace $0x80000054  }
0xc3: {  	_ =	swait.ge [sflag:s29], $0x1  }
0xc4: {  	[sflag:s29] =	ssyncadd.s32 $0xFFFFFFFF  }
0xc5: {  	_ =	strace $0x90000054  }
0xc6: {  	_ =	sfence  }
0xc7: {  	s30 =	sld [smem:$0x0];
	_ =	sdelay $0x2  }
0xc8: {  	s31 =	sshll.u32 s1, $0xD;
	s1 =	sshrl.u32 s1, $0x2  }
0xc9: {  	s4 =	sand.u32 $0x4000, s31;
	s1 =	sadd.s32 s1, s30  }
0xca: {  	s0 =	sor.u32 s4, s0;
	s1 =	sshll.u32 s1, $0x11  }
0xcb: {  	s0 =	sor.u32 s1, s0  }
0xcc: {  	s0 =	sadd.s32 $0x8F2B, s0  }
0xcd: {  	[sflag:s0] =	ssyncadd.remote.s32 $0x1  }
0xce: {  	_ =	sfence.sel $0xFFFF  }
0xcf: {  	[dreg:$0x0] =	wrdreg $0xFFFFFFFF;
	(pc) =	sbr.abs _section_cstart, $3  }
0xd0: {  	[dreg:$0x1] =	wrdreg $0xFFFFFFFF  }
0xd1: {  	_ =	task.clear_ibuf [dreg:s22], $0x2FFFF;
	_ =	strace $0x9FFFFFFF  }
0xd2: {  	(tm) =	ssettm $0x7FFFFFFF  }
0xd3: {  	_ =	shalt  }
tec
execute0_lowered:
.L_overlay_start_1:
0x0: {  	(tag) =	ssettag $0x1  }
0x1: {  	s0 =	rddreg [dreg:$0x0]  }
0x2: {  	s2 =	rddreg [dreg:$0x1]  }
0x3: {  	s3 =	rddreg [dreg:$0x2]  }
0x4: {  	s1 =	srdreg.scid;
	s16 =	stileid.u32  }
0x5: {  	s4 =	simm.s32 $0x0;
	s28 =	simm.s32 $0x100;
	s29 =	simm.s32 $0x900  }
0x6: {  	s30 =	simm.s32 $0x1;
	s5 =	sand.u32 $0x1, s1;
	s19 =	smul.u32 $0x280, s16  }
0x7: {  	[smem:$0x7FF] =	sst s4;
	s6 =	sadd.s32 $0xC600, s0;
	s12 =	smul.u32 $0x50000, s16  }
0x8: {  	s7 =	sadd.s32 $0x7600, s0;
	s9 =	sadd.s32 $0x1A6E00, s0;
	s15 =	smul.u32 $0xA000, s16  }
0x9: {  	s8 =	smul.u32 $0x2800, s5;
	_ =	strace $0x80000053;
	s20 =	ssub.s32 $0x2, s5  }
0xa: {  	s14 =	sshrl.u32 s20, $0x1;
	s21 =	sshrl.u32 s12, $0x2;
	s22 =	sshrl.u32 s15, $0x2  }
0xb: {  	s24 =	sadd.s32 $0x80, s19;
	s26 =	sadd.s32 $0x100, s19;
	s18 =	sadd.s32 $0x180, s19  }
0xc: {  	s1 =	sadd.s32 $0x200, s19;
	s10 =	sadd.s32 s19, s8;
	s8 =	sadd.s32 $0xD9600, s0  }
0xd: {  	s23 =	ssub.s32 s20, s14;
	s12 =	sadd.s32 s22, s3;
	s25 =	sshll.u32 s24, $0x7  }
0xe: {  	s14 =	sshll.u32 s24, $0x4;
	s31 =	sshll.u32 s26, $0x7;
	s17 =	sshll.u32 s18, $0x7  }
0xf: {  	s18 =	sshll.u32 s18, $0x4;
	s19 =	sshll.u32 s1, $0x7;
	s1 =	sshll.u32 s1, $0x4  }
0x10: {  	s24 =	simm.s32 $0x2;
	s11 =	sshll.u32 s10, $0x4;
	s10 =	sshll.u32 s10, $0x1  }
0x11: {  	s15 =	sadd.s32 s25, s2;
	s14 =	sadd.s32 s14, s3;
	s17 =	sadd.s32 s17, s2  }
0x12: {  	s18 =	sadd.s32 s18, s3;
	s19 =	sadd.s32 s19, s2;
	s20 =	sadd.s32 s1, s3  }
.Ltmp0:
0x13: {  	s23 =	smax.u32 s23, $0x1;
	s25 =	simm.s32 $0x3;
	(pc) =	sbr.rel .LBB2_1-.Ltmp0, $4  }
0x14: {  	s13 =	sadd.s32 s11, s0;
	s0 =	sadd.s32 s10, s0;
	s10 =	sshll.u32 s16, $0x1  }
0x15: {  	s11 =	sadd.s32 s21, s2;
	[dreg:$0x4] =	wrdreg s15;
	s15 =	sadd.s32 s31, s2  }
0x16: {  	s16 =	sshll.u32 s26, $0x4;
	s26 =	simm.s32 $0x80;
	[dreg:$0x5] =	wrdreg s15  }
0x17: {  	v0 =	vimm.f32 $0.0e+00;
	s16 =	sadd.s32 s16, s3;
	s21 =	sadd.s32 $0x2DC000, s13;
	s22 =	sadd.s32 $0x2D2000, s0  }
.LBB2_19:
0x18: {  	s0 =	stileid.u32  }
0x19: {  	s0 =	sshll.u32 s0, $0x6  }
0x1a: {  	[bflag:$0x0] =	sbarrier.arrive $0xFFFF;
	s1 =	sshrl.u32 s11, $0x3;
	s0 =	sor.u32 $0x1C02, s0  }
0x1b: {  	[hbm:s21], [sflag:s0] =	dma.local [spmem:s1], $0x2800  }
0x1c: {  	s4 =	sadd.s32 $0x1, s4;
	_ =	swait.ge [sflag:s24], $0x2800  }
0x1d: {  	p0 =	sne.s32 s4, s23;
	[sflag:s24] =	ssyncset.done $0x0  }
.Ltmp1:
0x1e: {  	s31 =	sshrl.u32 s12, $0x3;
	[sflag:s24] =	ssyncadd.s32 $0xFFFFD800;
	(pc) =	sbr.rel @!p0 .LBB2_20-.Ltmp1, $4  }
0x1f: {  	[hbm:s22], [sflag:s0] =	dma.local [spmem:s31], $0x500  }
0x20: {  	_ =	swait.ge [sflag:s24], $0x500  }
0x21: {  	[sflag:s24] =	ssyncset.done $0x0  }
0x22: {  	[sflag:s24] =	ssyncadd.s32 $0xFFFFFB00  }
.LBB2_1:
0x23: {  	s0 =	simm.s32 $0x0;
	s1 =	simm.s32 $0x200  }
.LBB2_2:
0x24: {  	p0 =	sne.s32 s1, $0xFE00;
	[tilespmem:s0+$0x4970] =	vst v0  }
0x25: {  	[tilespmem:s0+$0x4900] =	vst v0  }
0x26: {  	[tilespmem:s0+$0x4910] =	vst v0  }
.Ltmp2:
0x27: {  	[tilespmem:s0+$0x4920] =	vst v0;
	(pc) =	sbr.rel @p0 .LBB2_2-.Ltmp2, $4  }
0x28: {  	[tilespmem:s0+$0x4930] =	vst v0  }
0x29: {  	[tilespmem:s0+$0x4940] =	vst v0  }
0x2a: {  	[tilespmem:s0+$0x4950] =	vst v0  }
0x2b: {  	[tilespmem:s0+$0x4960] =	vst v0;
	s0 =	sshra.s32 s1, $0x2;
	s1 =	sadd.s32 $0x200, s1  }
0x2c: {  	[tilespmem:s0+$0x4970] =	vst v0  }
0x2d: {  	[tilespmem:s0+$0x4900] =	vst v0  }
0x2e: {  	[tilespmem:s0+$0x4910] =	vst v0  }
0x2f: {  	[tilespmem:s0+$0x4920] =	vst v0  }
0x30: {  	[tilespmem:s0+$0x4930] =	vst v0  }
0x31: {  	[tilespmem:s0+$0x4940] =	vst v0  }
0x32: {  	[tilespmem:s0+$0x4950] =	vst v0  }
0x33: {  	[tilespmem:s0+$0x4960] =	vst v0;
	s0 =	simm.s32 $0x4900  }
0x34: {  	[spmem:s11] =	stream.linear.scatter [tilespmem:s0], [sflag:$0x2], $0x4000, $0x38;
	[tilespmem:$0x1F100] =	vst v63  }
0x35: {  	_ =	swait.ge [sflag:s24], $0x4000  }
0x36: {  	[sflag:s24] =	ssyncset.done $0x0  }
0x37: {  	s1 =	sadd.s32 $0x0, s12;
	[sflag:s24] =	ssyncadd.s32 $0xFFFFC000  }
0x38: {  	[spmem:s1] =	stream.linear.scatter [tilespmem:s0], [sflag:$0x2], $0x10, $0x38;
	[tilespmem:$0x1F100] =	vst v63  }
0x39: {  	s1 =	simm.s32 $0x40  }
.LBB2_4:
0x3a: {  	p0 =	sne.s32 s1, $0x1FC0  }
.Ltmp3:
0x3b: {  	_ = 	snop;
	(pc) =	sbr.rel @p0 .LBB2_4-.Ltmp3, $4  }
0x3c: {  	_ = 	snop  }
0x3d: {  	s13 =	sshra.s32 s1, $0x2;
	s1 =	sadd.s32 $0x40, s1  }
0x3e: {  	s0 =	sadd.s32 $0x80, s0;
	s13 =	sadd.s32 s13, s12  }
0x3f: {  	[spmem:s13] =	stream.linear.scatter [tilespmem:s0], [sflag:$0x2], $0x10, $0x38;
	[tilespmem:$0x1F100] =	vst v63  }
0x40: {  	_ =	swait.ge [sflag:s24], $0x800  }
0x41: {  	[sflag:s24] =	ssyncset.done $0x0  }
0x42: {  	s0 =	simm.s32 $0x4900;
	s1 =	rddreg [dreg:$0x4];
	[sflag:s24] =	ssyncadd.s32 $0xFFFFF800  }
0x43: {  	[spmem:s1] =	stream.linear.scatter [tilespmem:s0], [sflag:$0x2], $0x4000, $0x38;
	[tilespmem:$0x1F100] =	vst v63  }
0x44: {  	_ =	swait.ge [sflag:s24], $0x4000  }
0x45: {  	[sflag:s24] =	ssyncset.done $0x0  }
0x46: {  	s31 =	sadd.s32 $0x0, s14;
	s1 =	simm.s32 $0x40;
	[sflag:s24] =	ssyncadd.s32 $0xFFFFC000  }
0x47: {  	[spmem:s31] =	stream.linear.scatter [tilespmem:s0], [sflag:$0x2], $0x10, $0x38;
	[tilespmem:$0x1F100] =	vst v63  }
.LBB2_6:
0x48: {  	p0 =	sne.s32 s1, $0x1FC0  }
.Ltmp4:
0x49: {  	_ = 	snop;
	(pc) =	sbr.rel @p0 .LBB2_6-.Ltmp4, $4  }
0x4a: {  	_ = 	snop  }
0x4b: {  	s13 =	sshra.s32 s1, $0x2;
	s1 =	sadd.s32 $0x40, s1  }
0x4c: {  	s0 =	sadd.s32 $0x80, s0;
	s13 =	sadd.s32 s13, s14  }
0x4d: {  	[spmem:s13] =	stream.linear.scatter [tilespmem:s0], [sflag:$0x2], $0x10, $0x38;
	[tilespmem:$0x1F100] =	vst v63  }
0x4e: {  	_ =	swait.ge [sflag:s24], $0x800  }
0x4f: {  	[sflag:s24] =	ssyncset.done $0x0  }
0x50: {  	s0 =	simm.s32 $0x4900;
	s1 =	rddreg [dreg:$0x5];
	[sflag:s24] =	ssyncadd.s32 $0xFFFFF800  }
0x51: {  	[spmem:s1] =	stream.linear.scatter [tilespmem:s0], [sflag:$0x2], $0x4000, $0x38;
	[tilespmem:$0x1F100] =	vst v63  }
0x52: {  	_ =	swait.ge [sflag:s24], $0x4000  }
0x53: {  	[sflag:s24] =	ssyncset.done $0x0  }
0x54: {  	s31 =	sadd.s32 $0x0, s16;
	s1 =	simm.s32 $0x40;
	[sflag:s24] =	ssyncadd.s32 $0xFFFFC000  }
0x55: {  	[spmem:s31] =	stream.linear.scatter [tilespmem:s0], [sflag:$0x2], $0x10, $0x38;
	[tilespmem:$0x1F100] =	vst v63  }
.LBB2_8:
0x56: {  	p0 =	sne.s32 s1, $0x1FC0  }
.Ltmp5:
0x57: {  	_ = 	snop;
	(pc) =	sbr.rel @p0 .LBB2_8-.Ltmp5, $4  }
0x58: {  	_ = 	snop  }
0x59: {  	s13 =	sshra.s32 s1, $0x2;
	s1 =	sadd.s32 $0x40, s1  }
0x5a: {  	s0 =	sadd.s32 $0x80, s0;
	s13 =	sadd.s32 s13, s16  }
0x5b: {  	[spmem:s13] =	stream.linear.scatter [tilespmem:s0], [sflag:$0x2], $0x10, $0x38;
	[tilespmem:$0x1F100] =	vst v63  }
0x5c: {  	_ =	swait.ge [sflag:s24], $0x800  }
0x5d: {  	[sflag:s24] =	ssyncset.done $0x0  }
0x5e: {  	s0 =	simm.s32 $0x4900;
	[sflag:s24] =	ssyncadd.s32 $0xFFFFF800  }
0x5f: {  	[spmem:s17] =	stream.linear.scatter [tilespmem:s0], [sflag:$0x2], $0x4000, $0x38;
	[tilespmem:$0x1F100] =	vst v63  }
0x60: {  	_ =	swait.ge [sflag:s24], $0x4000  }
0x61: {  	[sflag:s24] =	ssyncset.done $0x0  }
0x62: {  	s1 =	sadd.s32 $0x0, s18;
	[sflag:s24] =	ssyncadd.s32 $0xFFFFC000  }
0x63: {  	[spmem:s1] =	stream.linear.scatter [tilespmem:s0], [sflag:$0x2], $0x10, $0x38;
	[tilespmem:$0x1F100] =	vst v63  }
0x64: {  	s1 =	simm.s32 $0x40  }
.LBB2_10:
0x65: {  	p0 =	sne.s32 s1, $0x1FC0  }
.Ltmp6:
0x66: {  	_ = 	snop;
	(pc) =	sbr.rel @p0 .LBB2_10-.Ltmp6, $4  }
0x67: {  	_ = 	snop  }
0x68: {  	s13 =	sshra.s32 s1, $0x2;
	s1 =	sadd.s32 $0x40, s1  }
0x69: {  	s0 =	sadd.s32 $0x80, s0;
	s13 =	sadd.s32 s13, s18  }
0x6a: {  	[spmem:s13] =	stream.linear.scatter [tilespmem:s0], [sflag:$0x2], $0x10, $0x38;
	[tilespmem:$0x1F100] =	vst v63  }
0x6b: {  	_ =	swait.ge [sflag:s24], $0x800  }
0x6c: {  	[sflag:s24] =	ssyncset.done $0x0  }
0x6d: {  	s0 =	simm.s32 $0x4900;
	[sflag:s24] =	ssyncadd.s32 $0xFFFFF800  }
0x6e: {  	[spmem:s19] =	stream.linear.scatter [tilespmem:s0], [sflag:$0x2], $0x4000, $0x38;
	[tilespmem:$0x1F100] =	vst v63  }
0x6f: {  	_ =	swait.ge [sflag:s24], $0x4000  }
0x70: {  	[sflag:s24] =	ssyncset.done $0x0  }
0x71: {  	s1 =	sadd.s32 $0x0, s20;
	[sflag:s24] =	ssyncadd.s32 $0xFFFFC000  }
0x72: {  	[spmem:s1] =	stream.linear.scatter [tilespmem:s0], [sflag:$0x2], $0x10, $0x38;
	[tilespmem:$0x1F100] =	vst v63  }
0x73: {  	s1 =	simm.s32 $0x40  }
.LBB2_12:
0x74: {  	p0 =	sne.s32 s1, $0x1FC0  }
.Ltmp7:
0x75: {  	_ = 	snop;
	(pc) =	sbr.rel @p0 .LBB2_12-.Ltmp7, $4  }
0x76: {  	_ = 	snop  }
0x77: {  	s13 =	sshra.s32 s1, $0x2;
	s1 =	sadd.s32 $0x40, s1  }
0x78: {  	s0 =	sadd.s32 $0x80, s0;
	s13 =	sadd.s32 s13, s20  }
0x79: {  	[spmem:s13] =	stream.linear.scatter [tilespmem:s0], [sflag:$0x2], $0x10, $0x38;
	[tilespmem:$0x1F100] =	vst v63  }
.Ltmp8:
0x7a: {  	_ =	swait.ge [sflag:s24], $0x800;
	(pc) =	sbr.rel .LBB2_14-.Ltmp8, $4  }
0x7b: {  	[sflag:s24] =	ssyncset.done $0x0  }
0x7c: {  	[sflag:s24] =	ssyncadd.s32 $0xFFFFF800  }
0x7d: {  	[bflag:$0x0] =	sbarrier.arrive $0xFFFF  }
0x7e: {  	s31 =	simm.s32 $0x0  }
.LBB2_18:
0x7f: {  	s31 =	sadd.s32 $0x1, s31  }
0x80: {  	p0 =	sne.s32 s31, $0x28  }
.Ltmp9:
0x81: {  	_ = 	snop;
	(pc) =	sbr.rel @!p0 .LBB2_19-.Ltmp9, $1  }
0x82: {  	_ =	sdelay $0x3  }
.LBB2_14:
0x83: {  	s0 =	sshll.u32 s31, $0x5  }
0x84: {  	s0 =	sor.u32 s10, s0  }
0x85: {  	p0 =	sgt.u32 s0, $0x4E1  }
.Ltmp10:
0x86: {  	_ = 	snop;
	(pc) =	sbr.rel @p0 .LBB2_18-.Ltmp10, $1  }
0x87: {  	_ =	sdelay $0x3  }
0x88: {  	s0 =	sor.u32 s5, s0  }
0x89: {  	s1 =	sshll.u32 s0, $0x4  }
0x8a: {  	s15 =	simm.s32 $0x0;
	s13 =	sadd.s32 s6, s1  }
0x8b: {  	[tilespmem:s15], [sflag:$0x3] =	stream.linear.gather [hbm4b:s13+s15], $0x80, $0x38;
	[tilespmem:$0x1F100] =	vst v63  }
0x8c: {  	_ =	swait.ge [sflag:s25], $0x80  }
0x8d: {  	[sflag:s25] =	ssyncset.done $0x0  }
0x8e: {  	s1 =	sadd.s32 s7, s1;
	[sflag:s25] =	ssyncadd.s32 $0xFFFFFF80  }
0x8f: {  	[tilespmem:s26], [sflag:$0x3] =	stream.linear.gather [hbm4b:s1+s15], $0x80, $0x38;
	[tilespmem:$0x1F100] =	vst v63  }
0x90: {  	_ =	swait.ge [sflag:s25], $0x80  }
0x91: {  	s0 =	sshll.u32 s0, $0x8;
	[sflag:s25] =	ssyncset.done $0x0  }
0x92: {  	s0 =	sadd.s32 s8, s0;
	[sflag:s25] =	ssyncadd.s32 $0xFFFFFF80  }
0x93: {  	[tilespmem:s28], [sflag:$0x3] =	stream.linear.gather [hbm4b:s0+s15], $0x800, $0x38;
	[tilespmem:$0x1F100] =	vst v63  }
0x94: {  	_ =	swait.ge [sflag:s25], $0x800  }
0x95: {  	[sflag:s25] =	ssyncset.done $0x0  }
0x96: {  	[sflag:s25] =	ssyncadd.s32 $0xFFFFF800  }
0x97: {  	[tilespmem:s29], [sflag:$0x1] =	stream.indirect.gather [hbm4b:s9+s26], $0x80, s15, s26, $0xb8;
	[tilespmem:$0x1F100] =	vst v63  }
0x98: {  	_ =	swait.ge [sflag:s30], $0x4000  }
0x99: {  	[sflag:s30] =	ssyncset.done $0x0  }
0x9a: {  	s0 =	simm.s32 $0x940;
	[sflag:s30] =	ssyncadd.s32 $0xFFFFC000  }
0x9b: {  	s15 =	simm.s32 $0x0;
	v6 =	vld [tilespmem:s0+$0x30]  }
0x9c: {  	v3 =	vld [tilespmem:s15+$0x100]  }
0x9d: {  	v9 =	vld [tilespmem:s0+$0x10]  }
0x9e: {  	v7 =	vld [tilespmem:s0+$0xFFFFFFC0]  }
0x9f: {  	v11 =	vld [tilespmem:s0+$0xFFFFFFE0]  }
0xa0: {  	v1 =	vld [tilespmem:s0+$0xFFFFFFF0]  }
0xa1: {  	v4 =	vld [tilespmem:s0+$0x20];
	v2 =	vbroadcast v3, $0x6;
	v3 =	vbroadcast v3, $0x7  }
0xa2: {  	v5 =	vld [tilespmem:s0+$0xFFFFFFD0]  }
0xa3: {  	v10 =	vmul.f32 v6, v3;
	v6 =	vld [tilespmem:s0+$0x0]  }
0xa4: {  	v8 =	vmul.f32 v2, v7  }
0xa5: {  	s13 =	simm.s32 $0x940;
	s1 =	simm.s32 $0x40;
	v7 =	vmul.f32 v11, v2;
	v9 =	vmul.f32 v9, v3  }
.LBB2_16:
0xa6: {  	p0 =	sne.s32 s1, $0x1FC0  }
0xa7: {  	v5 =	vmul.f32 v5, v2;
	v4 =	vmul.f32 v4, v3;
	[tilespmem:s0+$0x30] =	vst v10;
	s13 =	sadd.s32 $0x80, s13;
	s15 =	smov.u32 s1;
	s1 =	sadd.s32 $0x40, s1  }
0xa8: {  	v1 =	vmul.f32 v1, v2;
	[tilespmem:s0+$0xFFFFFFC0] =	vst v8;
	v2 =	vmul.f32 v6, v3  }
0xa9: {  	[tilespmem:s0+$0x10] =	vst v9  }
0xaa: {  	[tilespmem:s0+$0xFFFFFFE0] =	vst v7  }
0xab: {  	[tilespmem:s0+$0xFFFFFFF0] =	vst v1  }
0xac: {  	v1 =	vld [tilespmem:s13+$0xFFFFFFF0];
	[tilespmem:s0+$0x0] =	vst v2  }
0xad: {  	v7 =	vld [tilespmem:s13+$0x30];
	[tilespmem:s0+$0x20] =	vst v4  }
0xae: {  	s15 =	sshra.s32 s15, $0x2;
	v9 =	vld [tilespmem:s13+$0x10];
	[tilespmem:s0+$0xFFFFFFD0] =	vst v5;
	s0 =	smov.u32 s13  }
0xaf: {  	v3 =	vld [tilespmem:s15+$0x100]  }
0xb0: {  	v8 =	vld [tilespmem:s13+$0xFFFFFFC0]  }
0xb1: {  	v11 =	vld [tilespmem:s13+$0xFFFFFFE0]  }
0xb2: {  	v4 =	vld [tilespmem:s13+$0x20]  }
.Ltmp11:
0xb3: {  	v5 =	vld [tilespmem:s13+$0xFFFFFFD0];
	(pc) =	sbr.rel @p0 .LBB2_16-.Ltmp11, $3  }
0xb4: {  	v2 =	vbroadcast v3, $0x6;
	v6 =	vld [tilespmem:s13+$0x0];
	v3 =	vbroadcast v3, $0x7;
	_ =	sdelay $0x1  }
0xb5: {  	v8 =	vmul.f32 v2, v8;
	v10 =	vmul.f32 v7, v3  }
0xb6: {  	v7 =	vmul.f32 v11, v2;
	v9 =	vmul.f32 v9, v3  }
0xb7: {  	[tilespmem:s0+$0x30] =	vst v10  }
0xb8: {  	[tilespmem:s0+$0xFFFFFFC0] =	vst v8  }
0xb9: {  	v1 =	vmul.f32 v1, v2;
	[tilespmem:s0+$0x10] =	vst v9  }
0xba: {  	v6 =	vmul.f32 v6, v3;
	[tilespmem:s0+$0xFFFFFFE0] =	vst v7  }
0xbb: {  	v3 =	vmul.f32 v4, v3;
	[tilespmem:s0+$0xFFFFFFF0] =	vst v1  }
0xbc: {  	v1 =	vmul.f32 v5, v2;
	[tilespmem:s0+$0x0] =	vst v6  }
0xbd: {  	[tilespmem:s0+$0x20] =	vst v3  }
0xbe: {  	[tilespmem:s0+$0xFFFFFFD0] =	vst v1  }
0xbf: {  	[spmem:s2] =	stream.indirect.scatter.add.f32 [tilespmem:s29], [sflag:$0x3], $0x80, s26, s26, $0xb8;
	[tilespmem:$0x1F100] =	vst v63  }
0xc0: {  	_ =	swait.ge [sflag:s25], $0x4000  }
0xc1: {  	[sflag:s25] =	ssyncset.done $0x0  }
.Ltmp12:
0xc2: {  	[sflag:s25] =	ssyncadd.s32 $0xFFFFC000;
	(pc) =	sbr.rel .LBB2_18-.Ltmp12, $4  }
0xc3: {  	[spmem:s3] =	stream.indirect.scatter.add.f32 [tilespmem:s28], [sflag:$0x2], $0x10, s26, s26, $0xb8;
	[tilespmem:$0x1F100] =	vst v63  }
0xc4: {  	_ =	swait.ge [sflag:s24], $0x800  }
0xc5: {  	[sflag:s24] =	ssyncset.done $0x0  }
0xc6: {  	[sflag:s24] =	ssyncadd.s32 $0xFFFFF800  }
.LBB2_20:
0xc7: {  	_ =	sfence.sel $0x180000  }
0xc8: {  	[bflag:$0x0] =	sbarrier.arrive $0xFFFF  }
0xc9: {  	_ =	strace $0x90000053  }
0xca: {  	s0 =	stileid.u32;
	[bflag:$0x2] =	sbarrier.arrive $0xFFFF  }
0xcb: {  	p0 =	sne.s32 s0, $0x0;
	s0 =	rddreg [dreg:$0x3]  }
0xcc: {  	s0 =	sadd.s32 @!p0 $0x100000, s0  }
0xcd: {  	[sflag:s0] =	ssyncadd.tile.s32 @!p0 $0x1;
	_ =	shalt  }
.Lfunc_end2:
_tile_overlayer_lowered:
.L_overlay_start_2:
0xce: {  	(tag) =	ssettag $0x2  }
0xcf: {  	s0 =	rddreg [dreg:$0x0];
	s2 =	stileid.u32  }
0xd0: {  	s1 =	rddreg [dreg:$0x1];
	p0 =	sne.s32 s2, $0x0  }
0xd1: {  	s3 =	rddreg [dreg:$0x2];
	[bflag:$0x3] =	sbarrier.arrive $0xFFFF;
	s2 =	simm.s32 @!p0 $0x1C02  }
0xd2: {  	[timem:s3], [sflag:s2] =	dma.local @!p0 [hbm:s0], s1  }
0xd3: {  	s0 =	simm.s32 @!p0 $0x2  }
0xd4: {  	_ =	swait.ge @!p0 [sflag:s0], s1  }
0xd5: {  	s1 =	ssub.s32 @!p0 $0x0, s1;
	[sflag:s0] =	ssyncset.done @!p0 $0x0  }
0xd6: {  	[sflag:s0] =	ssyncadd.s32 @!p0 s1  }
0xd7: {  	[bflag:$0x3] =	sbarrier.arrive $0xFFFF  }
0xd8: {  	_ =	shalt  }

// kernel: kernel.27.cloned.1.call-start
scs
__scs_entry_jumppad:
0x0: {  	(pc) =	sbr.rel $0x88, $3  }
0x1: {  	(tag) =	ssettag $0x0;
	lr =	simm.s32 $0x1  }
0x2: {  	[smem:$0x3F92] =	sst lr;
	_ =	strace $0xD0000000  }
0x3: {  	_ = 	snop  }
0x4: {  	_ = 	snop  }
0x5: {  	_ = 	snop  }
0x6: {  	_ = 	snop  }
0x7: {  	_ = 	snop  }
__scs_overlays_trampoline_lowered:
0x8: {  	[smem:$0x3FA1] =	sst s0  }
0x9: {  	[smem:$0x3FA2] =	sst s1  }
0xa: {  	[smem:$0x3FA3] =	sst s2  }
0xb: {  	[smem:$0x3FA4] =	sst s3  }
0xc: {  	[smem:$0x3FA5] =	sst s4  }
0xd: {  	[smem:$0x3FA6] =	sst s5  }
0xe: {  	[smem:$0x3FA7] =	sst s6  }
0xf: {  	[smem:$0x3FA8] =	sst s7  }
0x10: {  	[smem:$0x3FA9] =	sst s8  }
0x11: {  	[smem:$0x3FAA] =	sst s9;
	s0 =	simm.s32 @!p0 $0x0  }
0x12: {  	s1 =	sld [smem:$0x3F90];
	s0 =	simm.s32 @p0 $0x1  }
0x13: {  	[smem:$0x3FAB] =	sst s0;
	s0 =	simm.s32 @!p1 $0x0  }
0x14: {  	s2 =	sld [smem:$0x3F8F];
	s0 =	simm.s32 @p1 $0x1  }
0x15: {  	[smem:$0x3FAC] =	sst s0;
	s0 =	simm.s32 @!p2 $0x0  }
0x16: {  	s3 =	sld [smem:$0x3FDB];
	s0 =	simm.s32 @p2 $0x1  }
0x17: {  	s4 =	simm.s32 $0x1BF5;
	[smem:$0x3FAE] =	sst s0  }
0x18: {  	s0 =	sld [smem:$0x3F91];
	_ =	swait.ge [sflag:s4], $0x0  }
0x19: {  	s7 =	sld [smem:$0x3F92]  }
0x1a: {  	s8 =	sadd.s32 $0xFFFFE003, lr  }
0x1b: {  	s9 =	sadd.s32 $0xFFFFFEF7, lr;
	s5 =	simm.s32 $0xFFFFFFFF;
	p2 =	slt.u32 s8, $0xFFFFF086  }
0x1c: {  	p1 =	slt.u32 s9, $0xF7A;
	s5 =	simm.s32 @!p2 $0x0  }
0x1d: {  	s5 =	simm.s32 @p1 $0x1;
	p0 =	seq.s32 s7, s2  }
0x1e: {  	s7 =	smul.u32 @!p0 $0xF7A, s2;
	p2 =	seq.s32 @!p0 s5, $0x0  }
0x1f: {  	s9 =	smul.u32 $0xF7A, s1;
	s8 =	simm.s32 @!p0 $0x1BF5;
	p2 =	por !p2, p0  }
0x20: {  	[sflag:s8] =	ssyncset.s32 @!p0 $0xFFFFF086;
	s6 =	sadd.s32 @!p0 s3, s7;
	s7 =	simm.s32 @!p0 $0x108  }
0x21: {  	s3 =	sadd.s32 s3, s9;
	s6 =	sadd.s32 @!p0 $0x88, s6;
	s7 =	simm.s32 @p2 $0x1082  }
0x22: {  	[simem:s7], [sflag:s8] =	dma.local @!p0 [hbm:s6], $0xF7A  }
0x23: {  	s9 =	sor.u32 $0xD0000000, s2;
	s6 =	simm.s32 $0x108;
	_ =	swait.ge @!p0 [sflag:s8], $0x0  }
0x24: {  	s3 =	sadd.s32 $0x88, s3;
	s6 =	simm.s32 @!p1 $0x1082;
	[sflag:s4] =	ssyncset.s32 $0xFFFFF086  }
0x25: {  	[simem:s6], [sflag:s4] =	dma.local [hbm:s3], $0xF7A  }
0x26: {  	[smem:$0x3F92] =	sst s1;
	(tag) =	ssettag s2;
	_ =	strace s9  }
0x27: {  	s1 =	sld [smem:$0x3FA2]  }
0x28: {  	s2 =	sld [smem:$0x3FA3]  }
0x29: {  	s4 =	sld [smem:$0x3FA5]  }
0x2a: {  	p0 =	seq.s32 s5, $0x0;
	s5 =	sld [smem:$0x3FA6]  }
0x2b: {  	s6 =	sld [smem:$0x3FA7]  }
0x2c: {  	s7 =	sld [smem:$0x3FA8]  }
0x2d: {  	s3 =	simm.s32 $0x108;
	s8 =	sld [smem:$0x3FA9]  }
0x2e: {  	s3 =	simm.s32 @!p0 $0x1082;
	s9 =	sld [smem:$0x3FAA]  }
0x2f: {  	lr =	sadd.s32 s0, s3;
	s0 =	sld [smem:$0x3FA1]  }
0x30: {  	s3 =	sld [smem:$0x3FA4]  }
0x31: {  	[smem:$0x3FAD] =	sst s10  }
0x32: {  	s10 =	sld [smem:$0x3FAB];
	_ =	sdelay $0x3  }
0x33: {  	p0 =	seq.s32 s10, $0x1;
	s10 =	sld [smem:$0x3FAD];
	_ =	sdelay $0x3  }
0x34: {  	[smem:$0x3FAD] =	sst s10  }
0x35: {  	s10 =	sld [smem:$0x3FAC];
	_ =	sdelay $0x3  }
0x36: {  	p1 =	seq.s32 s10, $0x1;
	s10 =	sld [smem:$0x3FAD];
	_ =	sdelay $0x3  }
0x37: {  	[smem:$0x3FAD] =	sst s10  }
0x38: {  	s10 =	sld [smem:$0x3FAE]  }
0x39: {  	_ = 	snop;
	(pc) =	sbr.ind lr, $3  }
0x3a: {  	_ = 	snop  }
0x3b: {  	_ = 	snop  }
0x3c: {  	p2 =	seq.s32 s10, $0x1;
	s10 =	sld [smem:$0x3FAD]  }
0x3d: {  	_ =	shalt  }
0x3e: {  	_ =	shalt  }
0x3f: {  	_ =	shalt  }
0x40: {  	_ =	shalt  }
0x41: {  	_ =	shalt  }
0x42: {  	_ =	shalt  }
0x43: {  	_ =	shalt  }
0x44: {  	_ =	shalt  }
0x45: {  	_ =	shalt  }
0x46: {  	_ =	shalt  }
0x47: {  	_ =	shalt  }
0x48: {  	_ =	shalt  }
0x49: {  	_ =	shalt  }
0x4a: {  	_ =	shalt  }
0x4b: {  	_ =	shalt  }
0x4c: {  	_ =	shalt  }
0x4d: {  	_ =	shalt  }
0x4e: {  	_ =	shalt  }
0x4f: {  	_ =	shalt  }
0x50: {  	_ =	shalt  }
0x51: {  	_ =	shalt  }
0x52: {  	_ =	shalt  }
0x53: {  	_ =	shalt  }
0x54: {  	_ =	shalt  }
0x55: {  	_ =	shalt  }
0x56: {  	_ =	shalt  }
0x57: {  	_ =	shalt  }
0x58: {  	_ =	shalt  }
0x59: {  	_ =	shalt  }
0x5a: {  	_ =	shalt  }
0x5b: {  	_ =	shalt  }
0x5c: {  	_ =	shalt  }
0x5d: {  	_ =	shalt  }
0x5e: {  	_ =	shalt  }
0x5f: {  	_ =	shalt  }
0x60: {  	_ =	shalt  }
0x61: {  	_ =	shalt  }
0x62: {  	_ =	shalt  }
0x63: {  	_ =	shalt  }
0x64: {  	_ =	shalt  }
0x65: {  	_ =	shalt  }
0x66: {  	_ =	shalt  }
0x67: {  	_ =	shalt  }
0x68: {  	_ =	shalt  }
0x69: {  	_ =	shalt  }
0x6a: {  	_ =	shalt  }
0x6b: {  	_ =	shalt  }
0x6c: {  	_ =	shalt  }
0x6d: {  	_ =	shalt  }
0x6e: {  	_ =	shalt  }
0x6f: {  	_ =	shalt  }
0x70: {  	_ =	shalt  }
0x71: {  	_ =	shalt  }
0x72: {  	_ =	shalt  }
0x73: {  	_ =	shalt  }
0x74: {  	_ =	shalt  }
0x75: {  	_ =	shalt  }
0x76: {  	_ =	shalt  }
0x77: {  	_ =	shalt  }
0x78: {  	_ =	shalt  }
0x79: {  	_ =	shalt  }
0x7a: {  	_ =	shalt  }
0x7b: {  	_ =	shalt  }
0x7c: {  	_ =	shalt  }
0x7d: {  	_ =	shalt  }
0x7e: {  	_ =	shalt  }
0x7f: {  	_ =	shalt  }
0x80: {  	_ =	shalt  }
0x81: {  	_ =	shalt  }
0x82: {  	_ =	shalt  }
0x83: {  	_ =	shalt  }
0x84: {  	_ =	shalt  }
0x85: {  	_ =	shalt  }
0x86: {  	_ =	shalt  }
0x87: {  	_ =	shalt  }
.Lfunc_end0:
.L_simem_size_0:
called_computation.5_lowered:
.L_overlay_start_0:
0x88: {  	s2 =	sld [smem:$0x3FD9]  }
0x89: {  	s3 =	sld [smem:$0x3FFE];
	_ =	sdelay $0x1  }
0x8a: {  	s1 =	srdreg.scid  }
0x8b: {  	s0 =	sand.u32 $0x1, s1  }
0x8c: {  	s16 =	sshll.u32 s0, $0xA;
	s2 =	sadd.s32 s3, s2  }
0x8d: {  	s2 =	sadd.s32 s2, s16  }
0x8e: {  	[smem:$0x3FB9] =	sst s2  }
0x8f: {  	_ = 	snop  }
0x90: {  	(tm) =	ssettm $0x1  }
0x91: {  	s17 =	sld [smem:$0x3FFB];
	_ =	sdelay $0x3  }
0x92: {  	_ =	strace s17  }
0x93: {  	s2 =	sld [smem:$0x3FFC];
	_ =	sdelay $0x3  }
0x94: {  	_ =	strace s2  }
0x95: {  	s2 =	sld [smem:$0x3FFD];
	_ =	sdelay $0x3  }
0x96: {  	_ =	strace s2  }
0x97: {  	_ =	strace $0x8FFFFFFF  }
0x98: {  	s18 =	sld [smem:$0x3FDB];
	_ =	sdelay $0x1  }
0x99: {  	s19 =	simm.s32 $_scs_section_size  }
0x9a: {  	s4 =	simm.s32 $_size__tile_overlayer_lowered;
	s5 =	simm.s32 $_tile_overlayer_lowered  }
0x9b: {  	s22 =	simm.s32 $0x1BFF;
	s21 =	sshll.u32 s5, $0x1;
	s2 =	sadd.s32 s19, s18  }
0x9c: {  	s6 =	simm.s32 $0x0;
	s20 =	sshll.u32 s4, $0x1;
	s4 =	sadd.s32 s21, s2  }
0x9d: {  	[timem:s6], [sflag:s22] =	dma.local [hbm:s4], s20  }
0x9e: {  	_ =	swait.ge [sflag:s22], s20  }
0x9f: {  	s3 =	ssub.s32 $0x0, s20;
	[sflag:s22] =	ssyncset.done $0x0  }
0xa0: {  	[sflag:s22] =	ssyncadd.s32 s3;
	_ =	sdelay $0x1  }
0xa1: {  	s23 =	simm.s32 $0x1B8B  }
0xa2: {  	_ =	swait.ge [sflag:s23], $0x1  }
0xa3: {  	[sflag:s23] =	ssyncset.done $0x0  }
0xa4: {  	s25 =	simm.s32 $0x1B8E;
	s24 =	sld [smem:$0x3FFE];
	[sflag:s23] =	ssyncadd.s32 $0xFFFFFFFF  }
0xa5: {  	s26 =	simm.s32 $execute0_lowered;
	[smem:$0x3FD2] =	sst s25  }
0xa6: {  	s4 =	sshll.u32 s26, $0x1;
	_ =	strace $0x80000055;
	[dreg:$0x1] =	wrdreg $0xFFFFFFFF  }
0xa7: {  	s28 =	simm.s32 $_size_execute0_lowered;
	s2 =	sadd.s32 s2, s4;
	[dreg:$0x0] =	wrdreg $0x0  }
0xa8: {  	s4 =	sshll.u32 s28, $0x1;
	[dreg:$0x2] =	wrdreg s2  }
0xa9: {  	[dreg:$0x3] =	wrdreg s4  }
0xaa: {  	[dreg:$0x4] =	wrdreg $0xC0  }
0xab: {  	_ =	task [dreg:s6], $0x5FFFF  }
0xac: {  	[dreg:$0x1] =	wrdreg $0xFFFFFFFF  }
0xad: {  	[dreg:$0x0] =	wrdreg $0x60  }
0xae: {  	[dreg:$0x2] =	wrdreg s24  }
0xaf: {  	[dreg:$0x3] =	wrdreg $0x9  }
0xb0: {  	_ =	task.clear_ibuf [dreg:s6], $0x4FFFF;
	_ =	strace $0x90000055  }
0xb1: {  	s29 =	simm.s32 $0x9;
	_ =	strace $0x80000057  }
0xb2: {  	_ =	swait.ge [sflag:s29], $0x1  }
0xb3: {  	[sflag:s29] =	ssyncadd.s32 $0xFFFFFFFF  }
0xb4: {  	_ =	strace $0x90000057  }
0xb5: {  	_ =	sfence  }
0xb6: {  	s30 =	sld [smem:$0x0];
	_ =	sdelay $0x2  }
0xb7: {  	s31 =	sshll.u32 s1, $0xD;
	s1 =	sshrl.u32 s1, $0x2  }
0xb8: {  	s3 =	sand.u32 $0x4000, s31;
	s1 =	sadd.s32 s1, s30  }
0xb9: {  	s0 =	sor.u32 s3, s0;
	s1 =	sshll.u32 s1, $0x11  }
0xba: {  	s0 =	sor.u32 s1, s0  }
0xbb: {  	s0 =	sadd.s32 $0x8F2B, s0  }
0xbc: {  	[sflag:s0] =	ssyncadd.remote.s32 $0x1  }
0xbd: {  	_ =	sfence.sel $0xFFFF  }
0xbe: {  	[dreg:$0x0] =	wrdreg $0xFFFFFFFF;
	(pc) =	sbr.abs _section_cstart, $3  }
0xbf: {  	[dreg:$0x1] =	wrdreg $0xFFFFFFFF  }
0xc0: {  	_ =	task.clear_ibuf [dreg:s6], $0x2FFFF;
	_ =	strace $0x9FFFFFFF  }
0xc1: {  	(tm) =	ssettm $0x7FFFFFFF  }
tec
execute0_lowered:
.L_overlay_start_1:
0x0: {  	(tag) =	ssettag $0x1  }
0x1: {  	s8 =	rddreg [dreg:$0x0]  }
0x2: {  	s0 =	rddreg [dreg:$0x1];
	s1 =	simm.s32 $0x0;
	s2 =	srdreg.scid  }
0x3: {  	s4 =	stileid.u32;
	s11 =	simm.s32 $0x4;
	s12 =	simm.s32 $0x80  }
0x4: {  	s13 =	simm.s32 $0x100;
	s14 =	simm.s32 $0x900;
	s15 =	simm.s32 $0x1  }
0x5: {  	s16 =	simm.s32 $0x2;
	s17 =	simm.s32 $0x1100;
	s18 =	simm.s32 $0x3  }
.Ltmp0:
0x6: {  	s19 =	simm.s32 $0x0;
	s2 =	sand.u32 $0x1, s2;
	(pc) =	sbr.rel .LBB2_1-.Ltmp0, $4  }
0x7: {  	[smem:$0x7FF] =	sst s1;
	s3 =	sadd.s32 $0xC600, s8;
	s9 =	ssub.s32 $0x2, s2  }
0x8: {  	s5 =	sadd.s32 $0x7600, s8;
	s6 =	sadd.s32 $0x16600, s8;
	s10 =	sshrl.u32 s9, $0x1  }
0x9: {  	s7 =	sadd.s32 $0x11600, s8;
	s8 =	sadd.s32 $0x1B600, s8;
	s10 =	ssub.s32 s9, s10  }
0xa: {  	_ =	strace $0x80000056;
	s9 =	sshll.u32 s4, $0x1;
	s10 =	smax.u32 s10, $0x1  }
.LBB2_7:
0xb: {  	s19 =	sadd.s32 $0x1, s19  }
0xc: {  	p0 =	sne.s32 s19, s10  }
.Ltmp1:
0xd: {  	_ = 	snop;
	(pc) =	sbr.rel @!p0 .LBB2_8-.Ltmp1, $1  }
0xe: {  	_ =	sdelay $0x3  }
.LBB2_1:
.Ltmp2:
0xf: {  	(pc) =	sbr.rel .LBB2_2-.Ltmp2, $2  }
0x10: {  	_ =	sdelay $0x2  }
0x11: {  	s20 =	simm.s32 $0x0  }
.LBB2_6:
0x12: {  	s20 =	sadd.s32 $0x1, s20  }
0x13: {  	p0 =	sne.s32 s20, $0x28  }
.Ltmp3:
0x14: {  	_ = 	snop;
	(pc) =	sbr.rel @!p0 .LBB2_7-.Ltmp3, $1  }
0x15: {  	_ =	sdelay $0x3  }
.LBB2_2:
0x16: {  	s21 =	sshll.u32 s20, $0x5  }
0x17: {  	s21 =	sor.u32 s9, s21  }
0x18: {  	p0 =	sgt.u32 s21, $0x4E1  }
.Ltmp4:
0x19: {  	_ = 	snop;
	(pc) =	sbr.rel @p0 .LBB2_6-.Ltmp4, $1  }
0x1a: {  	_ =	sdelay $0x3  }
0x1b: {  	s21 =	sor.u32 s2, s21  }
0x1c: {  	s22 =	sshll.u32 s21, $0x4  }
0x1d: {  	s24 =	simm.s32 $0x0;
	s23 =	sadd.s32 s3, s22  }
0x1e: {  	[tilespmem:s24], [sflag:$0x4] =	stream.linear.gather [hbm4b:s23+s24], $0x80, $0x38;
	[tilespmem:$0x1900] =	vst v63  }
0x1f: {  	_ =	swait.ge [sflag:s11], $0x80  }
0x20: {  	[sflag:s11] =	ssyncset.done $0x0  }
0x21: {  	s22 =	sadd.s32 s5, s22;
	[sflag:s11] =	ssyncadd.s32 $0xFFFFFF80  }
0x22: {  	[tilespmem:s12], [sflag:$0x4] =	stream.linear.gather [hbm4b:s22+s24], $0x80, $0x38;
	[tilespmem:$0x1900] =	vst v63  }
0x23: {  	_ =	swait.ge [sflag:s11], $0x80  }
0x24: {  	[sflag:s11] =	ssyncset.done $0x0  }
0x25: {  	[sflag:s11] =	ssyncadd.s32 $0xFFFFFF80  }
0x26: {  	[tilespmem:s13], [sflag:$0x1] =	stream.indirect.gather [hbm4b:s6+s12], $0x10, s24, s12, $0xb8;
	[tilespmem:$0x1900] =	vst v63  }
0x27: {  	_ = 	snop  }
0x28: {  	[tilespmem:s14], [sflag:$0x2] =	stream.indirect.gather [hbm4b:s7+s12], $0x10, s12, s12, $0xb8;
	[tilespmem:$0x1900] =	vst v63  }
0x29: {  	_ =	swait.ge [sflag:s15], $0x800  }
0x2a: {  	[sflag:s15] =	ssyncset.done $0x0  }
0x2b: {  	[sflag:s15] =	ssyncadd.s32 $0xFFFFF800  }
0x2c: {  	_ =	swait.ge [sflag:s16], $0x800  }
0x2d: {  	[sflag:s16] =	ssyncset.done $0x0  }
0x2e: {  	s22 =	simm.s32 $0x0;
	[sflag:s16] =	ssyncadd.s32 $0xFFFFF800  }
0x2f: {  	v0 =	vld [tilespmem:s22+$0x100]  }
0x30: {  	v1 =	vld [tilespmem:s22+$0x900];
	_ =	sdelay $0x3  }
0x31: {  	s23 =	simm.s32 $0x10  }
0x32: {  	v2 =	vadd.f32 v1, v0;
	v0 =	vld [tilespmem:s23+$0x100]  }
0x33: {  	v1 =	vld [tilespmem:s23+$0x900]  }
0x34: {  	v3 =	vmul.f32 $2.000000030e-01, v2  }
0x35: {  	vm0 =	vge.f32 v2, $0.0e+00  }
0x36: {  	s24 =	simm.s32 $0x80;
	v2 =	vsel vm0, v2, v3  }
.LBB2_4:
0x37: {  	[tilespmem:s22+$0x1100] =	vst v2;
	s22 =	smov.u32 s23;
	s23 =	sshra.s32 s24, $0x2;
	p0 =	sne.s32 s24, $0x1FC0  }
.Ltmp5:
0x38: {  	s24 =	sadd.s32 $0x40, s24;
	v2 =	vadd.f32 v1, v0;
	v0 =	vld [tilespmem:s23+$0x100];
	(pc) =	sbr.rel @p0 .LBB2_4-.Ltmp5, $4  }
0x39: {  	v1 =	vld [tilespmem:s23+$0x900]  }
0x3a: {  	v3 =	vmul.f32 $2.000000030e-01, v2  }
0x3b: {  	vm0 =	vge.f32 v2, $0.0e+00  }
0x3c: {  	v2 =	vsel vm0, v2, v3  }
0x3d: {  	_ = 	snop  }
0x3e: {  	v0 =	vadd.f32 v1, v0;
	_ =	sdelay $0x1  }
0x3f: {  	v1 =	vmul.f32 $2.000000030e-01, v0  }
0x40: {  	vm0 =	vge.f32 v0, $0.0e+00  }
0x41: {  	[tilespmem:s22+$0x1100] =	vst v2;
	s21 =	sshll.u32 s21, $0x8;
	v0 =	vsel vm0, v0, v1  }
.Ltmp6:
0x42: {  	s21 =	sadd.s32 s8, s21;
	[tilespmem:s23+$0x1100] =	vst v0;
	(pc) =	sbr.rel .LBB2_6-.Ltmp6, $4  }
0x43: {  	[hbm4b:s21+s1] =	stream.linear.scatter [tilespmem:s17], [sflag:$0x3], $0x800, $0x38;
	[tilespmem:$0x1900] =	vst v63  }
0x44: {  	_ =	swait.ge [sflag:s18], $0x800  }
0x45: {  	[sflag:s18] =	ssyncset.done $0x0  }
0x46: {  	[sflag:s18] =	ssyncadd.s32 $0xFFFFF800  }
.LBB2_8:
0x47: {  	_ =	sfence.sel $0x180000  }
0x48: {  	[bflag:$0x0] =	sbarrier.arrive $0xFFFF  }
0x49: {  	p0 =	sne.s32 s4, $0x0;
	_ =	strace $0x90000056  }
0x4a: {  	s0 =	sadd.s32 @!p0 $0x100000, s0;
	[bflag:$0x2] =	sbarrier.arrive $0xFFFF  }
0x4b: {  	[sflag:s0] =	ssyncadd.tile.s32 @!p0 $0x1;
	_ =	shalt  }
.Lfunc_end2:
_tile_overlayer_lowered:
.L_overlay_start_2:
0x4c: {  	(tag) =	ssettag $0x2  }
0x4d: {  	s0 =	rddreg [dreg:$0x0];
	s2 =	stileid.u32  }
0x4e: {  	s1 =	rddreg [dreg:$0x1];
	p0 =	sne.s32 s2, $0x0  }
0x4f: {  	s3 =	rddreg [dreg:$0x2];
	[bflag:$0x3] =	sbarrier.arrive $0xFFFF;
	s2 =	simm.s32 @!p0 $0x1C03  }
0x50: {  	[timem:s3], [sflag:s2] =	dma.local @!p0 [hbm:s0], s1  }
0x51: {  	s0 =	simm.s32 @!p0 $0x3  }
0x52: {  	_ =	swait.ge @!p0 [sflag:s0], s1  }
0x53: {  	s1 =	ssub.s32 @!p0 $0x0, s1;
	[sflag:s0] =	ssyncset.done @!p0 $0x0  }
0x54: {  	[sflag:s0] =	ssyncadd.s32 @!p0 s1  }
0x55: {  	[bflag:$0x3] =	sbarrier.arrive $0xFFFF  }
0x56: {  	_ =	shalt  }

// kernel: kernel.30.cloned.1.call-start
scs
__scs_entry_jumppad:
0x0: {  	(pc) =	sbr.rel $0x88, $3  }
0x1: {  	(tag) =	ssettag $0x0;
	lr =	simm.s32 $0x1  }
0x2: {  	[smem:$0x3F92] =	sst lr;
	_ =	strace $0xD0000000  }
0x3: {  	_ = 	snop  }
0x4: {  	_ = 	snop  }
0x5: {  	_ = 	snop  }
0x6: {  	_ = 	snop  }
0x7: {  	_ = 	snop  }
__scs_overlays_trampoline_lowered:
0x8: {  	[smem:$0x3FA1] =	sst s0  }
0x9: {  	[smem:$0x3FA2] =	sst s1  }
0xa: {  	[smem:$0x3FA3] =	sst s2  }
0xb: {  	[smem:$0x3FA4] =	sst s3  }
0xc: {  	[smem:$0x3FA5] =	sst s4  }
0xd: {  	[smem:$0x3FA6] =	sst s5  }
0xe: {  	[smem:$0x3FA7] =	sst s6  }
0xf: {  	[smem:$0x3FA8] =	sst s7  }
0x10: {  	[smem:$0x3FA9] =	sst s8  }
0x11: {  	[smem:$0x3FAA] =	sst s9;
	s0 =	simm.s32 @!p0 $0x0  }
0x12: {  	s1 =	sld [smem:$0x3F90];
	s0 =	simm.s32 @p0 $0x1  }
0x13: {  	[smem:$0x3FAB] =	sst s0;
	s0 =	simm.s32 @!p1 $0x0  }
0x14: {  	s2 =	sld [smem:$0x3F8F];
	s0 =	simm.s32 @p1 $0x1  }
0x15: {  	[smem:$0x3FAC] =	sst s0;
	s0 =	simm.s32 @!p2 $0x0  }
0x16: {  	s3 =	sld [smem:$0x3FDB];
	s0 =	simm.s32 @p2 $0x1  }
0x17: {  	s4 =	simm.s32 $0x1BF5;
	[smem:$0x3FAE] =	sst s0  }
0x18: {  	s0 =	sld [smem:$0x3F91];
	_ =	swait.ge [sflag:s4], $0x0  }
0x19: {  	s7 =	sld [smem:$0x3F92]  }
0x1a: {  	s8 =	sadd.s32 $0xFFFFE003, lr  }
0x1b: {  	s9 =	sadd.s32 $0xFFFFFEF7, lr;
	s5 =	simm.s32 $0xFFFFFFFF;
	p2 =	slt.u32 s8, $0xFFFFF086  }
0x1c: {  	p1 =	slt.u32 s9, $0xF7A;
	s5 =	simm.s32 @!p2 $0x0  }
0x1d: {  	s5 =	simm.s32 @p1 $0x1;
	p0 =	seq.s32 s7, s2  }
0x1e: {  	s7 =	smul.u32 @!p0 $0xF7A, s2;
	p2 =	seq.s32 @!p0 s5, $0x0  }
0x1f: {  	s9 =	smul.u32 $0xF7A, s1;
	s8 =	simm.s32 @!p0 $0x1BF5;
	p2 =	por !p2, p0  }
0x20: {  	[sflag:s8] =	ssyncset.s32 @!p0 $0xFFFFF086;
	s6 =	sadd.s32 @!p0 s3, s7;
	s7 =	simm.s32 @!p0 $0x108  }
0x21: {  	s3 =	sadd.s32 s3, s9;
	s6 =	sadd.s32 @!p0 $0x88, s6;
	s7 =	simm.s32 @p2 $0x1082  }
0x22: {  	[simem:s7], [sflag:s8] =	dma.local @!p0 [hbm:s6], $0xF7A  }
0x23: {  	s9 =	sor.u32 $0xD0000000, s2;
	s6 =	simm.s32 $0x108;
	_ =	swait.ge @!p0 [sflag:s8], $0x0  }
0x24: {  	s3 =	sadd.s32 $0x88, s3;
	s6 =	simm.s32 @!p1 $0x1082;
	[sflag:s4] =	ssyncset.s32 $0xFFFFF086  }
0x25: {  	[simem:s6], [sflag:s4] =	dma.local [hbm:s3], $0xF7A  }
0x26: {  	[smem:$0x3F92] =	sst s1;
	(tag) =	ssettag s2;
	_ =	strace s9  }
0x27: {  	s1 =	sld [smem:$0x3FA2]  }
0x28: {  	s2 =	sld [smem:$0x3FA3]  }
0x29: {  	s4 =	sld [smem:$0x3FA5]  }
0x2a: {  	p0 =	seq.s32 s5, $0x0;
	s5 =	sld [smem:$0x3FA6]  }
0x2b: {  	s6 =	sld [smem:$0x3FA7]  }
0x2c: {  	s7 =	sld [smem:$0x3FA8]  }
0x2d: {  	s3 =	simm.s32 $0x108;
	s8 =	sld [smem:$0x3FA9]  }
0x2e: {  	s3 =	simm.s32 @!p0 $0x1082;
	s9 =	sld [smem:$0x3FAA]  }
0x2f: {  	lr =	sadd.s32 s0, s3;
	s0 =	sld [smem:$0x3FA1]  }
0x30: {  	s3 =	sld [smem:$0x3FA4]  }
0x31: {  	[smem:$0x3FAD] =	sst s10  }
0x32: {  	s10 =	sld [smem:$0x3FAB];
	_ =	sdelay $0x3  }
0x33: {  	p0 =	seq.s32 s10, $0x1;
	s10 =	sld [smem:$0x3FAD];
	_ =	sdelay $0x3  }
0x34: {  	[smem:$0x3FAD] =	sst s10  }
0x35: {  	s10 =	sld [smem:$0x3FAC];
	_ =	sdelay $0x3  }
0x36: {  	p1 =	seq.s32 s10, $0x1;
	s10 =	sld [smem:$0x3FAD];
	_ =	sdelay $0x3  }
0x37: {  	[smem:$0x3FAD] =	sst s10  }
0x38: {  	s10 =	sld [smem:$0x3FAE]  }
0x39: {  	_ = 	snop;
	(pc) =	sbr.ind lr, $3  }
0x3a: {  	_ = 	snop  }
0x3b: {  	_ = 	snop  }
0x3c: {  	p2 =	seq.s32 s10, $0x1;
	s10 =	sld [smem:$0x3FAD]  }
0x3d: {  	_ =	shalt  }
0x3e: {  	_ =	shalt  }
0x3f: {  	_ =	shalt  }
0x40: {  	_ =	shalt  }
0x41: {  	_ =	shalt  }
0x42: {  	_ =	shalt  }
0x43: {  	_ =	shalt  }
0x44: {  	_ =	shalt  }
0x45: {  	_ =	shalt  }
0x46: {  	_ =	shalt  }
0x47: {  	_ =	shalt  }
0x48: {  	_ =	shalt  }
0x49: {  	_ =	shalt  }
0x4a: {  	_ =	shalt  }
0x4b: {  	_ =	shalt  }
0x4c: {  	_ =	shalt  }
0x4d: {  	_ =	shalt  }
0x4e: {  	_ =	shalt  }
0x4f: {  	_ =	shalt  }
0x50: {  	_ =	shalt  }
0x51: {  	_ =	shalt  }
0x52: {  	_ =	shalt  }
0x53: {  	_ =	shalt  }
0x54: {  	_ =	shalt  }
0x55: {  	_ =	shalt  }
0x56: {  	_ =	shalt  }
0x57: {  	_ =	shalt  }
0x58: {  	_ =	shalt  }
0x59: {  	_ =	shalt  }
0x5a: {  	_ =	shalt  }
0x5b: {  	_ =	shalt  }
0x5c: {  	_ =	shalt  }
0x5d: {  	_ =	shalt  }
0x5e: {  	_ =	shalt  }
0x5f: {  	_ =	shalt  }
0x60: {  	_ =	shalt  }
0x61: {  	_ =	shalt  }
0x62: {  	_ =	shalt  }
0x63: {  	_ =	shalt  }
0x64: {  	_ =	shalt  }
0x65: {  	_ =	shalt  }
0x66: {  	_ =	shalt  }
0x67: {  	_ =	shalt  }
0x68: {  	_ =	shalt  }
0x69: {  	_ =	shalt  }
0x6a: {  	_ =	shalt  }
0x6b: {  	_ =	shalt  }
0x6c: {  	_ =	shalt  }
0x6d: {  	_ =	shalt  }
0x6e: {  	_ =	shalt  }
0x6f: {  	_ =	shalt  }
0x70: {  	_ =	shalt  }
0x71: {  	_ =	shalt  }
0x72: {  	_ =	shalt  }
0x73: {  	_ =	shalt  }
0x74: {  	_ =	shalt  }
0x75: {  	_ =	shalt  }
0x76: {  	_ =	shalt  }
0x77: {  	_ =	shalt  }
0x78: {  	_ =	shalt  }
0x79: {  	_ =	shalt  }
0x7a: {  	_ =	shalt  }
0x7b: {  	_ =	shalt  }
0x7c: {  	_ =	shalt  }
0x7d: {  	_ =	shalt  }
0x7e: {  	_ =	shalt  }
0x7f: {  	_ =	shalt  }
0x80: {  	_ =	shalt  }
0x81: {  	_ =	shalt  }
0x82: {  	_ =	shalt  }
0x83: {  	_ =	shalt  }
0x84: {  	_ =	shalt  }
0x85: {  	_ =	shalt  }
0x86: {  	_ =	shalt  }
0x87: {  	_ =	shalt  }
.Lfunc_end0:
.L_simem_size_0:
called_computation.6_lowered:
.L_overlay_start_0:
0x88: {  	s2 =	sld [smem:$0x3FD9]  }
0x89: {  	s3 =	sld [smem:$0x3FFE];
	_ =	sdelay $0x1  }
0x8a: {  	s1 =	srdreg.scid  }
0x8b: {  	s0 =	sand.u32 $0x1, s1  }
0x8c: {  	s16 =	sshll.u32 s0, $0xA;
	s2 =	sadd.s32 s3, s2  }
0x8d: {  	s2 =	sadd.s32 s2, s16  }
0x8e: {  	[smem:$0x3FB9] =	sst s2  }
0x8f: {  	_ = 	snop  }
0x90: {  	(tm) =	ssettm $0x1  }
0x91: {  	s17 =	sld [smem:$0x3FFB];
	_ =	sdelay $0x3  }
0x92: {  	_ =	strace s17  }
0x93: {  	s2 =	sld [smem:$0x3FFC];
	_ =	sdelay $0x3  }
0x94: {  	_ =	strace s2  }
0x95: {  	s2 =	sld [smem:$0x3FFD];
	_ =	sdelay $0x3  }
0x96: {  	_ =	strace s2  }
0x97: {  	_ =	strace $0x8FFFFFFF  }
0x98: {  	s18 =	sld [smem:$0x3FDB];
	_ =	sdelay $0x1  }
0x99: {  	s19 =	simm.s32 $_scs_section_size  }
0x9a: {  	s4 =	simm.s32 $_size__tile_overlayer_lowered;
	s5 =	simm.s32 $_tile_overlayer_lowered  }
0x9b: {  	s22 =	simm.s32 $0x1BFF;
	s21 =	sshll.u32 s5, $0x1;
	s2 =	sadd.s32 s19, s18  }
0x9c: {  	s6 =	simm.s32 $0x0;
	s20 =	sshll.u32 s4, $0x1;
	s4 =	sadd.s32 s21, s2  }
0x9d: {  	[timem:s6], [sflag:s22] =	dma.local [hbm:s4], s20  }
0x9e: {  	_ =	swait.ge [sflag:s22], s20  }
0x9f: {  	s3 =	ssub.s32 $0x0, s20;
	[sflag:s22] =	ssyncset.done $0x0  }
0xa0: {  	[sflag:s22] =	ssyncadd.s32 s3;
	_ =	sdelay $0x1  }
0xa1: {  	s23 =	simm.s32 $0x1B8B  }
0xa2: {  	_ =	swait.ge [sflag:s23], $0x1  }
0xa3: {  	[sflag:s23] =	ssyncset.done $0x0  }
0xa4: {  	s25 =	simm.s32 $0x1B8E;
	s24 =	sld [smem:$0x3FFE];
	[sflag:s23] =	ssyncadd.s32 $0xFFFFFFFF  }
0xa5: {  	s26 =	simm.s32 $execute0_lowered;
	[smem:$0x3FD2] =	sst s25  }
0xa6: {  	s4 =	sshll.u32 s26, $0x1;
	_ =	strace $0x80000058;
	[dreg:$0x1] =	wrdreg $0xFFFFFFFF  }
0xa7: {  	s28 =	simm.s32 $_size_execute0_lowered;
	s2 =	sadd.s32 s2, s4;
	[dreg:$0x0] =	wrdreg $0x0  }
0xa8: {  	s4 =	sshll.u32 s28, $0x1;
	[dreg:$0x2] =	wrdreg s2  }
0xa9: {  	[dreg:$0x3] =	wrdreg s4  }
0xaa: {  	[dreg:$0x4] =	wrdreg $0xC0  }
0xab: {  	_ =	task [dreg:s6], $0x5FFFF  }
0xac: {  	[dreg:$0x1] =	wrdreg $0xFFFFFFFF  }
0xad: {  	[dreg:$0x0] =	wrdreg $0x60  }
0xae: {  	[dreg:$0x2] =	wrdreg s24  }
0xaf: {  	[dreg:$0x3] =	wrdreg $0x49000  }
0xb0: {  	[dreg:$0x4] =	wrdreg $0xE9000  }
0xb1: {  	[dreg:$0x5] =	wrdreg $0x9  }
0xb2: {  	_ =	task.clear_ibuf [dreg:s6], $0x6FFFF;
	_ =	strace $0x90000058  }
0xb3: {  	s29 =	simm.s32 $0x9;
	_ =	strace $0x8000005A  }
0xb4: {  	_ =	swait.ge [sflag:s29], $0x1  }
0xb5: {  	[sflag:s29] =	ssyncadd.s32 $0xFFFFFFFF  }
0xb6: {  	_ =	strace $0x9000005A  }
0xb7: {  	_ =	sfence  }
0xb8: {  	s30 =	sld [smem:$0x0];
	_ =	sdelay $0x2  }
0xb9: {  	s31 =	sshll.u32 s1, $0xD;
	s1 =	sshrl.u32 s1, $0x2  }
0xba: {  	s3 =	sand.u32 $0x4000, s31;
	s1 =	sadd.s32 s1, s30  }
0xbb: {  	s0 =	sor.u32 s3, s0;
	s1 =	sshll.u32 s1, $0x11  }
0xbc: {  	s0 =	sor.u32 s1, s0  }
0xbd: {  	s0 =	sadd.s32 $0x8F2B, s0  }
0xbe: {  	[sflag:s0] =	ssyncadd.remote.s32 $0x1  }
0xbf: {  	_ =	sfence.sel $0xFFFF  }
0xc0: {  	[dreg:$0x0] =	wrdreg $0xFFFFFFFF;
	(pc) =	sbr.abs _section_cstart, $3  }
0xc1: {  	[dreg:$0x1] =	wrdreg $0xFFFFFFFF  }
0xc2: {  	_ =	task.clear_ibuf [dreg:s6], $0x2FFFF;
	_ =	strace $0x9FFFFFFF  }
0xc3: {  	(tm) =	ssettm $0x7FFFFFFF  }
tec
execute0_lowered:
.L_overlay_start_1:
0x0: {  	(tag) =	ssettag $0x1  }
0x1: {  	s0 =	rddreg [dreg:$0x0]  }
0x2: {  	s2 =	rddreg [dreg:$0x1]  }
0x3: {  	s3 =	rddreg [dreg:$0x2]  }
0x4: {  	s1 =	srdreg.scid;
	s16 =	stileid.u32  }
0x5: {  	s4 =	simm.s32 $0x0;
	s28 =	simm.s32 $0x100;
	s29 =	simm.s32 $0x900  }
0x6: {  	s30 =	simm.s32 $0x1;
	s5 =	sand.u32 $0x1, s1;
	s19 =	smul.u32 $0x280, s16  }
0x7: {  	[smem:$0x7FF] =	sst s4;
	s6 =	sadd.s32 $0xC600, s0;
	s12 =	smul.u32 $0x28000, s16  }
0x8: {  	s7 =	sadd.s32 $0x7600, s0;
	s9 =	sadd.s32 $0x69800, s0;
	s15 =	smul.u32 $0xA000, s16  }
0x9: {  	s8 =	smul.u32 $0x2800, s5;
	_ =	strace $0x80000059;
	s20 =	ssub.s32 $0x2, s5  }
0xa: {  	s14 =	sshrl.u32 s20, $0x1;
	s21 =	sshrl.u32 s12, $0x2;
	s22 =	sshrl.u32 s15, $0x2  }
0xb: {  	s24 =	sadd.s32 $0x80, s19;
	s26 =	sadd.s32 $0x100, s19;
	s18 =	sadd.s32 $0x180, s19  }
0xc: {  	s1 =	sadd.s32 $0x200, s19;
	s10 =	sadd.s32 s19, s8;
	s8 =	sadd.s32 $0x11600, s0  }
0xd: {  	s23 =	ssub.s32 s20, s14;
	s12 =	sadd.s32 s22, s3;
	s25 =	sshll.u32 s24, $0x6  }
0xe: {  	s14 =	sshll.u32 s24, $0x4;
	s31 =	sshll.u32 s26, $0x6;
	s17 =	sshll.u32 s18, $0x6  }
0xf: {  	s18 =	sshll.u32 s18, $0x4;
	s19 =	sshll.u32 s1, $0x6;
	s1 =	sshll.u32 s1, $0x4  }
0x10: {  	s24 =	simm.s32 $0x2;
	s11 =	sshll.u32 s10, $0x3;
	s10 =	sshll.u32 s10, $0x1  }
0x11: {  	s15 =	sadd.s32 s25, s2;
	s14 =	sadd.s32 s14, s3;
	s17 =	sadd.s32 s17, s2  }
0x12: {  	s18 =	sadd.s32 s18, s3;
	s19 =	sadd.s32 s19, s2;
	s20 =	sadd.s32 s1, s3  }
.Ltmp0:
0x13: {  	s23 =	smax.u32 s23, $0x1;
	s25 =	simm.s32 $0x3;
	(pc) =	sbr.rel .LBB2_1-.Ltmp0, $4  }
0x14: {  	s13 =	sadd.s32 s11, s0;
	s0 =	sadd.s32 s10, s0;
	s10 =	sshll.u32 s16, $0x1  }
0x15: {  	s11 =	sadd.s32 s21, s2;
	[dreg:$0x4] =	wrdreg s15;
	s15 =	sadd.s32 s31, s2  }
0x16: {  	s16 =	sshll.u32 s26, $0x4;
	s26 =	simm.s32 $0x80;
	[dreg:$0x5] =	wrdreg s15  }
0x17: {  	v0 =	vimm.f32 $0.0e+00;
	s16 =	sadd.s32 s16, s3;
	s21 =	sadd.s32 $0x7D200, s13;
	s22 =	sadd.s32 $0x5F800, s0  }
.LBB2_19:
0x18: {  	s0 =	stileid.u32  }
0x19: {  	s0 =	sshll.u32 s0, $0x6  }
0x1a: {  	[bflag:$0x0] =	sbarrier.arrive $0xFFFF;
	s1 =	sshrl.u32 s11, $0x3;
	s0 =	sor.u32 $0x1C02, s0  }
0x1b: {  	[hbm:s21], [sflag:s0] =	dma.local [spmem:s1], $0x1400  }
0x1c: {  	s4 =	sadd.s32 $0x1, s4;
	_ =	swait.ge [sflag:s24], $0x1400  }
0x1d: {  	p0 =	sne.s32 s4, s23;
	[sflag:s24] =	ssyncset.done $0x0  }
.Ltmp1:
0x1e: {  	s31 =	sshrl.u32 s12, $0x3;
	[sflag:s24] =	ssyncadd.s32 $0xFFFFEC00;
	(pc) =	sbr.rel @!p0 .LBB2_20-.Ltmp1, $4  }
0x1f: {  	[hbm:s22], [sflag:s0] =	dma.local [spmem:s31], $0x500  }
0x20: {  	_ =	swait.ge [sflag:s24], $0x500  }
0x21: {  	[sflag:s24] =	ssyncset.done $0x0  }
0x22: {  	[sflag:s24] =	ssyncadd.s32 $0xFFFFFB00  }
.LBB2_1:
0x23: {  	s1 =	simm.s32 $0x100;
	s0 =	simm.s32 $0x0  }
.LBB2_2:
0x24: {  	p0 =	sne.s32 s1, $0x7F00;
	[tilespmem:s0+$0x2930] =	vst v0;
	s13 =	smov.u32 s1;
	s1 =	sadd.s32 $0x100, s1  }
.Ltmp2:
0x25: {  	[tilespmem:s0+$0x2920] =	vst v0;
	(pc) =	sbr.rel @p0 .LBB2_2-.Ltmp2, $3  }
0x26: {  	[tilespmem:s0+$0x2900] =	vst v0  }
0x27: {  	[tilespmem:s0+$0x2910] =	vst v0;
	_ =	sdelay $0x1  }
0x28: {  	s0 =	sshra.s32 s13, $0x2  }
0x29: {  	[tilespmem:s0+$0x2930] =	vst v0  }
0x2a: {  	[tilespmem:s0+$0x2920] =	vst v0  }
0x2b: {  	[tilespmem:s0+$0x2900] =	vst v0  }
0x2c: {  	[tilespmem:s0+$0x2910] =	vst v0;
	s0 =	simm.s32 $0x2900  }
0x2d: {  	[spmem:s11] =	stream.linear.scatter [tilespmem:s0], [sflag:$0x2], $0x2000, $0x38;
	[tilespmem:$0x11100] =	vst v63  }
0x2e: {  	_ =	swait.ge [sflag:s24], $0x2000  }
0x2f: {  	[sflag:s24] =	ssyncset.done $0x0  }
0x30: {  	s1 =	sadd.s32 $0x0, s12;
	[sflag:s24] =	ssyncadd.s32 $0xFFFFE000  }
0x31: {  	[spmem:s1] =	stream.linear.scatter [tilespmem:s0], [sflag:$0x2], $0x10, $0x38;
	[tilespmem:$0x11100] =	vst v63  }
0x32: {  	s1 =	simm.s32 $0x40  }
.LBB2_4:
0x33: {  	p0 =	sne.s32 s1, $0x1FC0  }
.Ltmp3:
0x34: {  	_ = 	snop;
	(pc) =	sbr.rel @p0 .LBB2_4-.Ltmp3, $4  }
0x35: {  	_ = 	snop  }
0x36: {  	s13 =	sshra.s32 s1, $0x2;
	s1 =	sadd.s32 $0x40, s1  }
0x37: {  	s0 =	sadd.s32 $0x40, s0;
	s13 =	sadd.s32 s13, s12  }
0x38: {  	[spmem:s13] =	stream.linear.scatter [tilespmem:s0], [sflag:$0x2], $0x10, $0x38;
	[tilespmem:$0x11100] =	vst v63  }
0x39: {  	_ =	swait.ge [sflag:s24], $0x800  }
0x3a: {  	[sflag:s24] =	ssyncset.done $0x0  }
0x3b: {  	s0 =	simm.s32 $0x2900;
	s1 =	rddreg [dreg:$0x4];
	[sflag:s24] =	ssyncadd.s32 $0xFFFFF800  }
0x3c: {  	[spmem:s1] =	stream.linear.scatter [tilespmem:s0], [sflag:$0x2], $0x2000, $0x38;
	[tilespmem:$0x11100] =	vst v63  }
0x3d: {  	_ =	swait.ge [sflag:s24], $0x2000  }
0x3e: {  	[sflag:s24] =	ssyncset.done $0x0  }
0x3f: {  	s31 =	sadd.s32 $0x0, s14;
	s1 =	simm.s32 $0x40;
	[sflag:s24] =	ssyncadd.s32 $0xFFFFE000  }
0x40: {  	[spmem:s31] =	stream.linear.scatter [tilespmem:s0], [sflag:$0x2], $0x10, $0x38;
	[tilespmem:$0x11100] =	vst v63  }
.LBB2_6:
0x41: {  	p0 =	sne.s32 s1, $0x1FC0  }
.Ltmp4:
0x42: {  	_ = 	snop;
	(pc) =	sbr.rel @p0 .LBB2_6-.Ltmp4, $4  }
0x43: {  	_ = 	snop  }
0x44: {  	s13 =	sshra.s32 s1, $0x2;
	s1 =	sadd.s32 $0x40, s1  }
0x45: {  	s0 =	sadd.s32 $0x40, s0;
	s13 =	sadd.s32 s13, s14  }
0x46: {  	[spmem:s13] =	stream.linear.scatter [tilespmem:s0], [sflag:$0x2], $0x10, $0x38;
	[tilespmem:$0x11100] =	vst v63  }
0x47: {  	_ =	swait.ge [sflag:s24], $0x800  }
0x48: {  	[sflag:s24] =	ssyncset.done $0x0  }
0x49: {  	s0 =	simm.s32 $0x2900;
	s1 =	rddreg [dreg:$0x5];
	[sflag:s24] =	ssyncadd.s32 $0xFFFFF800  }
0x4a: {  	[spmem:s1] =	stream.linear.scatter [tilespmem:s0], [sflag:$0x2], $0x2000, $0x38;
	[tilespmem:$0x11100] =	vst v63  }
0x4b: {  	_ =	swait.ge [sflag:s24], $0x2000  }
0x4c: {  	[sflag:s24] =	ssyncset.done $0x0  }
0x4d: {  	s31 =	sadd.s32 $0x0, s16;
	s1 =	simm.s32 $0x40;
	[sflag:s24] =	ssyncadd.s32 $0xFFFFE000  }
0x4e: {  	[spmem:s31] =	stream.linear.scatter [tilespmem:s0], [sflag:$0x2], $0x10, $0x38;
	[tilespmem:$0x11100] =	vst v63  }
.LBB2_8:
0x4f: {  	p0 =	sne.s32 s1, $0x1FC0  }
.Ltmp5:
0x50: {  	_ = 	snop;
	(pc) =	sbr.rel @p0 .LBB2_8-.Ltmp5, $4  }
0x51: {  	_ = 	snop  }
0x52: {  	s13 =	sshra.s32 s1, $0x2;
	s1 =	sadd.s32 $0x40, s1  }
0x53: {  	s0 =	sadd.s32 $0x40, s0;
	s13 =	sadd.s32 s13, s16  }
0x54: {  	[spmem:s13] =	stream.linear.scatter [tilespmem:s0], [sflag:$0x2], $0x10, $0x38;
	[tilespmem:$0x11100] =	vst v63  }
0x55: {  	_ =	swait.ge [sflag:s24], $0x800  }
0x56: {  	[sflag:s24] =	ssyncset.done $0x0  }
0x57: {  	s0 =	simm.s32 $0x2900;
	[sflag:s24] =	ssyncadd.s32 $0xFFFFF800  }
0x58: {  	[spmem:s17] =	stream.linear.scatter [tilespmem:s0], [sflag:$0x2], $0x2000, $0x38;
	[tilespmem:$0x11100] =	vst v63  }
0x59: {  	_ =	swait.ge [sflag:s24], $0x2000  }
0x5a: {  	[sflag:s24] =	ssyncset.done $0x0  }
0x5b: {  	s1 =	sadd.s32 $0x0, s18;
	[sflag:s24] =	ssyncadd.s32 $0xFFFFE000  }
0x5c: {  	[spmem:s1] =	stream.linear.scatter [tilespmem:s0], [sflag:$0x2], $0x10, $0x38;
	[tilespmem:$0x11100] =	vst v63  }
0x5d: {  	s1 =	simm.s32 $0x40  }
.LBB2_10:
0x5e: {  	p0 =	sne.s32 s1, $0x1FC0  }
.Ltmp6:
0x5f: {  	_ = 	snop;
	(pc) =	sbr.rel @p0 .LBB2_10-.Ltmp6, $4  }
0x60: {  	_ = 	snop  }
0x61: {  	s13 =	sshra.s32 s1, $0x2;
	s1 =	sadd.s32 $0x40, s1  }
0x62: {  	s0 =	sadd.s32 $0x40, s0;
	s13 =	sadd.s32 s13, s18  }
0x63: {  	[spmem:s13] =	stream.linear.scatter [tilespmem:s0], [sflag:$0x2], $0x10, $0x38;
	[tilespmem:$0x11100] =	vst v63  }
0x64: {  	_ =	swait.ge [sflag:s24], $0x800  }
0x65: {  	[sflag:s24] =	ssyncset.done $0x0  }
0x66: {  	s0 =	simm.s32 $0x2900;
	[sflag:s24] =	ssyncadd.s32 $0xFFFFF800  }
0x67: {  	[spmem:s19] =	stream.linear.scatter [tilespmem:s0], [sflag:$0x2], $0x2000, $0x38;
	[tilespmem:$0x11100] =	vst v63  }
0x68: {  	_ =	swait.ge [sflag:s24], $0x2000  }
0x69: {  	[sflag:s24] =	ssyncset.done $0x0  }
0x6a: {  	s1 =	sadd.s32 $0x0, s20;
	[sflag:s24] =	ssyncadd.s32 $0xFFFFE000  }
0x6b: {  	[spmem:s1] =	stream.linear.scatter [tilespmem:s0], [sflag:$0x2], $0x10, $0x38;
	[tilespmem:$0x11100] =	vst v63  }
0x6c: {  	s1 =	simm.s32 $0x40  }
.LBB2_12:
0x6d: {  	p0 =	sne.s32 s1, $0x1FC0  }
.Ltmp7:
0x6e: {  	_ = 	snop;
	(pc) =	sbr.rel @p0 .LBB2_12-.Ltmp7, $4  }
0x6f: {  	_ = 	snop  }
0x70: {  	s13 =	sshra.s32 s1, $0x2;
	s1 =	sadd.s32 $0x40, s1  }
0x71: {  	s0 =	sadd.s32 $0x40, s0;
	s13 =	sadd.s32 s13, s20  }
0x72: {  	[spmem:s13] =	stream.linear.scatter [tilespmem:s0], [sflag:$0x2], $0x10, $0x38;
	[tilespmem:$0x11100] =	vst v63  }
.Ltmp8:
0x73: {  	_ =	swait.ge [sflag:s24], $0x800;
	(pc) =	sbr.rel .LBB2_14-.Ltmp8, $4  }
0x74: {  	[sflag:s24] =	ssyncset.done $0x0  }
0x75: {  	[sflag:s24] =	ssyncadd.s32 $0xFFFFF800  }
0x76: {  	[bflag:$0x0] =	sbarrier.arrive $0xFFFF  }
0x77: {  	s31 =	simm.s32 $0x0  }
.LBB2_18:
0x78: {  	s31 =	sadd.s32 $0x1, s31  }
0x79: {  	p0 =	sne.s32 s31, $0x28  }
.Ltmp9:
0x7a: {  	_ = 	snop;
	(pc) =	sbr.rel @!p0 .LBB2_19-.Ltmp9, $1  }
0x7b: {  	_ =	sdelay $0x3  }
.LBB2_14:
0x7c: {  	s0 =	sshll.u32 s31, $0x5  }
0x7d: {  	s0 =	sor.u32 s10, s0  }
0x7e: {  	p0 =	sgt.u32 s0, $0x4E1  }
.Ltmp10:
0x7f: {  	_ = 	snop;
	(pc) =	sbr.rel @p0 .LBB2_18-.Ltmp10, $1  }
0x80: {  	_ =	sdelay $0x3  }
0x81: {  	s0 =	sor.u32 s5, s0  }
0x82: {  	s1 =	sshll.u32 s0, $0x4  }
0x83: {  	s15 =	simm.s32 $0x0;
	s13 =	sadd.s32 s6, s1  }
0x84: {  	[tilespmem:s15], [sflag:$0x3] =	stream.linear.gather [hbm4b:s13+s15], $0x80, $0x38;
	[tilespmem:$0x11100] =	vst v63  }
0x85: {  	_ =	swait.ge [sflag:s25], $0x80  }
0x86: {  	[sflag:s25] =	ssyncset.done $0x0  }
0x87: {  	s1 =	sadd.s32 s7, s1;
	[sflag:s25] =	ssyncadd.s32 $0xFFFFFF80  }
0x88: {  	[tilespmem:s26], [sflag:$0x3] =	stream.linear.gather [hbm4b:s1+s15], $0x80, $0x38;
	[tilespmem:$0x11100] =	vst v63  }
0x89: {  	_ =	swait.ge [sflag:s25], $0x80  }
0x8a: {  	s0 =	sshll.u32 s0, $0x8;
	[sflag:s25] =	ssyncset.done $0x0  }
0x8b: {  	s0 =	sadd.s32 s8, s0;
	[sflag:s25] =	ssyncadd.s32 $0xFFFFFF80  }
0x8c: {  	[tilespmem:s28], [sflag:$0x3] =	stream.linear.gather [hbm4b:s0+s15], $0x800, $0x38;
	[tilespmem:$0x11100] =	vst v63  }
0x8d: {  	_ =	swait.ge [sflag:s25], $0x800  }
0x8e: {  	[sflag:s25] =	ssyncset.done $0x0  }
0x8f: {  	[sflag:s25] =	ssyncadd.s32 $0xFFFFF800  }
0x90: {  	[tilespmem:s29], [sflag:$0x1] =	stream.indirect.gather [hbm4b:s9+s26], $0x40, s15, s26, $0xb8;
	[tilespmem:$0x11100] =	vst v63  }
0x91: {  	_ =	swait.ge [sflag:s30], $0x2000  }
0x92: {  	[sflag:s30] =	ssyncset.done $0x0  }
0x93: {  	s0 =	simm.s32 $0x920;
	[sflag:s30] =	ssyncadd.s32 $0xFFFFE000  }
0x94: {  	v1 =	vld [tilespmem:s0+$0xFFFFFFF0]  }
0x95: {  	s15 =	simm.s32 $0x0;
	v3 =	vld [tilespmem:s0+$0x10]  }
0x96: {  	v5 =	vld.msk [tilespmem:s15+$0x100 ss:$0x0], $0xffff  }
0x97: {  	v2 =	vld [tilespmem:s0+$0xFFFFFFE0]  }
0x98: {  	v6 =	vld [tilespmem:s0+$0x0];
	_ =	sdelay $0x3  }
0x99: {  	v2 =	vmul.f32 v5, v2;
	v4 =	vmul.f32 v3, v5  }
0x9a: {  	s13 =	simm.s32 $0x920;
	s1 =	simm.s32 $0x40;
	v3 =	vmul.f32 v1, v5;
	v1 =	vmul.f32 v6, v5  }
.LBB2_16:
0x9b: {  	p0 =	sne.s32 s1, $0x1FC0  }
0x9c: {  	[tilespmem:s0+$0x10] =	vst v4;
	s13 =	sadd.s32 $0x40, s13;
	s15 =	smov.u32 s1;
	s1 =	sadd.s32 $0x40, s1  }
0x9d: {  	[tilespmem:s0+$0xFFFFFFE0] =	vst v2  }
0x9e: {  	v5 =	vld [tilespmem:s13+$0xFFFFFFF0];
	[tilespmem:s0+$0xFFFFFFF0] =	vst v3  }
0x9f: {  	s15 =	sshra.s32 s15, $0x2;
	v3 =	vld [tilespmem:s13+$0x10];
	[tilespmem:s0+$0x0] =	vst v1;
	s0 =	smov.u32 s13  }
0xa0: {  	v1 =	vld.msk [tilespmem:s15+$0x100 ss:$0x0], $0xffff  }
0xa1: {  	v2 =	vld [tilespmem:s13+$0xFFFFFFE0]  }
0xa2: {  	v6 =	vld [tilespmem:s13+$0x0]  }
.Ltmp11:
0xa3: {  	(pc) =	sbr.rel @p0 .LBB2_16-.Ltmp11, $3  }
0xa4: {  	_ =	sdelay $0x1  }
0xa5: {  	v4 =	vmul.f32 v3, v1;
	v2 =	vmul.f32 v1, v2  }
0xa6: {  	v3 =	vmul.f32 v5, v1;
	v1 =	vmul.f32 v6, v1  }
0xa7: {  	[tilespmem:s0+$0x10] =	vst v4  }
0xa8: {  	[tilespmem:s0+$0xFFFFFFE0] =	vst v2  }
0xa9: {  	[tilespmem:s0+$0xFFFFFFF0] =	vst v3  }
0xaa: {  	[tilespmem:s0+$0x0] =	vst v1  }
0xab: {  	[spmem:s2] =	stream.indirect.scatter.add.f32 [tilespmem:s29], [sflag:$0x3], $0x40, s26, s26, $0xb8;
	[tilespmem:$0x11100] =	vst v63  }
0xac: {  	_ =	swait.ge [sflag:s25], $0x2000  }
0xad: {  	[sflag:s25] =	ssyncset.done $0x0  }
.Ltmp12:
0xae: {  	[sflag:s25] =	ssyncadd.s32 $0xFFFFE000;
	(pc) =	sbr.rel .LBB2_18-.Ltmp12, $4  }
0xaf: {  	[spmem:s3] =	stream.indirect.scatter.add.f32 [tilespmem:s28], [sflag:$0x2], $0x10, s26, s26, $0xb8;
	[tilespmem:$0x11100] =	vst v63  }
0xb0: {  	_ =	swait.ge [sflag:s24], $0x800  }
0xb1: {  	[sflag:s24] =	ssyncset.done $0x0  }
0xb2: {  	[sflag:s24] =	ssyncadd.s32 $0xFFFFF800  }
.LBB2_20:
0xb3: {  	_ =	sfence.sel $0x180000  }
0xb4: {  	[bflag:$0x0] =	sbarrier.arrive $0xFFFF  }
0xb5: {  	_ =	strace $0x90000059  }
0xb6: {  	s0 =	stileid.u32;
	[bflag:$0x2] =	sbarrier.arrive $0xFFFF  }
0xb7: {  	p0 =	sne.s32 s0, $0x0;
	s0 =	rddreg [dreg:$0x3]  }
0xb8: {  	s0 =	sadd.s32 @!p0 $0x100000, s0  }
0xb9: {  	[sflag:s0] =	ssyncadd.tile.s32 @!p0 $0x1;
	_ =	shalt  }
.Lfunc_end2:
_tile_overlayer_lowered:
.L_overlay_start_2:
0xba: {  	(tag) =	ssettag $0x2  }
0xbb: {  	s0 =	rddreg [dreg:$0x0];
	s2 =	stileid.u32  }
0xbc: {  	s1 =	rddreg [dreg:$0x1];
	p0 =	sne.s32 s2, $0x0  }
0xbd: {  	s3 =	rddreg [dreg:$0x2];
	[bflag:$0x3] =	sbarrier.arrive $0xFFFF;
	s2 =	simm.s32 @!p0 $0x1C02  }
0xbe: {  	[timem:s3], [sflag:s2] =	dma.local @!p0 [hbm:s0], s1  }
0xbf: {  	s0 =	simm.s32 @!p0 $0x2  }
0xc0: {  	_ =	swait.ge @!p0 [sflag:s0], s1  }
0xc1: {  	s1 =	ssub.s32 @!p0 $0x0, s1;
	[sflag:s0] =	ssyncset.done @!p0 $0x0  }
0xc2: {  	[sflag:s0] =	ssyncadd.s32 @!p0 s1  }
0xc3: {  	[bflag:$0x3] =	sbarrier.arrive $0xFFFF  }
0xc4: {  	_ =	shalt  }

// kernel: kernel.33.cloned.1.call-start
scs
__scs_entry_jumppad:
0x0: {  	(pc) =	sbr.rel $0x88, $3  }
0x1: {  	(tag) =	ssettag $0x0;
	lr =	simm.s32 $0x1  }
0x2: {  	[smem:$0x3F92] =	sst lr;
	_ =	strace $0xD0000000  }
0x3: {  	_ = 	snop  }
0x4: {  	_ = 	snop  }
0x5: {  	_ = 	snop  }
0x6: {  	_ = 	snop  }
0x7: {  	_ = 	snop  }
__scs_overlays_trampoline_lowered:
0x8: {  	[smem:$0x3FA1] =	sst s0  }
0x9: {  	[smem:$0x3FA2] =	sst s1  }
0xa: {  	[smem:$0x3FA3] =	sst s2  }
0xb: {  	[smem:$0x3FA4] =	sst s3  }
0xc: {  	[smem:$0x3FA5] =	sst s4  }
0xd: {  	[smem:$0x3FA6] =	sst s5  }
0xe: {  	[smem:$0x3FA7] =	sst s6  }
0xf: {  	[smem:$0x3FA8] =	sst s7  }
0x10: {  	[smem:$0x3FA9] =	sst s8  }
0x11: {  	[smem:$0x3FAA] =	sst s9;
	s0 =	simm.s32 @!p0 $0x0  }
0x12: {  	s1 =	sld [smem:$0x3F90];
	s0 =	simm.s32 @p0 $0x1  }
0x13: {  	[smem:$0x3FAB] =	sst s0;
	s0 =	simm.s32 @!p1 $0x0  }
0x14: {  	s2 =	sld [smem:$0x3F8F];
	s0 =	simm.s32 @p1 $0x1  }
0x15: {  	[smem:$0x3FAC] =	sst s0;
	s0 =	simm.s32 @!p2 $0x0  }
0x16: {  	s3 =	sld [smem:$0x3FDB];
	s0 =	simm.s32 @p2 $0x1  }
0x17: {  	s4 =	simm.s32 $0x1BF5;
	[smem:$0x3FAE] =	sst s0  }
0x18: {  	s0 =	sld [smem:$0x3F91];
	_ =	swait.ge [sflag:s4], $0x0  }
0x19: {  	s7 =	sld [smem:$0x3F92]  }
0x1a: {  	s8 =	sadd.s32 $0xFFFFE003, lr  }
0x1b: {  	s9 =	sadd.s32 $0xFFFFFEF7, lr;
	s5 =	simm.s32 $0xFFFFFFFF;
	p2 =	slt.u32 s8, $0xFFFFF086  }
0x1c: {  	p1 =	slt.u32 s9, $0xF7A;
	s5 =	simm.s32 @!p2 $0x0  }
0x1d: {  	s5 =	simm.s32 @p1 $0x1;
	p0 =	seq.s32 s7, s2  }
0x1e: {  	s7 =	smul.u32 @!p0 $0xF7A, s2;
	p2 =	seq.s32 @!p0 s5, $0x0  }
0x1f: {  	s9 =	smul.u32 $0xF7A, s1;
	s8 =	simm.s32 @!p0 $0x1BF5;
	p2 =	por !p2, p0  }
0x20: {  	[sflag:s8] =	ssyncset.s32 @!p0 $0xFFFFF086;
	s6 =	sadd.s32 @!p0 s3, s7;
	s7 =	simm.s32 @!p0 $0x108  }
0x21: {  	s3 =	sadd.s32 s3, s9;
	s6 =	sadd.s32 @!p0 $0x88, s6;
	s7 =	simm.s32 @p2 $0x1082  }
0x22: {  	[simem:s7], [sflag:s8] =	dma.local @!p0 [hbm:s6], $0xF7A  }
0x23: {  	s9 =	sor.u32 $0xD0000000, s2;
	s6 =	simm.s32 $0x108;
	_ =	swait.ge @!p0 [sflag:s8], $0x0  }
0x24: {  	s3 =	sadd.s32 $0x88, s3;
	s6 =	simm.s32 @!p1 $0x1082;
	[sflag:s4] =	ssyncset.s32 $0xFFFFF086  }
0x25: {  	[simem:s6], [sflag:s4] =	dma.local [hbm:s3], $0xF7A  }
0x26: {  	[smem:$0x3F92] =	sst s1;
	(tag) =	ssettag s2;
	_ =	strace s9  }
0x27: {  	s1 =	sld [smem:$0x3FA2]  }
0x28: {  	s2 =	sld [smem:$0x3FA3]  }
0x29: {  	s4 =	sld [smem:$0x3FA5]  }
0x2a: {  	p0 =	seq.s32 s5, $0x0;
	s5 =	sld [smem:$0x3FA6]  }
0x2b: {  	s6 =	sld [smem:$0x3FA7]  }
0x2c: {  	s7 =	sld [smem:$0x3FA8]  }
0x2d: {  	s3 =	simm.s32 $0x108;
	s8 =	sld [smem:$0x3FA9]  }
0x2e: {  	s3 =	simm.s32 @!p0 $0x1082;
	s9 =	sld [smem:$0x3FAA]  }
0x2f: {  	lr =	sadd.s32 s0, s3;
	s0 =	sld [smem:$0x3FA1]  }
0x30: {  	s3 =	sld [smem:$0x3FA4]  }
0x31: {  	[smem:$0x3FAD] =	sst s10  }
0x32: {  	s10 =	sld [smem:$0x3FAB];
	_ =	sdelay $0x3  }
0x33: {  	p0 =	seq.s32 s10, $0x1;
	s10 =	sld [smem:$0x3FAD];
	_ =	sdelay $0x3  }
0x34: {  	[smem:$0x3FAD] =	sst s10  }
0x35: {  	s10 =	sld [smem:$0x3FAC];
	_ =	sdelay $0x3  }
0x36: {  	p1 =	seq.s32 s10, $0x1;
	s10 =	sld [smem:$0x3FAD];
	_ =	sdelay $0x3  }
0x37: {  	[smem:$0x3FAD] =	sst s10  }
0x38: {  	s10 =	sld [smem:$0x3FAE]  }
0x39: {  	_ = 	snop;
	(pc) =	sbr.ind lr, $3  }
0x3a: {  	_ = 	snop  }
0x3b: {  	_ = 	snop  }
0x3c: {  	p2 =	seq.s32 s10, $0x1;
	s10 =	sld [smem:$0x3FAD]  }
0x3d: {  	_ =	shalt  }
0x3e: {  	_ =	shalt  }
0x3f: {  	_ =	shalt  }
0x40: {  	_ =	shalt  }
0x41: {  	_ =	shalt  }
0x42: {  	_ =	shalt  }
0x43: {  	_ =	shalt  }
0x44: {  	_ =	shalt  }
0x45: {  	_ =	shalt  }
0x46: {  	_ =	shalt  }
0x47: {  	_ =	shalt  }
0x48: {  	_ =	shalt  }
0x49: {  	_ =	shalt  }
0x4a: {  	_ =	shalt  }
0x4b: {  	_ =	shalt  }
0x4c: {  	_ =	shalt  }
0x4d: {  	_ =	shalt  }
0x4e: {  	_ =	shalt  }
0x4f: {  	_ =	shalt  }
0x50: {  	_ =	shalt  }
0x51: {  	_ =	shalt  }
0x52: {  	_ =	shalt  }
0x53: {  	_ =	shalt  }
0x54: {  	_ =	shalt  }
0x55: {  	_ =	shalt  }
0x56: {  	_ =	shalt  }
0x57: {  	_ =	shalt  }
0x58: {  	_ =	shalt  }
0x59: {  	_ =	shalt  }
0x5a: {  	_ =	shalt  }
0x5b: {  	_ =	shalt  }
0x5c: {  	_ =	shalt  }
0x5d: {  	_ =	shalt  }
0x5e: {  	_ =	shalt  }
0x5f: {  	_ =	shalt  }
0x60: {  	_ =	shalt  }
0x61: {  	_ =	shalt  }
0x62: {  	_ =	shalt  }
0x63: {  	_ =	shalt  }
0x64: {  	_ =	shalt  }
0x65: {  	_ =	shalt  }
0x66: {  	_ =	shalt  }
0x67: {  	_ =	shalt  }
0x68: {  	_ =	shalt  }
0x69: {  	_ =	shalt  }
0x6a: {  	_ =	shalt  }
0x6b: {  	_ =	shalt  }
0x6c: {  	_ =	shalt  }
0x6d: {  	_ =	shalt  }
0x6e: {  	_ =	shalt  }
0x6f: {  	_ =	shalt  }
0x70: {  	_ =	shalt  }
0x71: {  	_ =	shalt  }
0x72: {  	_ =	shalt  }
0x73: {  	_ =	shalt  }
0x74: {  	_ =	shalt  }
0x75: {  	_ =	shalt  }
0x76: {  	_ =	shalt  }
0x77: {  	_ =	shalt  }
0x78: {  	_ =	shalt  }
0x79: {  	_ =	shalt  }
0x7a: {  	_ =	shalt  }
0x7b: {  	_ =	shalt  }
0x7c: {  	_ =	shalt  }
0x7d: {  	_ =	shalt  }
0x7e: {  	_ =	shalt  }
0x7f: {  	_ =	shalt  }
0x80: {  	_ =	shalt  }
0x81: {  	_ =	shalt  }
0x82: {  	_ =	shalt  }
0x83: {  	_ =	shalt  }
0x84: {  	_ =	shalt  }
0x85: {  	_ =	shalt  }
0x86: {  	_ =	shalt  }
0x87: {  	_ =	shalt  }
.Lfunc_end0:
.L_simem_size_0:
called_computation.7_lowered:
.L_overlay_start_0:
0x88: {  	s2 =	sld [smem:$0x3FD9]  }
0x89: {  	s3 =	sld [smem:$0x3FFE];
	_ =	sdelay $0x1  }
0x8a: {  	s1 =	srdreg.scid  }
0x8b: {  	s0 =	sand.u32 $0x1, s1  }
0x8c: {  	s16 =	sshll.u32 s0, $0xA;
	s2 =	sadd.s32 s3, s2  }
0x8d: {  	s2 =	sadd.s32 s2, s16  }
0x8e: {  	[smem:$0x3FB9] =	sst s2  }
0x8f: {  	_ = 	snop  }
0x90: {  	(tm) =	ssettm $0x1  }
0x91: {  	s17 =	sld [smem:$0x3FFB];
	_ =	sdelay $0x3  }
0x92: {  	_ =	strace s17  }
0x93: {  	s2 =	sld [smem:$0x3FFC];
	_ =	sdelay $0x3  }
0x94: {  	_ =	strace s2  }
0x95: {  	s2 =	sld [smem:$0x3FFD];
	_ =	sdelay $0x3  }
0x96: {  	_ =	strace s2  }
0x97: {  	_ =	strace $0x8FFFFFFF  }
0x98: {  	s18 =	sld [smem:$0x3FDB];
	_ =	sdelay $0x1  }
0x99: {  	s19 =	simm.s32 $_scs_section_size  }
0x9a: {  	s4 =	simm.s32 $_size__tile_overlayer_lowered;
	s5 =	simm.s32 $_tile_overlayer_lowered  }
0x9b: {  	s22 =	simm.s32 $0x1BFF;
	s21 =	sshll.u32 s5, $0x1;
	s2 =	sadd.s32 s19, s18  }
0x9c: {  	s6 =	simm.s32 $0x0;
	s20 =	sshll.u32 s4, $0x1;
	s4 =	sadd.s32 s21, s2  }
0x9d: {  	[timem:s6], [sflag:s22] =	dma.local [hbm:s4], s20  }
0x9e: {  	_ =	swait.ge [sflag:s22], s20  }
0x9f: {  	s3 =	ssub.s32 $0x0, s20;
	[sflag:s22] =	ssyncset.done $0x0  }
0xa0: {  	[sflag:s22] =	ssyncadd.s32 s3;
	_ =	sdelay $0x1  }
0xa1: {  	s23 =	simm.s32 $0x1B8B  }
0xa2: {  	_ =	swait.ge [sflag:s23], $0x1  }
0xa3: {  	[sflag:s23] =	ssyncset.done $0x0  }
0xa4: {  	s25 =	simm.s32 $0x1B8E;
	s24 =	sld [smem:$0x3FFE];
	[sflag:s23] =	ssyncadd.s32 $0xFFFFFFFF  }
0xa5: {  	s26 =	simm.s32 $execute0_lowered;
	[smem:$0x3FD2] =	sst s25  }
0xa6: {  	s4 =	sshll.u32 s26, $0x1;
	_ =	strace $0x8000005B;
	[dreg:$0x1] =	wrdreg $0xFFFFFFFF  }
0xa7: {  	s28 =	simm.s32 $_size_execute0_lowered;
	s2 =	sadd.s32 s2, s4;
	[dreg:$0x0] =	wrdreg $0x0  }
0xa8: {  	s4 =	sshll.u32 s28, $0x1;
	[dreg:$0x2] =	wrdreg s2  }
0xa9: {  	[dreg:$0x3] =	wrdreg s4  }
0xaa: {  	[dreg:$0x4] =	wrdreg $0xC0  }
0xab: {  	_ =	task [dreg:s6], $0x5FFFF  }
0xac: {  	[dreg:$0x1] =	wrdreg $0xFFFFFFFF  }
0xad: {  	[dreg:$0x0] =	wrdreg $0x60  }
0xae: {  	[dreg:$0x2] =	wrdreg s24  }
0xaf: {  	[dreg:$0x3] =	wrdreg $0x48800  }
0xb0: {  	[dreg:$0x4] =	wrdreg $0x9  }
0xb1: {  	_ =	task.clear_ibuf [dreg:s6], $0x5FFFF;
	_ =	strace $0x9000005B  }
0xb2: {  	s29 =	simm.s32 $0x9;
	_ =	strace $0x8000005D  }
0xb3: {  	_ =	swait.ge [sflag:s29], $0x1  }
0xb4: {  	[sflag:s29] =	ssyncadd.s32 $0xFFFFFFFF  }
0xb5: {  	_ =	strace $0x9000005D  }
0xb6: {  	_ =	sfence  }
0xb7: {  	s30 =	sld [smem:$0x0];
	_ =	sdelay $0x2  }
0xb8: {  	s31 =	sshll.u32 s1, $0xD;
	s1 =	sshrl.u32 s1, $0x2  }
0xb9: {  	s3 =	sand.u32 $0x4000, s31;
	s1 =	sadd.s32 s1, s30  }
0xba: {  	s0 =	sor.u32 s3, s0;
	s1 =	sshll.u32 s1, $0x11  }
0xbb: {  	s0 =	sor.u32 s1, s0  }
0xbc: {  	s0 =	sadd.s32 $0x8F2B, s0  }
0xbd: {  	[sflag:s0] =	ssyncadd.remote.s32 $0x1  }
0xbe: {  	_ =	sfence.sel $0xFFFF  }
0xbf: {  	[dreg:$0x0] =	wrdreg $0xFFFFFFFF;
	(pc) =	sbr.abs _section_cstart, $3  }
0xc0: {  	[dreg:$0x1] =	wrdreg $0xFFFFFFFF  }
0xc1: {  	_ =	task.clear_ibuf [dreg:s6], $0x2FFFF;
	_ =	strace $0x9FFFFFFF  }
0xc2: {  	(tm) =	ssettm $0x7FFFFFFF  }
0xc3: {  	_ =	shalt  }
tec
execute0_lowered:
.L_overlay_start_1:
0x0: {  	(tag) =	ssettag $0x1  }
0x1: {  	s4 =	rddreg [dreg:$0x0]  }
0x2: {  	s1 =	rddreg [dreg:$0x1]  }
0x3: {  	s0 =	rddreg [dreg:$0x2]  }
0x4: {  	s3 =	simm.s32 $0x0;
	s5 =	srdreg.scid;
	s2 =	stileid.u32  }
0x5: {  	s17 =	simm.s32 $0x0;
	[smem:$0x7FF] =	sst s3;
	s10 =	sand.u32 $0x1, s5  }
0x6: {  	s11 =	sadd.s32 $0xA5200, s4;
	s26 =	sshll.u32 s2, $0x8;
	s12 =	sadd.s32 $0x7600, s4  }
0x7: {  	s8 =	sshll.u32 s2, $0x1;
	s7 =	sshll.u32 s2, $0xB;
	_ =	strace $0x8000005C  }
0x8: {  	s6 =	ssub.s32 $0x2, s10;
	s4 =	sadd.s32 s26, s4;
	s29 =	sshll.u32 s10, $0xC  }
0x9: {  	s9 =	sor.u32 s10, s8;
	s15 =	sor.u32 $0x40, s8;
	s28 =	sshrl.u32 s6, $0x1  }
0xa: {  	s5 =	sadd.s32 s29, s4;
	s4 =	sadd.s32 s7, s1;
	s30 =	sshll.u32 s9, $0x4  }
0xb: {  	s13 =	sor.u32 $0x20, s9;
	s9 =	sshll.u32 s9, $0xB;
	s10 =	sor.u32 s10, s15  }
0xc: {  	p0 =	sgt.u32 s15, $0x4F;
	s15 =	simm.s32 $0x2;
	s6 =	ssub.s32 s6, s28  }
0xd: {  	s5 =	sadd.s32 $0x2F600, s5;
	s7 =	sadd.s32 s11, s30;
	s14 =	sshll.u32 s13, $0x4  }
0xe: {  	s8 =	sadd.s32 s12, s9;
	s13 =	sshll.u32 s13, $0xB;
	s31 =	sshll.u32 s10, $0x4  }
0xf: {  	s16 =	sshll.u32 s10, $0xB;
	s6 =	smax.u32 s6, $0x1;
	s9 =	sadd.s32 s11, s14  }
0x10: {  	s10 =	sadd.s32 s12, s13;
	s11 =	sadd.s32 s11, s31;
	s12 =	sadd.s32 s12, s16  }
0x11: {  	v0 =	vimm.f32 $0.0e+00;
	s13 =	simm.s32 $0x4080;
	s14 =	simm.s32 $0x1;
	s16 =	simm.s32 $0x80  }
.LBB2_1:
0x12: {  	s18 =	simm.s32 $0x0;
	s19 =	simm.s32 $0x200  }
.LBB2_2:
0x13: {  	p1 =	sne.s32 s19, $0x1E00;
	[tilespmem:s18+$0x40F0] =	vst v0  }
0x14: {  	[tilespmem:s18+$0x4080] =	vst v0  }
0x15: {  	[tilespmem:s18+$0x4090] =	vst v0  }
.Ltmp0:
0x16: {  	[tilespmem:s18+$0x40A0] =	vst v0;
	(pc) =	sbr.rel @p1 .LBB2_2-.Ltmp0, $4  }
0x17: {  	[tilespmem:s18+$0x40B0] =	vst v0  }
0x18: {  	[tilespmem:s18+$0x40C0] =	vst v0  }
0x19: {  	[tilespmem:s18+$0x40D0] =	vst v0  }
0x1a: {  	[tilespmem:s18+$0x40E0] =	vst v0;
	s18 =	sshra.s32 s19, $0x2;
	s19 =	sadd.s32 $0x200, s19  }
0x1b: {  	[tilespmem:s18+$0x40F0] =	vst v0  }
0x1c: {  	[tilespmem:s18+$0x4080] =	vst v0  }
0x1d: {  	[tilespmem:s18+$0x4090] =	vst v0  }
0x1e: {  	[tilespmem:s18+$0x40A0] =	vst v0  }
0x1f: {  	[tilespmem:s18+$0x40B0] =	vst v0  }
0x20: {  	[tilespmem:s18+$0x40C0] =	vst v0  }
0x21: {  	[tilespmem:s18+$0x40D0] =	vst v0  }
0x22: {  	[tilespmem:s18+$0x40E0] =	vst v0  }
0x23: {  	[spmem:s4] =	stream.linear.scatter [tilespmem:s13], [sflag:$0x1], $0x800, $0x38;
	[tilespmem:$0x5080] =	vst v63  }
0x24: {  	_ =	swait.ge [sflag:s14], $0x800  }
0x25: {  	[sflag:s14] =	ssyncset.done $0x0  }
0x26: {  	[sflag:s14] =	ssyncadd.s32 $0xFFFFF800  }
0x27: {  	[bflag:$0x0] =	sbarrier.arrive $0xFFFF  }
0x28: {  	[tilespmem:s3], [sflag:$0x2] =	stream.linear.gather [hbm4b:s7+s3], $0x80, $0x38;
	[tilespmem:$0x5080] =	vst v63  }
0x29: {  	_ =	swait.ge [sflag:s15], $0x80  }
0x2a: {  	[sflag:s15] =	ssyncset.done $0x0  }
0x2b: {  	[sflag:s15] =	ssyncadd.s32 $0xFFFFFF80  }
0x2c: {  	[tilespmem:s16], [sflag:$0x2] =	stream.linear.gather [hbm4b:s8+s3], $0x4000, $0x38;
	[tilespmem:$0x5080] =	vst v63  }
0x2d: {  	_ =	swait.ge [sflag:s15], $0x4000  }
0x2e: {  	[sflag:s15] =	ssyncset.done $0x0  }
0x2f: {  	[sflag:s15] =	ssyncadd.s32 $0xFFFFC000  }
0x30: {  	[spmem:s1] =	stream.indirect.scatter.add.f32 [tilespmem:s16], [sflag:$0x1], $0x80, s3, s16, $0xb8;
	[tilespmem:$0x5080] =	vst v63  }
0x31: {  	_ =	swait.ge [sflag:s14], $0x4000  }
0x32: {  	[sflag:s14] =	ssyncset.done $0x0  }
0x33: {  	[sflag:s14] =	ssyncadd.s32 $0xFFFFC000  }
0x34: {  	[tilespmem:s3], [sflag:$0x2] =	stream.linear.gather [hbm4b:s9+s3], $0x80, $0x38;
	[tilespmem:$0x5080] =	vst v63  }
0x35: {  	_ =	swait.ge [sflag:s15], $0x80  }
0x36: {  	[sflag:s15] =	ssyncset.done $0x0  }
0x37: {  	[sflag:s15] =	ssyncadd.s32 $0xFFFFFF80  }
0x38: {  	[tilespmem:s16], [sflag:$0x2] =	stream.linear.gather [hbm4b:s10+s3], $0x4000, $0x38;
	[tilespmem:$0x5080] =	vst v63  }
0x39: {  	_ =	swait.ge [sflag:s15], $0x4000  }
0x3a: {  	[sflag:s15] =	ssyncset.done $0x0  }
0x3b: {  	[sflag:s15] =	ssyncadd.s32 $0xFFFFC000  }
0x3c: {  	[spmem:s1] =	stream.indirect.scatter.add.f32 [tilespmem:s16], [sflag:$0x1], $0x80, s3, s16, $0xb8;
	[tilespmem:$0x5080] =	vst v63  }
0x3d: {  	_ =	swait.ge [sflag:s14], $0x4000  }
0x3e: {  	[sflag:s14] =	ssyncset.done $0x0  }
0x3f: {  	s18 =	simm.s32 @!p0 $0x0;
	s19 =	simm.s32 @!p0 $0x2;
	[sflag:s14] =	ssyncadd.s32 $0xFFFFC000  }
0x40: {  	[tilespmem:s18], [sflag:$0x2] =	stream.linear.gather @!p0 [hbm4b:s11+s18], $0x80, $0x38;
	[tilespmem:$0x5080] =	vst v63  }
0x41: {  	_ =	swait.ge @!p0 [sflag:s19], $0x80  }
0x42: {  	[sflag:s19] =	ssyncset.done @!p0 $0x0  }
0x43: {  	s20 =	simm.s32 @!p0 $0x80;
	[sflag:s19] =	ssyncadd.s32 @!p0 $0xFFFFFF80  }
0x44: {  	[tilespmem:s20], [sflag:$0x2] =	stream.linear.gather @!p0 [hbm4b:s12+s18], $0x4000, $0x38;
	[tilespmem:$0x5080] =	vst v63  }
0x45: {  	_ =	swait.ge @!p0 [sflag:s19], $0x4000  }
0x46: {  	[sflag:s19] =	ssyncset.done @!p0 $0x0  }
0x47: {  	[sflag:s19] =	ssyncadd.s32 @!p0 $0xFFFFC000  }
0x48: {  	[spmem:s1] =	stream.indirect.scatter.add.f32 @!p0 [tilespmem:s20], [sflag:$0x1], $0x80, s18, s20, $0xb8;
	[tilespmem:$0x5080] =	vst v63  }
0x49: {  	s18 =	simm.s32 @!p0 $0x1  }
0x4a: {  	_ =	swait.ge @!p0 [sflag:s18], $0x4000  }
0x4b: {  	s30 =	sshll.u32 s2, $0x6;
	s17 =	sadd.s32 $0x1, s17;
	[sflag:s18] =	ssyncset.done @!p0 $0x0  }
0x4c: {  	s31 =	sshrl.u32 s4, $0x3;
	p1 =	sne.s32 s17, s6;
	[sflag:s18] =	ssyncadd.s32 @!p0 $0xFFFFC000  }
.Ltmp1:
0x4d: {  	s18 =	sor.u32 $0x1C01, s30;
	[bflag:$0x0] =	sbarrier.arrive $0xFFFF;
	(pc) =	sbr.rel @p1 .LBB2_1-.Ltmp1, $4  }
0x4e: {  	[hbm:s5], [sflag:s18] =	dma.local [spmem:s31], $0x100  }
0x4f: {  	_ =	swait.ge [sflag:s14], $0x100  }
0x50: {  	[sflag:s14] =	ssyncset.done $0x0  }
0x51: {  	[sflag:s14] =	ssyncadd.s32 $0xFFFFFF00  }
0x52: {  	_ =	sfence.sel $0x180000  }
0x53: {  	[bflag:$0x0] =	sbarrier.arrive $0xFFFF  }
0x54: {  	p0 =	sne.s32 s2, $0x0;
	_ =	strace $0x9000005C  }
0x55: {  	s0 =	sadd.s32 @!p0 $0x100000, s0;
	[bflag:$0x2] =	sbarrier.arrive $0xFFFF  }
0x56: {  	[sflag:s0] =	ssyncadd.tile.s32 @!p0 $0x1;
	_ =	shalt  }
.Lfunc_end2:
_tile_overlayer_lowered:
.L_overlay_start_2:
0x57: {  	(tag) =	ssettag $0x2  }
0x58: {  	s0 =	rddreg [dreg:$0x0];
	s2 =	stileid.u32  }
0x59: {  	s1 =	rddreg [dreg:$0x1];
	p0 =	sne.s32 s2, $0x0  }
0x5a: {  	s3 =	rddreg [dreg:$0x2];
	[bflag:$0x3] =	sbarrier.arrive $0xFFFF;
	s2 =	simm.s32 @!p0 $0x1C01  }
0x5b: {  	[timem:s3], [sflag:s2] =	dma.local @!p0 [hbm:s0], s1  }
0x5c: {  	s0 =	simm.s32 @!p0 $0x1  }
0x5d: {  	_ =	swait.ge @!p0 [sflag:s0], s1  }
0x5e: {  	s1 =	ssub.s32 @!p0 $0x0, s1;
	[sflag:s0] =	ssyncset.done @!p0 $0x0  }
0x5f: {  	[sflag:s0] =	ssyncadd.s32 @!p0 s1  }
0x60: {  	[bflag:$0x3] =	sbarrier.arrive $0xFFFF  }
0x61: {  	_ =	shalt  }

</sc_bundles>
